<compile_context>
chip_gen: v7x
topology: tpu7x:2x2x1
jax: 0.10.2.dev20260603
libtpu: 0.0.44.dev20260713+nightly
codegen_flags: <defaults>
</compile_context>

<pallas_src>
import functools

import jax
import jax.numpy as jnp
from jax import lax
from jax.experimental import pallas as pl
from jax.experimental.pallas import tpu as pltpu
from jax.experimental.pallas import tpu_sc as plsc

N_NODES = 10000
N_EDGES = 320000
D = 128
EPS = 1e-5

NC = 2
NS = 16
NW = NC * NS
E_PER_TILE = N_EDGES // NW
CHUNK = 40
N_CHUNKS = E_PER_TILE // CHUNK
NBUF = 5
GLEAD = 4
N_PAD = 10240
ROWS_PER_TILE = N_PAD // NS


def _agg_body(h_hbm, src_hbm, dst_hbm, zero_hbm, out_hbm,
              idx2, rows, sems, acc):
    c = lax.axis_index("c")
    s = lax.axis_index("s")
    wid = c * NS + s

    isems, gsems, ssems = sems
    NR = 2 * NBUF

    def start_idx(i, b10):
        base = wid * E_PER_TILE + i * CHUNK
        pltpu.async_copy(src_hbm.at[pl.ds(base, CHUNK)],
                         idx2.at[b10, 0], isems[b10])
        pltpu.async_copy(dst_hbm.at[pl.ds(base, CHUNK)],
                         idx2.at[b10, 1], isems[b10])

    def wait_idx(b10):
        pltpu.make_async_copy(src_hbm.at[pl.ds(0, CHUNK)], idx2.at[b10, 0],
                              isems[b10]).wait()
        pltpu.make_async_copy(dst_hbm.at[pl.ds(0, CHUNK)], idx2.at[b10, 1],
                              isems[b10]).wait()

    def start_gather(b, b10):
        pltpu.async_copy(h_hbm.at[idx2.at[b10, 0]], rows.at[b], gsems[b])

    def wait_gather(b, b10):
        pltpu.make_async_copy(h_hbm.at[idx2.at[b10, 0]], rows.at[b],
                              gsems[b]).wait()

    def start_scatter(b, b10):
        pltpu.async_copy(rows.at[b], acc.at[idx2.at[b10, 1]], ssems[b],
                         add=True)

    def wait_scatter(b):
        pltpu.make_async_copy(rows.at[b], acc.at[pl.ds(0, CHUNK)],
                              ssems[b]).wait()

    for b in range(NBUF):
        start_idx(b, b)
    for b in range(GLEAD):
        wait_idx(b)
        start_gather(b, b)

    pltpu.sync_copy(zero_hbm,
                    acc.at[pl.ds(s * ROWS_PER_TILE, ROWS_PER_TILE)])
    plsc.subcore_barrier()

    def ring_pass(k2, carry):
        for kk in range(2):
            i0 = (k2 * 2 + kk) * NBUF
            for b in range(NBUF):
                i = i0 + b
                b10 = kk * NBUF + b
                wait_gather(b, b10)
                start_scatter(b, b10)

                nxt_i = i + NBUF
                nxt_b10 = (b10 + NBUF) % NR

                @pl.when(nxt_i < N_CHUNKS)
                def _():
                    start_idx(nxt_i, nxt_b10)

                b2 = (b + GLEAD) % NBUF
                g10 = (b10 + GLEAD) % NR

                @pl.when(i + GLEAD < N_CHUNKS)
                def _():
                    @pl.when(i >= NBUF - GLEAD)
                    def _():
                        wait_scatter(b2)
                    wait_idx(g10)
                    start_gather(b2, g10)
        return carry

    lax.fori_loop(0, N_CHUNKS // (2 * NBUF), ring_pass, 0)

    for b in range(NBUF):
        wait_scatter(b)
    plsc.subcore_barrier()

    @pl.when(s < NS - 1)
    def _():
        pltpu.sync_copy(acc.at[pl.ds(s * ROWS_PER_TILE, ROWS_PER_TILE)],
                        out_hbm.at[c, pl.ds(s * ROWS_PER_TILE, ROWS_PER_TILE)])

    @pl.when(s == NS - 1)
    def _():
        last = N_NODES - (NS - 1) * ROWS_PER_TILE
        pltpu.sync_copy(acc.at[pl.ds((NS - 1) * ROWS_PER_TILE, last)],
                        out_hbm.at[c, pl.ds((NS - 1) * ROWS_PER_TILE, last)])


@functools.cache
def _agg_call():
    return pl.kernel(
        _agg_body,
        out_type=jax.ShapeDtypeStruct((NC, N_NODES, D), jnp.float32),
        mesh=plsc.VectorSubcoreMesh(core_axis_name="c", subcore_axis_name="s",
                                    num_cores=NC, num_subcores=NS),
        scratch_types=[
            pltpu.VMEM((2 * NBUF, 2, CHUNK), jnp.int32),
            pltpu.VMEM((NBUF, CHUNK, D), jnp.float32),
            ([pltpu.SemaphoreType.DMA] * (2 * NBUF),
             [pltpu.SemaphoreType.DMA] * NBUF,
             [pltpu.SemaphoreType.DMA] * NBUF),
            pltpu.VMEM_SHARED((N_PAD, D), jnp.float32),
        ],
    )


def _scale_body(x_ref, n_ref, e_ref, o_ref, osrc_ref, odst_ref, oz_ref):
    o_ref[...] = x_ref[...] * n_ref[...]
    osrc_ref[...] = e_ref[0].reshape(N_EDGES // D, D)
    odst_ref[...] = e_ref[1].reshape(N_EDGES // D, D)
    oz_ref[...] = jnp.zeros_like(oz_ref)


def _mid_body(p_ref, innorm_ref, w_ref, b_ref, g_ref, be_ref, onorm_ref, o_ref):
    agg = (p_ref[0] + p_ref[1]) * innorm_ref[...]
    t = jnp.dot(agg, w_ref[...], preferred_element_type=jnp.float32) + b_ref[...]
    mu = jnp.mean(t, axis=-1, keepdims=True)
    var = jnp.mean((t - mu) ** 2, axis=-1, keepdims=True)
    t = (t - mu) * lax.rsqrt(var + EPS) * g_ref[...] + be_ref[...]
    t = jnp.maximum(t, 0.0)
    o_ref[...] = t * onorm_ref[...]


def _final_body(p_ref, innorm_ref, w_ref, b_ref, o_ref):
    agg = (p_ref[0] + p_ref[1]) * innorm_ref[...]
    o_ref[...] = jnp.dot(agg, w_ref[...],
                         preferred_element_type=jnp.float32) + b_ref[...]


_scale_call = pl.pallas_call(
    _scale_body,
    out_shape=(
        jax.ShapeDtypeStruct((N_NODES, D), jnp.float32),
        jax.ShapeDtypeStruct((N_EDGES // D, D), jnp.int32),
        jax.ShapeDtypeStruct((N_EDGES // D, D), jnp.int32),
        jax.ShapeDtypeStruct((ROWS_PER_TILE, D), jnp.float32),
    ),
)

_MB = N_NODES // 2
_mid_call = pl.pallas_call(
    _mid_body,
    grid=(2,),
    in_specs=[
        pl.BlockSpec((NC, _MB, D), lambda i: (0, i, 0)),
        pl.BlockSpec((_MB, 1), lambda i: (i, 0)),
        pl.BlockSpec((D, D), lambda i: (0, 0)),
        pl.BlockSpec((1, D), lambda i: (0, 0)),
        pl.BlockSpec((1, D), lambda i: (0, 0)),
        pl.BlockSpec((1, D), lambda i: (0, 0)),
        pl.BlockSpec((_MB, 1), lambda i: (i, 0)),
    ],
    out_specs=pl.BlockSpec((_MB, D), lambda i: (i, 0)),
    out_shape=jax.ShapeDtypeStruct((N_NODES, D), jnp.float32),
)

_final_call = pl.pallas_call(
    _final_body,
    grid=(2,),
    in_specs=[
        pl.BlockSpec((NC, _MB, D), lambda i: (0, i, 0)),
        pl.BlockSpec((_MB, 1), lambda i: (i, 0)),
        pl.BlockSpec((D, D), lambda i: (0, 0)),
        pl.BlockSpec((1, D), lambda i: (0, 0)),
    ],
    out_specs=pl.BlockSpec((_MB, D), lambda i: (i, 0)),
    out_shape=jax.ShapeDtypeStruct((N_NODES, D), jnp.float32),
)


@jax.jit
def kernel(feat, edge_index, in_norm, out_norm, W0, b0, W1, b1, gamma0, beta0):
    eidx = edge_index.astype(jnp.int32)
    b0r = b0.reshape(1, D)
    b1r = b1.reshape(1, D)
    g0r = gamma0.reshape(1, D)
    be0r = beta0.reshape(1, D)

    agg = _agg_call()
    h0, src2, dst2, zero = _scale_call(feat, out_norm, eidx)
    src = src2.reshape(N_EDGES)
    dst = dst2.reshape(N_EDGES)
    p0 = agg(h0, src, dst, zero)
    h1 = _mid_call(p0, in_norm, W0, b0r, g0r, be0r, out_norm)
    p1 = agg(h1, src, dst, zero)
    return _final_call(p1, in_norm, W1, b1r)

# --- scband reference (transcript-rebuilt; emitter-appended) ---
"""Pipeline reference for scband-gcn-22565758173837 (READ-ONLY COPY).

The authoritative reference and input builder live on the scoring server;
editing this copy changes nothing except your own understanding.
"""

import jax, jax.numpy as jnp
import numpy as np

N_NODES = 10000
N_EDGES = 320000
D = 128
EPS = 1e-5


def setup_inputs(seed: int = 0) -> dict:
    key = jax.random.key(seed)
    ks = jax.random.split(key, 12)
    feat = jax.random.normal(ks[0], (N_NODES, D), dtype=jnp.float32)
    edge_index = jax.random.randint(ks[1], (2, N_EDGES), 0, N_NODES, dtype=jnp.int64)
    in_norm = jax.random.uniform(ks[2], (N_NODES, 1), dtype=jnp.float32) + 0.01
    out_norm = jax.random.uniform(ks[3], (N_NODES, 1), dtype=jnp.float32) + 0.01
    # GCN layer 0 params (in=128, out=128)
    W0 = jax.random.normal(ks[4], (D, D), dtype=jnp.float32) * (1.0 / np.sqrt(D))
    b0 = jnp.zeros((D,), dtype=jnp.float32)
    # GCN layer 1 params
    W1 = jax.random.normal(ks[5], (D, D), dtype=jnp.float32) * (1.0 / np.sqrt(D))
    b1 = jnp.zeros((D,), dtype=jnp.float32)
    # LayerNorm (after layer 0) affine params
    gamma0 = jnp.ones((D,), dtype=jnp.float32)
    beta0 = jnp.zeros((D,), dtype=jnp.float32)
    return {"feat": feat, "edge_index": edge_index, "in_norm": in_norm,
            "out_norm": out_norm, "W0": W0, "b0": b0, "W1": W1, "b1": b1,
            "gamma0": gamma0, "beta0": beta0}


def _gcn_layer(h, edge_index, in_norm, out_norm, W, b):
    # pre-normalize by source (out) degree norm
    h = h * out_norm
    src = edge_index[0]
    dst = edge_index[1]
    msg = jnp.take(h, src, axis=0)              # gather (SparseCore)
    agg = jnp.zeros_like(h).at[dst].add(msg)    # scatter-add (SparseCore)
    agg = agg * in_norm                          # dst (in) degree norm
    return agg @ W + b


def _layer_norm(x, gamma, beta):
    mu = jnp.mean(x, axis=-1, keepdims=True)
    var = jnp.mean((x - mu) ** 2, axis=-1, keepdims=True)
    return (x - mu) / jnp.sqrt(var + EPS) * gamma + beta


def reference(feat, edge_index, in_norm, out_norm, W0, b0, W1, b1, gamma0, beta0):
    # eval-mode forward of the 2-layer GCN (dropout = identity in eval)
    h = feat
    # layer 0: GCNLayer -> LayerNorm -> activation (relu)
    h = _gcn_layer(h, edge_index, in_norm, out_norm, W0, b0)
    h = _layer_norm(h, gamma0, beta0)
    h = jax.nn.relu(h)
    # layer 1: GCNLayer (final layer: no norm / no activation)
    h = _gcn_layer(h, edge_index, in_norm, out_norm, W1, b1)
    return h

if __name__ == "__main__":
    import jax
    _d = setup_inputs()
    print(jax.jit(kernel)(*tuple(_d.values())))

</pallas_src>

<mosaic_0001>
#map = affine_map<(d0, d1) -> (0, 0)>
#map1 = affine_map<(d0, d1) -> (0)>
#map2 = affine_map<(d0, d1) -> (0, 0, 0)>
module attributes {stable_mosaic.version = 14 : i64} {
  func.func @_agg_body(%arg0: i32, %arg1: i32, %arg2: memref<10000x128xf32, #tpu.memory_space<hbm>>, %arg3: memref<320000xi32, #tpu.memory_space<hbm>>, %arg4: memref<320000xi32, #tpu.memory_space<hbm>>, %arg5: memref<640x128xf32, #tpu.memory_space<hbm>>, %arg6: memref<2x10000x128xf32, #tpu.memory_space<hbm>>, %arg7: memref<10x2x40xi32, #tpu.memory_space<vmem>>, %arg8: memref<5x40x128xf32, #tpu.memory_space<vmem>>, %arg9: memref<!tpu.dma_semaphore, #tpu.memory_space<semaphore_mem>>, %arg10: memref<!tpu.dma_semaphore, #tpu.memory_space<semaphore_mem>>, %arg11: memref<!tpu.dma_semaphore, #tpu.memory_space<semaphore_mem>>, %arg12: memref<!tpu.dma_semaphore, #tpu.memory_space<semaphore_mem>>, %arg13: memref<!tpu.dma_semaphore, #tpu.memory_space<semaphore_mem>>, %arg14: memref<!tpu.dma_semaphore, #tpu.memory_space<semaphore_mem>>, %arg15: memref<!tpu.dma_semaphore, #tpu.memory_space<semaphore_mem>>, %arg16: memref<!tpu.dma_semaphore, #tpu.memory_space<semaphore_mem>>, %arg17: memref<!tpu.dma_semaphore, #tpu.memory_space<semaphore_mem>>, %arg18: memref<!tpu.dma_semaphore, #tpu.memory_space<semaphore_mem>>, %arg19: memref<!tpu.dma_semaphore, #tpu.memory_space<semaphore_mem>>, %arg20: memref<!tpu.dma_semaphore, #tpu.memory_space<semaphore_mem>>, %arg21: memref<!tpu.dma_semaphore, #tpu.memory_space<semaphore_mem>>, %arg22: memref<!tpu.dma_semaphore, #tpu.memory_space<semaphore_mem>>, %arg23: memref<!tpu.dma_semaphore, #tpu.memory_space<semaphore_mem>>, %arg24: memref<!tpu.dma_semaphore, #tpu.memory_space<semaphore_mem>>, %arg25: memref<!tpu.dma_semaphore, #tpu.memory_space<semaphore_mem>>, %arg26: memref<!tpu.dma_semaphore, #tpu.memory_space<semaphore_mem>>, %arg27: memref<!tpu.dma_semaphore, #tpu.memory_space<semaphore_mem>>, %arg28: memref<!tpu.dma_semaphore, #tpu.memory_space<semaphore_mem>>, %arg29: memref<10240x128xf32, #tpu.memory_space<vmem_shared>>) attributes {dimension_semantics = [#tpu.dimension_semantics<core_parallel>, #tpu.dimension_semantics<subcore_parallel>], iteration_bounds = array<i64: 2, 16>, scalar_prefetch = 0 : i64, scratch_operands = 23 : i64, tpu.core_type = #tpu.core_type<sc_vector_subcore>, window_params = [{transform_indices = #map}, {transform_indices = #map1}, {transform_indices = #map1}, {transform_indices = #map}, {transform_indices = #map2}]} {
    %mul3A = arith.constant 16 : i32
    %mul3A_0 = arith.muli %arg0, %mul3A : i32
    %add3A = arith.addi %mul3A_0, %arg1 : i32
    %mul3A_1 = arith.constant 10000 : i32
    %mul3A_2 = arith.muli %add3A, %mul3A_1 : i32
    %add3A_3 = arith.constant 0 : i32
    %add3A_4 = arith.addi %mul3A_2, %add3A_3 : i32
    %dma_start3A = arith.constant 0 : i32
    %dma_start3A_5 = arith.constant 0 : i32
    %dma_start3A_6 = arith.constant 0 : i32
    %dma_start3A_7 = tpu.memref_slice %arg7[%dma_start3A, %dma_start3A_5, %dma_start3A_6] : memref<10x2x40xi32, #tpu.memory_space<vmem>> -> memref<1x1x40xi32, #tpu.memory_space<vmem>>
    %dma_start3A_8 = tpu.memref_squeeze %dma_start3A_7 : memref<1x1x40xi32, #tpu.memory_space<vmem>> -> memref<40xi32, #tpu.memory_space<vmem>>
    %dma_start3A_9 = tpu.memref_slice %arg3[%add3A_4] : memref<320000xi32, #tpu.memory_space<hbm>> -> memref<40xi32, #tpu.memory_space<hbm>>
    %dma_start3A_10 = arith.constant 0 : i32
    %dma_start3A_11 = tpu.memref_slice %arg7[%dma_start3A, %dma_start3A_5, %dma_start3A_10] : memref<10x2x40xi32, #tpu.memory_space<vmem>> -> memref<1x1x40xi32, #tpu.memory_space<vmem>>
    %dma_start3A_12 = tpu.memref_squeeze %dma_start3A_11 : memref<1x1x40xi32, #tpu.memory_space<vmem>> -> memref<40xi32, #tpu.memory_space<vmem>>
    %dma_start3A_13 = tpu.memref_slice %arg3[%add3A_4] : memref<320000xi32, #tpu.memory_space<hbm>> -> memref<40xi32, #tpu.memory_space<hbm>>
    tpu.enqueue_dma source(%dma_start3A_13 : memref<40xi32, #tpu.memory_space<hbm>>) target(%dma_start3A_12 : memref<40xi32, #tpu.memory_space<vmem>>) target_semaphore(%arg9 : memref<!tpu.dma_semaphore, #tpu.memory_space<semaphore_mem>>)
    %dma_start3A_14 = arith.constant 0 : i32
    %dma_start3A_15 = arith.constant 1 : i32
    %dma_start3A_16 = arith.constant 0 : i32
    %dma_start3A_17 = tpu.memref_slice %arg7[%dma_start3A_14, %dma_start3A_15, %dma_start3A_16] : memref<10x2x40xi32, #tpu.memory_space<vmem>> -> memref<1x1x40xi32, #tpu.memory_space<vmem>>
    %dma_start3A_18 = tpu.memref_squeeze %dma_start3A_17 : memref<1x1x40xi32, #tpu.memory_space<vmem>> -> memref<40xi32, #tpu.memory_space<vmem>>
    %dma_start3A_19 = tpu.memref_slice %arg4[%add3A_4] : memref<320000xi32, #tpu.memory_space<hbm>> -> memref<40xi32, #tpu.memory_space<hbm>>
    %dma_start3A_20 = arith.constant 0 : i32
    %dma_start3A_21 = tpu.memref_slice %arg7[%dma_start3A_14, %dma_start3A_15, %dma_start3A_20] : memref<10x2x40xi32, #tpu.memory_space<vmem>> -> memref<1x1x40xi32, #tpu.memory_space<vmem>>
    %dma_start3A_22 = tpu.memref_squeeze %dma_start3A_21 : memref<1x1x40xi32, #tpu.memory_space<vmem>> -> memref<40xi32, #tpu.memory_space<vmem>>
    %dma_start3A_23 = tpu.memref_slice %arg4[%add3A_4] : memref<320000xi32, #tpu.memory_space<hbm>> -> memref<40xi32, #tpu.memory_space<hbm>>
    tpu.enqueue_dma source(%dma_start3A_23 : memref<40xi32, #tpu.memory_space<hbm>>) target(%dma_start3A_22 : memref<40xi32, #tpu.memory_space<vmem>>) target_semaphore(%arg9 : memref<!tpu.dma_semaphore, #tpu.memory_space<semaphore_mem>>)
    %mul3A_24 = arith.constant 10000 : i32
    %mul3A_25 = arith.muli %add3A, %mul3A_24 : i32
    %add3A_26 = arith.constant 40 : i32
    %add3A_27 = arith.addi %mul3A_25, %add3A_26 : i32
    %dma_start3A_28 = arith.constant 1 : i32
    %dma_start3A_29 = arith.constant 0 : i32
    %dma_start3A_30 = arith.constant 0 : i32
    %dma_start3A_31 = tpu.memref_slice %arg7[%dma_start3A_28, %dma_start3A_29, %dma_start3A_30] : memref<10x2x40xi32, #tpu.memory_space<vmem>> -> memref<1x1x40xi32, #tpu.memory_space<vmem>>
    %dma_start3A_32 = tpu.memref_squeeze %dma_start3A_31 : memref<1x1x40xi32, #tpu.memory_space<vmem>> -> memref<40xi32, #tpu.memory_space<vmem>>
    %dma_start3A_33 = tpu.memref_slice %arg3[%add3A_27] : memref<320000xi32, #tpu.memory_space<hbm>> -> memref<40xi32, #tpu.memory_space<hbm>>
    %dma_start3A_34 = arith.constant 0 : i32
    %dma_start3A_35 = tpu.memref_slice %arg7[%dma_start3A_28, %dma_start3A_29, %dma_start3A_34] : memref<10x2x40xi32, #tpu.memory_space<vmem>> -> memref<1x1x40xi32, #tpu.memory_space<vmem>>
    %dma_start3A_36 = tpu.memref_squeeze %dma_start3A_35 : memref<1x1x40xi32, #tpu.memory_space<vmem>> -> memref<40xi32, #tpu.memory_space<vmem>>
    %dma_start3A_37 = tpu.memref_slice %arg3[%add3A_27] : memref<320000xi32, #tpu.memory_space<hbm>> -> memref<40xi32, #tpu.memory_space<hbm>>
    tpu.enqueue_dma source(%dma_start3A_37 : memref<40xi32, #tpu.memory_space<hbm>>) target(%dma_start3A_36 : memref<40xi32, #tpu.memory_space<vmem>>) target_semaphore(%arg10 : memref<!tpu.dma_semaphore, #tpu.memory_space<semaphore_mem>>)
    %dma_start3A_38 = arith.constant 1 : i32
    %dma_start3A_39 = arith.constant 1 : i32
    %dma_start3A_40 = arith.constant 0 : i32
    %dma_start3A_41 = tpu.memref_slice %arg7[%dma_start3A_38, %dma_start3A_39, %dma_start3A_40] : memref<10x2x40xi32, #tpu.memory_space<vmem>> -> memref<1x1x40xi32, #tpu.memory_space<vmem>>
    %dma_start3A_42 = tpu.memref_squeeze %dma_start3A_41 : memref<1x1x40xi32, #tpu.memory_space<vmem>> -> memref<40xi32, #tpu.memory_space<vmem>>
    %dma_start3A_43 = tpu.memref_slice %arg4[%add3A_27] : memref<320000xi32, #tpu.memory_space<hbm>> -> memref<40xi32, #tpu.memory_space<hbm>>
    %dma_start3A_44 = arith.constant 0 : i32
    %dma_start3A_45 = tpu.memref_slice %arg7[%dma_start3A_38, %dma_start3A_39, %dma_start3A_44] : memref<10x2x40xi32, #tpu.memory_space<vmem>> -> memref<1x1x40xi32, #tpu.memory_space<vmem>>
    %dma_start3A_46 = tpu.memref_squeeze %dma_start3A_45 : memref<1x1x40xi32, #tpu.memory_space<vmem>> -> memref<40xi32, #tpu.memory_space<vmem>>
    %dma_start3A_47 = tpu.memref_slice %arg4[%add3A_27] : memref<320000xi32, #tpu.memory_space<hbm>> -> memref<40xi32, #tpu.memory_space<hbm>>
    tpu.enqueue_dma source(%dma_start3A_47 : memref<40xi32, #tpu.memory_space<hbm>>) target(%dma_start3A_46 : memref<40xi32, #tpu.memory_space<vmem>>) target_semaphore(%arg10 : memref<!tpu.dma_semaphore, #tpu.memory_space<semaphore_mem>>)
    %mul3A_48 = arith.constant 10000 : i32
    %mul3A_49 = arith.muli %add3A, %mul3A_48 : i32
    %add3A_50 = arith.constant 80 : i32
    %add3A_51 = arith.addi %mul3A_49, %add3A_50 : i32
    %dma_start3A_52 = arith.constant 2 : i32
    %dma_start3A_53 = arith.constant 0 : i32
    %dma_start3A_54 = arith.constant 0 : i32
    %dma_start3A_55 = tpu.memref_slice %arg7[%dma_start3A_52, %dma_start3A_53, %dma_start3A_54] : memref<10x2x40xi32, #tpu.memory_space<vmem>> -> memref<1x1x40xi32, #tpu.memory_space<vmem>>
    %dma_start3A_56 = tpu.memref_squeeze %dma_start3A_55 : memref<1x1x40xi32, #tpu.memory_space<vmem>> -> memref<40xi32, #tpu.memory_space<vmem>>
    %dma_start3A_57 = tpu.memref_slice %arg3[%add3A_51] : memref<320000xi32, #tpu.memory_space<hbm>> -> memref<40xi32, #tpu.memory_space<hbm>>
    %dma_start3A_58 = arith.constant 0 : i32
    %dma_start3A_59 = tpu.memref_slice %arg7[%dma_start3A_52, %dma_start3A_53, %dma_start3A_58] : memref<10x2x40xi32, #tpu.memory_space<vmem>> -> memref<1x1x40xi32, #tpu.memory_space<vmem>>
    %dma_start3A_60 = tpu.memref_squeeze %dma_start3A_59 : memref<1x1x40xi32, #tpu.memory_space<vmem>> -> memref<40xi32, #tpu.memory_space<vmem>>
    %dma_start3A_61 = tpu.memref_slice %arg3[%add3A_51] : memref<320000xi32, #tpu.memory_space<hbm>> -> memref<40xi32, #tpu.memory_space<hbm>>
    tpu.enqueue_dma source(%dma_start3A_61 : memref<40xi32, #tpu.memory_space<hbm>>) target(%dma_start3A_60 : memref<40xi32, #tpu.memory_space<vmem>>) target_semaphore(%arg11 : memref<!tpu.dma_semaphore, #tpu.memory_space<semaphore_mem>>)
    %dma_start3A_62 = arith.constant 2 : i32
    %dma_start3A_63 = arith.constant 1 : i32
    %dma_start3A_64 = arith.constant 0 : i32
    %dma_start3A_65 = tpu.memref_slice %arg7[%dma_start3A_62, %dma_start3A_63, %dma_start3A_64] : memref<10x2x40xi32, #tpu.memory_space<vmem>> -> memref<1x1x40xi32, #tpu.memory_space<vmem>>
    %dma_start3A_66 = tpu.memref_squeeze %dma_start3A_65 : memref<1x1x40xi32, #tpu.memory_space<vmem>> -> memref<40xi32, #tpu.memory_space<vmem>>
    %dma_start3A_67 = tpu.memref_slice %arg4[%add3A_51] : memref<320000xi32, #tpu.memory_space<hbm>> -> memref<40xi32, #tpu.memory_space<hbm>>
    %dma_start3A_68 = arith.constant 0 : i32
    %dma_start3A_69 = tpu.memref_slice %arg7[%dma_start3A_62, %dma_start3A_63, %dma_start3A_68] : memref<10x2x40xi32, #tpu.memory_space<vmem>> -> memref<1x1x40xi32, #tpu.memory_space<vmem>>
    %dma_start3A_70 = tpu.memref_squeeze %dma_start3A_69 : memref<1x1x40xi32, #tpu.memory_space<vmem>> -> memref<40xi32, #tpu.memory_space<vmem>>
    %dma_start3A_71 = tpu.memref_slice %arg4[%add3A_51] : memref<320000xi32, #tpu.memory_space<hbm>> -> memref<40xi32, #tpu.memory_space<hbm>>
    tpu.enqueue_dma source(%dma_start3A_71 : memref<40xi32, #tpu.memory_space<hbm>>) target(%dma_start3A_70 : memref<40xi32, #tpu.memory_space<vmem>>) target_semaphore(%arg11 : memref<!tpu.dma_semaphore, #tpu.memory_space<semaphore_mem>>)
    %mul3A_72 = arith.constant 10000 : i32
    %mul3A_73 = arith.muli %add3A, %mul3A_72 : i32
    %add3A_74 = arith.constant 120 : i32
    %add3A_75 = arith.addi %mul3A_73, %add3A_74 : i32
    %dma_start3A_76 = arith.constant 3 : i32
    %dma_start3A_77 = arith.constant 0 : i32
    %dma_start3A_78 = arith.constant 0 : i32
    %dma_start3A_79 = tpu.memref_slice %arg7[%dma_start3A_76, %dma_start3A_77, %dma_start3A_78] : memref<10x2x40xi32, #tpu.memory_space<vmem>> -> memref<1x1x40xi32, #tpu.memory_space<vmem>>
    %dma_start3A_80 = tpu.memref_squeeze %dma_start3A_79 : memref<1x1x40xi32, #tpu.memory_space<vmem>> -> memref<40xi32, #tpu.memory_space<vmem>>
    %dma_start3A_81 = tpu.memref_slice %arg3[%add3A_75] : memref<320000xi32, #tpu.memory_space<hbm>> -> memref<40xi32, #tpu.memory_space<hbm>>
    %dma_start3A_82 = arith.constant 0 : i32
    %dma_start3A_83 = tpu.memref_slice %arg7[%dma_start3A_76, %dma_start3A_77, %dma_start3A_82] : memref<10x2x40xi32, #tpu.memory_space<vmem>> -> memref<1x1x40xi32, #tpu.memory_space<vmem>>
    %dma_start3A_84 = tpu.memref_squeeze %dma_start3A_83 : memref<1x1x40xi32, #tpu.memory_space<vmem>> -> memref<40xi32, #tpu.memory_space<vmem>>
    %dma_start3A_85 = tpu.memref_slice %arg3[%add3A_75] : memref<320000xi32, #tpu.memory_space<hbm>> -> memref<40xi32, #tpu.memory_space<hbm>>
    tpu.enqueue_dma source(%dma_start3A_85 : memref<40xi32, #tpu.memory_space<hbm>>) target(%dma_start3A_84 : memref<40xi32, #tpu.memory_space<vmem>>) target_semaphore(%arg12 : memref<!tpu.dma_semaphore, #tpu.memory_space<semaphore_mem>>)
    %dma_start3A_86 = arith.constant 3 : i32
    %dma_start3A_87 = arith.constant 1 : i32
    %dma_start3A_88 = arith.constant 0 : i32
    %dma_start3A_89 = tpu.memref_slice %arg7[%dma_start3A_86, %dma_start3A_87, %dma_start3A_88] : memref<10x2x40xi32, #tpu.memory_space<vmem>> -> memref<1x1x40xi32, #tpu.memory_space<vmem>>
    %dma_start3A_90 = tpu.memref_squeeze %dma_start3A_89 : memref<1x1x40xi32, #tpu.memory_space<vmem>> -> memref<40xi32, #tpu.memory_space<vmem>>
    %dma_start3A_91 = tpu.memref_slice %arg4[%add3A_75] : memref<320000xi32, #tpu.memory_space<hbm>> -> memref<40xi32, #tpu.memory_space<hbm>>
    %dma_start3A_92 = arith.constant 0 : i32
    %dma_start3A_93 = tpu.memref_slice %arg7[%dma_start3A_86, %dma_start3A_87, %dma_start3A_92] : memref<10x2x40xi32, #tpu.memory_space<vmem>> -> memref<1x1x40xi32, #tpu.memory_space<vmem>>
    %dma_start3A_94 = tpu.memref_squeeze %dma_start3A_93 : memref<1x1x40xi32, #tpu.memory_space<vmem>> -> memref<40xi32, #tpu.memory_space<vmem>>
    %dma_start3A_95 = tpu.memref_slice %arg4[%add3A_75] : memref<320000xi32, #tpu.memory_space<hbm>> -> memref<40xi32, #tpu.memory_space<hbm>>
    tpu.enqueue_dma source(%dma_start3A_95 : memref<40xi32, #tpu.memory_space<hbm>>) target(%dma_start3A_94 : memref<40xi32, #tpu.memory_space<vmem>>) target_semaphore(%arg12 : memref<!tpu.dma_semaphore, #tpu.memory_space<semaphore_mem>>)
    %mul3A_96 = arith.constant 10000 : i32
    %mul3A_97 = arith.muli %add3A, %mul3A_96 : i32
    %add3A_98 = arith.constant 160 : i32
    %add3A_99 = arith.addi %mul3A_97, %add3A_98 : i32
    %dma_start3A_100 = arith.constant 4 : i32
    %dma_start3A_101 = arith.constant 0 : i32
    %dma_start3A_102 = arith.constant 0 : i32
    %dma_start3A_103 = tpu.memref_slice %arg7[%dma_start3A_100, %dma_start3A_101, %dma_start3A_102] : memref<10x2x40xi32, #tpu.memory_space<vmem>> -> memref<1x1x40xi32, #tpu.memory_space<vmem>>
    %dma_start3A_104 = tpu.memref_squeeze %dma_start3A_103 : memref<1x1x40xi32, #tpu.memory_space<vmem>> -> memref<40xi32, #tpu.memory_space<vmem>>
    %dma_start3A_105 = tpu.memref_slice %arg3[%add3A_99] : memref<320000xi32, #tpu.memory_space<hbm>> -> memref<40xi32, #tpu.memory_space<hbm>>
    %dma_start3A_106 = arith.constant 0 : i32
    %dma_start3A_107 = tpu.memref_slice %arg7[%dma_start3A_100, %dma_start3A_101, %dma_start3A_106] : memref<10x2x40xi32, #tpu.memory_space<vmem>> -> memref<1x1x40xi32, #tpu.memory_space<vmem>>
    %dma_start3A_108 = tpu.memref_squeeze %dma_start3A_107 : memref<1x1x40xi32, #tpu.memory_space<vmem>> -> memref<40xi32, #tpu.memory_space<vmem>>
    %dma_start3A_109 = tpu.memref_slice %arg3[%add3A_99] : memref<320000xi32, #tpu.memory_space<hbm>> -> memref<40xi32, #tpu.memory_space<hbm>>
    tpu.enqueue_dma source(%dma_start3A_109 : memref<40xi32, #tpu.memory_space<hbm>>) target(%dma_start3A_108 : memref<40xi32, #tpu.memory_space<vmem>>) target_semaphore(%arg13 : memref<!tpu.dma_semaphore, #tpu.memory_space<semaphore_mem>>)
    %dma_start3A_110 = arith.constant 4 : i32
    %dma_start3A_111 = arith.constant 1 : i32
    %dma_start3A_112 = arith.constant 0 : i32
    %dma_start3A_113 = tpu.memref_slice %arg7[%dma_start3A_110, %dma_start3A_111, %dma_start3A_112] : memref<10x2x40xi32, #tpu.memory_space<vmem>> -> memref<1x1x40xi32, #tpu.memory_space<vmem>>
    %dma_start3A_114 = tpu.memref_squeeze %dma_start3A_113 : memref<1x1x40xi32, #tpu.memory_space<vmem>> -> memref<40xi32, #tpu.memory_space<vmem>>
    %dma_start3A_115 = tpu.memref_slice %arg4[%add3A_99] : memref<320000xi32, #tpu.memory_space<hbm>> -> memref<40xi32, #tpu.memory_space<hbm>>
    %dma_start3A_116 = arith.constant 0 : i32
    %dma_start3A_117 = tpu.memref_slice %arg7[%dma_start3A_110, %dma_start3A_111, %dma_start3A_116] : memref<10x2x40xi32, #tpu.memory_space<vmem>> -> memref<1x1x40xi32, #tpu.memory_space<vmem>>
    %dma_start3A_118 = tpu.memref_squeeze %dma_start3A_117 : memref<1x1x40xi32, #tpu.memory_space<vmem>> -> memref<40xi32, #tpu.memory_space<vmem>>
    %dma_start3A_119 = tpu.memref_slice %arg4[%add3A_99] : memref<320000xi32, #tpu.memory_space<hbm>> -> memref<40xi32, #tpu.memory_space<hbm>>
    tpu.enqueue_dma source(%dma_start3A_119 : memref<40xi32, #tpu.memory_space<hbm>>) target(%dma_start3A_118 : memref<40xi32, #tpu.memory_space<vmem>>) target_semaphore(%arg13 : memref<!tpu.dma_semaphore, #tpu.memory_space<semaphore_mem>>)
    %dma_wait3A = arith.constant 0 : i32
    %dma_wait3A_120 = arith.constant 0 : i32
    %dma_wait3A_121 = arith.constant 0 : i32
    %dma_wait3A_122 = tpu.memref_slice %arg7[%dma_wait3A, %dma_wait3A_120, %dma_wait3A_121] : memref<10x2x40xi32, #tpu.memory_space<vmem>> -> memref<1x1x40xi32, #tpu.memory_space<vmem>>
    %dma_wait3A_123 = tpu.memref_squeeze %dma_wait3A_122 : memref<1x1x40xi32, #tpu.memory_space<vmem>> -> memref<40xi32, #tpu.memory_space<vmem>>
    %dma_wait3A_124 = arith.constant 0 : i32
    %dma_wait3A_125 = tpu.memref_slice %arg3[%dma_wait3A_124] : memref<320000xi32, #tpu.memory_space<hbm>> -> memref<40xi32, #tpu.memory_space<hbm>>
    %dma_wait3A_126 = arith.constant 0 : i32
    %dma_wait3A_127 = tpu.memref_slice %arg7[%dma_wait3A, %dma_wait3A_120, %dma_wait3A_126] : memref<10x2x40xi32, #tpu.memory_space<vmem>> -> memref<1x1x40xi32, #tpu.memory_space<vmem>>
    %dma_wait3A_128 = tpu.memref_squeeze %dma_wait3A_127 : memref<1x1x40xi32, #tpu.memory_space<vmem>> -> memref<40xi32, #tpu.memory_space<vmem>>
    %dma_wait3A_129 = arith.constant 0 : i32
    %dma_wait3A_130 = tpu.memref_slice %arg3[%dma_wait3A_129] : memref<320000xi32, #tpu.memory_space<hbm>> -> memref<40xi32, #tpu.memory_space<hbm>>
    tpu.wait_dma2 semaphore(%arg9 : memref<!tpu.dma_semaphore, #tpu.memory_space<semaphore_mem>>) src(%dma_wait3A_130 : memref<40xi32, #tpu.memory_space<hbm>>) dst(%dma_wait3A_128 : memref<40xi32, #tpu.memory_space<vmem>>)
    %dma_wait3A_131 = arith.constant 0 : i32
    %dma_wait3A_132 = arith.constant 1 : i32
    %dma_wait3A_133 = arith.constant 0 : i32
    %dma_wait3A_134 = tpu.memref_slice %arg7[%dma_wait3A_131, %dma_wait3A_132, %dma_wait3A_133] : memref<10x2x40xi32, #tpu.memory_space<vmem>> -> memref<1x1x40xi32, #tpu.memory_space<vmem>>
    %dma_wait3A_135 = tpu.memref_squeeze %dma_wait3A_134 : memref<1x1x40xi32, #tpu.memory_space<vmem>> -> memref<40xi32, #tpu.memory_space<vmem>>
    %dma_wait3A_136 = arith.constant 0 : i32
    %dma_wait3A_137 = tpu.memref_slice %arg4[%dma_wait3A_136] : memref<320000xi32, #tpu.memory_space<hbm>> -> memref<40xi32, #tpu.memory_space<hbm>>
    %dma_wait3A_138 = arith.constant 0 : i32
    %dma_wait3A_139 = tpu.memref_slice %arg7[%dma_wait3A_131, %dma_wait3A_132, %dma_wait3A_138] : memref<10x2x40xi32, #tpu.memory_space<vmem>> -> memref<1x1x40xi32, #tpu.memory_space<vmem>>
    %dma_wait3A_140 = tpu.memref_squeeze %dma_wait3A_139 : memref<1x1x40xi32, #tpu.memory_space<vmem>> -> memref<40xi32, #tpu.memory_space<vmem>>
    %dma_wait3A_141 = arith.constant 0 : i32
    %dma_wait3A_142 = tpu.memref_slice %arg4[%dma_wait3A_141] : memref<320000xi32, #tpu.memory_space<hbm>> -> memref<40xi32, #tpu.memory_space<hbm>>
    tpu.wait_dma2 semaphore(%arg9 : memref<!tpu.dma_semaphore, #tpu.memory_space<semaphore_mem>>) src(%dma_wait3A_142 : memref<40xi32, #tpu.memory_space<hbm>>) dst(%dma_wait3A_140 : memref<40xi32, #tpu.memory_space<vmem>>)
    %dma_start3A_143 = arith.constant 0 : i32
    %dma_start3A_144 = arith.constant 0 : i32
    %dma_start3A_145 = arith.constant 0 : i32
    %dma_start3A_146 = arith.constant 0 : i32
    %dma_start3A_147 = arith.constant 0 : i32
    %dma_start3A_148 = tpu.memref_slice %arg8[%dma_start3A_145, %dma_start3A_146, %dma_start3A_147] : memref<5x40x128xf32, #tpu.memory_space<vmem>> -> memref<1x40x128xf32, #tpu.memory_space<vmem>>
    %dma_start3A_149 = tpu.memref_squeeze %dma_start3A_148 : memref<1x40x128xf32, #tpu.memory_space<vmem>> -> memref<40x128xf32, #tpu.memory_space<vmem>>
    %dma_start3A_150 = arith.constant 0 : i32
    %dma_start3A_151 = tpu.memref_slice %arg7[%dma_start3A_143, %dma_start3A_144, %dma_start3A_150] : memref<10x2x40xi32, #tpu.memory_space<vmem>> -> memref<1x1x40xi32, #tpu.memory_space<vmem>>
    %dma_start3A_152 = tpu.memref_squeeze %dma_start3A_151 : memref<1x1x40xi32, #tpu.memory_space<vmem>> -> memref<40xi32, #tpu.memory_space<vmem>>
    %dma_start3A_153 = arith.constant 0 : i32
    %dma_start3A_154 = arith.constant 0 : i32
    %dma_start3A_155 = tpu.memref_slice %arg2[%dma_start3A_153, %dma_start3A_154] : memref<10000x128xf32, #tpu.memory_space<hbm>> -> memref<10000x128xf32, #tpu.memory_space<hbm>>
    tpu.enqueue_indirect_dma source(%dma_start3A_155 : memref<10000x128xf32, #tpu.memory_space<hbm>>) target(%dma_start3A_149 : memref<40x128xf32, #tpu.memory_space<vmem>>) offsets(%dma_start3A_152 : memref<40xi32, #tpu.memory_space<vmem>>) semaphore(%arg19 : memref<!tpu.dma_semaphore, #tpu.memory_space<semaphore_mem>>)
    %dma_wait3A_156 = arith.constant 1 : i32
    %dma_wait3A_157 = arith.constant 0 : i32
    %dma_wait3A_158 = arith.constant 0 : i32
    %dma_wait3A_159 = tpu.memref_slice %arg7[%dma_wait3A_156, %dma_wait3A_157, %dma_wait3A_158] : memref<10x2x40xi32, #tpu.memory_space<vmem>> -> memref<1x1x40xi32, #tpu.memory_space<vmem>>
    %dma_wait3A_160 = tpu.memref_squeeze %dma_wait3A_159 : memref<1x1x40xi32, #tpu.memory_space<vmem>> -> memref<40xi32, #tpu.memory_space<vmem>>
    %dma_wait3A_161 = arith.constant 0 : i32
    %dma_wait3A_162 = tpu.memref_slice %arg3[%dma_wait3A_161] : memref<320000xi32, #tpu.memory_space<hbm>> -> memref<40xi32, #tpu.memory_space<hbm>>
    %dma_wait3A_163 = arith.constant 0 : i32
    %dma_wait3A_164 = tpu.memref_slice %arg7[%dma_wait3A_156, %dma_wait3A_157, %dma_wait3A_163] : memref<10x2x40xi32, #tpu.memory_space<vmem>> -> memref<1x1x40xi32, #tpu.memory_space<vmem>>
    %dma_wait3A_165 = tpu.memref_squeeze %dma_wait3A_164 : memref<1x1x40xi32, #tpu.memory_space<vmem>> -> memref<40xi32, #tpu.memory_space<vmem>>
    %dma_wait3A_166 = arith.constant 0 : i32
    %dma_wait3A_167 = tpu.memref_slice %arg3[%dma_wait3A_166] : memref<320000xi32, #tpu.memory_space<hbm>> -> memref<40xi32, #tpu.memory_space<hbm>>
    tpu.wait_dma2 semaphore(%arg10 : memref<!tpu.dma_semaphore, #tpu.memory_space<semaphore_mem>>) src(%dma_wait3A_167 : memref<40xi32, #tpu.memory_space<hbm>>) dst(%dma_wait3A_165 : memref<40xi32, #tpu.memory_space<vmem>>)
    %dma_wait3A_168 = arith.constant 1 : i32
    %dma_wait3A_169 = arith.constant 1 : i32
    %dma_wait3A_170 = arith.constant 0 : i32
    %dma_wait3A_171 = tpu.memref_slice %arg7[%dma_wait3A_168, %dma_wait3A_169, %dma_wait3A_170] : memref<10x2x40xi32, #tpu.memory_space<vmem>> -> memref<1x1x40xi32, #tpu.memory_space<vmem>>
    %dma_wait3A_172 = tpu.memref_squeeze %dma_wait3A_171 : memref<1x1x40xi32, #tpu.memory_space<vmem>> -> memref<40xi32, #tpu.memory_space<vmem>>
    %dma_wait3A_173 = arith.constant 0 : i32
    %dma_wait3A_174 = tpu.memref_slice %arg4[%dma_wait3A_173] : memref<320000xi32, #tpu.memory_space<hbm>> -> memref<40xi32, #tpu.memory_space<hbm>>
    %dma_wait3A_175 = arith.constant 0 : i32
    %dma_wait3A_176 = tpu.memref_slice %arg7[%dma_wait3A_168, %dma_wait3A_169, %dma_wait3A_175] : memref<10x2x40xi32, #tpu.memory_space<vmem>> -> memref<1x1x40xi32, #tpu.memory_space<vmem>>
    %dma_wait3A_177 = tpu.memref_squeeze %dma_wait3A_176 : memref<1x1x40xi32, #tpu.memory_space<vmem>> -> memref<40xi32, #tpu.memory_space<vmem>>
    %dma_wait3A_178 = arith.constant 0 : i32
    %dma_wait3A_179 = tpu.memref_slice %arg4[%dma_wait3A_178] : memref<320000xi32, #tpu.memory_space<hbm>> -> memref<40xi32, #tpu.memory_space<hbm>>
    tpu.wait_dma2 semaphore(%arg10 : memref<!tpu.dma_semaphore, #tpu.memory_space<semaphore_mem>>) src(%dma_wait3A_179 : memref<40xi32, #tpu.memory_space<hbm>>) dst(%dma_wait3A_177 : memref<40xi32, #tpu.memory_space<vmem>>)
    %dma_start3A_180 = arith.constant 1 : i32
    %dma_start3A_181 = arith.constant 0 : i32
    %dma_start3A_182 = arith.constant 1 : i32
    %dma_start3A_183 = arith.constant 0 : i32
    %dma_start3A_184 = arith.constant 0 : i32
    %dma_start3A_185 = tpu.memref_slice %arg8[%dma_start3A_182, %dma_start3A_183, %dma_start3A_184] : memref<5x40x128xf32, #tpu.memory_space<vmem>> -> memref<1x40x128xf32, #tpu.memory_space<vmem>>
    %dma_start3A_186 = tpu.memref_squeeze %dma_start3A_185 : memref<1x40x128xf32, #tpu.memory_space<vmem>> -> memref<40x128xf32, #tpu.memory_space<vmem>>
    %dma_start3A_187 = arith.constant 0 : i32
    %dma_start3A_188 = tpu.memref_slice %arg7[%dma_start3A_180, %dma_start3A_181, %dma_start3A_187] : memref<10x2x40xi32, #tpu.memory_space<vmem>> -> memref<1x1x40xi32, #tpu.memory_space<vmem>>
    %dma_start3A_189 = tpu.memref_squeeze %dma_start3A_188 : memref<1x1x40xi32, #tpu.memory_space<vmem>> -> memref<40xi32, #tpu.memory_space<vmem>>
    %dma_start3A_190 = arith.constant 0 : i32
    %dma_start3A_191 = arith.constant 0 : i32
    %dma_start3A_192 = tpu.memref_slice %arg2[%dma_start3A_190, %dma_start3A_191] : memref<10000x128xf32, #tpu.memory_space<hbm>> -> memref<10000x128xf32, #tpu.memory_space<hbm>>
    tpu.enqueue_indirect_dma source(%dma_start3A_192 : memref<10000x128xf32, #tpu.memory_space<hbm>>) target(%dma_start3A_186 : memref<40x128xf32, #tpu.memory_space<vmem>>) offsets(%dma_start3A_189 : memref<40xi32, #tpu.memory_space<vmem>>) semaphore(%arg20 : memref<!tpu.dma_semaphore, #tpu.memory_space<semaphore_mem>>)
    %dma_wait3A_193 = arith.constant 2 : i32
    %dma_wait3A_194 = arith.constant 0 : i32
    %dma_wait3A_195 = arith.constant 0 : i32
    %dma_wait3A_196 = tpu.memref_slice %arg7[%dma_wait3A_193, %dma_wait3A_194, %dma_wait3A_195] : memref<10x2x40xi32, #tpu.memory_space<vmem>> -> memref<1x1x40xi32, #tpu.memory_space<vmem>>
    %dma_wait3A_197 = tpu.memref_squeeze %dma_wait3A_196 : memref<1x1x40xi32, #tpu.memory_space<vmem>> -> memref<40xi32, #tpu.memory_space<vmem>>
    %dma_wait3A_198 = arith.constant 0 : i32
    %dma_wait3A_199 = tpu.memref_slice %arg3[%dma_wait3A_198] : memref<320000xi32, #tpu.memory_space<hbm>> -> memref<40xi32, #tpu.memory_space<hbm>>
    %dma_wait3A_200 = arith.constant 0 : i32
    %dma_wait3A_201 = tpu.memref_slice %arg7[%dma_wait3A_193, %dma_wait3A_194, %dma_wait3A_200] : memref<10x2x40xi32, #tpu.memory_space<vmem>> -> memref<1x1x40xi32, #tpu.memory_space<vmem>>
    %dma_wait3A_202 = tpu.memref_squeeze %dma_wait3A_201 : memref<1x1x40xi32, #tpu.memory_space<vmem>> -> memref<40xi32, #tpu.memory_space<vmem>>
    %dma_wait3A_203 = arith.constant 0 : i32
    %dma_wait3A_204 = tpu.memref_slice %arg3[%dma_wait3A_203] : memref<320000xi32, #tpu.memory_space<hbm>> -> memref<40xi32, #tpu.memory_space<hbm>>
    tpu.wait_dma2 semaphore(%arg11 : memref<!tpu.dma_semaphore, #tpu.memory_space<semaphore_mem>>) src(%dma_wait3A_204 : memref<40xi32, #tpu.memory_space<hbm>>) dst(%dma_wait3A_202 : memref<40xi32, #tpu.memory_space<vmem>>)
    %dma_wait3A_205 = arith.constant 2 : i32
    %dma_wait3A_206 = arith.constant 1 : i32
    %dma_wait3A_207 = arith.constant 0 : i32
    %dma_wait3A_208 = tpu.memref_slice %arg7[%dma_wait3A_205, %dma_wait3A_206, %dma_wait3A_207] : memref<10x2x40xi32, #tpu.memory_space<vmem>> -> memref<1x1x40xi32, #tpu.memory_space<vmem>>
    %dma_wait3A_209 = tpu.memref_squeeze %dma_wait3A_208 : memref<1x1x40xi32, #tpu.memory_space<vmem>> -> memref<40xi32, #tpu.memory_space<vmem>>
    %dma_wait3A_210 = arith.constant 0 : i32
    %dma_wait3A_211 = tpu.memref_slice %arg4[%dma_wait3A_210] : memref<320000xi32, #tpu.memory_space<hbm>> -> memref<40xi32, #tpu.memory_space<hbm>>
    %dma_wait3A_212 = arith.constant 0 : i32
    %dma_wait3A_213 = tpu.memref_slice %arg7[%dma_wait3A_205, %dma_wait3A_206, %dma_wait3A_212] : memref<10x2x40xi32, #tpu.memory_space<vmem>> -> memref<1x1x40xi32, #tpu.memory_space<vmem>>
    %dma_wait3A_214 = tpu.memref_squeeze %dma_wait3A_213 : memref<1x1x40xi32, #tpu.memory_space<vmem>> -> memref<40xi32, #tpu.memory_space<vmem>>
    %dma_wait3A_215 = arith.constant 0 : i32
    %dma_wait3A_216 = tpu.memref_slice %arg4[%dma_wait3A_215] : memref<320000xi32, #tpu.memory_space<hbm>> -> memref<40xi32, #tpu.memory_space<hbm>>
    tpu.wait_dma2 semaphore(%arg11 : memref<!tpu.dma_semaphore, #tpu.memory_space<semaphore_mem>>) src(%dma_wait3A_216 : memref<40xi32, #tpu.memory_space<hbm>>) dst(%dma_wait3A_214 : memref<40xi32, #tpu.memory_space<vmem>>)
    %dma_start3A_217 = arith.constant 2 : i32
    %dma_start3A_218 = arith.constant 0 : i32
    %dma_start3A_219 = arith.constant 2 : i32
    %dma_start3A_220 = arith.constant 0 : i32
    %dma_start3A_221 = arith.constant 0 : i32
    %dma_start3A_222 = tpu.memref_slice %arg8[%dma_start3A_219, %dma_start3A_220, %dma_start3A_221] : memref<5x40x128xf32, #tpu.memory_space<vmem>> -> memref<1x40x128xf32, #tpu.memory_space<vmem>>
    %dma_start3A_223 = tpu.memref_squeeze %dma_start3A_222 : memref<1x40x128xf32, #tpu.memory_space<vmem>> -> memref<40x128xf32, #tpu.memory_space<vmem>>
    %dma_start3A_224 = arith.constant 0 : i32
    %dma_start3A_225 = tpu.memref_slice %arg7[%dma_start3A_217, %dma_start3A_218, %dma_start3A_224] : memref<10x2x40xi32, #tpu.memory_space<vmem>> -> memref<1x1x40xi32, #tpu.memory_space<vmem>>
    %dma_start3A_226 = tpu.memref_squeeze %dma_start3A_225 : memref<1x1x40xi32, #tpu.memory_space<vmem>> -> memref<40xi32, #tpu.memory_space<vmem>>
    %dma_start3A_227 = arith.constant 0 : i32
    %dma_start3A_228 = arith.constant 0 : i32
    %dma_start3A_229 = tpu.memref_slice %arg2[%dma_start3A_227, %dma_start3A_228] : memref<10000x128xf32, #tpu.memory_space<hbm>> -> memref<10000x128xf32, #tpu.memory_space<hbm>>
    tpu.enqueue_indirect_dma source(%dma_start3A_229 : memref<10000x128xf32, #tpu.memory_space<hbm>>) target(%dma_start3A_223 : memref<40x128xf32, #tpu.memory_space<vmem>>) offsets(%dma_start3A_226 : memref<40xi32, #tpu.memory_space<vmem>>) semaphore(%arg21 : memref<!tpu.dma_semaphore, #tpu.memory_space<semaphore_mem>>)
    %dma_wait3A_230 = arith.constant 3 : i32
    %dma_wait3A_231 = arith.constant 0 : i32
    %dma_wait3A_232 = arith.constant 0 : i32
    %dma_wait3A_233 = tpu.memref_slice %arg7[%dma_wait3A_230, %dma_wait3A_231, %dma_wait3A_232] : memref<10x2x40xi32, #tpu.memory_space<vmem>> -> memref<1x1x40xi32, #tpu.memory_space<vmem>>
    %dma_wait3A_234 = tpu.memref_squeeze %dma_wait3A_233 : memref<1x1x40xi32, #tpu.memory_space<vmem>> -> memref<40xi32, #tpu.memory_space<vmem>>
    %dma_wait3A_235 = arith.constant 0 : i32
    %dma_wait3A_236 = tpu.memref_slice %arg3[%dma_wait3A_235] : memref<320000xi32, #tpu.memory_space<hbm>> -> memref<40xi32, #tpu.memory_space<hbm>>
    %dma_wait3A_237 = arith.constant 0 : i32
    %dma_wait3A_238 = tpu.memref_slice %arg7[%dma_wait3A_230, %dma_wait3A_231, %dma_wait3A_237] : memref<10x2x40xi32, #tpu.memory_space<vmem>> -> memref<1x1x40xi32, #tpu.memory_space<vmem>>
    %dma_wait3A_239 = tpu.memref_squeeze %dma_wait3A_238 : memref<1x1x40xi32, #tpu.memory_space<vmem>> -> memref<40xi32, #tpu.memory_space<vmem>>
    %dma_wait3A_240 = arith.constant 0 : i32
    %dma_wait3A_241 = tpu.memref_slice %arg3[%dma_wait3A_240] : memref<320000xi32, #tpu.memory_space<hbm>> -> memref<40xi32, #tpu.memory_space<hbm>>
    tpu.wait_dma2 semaphore(%arg12 : memref<!tpu.dma_semaphore, #tpu.memory_space<semaphore_mem>>) src(%dma_wait3A_241 : memref<40xi32, #tpu.memory_space<hbm>>) dst(%dma_wait3A_239 : memref<40xi32, #tpu.memory_space<vmem>>)
    %dma_wait3A_242 = arith.constant 3 : i32
    %dma_wait3A_243 = arith.constant 1 : i32
    %dma_wait3A_244 = arith.constant 0 : i32
    %dma_wait3A_245 = tpu.memref_slice %arg7[%dma_wait3A_242, %dma_wait3A_243, %dma_wait3A_244] : memref<10x2x40xi32, #tpu.memory_space<vmem>> -> memref<1x1x40xi32, #tpu.memory_space<vmem>>
    %dma_wait3A_246 = tpu.memref_squeeze %dma_wait3A_245 : memref<1x1x40xi32, #tpu.memory_space<vmem>> -> memref<40xi32, #tpu.memory_space<vmem>>
    %dma_wait3A_247 = arith.constant 0 : i32
    %dma_wait3A_248 = tpu.memref_slice %arg4[%dma_wait3A_247] : memref<320000xi32, #tpu.memory_space<hbm>> -> memref<40xi32, #tpu.memory_space<hbm>>
    %dma_wait3A_249 = arith.constant 0 : i32
    %dma_wait3A_250 = tpu.memref_slice %arg7[%dma_wait3A_242, %dma_wait3A_243, %dma_wait3A_249] : memref<10x2x40xi32, #tpu.memory_space<vmem>> -> memref<1x1x40xi32, #tpu.memory_space<vmem>>
    %dma_wait3A_251 = tpu.memref_squeeze %dma_wait3A_250 : memref<1x1x40xi32, #tpu.memory_space<vmem>> -> memref<40xi32, #tpu.memory_space<vmem>>
    %dma_wait3A_252 = arith.constant 0 : i32
    %dma_wait3A_253 = tpu.memref_slice %arg4[%dma_wait3A_252] : memref<320000xi32, #tpu.memory_space<hbm>> -> memref<40xi32, #tpu.memory_space<hbm>>
    tpu.wait_dma2 semaphore(%arg12 : memref<!tpu.dma_semaphore, #tpu.memory_space<semaphore_mem>>) src(%dma_wait3A_253 : memref<40xi32, #tpu.memory_space<hbm>>) dst(%dma_wait3A_251 : memref<40xi32, #tpu.memory_space<vmem>>)
    %dma_start3A_254 = arith.constant 3 : i32
    %dma_start3A_255 = arith.constant 0 : i32
    %dma_start3A_256 = arith.constant 3 : i32
    %dma_start3A_257 = arith.constant 0 : i32
    %dma_start3A_258 = arith.constant 0 : i32
    %dma_start3A_259 = tpu.memref_slice %arg8[%dma_start3A_256, %dma_start3A_257, %dma_start3A_258] : memref<5x40x128xf32, #tpu.memory_space<vmem>> -> memref<1x40x128xf32, #tpu.memory_space<vmem>>
    %dma_start3A_260 = tpu.memref_squeeze %dma_start3A_259 : memref<1x40x128xf32, #tpu.memory_space<vmem>> -> memref<40x128xf32, #tpu.memory_space<vmem>>
    %dma_start3A_261 = arith.constant 0 : i32
    %dma_start3A_262 = tpu.memref_slice %arg7[%dma_start3A_254, %dma_start3A_255, %dma_start3A_261] : memref<10x2x40xi32, #tpu.memory_space<vmem>> -> memref<1x1x40xi32, #tpu.memory_space<vmem>>
    %dma_start3A_263 = tpu.memref_squeeze %dma_start3A_262 : memref<1x1x40xi32, #tpu.memory_space<vmem>> -> memref<40xi32, #tpu.memory_space<vmem>>
    %dma_start3A_264 = arith.constant 0 : i32
    %dma_start3A_265 = arith.constant 0 : i32
    %dma_start3A_266 = tpu.memref_slice %arg2[%dma_start3A_264, %dma_start3A_265] : memref<10000x128xf32, #tpu.memory_space<hbm>> -> memref<10000x128xf32, #tpu.memory_space<hbm>>
    tpu.enqueue_indirect_dma source(%dma_start3A_266 : memref<10000x128xf32, #tpu.memory_space<hbm>>) target(%dma_start3A_260 : memref<40x128xf32, #tpu.memory_space<vmem>>) offsets(%dma_start3A_263 : memref<40xi32, #tpu.memory_space<vmem>>) semaphore(%arg22 : memref<!tpu.dma_semaphore, #tpu.memory_space<semaphore_mem>>)
    %mul3A_267 = arith.constant 640 : i32
    %mul3A_268 = arith.muli %arg1, %mul3A_267 : i32
    "tpu.region"() ({
      %run_scoped3A = tpu.sem_alloc : memref<!tpu.dma_semaphore, #tpu.memory_space<semaphore_mem>>
      %dma_start3A_356 = arith.constant 0 : i32
      %dma_start3A_357 = tpu.memref_slice %arg29[%mul3A_268, %dma_start3A_356] : memref<10240x128xf32, #tpu.memory_space<vmem_shared>> -> memref<640x128xf32, #tpu.memory_space<vmem_shared>>
      tpu.enqueue_dma source(%arg5 : memref<640x128xf32, #tpu.memory_space<hbm>>) target(%dma_start3A_357 : memref<640x128xf32, #tpu.memory_space<vmem_shared>>) target_semaphore(%run_scoped3A : memref<!tpu.dma_semaphore, #tpu.memory_space<semaphore_mem>>)
      %dma_wait3A_358 = arith.constant 0 : i32
      %dma_wait3A_359 = tpu.memref_slice %arg29[%mul3A_268, %dma_wait3A_358] : memref<10240x128xf32, #tpu.memory_space<vmem_shared>> -> memref<640x128xf32, #tpu.memory_space<vmem_shared>>
      tpu.wait_dma2 semaphore(%run_scoped3A : memref<!tpu.dma_semaphore, #tpu.memory_space<semaphore_mem>>) src(%arg5 : memref<640x128xf32, #tpu.memory_space<hbm>>) dst(%dma_wait3A_359 : memref<640x128xf32, #tpu.memory_space<vmem_shared>>)
      tpu.yield
    }) : () -> ()
    %barrier3A = arith.constant 0 : index
    tpu.barrier barrier_id(%barrier3A)
    %scan3A = arith.constant 0 : i32
    %scan3A_269 = arith.constant 0 : i32
    %scan3A_270 = arith.constant 25 : i32
    %scan3A_271 = arith.addi %scan3A_269, %scan3A_270 : i32
    %scan3A_272 = arith.constant 1 : i32
    scf.for %scan3A_356 = %scan3A_269 to %scan3A_271 step %scan3A_272  : i32 {
      %mul3A_357 = arith.constant 2 : i32
      %mul3A_358 = arith.muli %scan3A_356, %mul3A_357 : i32
      %add3A_359 = arith.constant 0 : i32
      %add3A_360 = arith.addi %mul3A_358, %add3A_359 : i32
      %mul3A_361 = arith.constant 5 : i32
      %mul3A_362 = arith.muli %add3A_360, %mul3A_361 : i32
      %add3A_363 = arith.constant 0 : i32
      %add3A_364 = arith.addi %mul3A_362, %add3A_363 : i32
      %dma_wait3A_365 = arith.constant 0 : i32
      %dma_wait3A_366 = arith.constant 0 : i32
      %dma_wait3A_367 = arith.constant 0 : i32
      %dma_wait3A_368 = arith.constant 0 : i32
      %dma_wait3A_369 = arith.constant 0 : i32
      %dma_wait3A_370 = tpu.memref_slice %arg8[%dma_wait3A_367, %dma_wait3A_368, %dma_wait3A_369] : memref<5x40x128xf32, #tpu.memory_space<vmem>> -> memref<1x40x128xf32, #tpu.memory_space<vmem>>
      %dma_wait3A_371 = tpu.memref_squeeze %dma_wait3A_370 : memref<1x40x128xf32, #tpu.memory_space<vmem>> -> memref<40x128xf32, #tpu.memory_space<vmem>>
      %dma_wait3A_372 = arith.constant 0 : i32
      %dma_wait3A_373 = tpu.memref_slice %arg7[%dma_wait3A_365, %dma_wait3A_366, %dma_wait3A_372] : memref<10x2x40xi32, #tpu.memory_space<vmem>> -> memref<1x1x40xi32, #tpu.memory_space<vmem>>
      %dma_wait3A_374 = tpu.memref_squeeze %dma_wait3A_373 : memref<1x1x40xi32, #tpu.memory_space<vmem>> -> memref<40xi32, #tpu.memory_space<vmem>>
      %dma_wait3A_375 = arith.constant 0 : i32
      %dma_wait3A_376 = arith.constant 0 : i32
      %dma_wait3A_377 = tpu.memref_slice %arg2[%dma_wait3A_375, %dma_wait3A_376] : memref<10000x128xf32, #tpu.memory_space<hbm>> -> memref<10000x128xf32, #tpu.memory_space<hbm>>
      tpu.wait_indirect_dma semaphore(%arg19 : memref<!tpu.dma_semaphore, #tpu.memory_space<semaphore_mem>>) src(%dma_wait3A_377 : memref<10000x128xf32, #tpu.memory_space<hbm>>) dst(%dma_wait3A_371 : memref<40x128xf32, #tpu.memory_space<vmem>>)
      %dma_start3A_378 = arith.constant 0 : i32
      %dma_start3A_379 = arith.constant 0 : i32
      %dma_start3A_380 = arith.constant 1 : i32
      %dma_start3A_381 = arith.constant 0 : i32
      %dma_start3A_382 = arith.constant 0 : i32
      %dma_start3A_383 = tpu.memref_slice %arg8[%dma_start3A_378, %dma_start3A_381, %dma_start3A_382] : memref<5x40x128xf32, #tpu.memory_space<vmem>> -> memref<1x40x128xf32, #tpu.memory_space<vmem>>
      %dma_start3A_384 = tpu.memref_squeeze %dma_start3A_383 : memref<1x40x128xf32, #tpu.memory_space<vmem>> -> memref<40x128xf32, #tpu.memory_space<vmem>>
      %dma_start3A_385 = arith.constant 0 : i32
      %dma_start3A_386 = tpu.memref_slice %arg7[%dma_start3A_379, %dma_start3A_380, %dma_start3A_385] : memref<10x2x40xi32, #tpu.memory_space<vmem>> -> memref<1x1x40xi32, #tpu.memory_space<vmem>>
      %dma_start3A_387 = tpu.memref_squeeze %dma_start3A_386 : memref<1x1x40xi32, #tpu.memory_space<vmem>> -> memref<40xi32, #tpu.memory_space<vmem>>
      %dma_start3A_388 = arith.constant 0 : i32
      %dma_start3A_389 = arith.constant 0 : i32
      %dma_start3A_390 = tpu.memref_slice %arg29[%dma_start3A_388, %dma_start3A_389] : memref<10240x128xf32, #tpu.memory_space<vmem_shared>> -> memref<10240x128xf32, #tpu.memory_space<vmem_shared>>
      tpu.enqueue_indirect_dma source(%dma_start3A_384 : memref<40x128xf32, #tpu.memory_space<vmem>>) target(%dma_start3A_390 : memref<10240x128xf32, #tpu.memory_space<vmem_shared>>) offsets(%dma_start3A_387 : memref<40xi32, #tpu.memory_space<vmem>>) semaphore(%arg24 : memref<!tpu.dma_semaphore, #tpu.memory_space<semaphore_mem>>) {add = true}
      %add3A_391 = arith.constant 5 : i32
      %add3A_392 = arith.addi %add3A_364, %add3A_391 : i32
      %lt3A_393 = arith.constant 250 : i32
      %lt3A_394 = arith.cmpi slt, %add3A_392, %lt3A_393 : i32
      %convert_element_type3A_395 = arith.extui %lt3A_394 : i1 to i32
      %cond3A_396 = arith.constant 0 : i32
      %cond3A_397 = arith.cmpi ne, %convert_element_type3A_395, %cond3A_396 : i32
      scf.if %cond3A_397 {
        %mul3A_789 = arith.constant 10000 : i32
        %mul3A_790 = arith.muli %add3A, %mul3A_789 : i32
        %mul3A_791 = arith.constant 40 : i32
        %mul3A_792 = arith.muli %add3A_392, %mul3A_791 : i32
        %add3A_793 = arith.addi %mul3A_790, %mul3A_792 : i32
        %dma_start3A_794 = arith.constant 5 : i32
        %dma_start3A_795 = arith.constant 0 : i32
        %dma_start3A_796 = arith.constant 0 : i32
        %dma_start3A_797 = tpu.memref_slice %arg7[%dma_start3A_794, %dma_start3A_795, %dma_start3A_796] : memref<10x2x40xi32, #tpu.memory_space<vmem>> -> memref<1x1x40xi32, #tpu.memory_space<vmem>>
        %dma_start3A_798 = tpu.memref_squeeze %dma_start3A_797 : memref<1x1x40xi32, #tpu.memory_space<vmem>> -> memref<40xi32, #tpu.memory_space<vmem>>
        %dma_start3A_799 = tpu.memref_slice %arg3[%add3A_793] : memref<320000xi32, #tpu.memory_space<hbm>> -> memref<40xi32, #tpu.memory_space<hbm>>
        %dma_start3A_800 = arith.constant 0 : i32
        %dma_start3A_801 = tpu.memref_slice %arg7[%dma_start3A_794, %dma_start3A_795, %dma_start3A_800] : memref<10x2x40xi32, #tpu.memory_space<vmem>> -> memref<1x1x40xi32, #tpu.memory_space<vmem>>
        %dma_start3A_802 = tpu.memref_squeeze %dma_start3A_801 : memref<1x1x40xi32, #tpu.memory_space<vmem>> -> memref<40xi32, #tpu.memory_space<vmem>>
        %dma_start3A_803 = tpu.memref_slice %arg3[%add3A_793] : memref<320000xi32, #tpu.memory_space<hbm>> -> memref<40xi32, #tpu.memory_space<hbm>>
        tpu.enqueue_dma source(%dma_start3A_803 : memref<40xi32, #tpu.memory_space<hbm>>) target(%dma_start3A_802 : memref<40xi32, #tpu.memory_space<vmem>>) target_semaphore(%arg14 : memref<!tpu.dma_semaphore, #tpu.memory_space<semaphore_mem>>)
        %dma_start3A_804 = arith.constant 5 : i32
        %dma_start3A_805 = arith.constant 1 : i32
        %dma_start3A_806 = arith.constant 0 : i32
        %dma_start3A_807 = tpu.memref_slice %arg7[%dma_start3A_804, %dma_start3A_805, %dma_start3A_806] : memref<10x2x40xi32, #tpu.memory_space<vmem>> -> memref<1x1x40xi32, #tpu.memory_space<vmem>>
        %dma_start3A_808 = tpu.memref_squeeze %dma_start3A_807 : memref<1x1x40xi32, #tpu.memory_space<vmem>> -> memref<40xi32, #tpu.memory_space<vmem>>
        %dma_start3A_809 = tpu.memref_slice %arg4[%add3A_793] : memref<320000xi32, #tpu.memory_space<hbm>> -> memref<40xi32, #tpu.memory_space<hbm>>
        %dma_start3A_810 = arith.constant 0 : i32
        %dma_start3A_811 = tpu.memref_slice %arg7[%dma_start3A_804, %dma_start3A_805, %dma_start3A_810] : memref<10x2x40xi32, #tpu.memory_space<vmem>> -> memref<1x1x40xi32, #tpu.memory_space<vmem>>
        %dma_start3A_812 = tpu.memref_squeeze %dma_start3A_811 : memref<1x1x40xi32, #tpu.memory_space<vmem>> -> memref<40xi32, #tpu.memory_space<vmem>>
        %dma_start3A_813 = tpu.memref_slice %arg4[%add3A_793] : memref<320000xi32, #tpu.memory_space<hbm>> -> memref<40xi32, #tpu.memory_space<hbm>>
        tpu.enqueue_dma source(%dma_start3A_813 : memref<40xi32, #tpu.memory_space<hbm>>) target(%dma_start3A_812 : memref<40xi32, #tpu.memory_space<vmem>>) target_semaphore(%arg14 : memref<!tpu.dma_semaphore, #tpu.memory_space<semaphore_mem>>)
      } else {
      }
      %add3A_398 = arith.constant 4 : i32
      %add3A_399 = arith.addi %add3A_364, %add3A_398 : i32
      %lt3A_400 = arith.constant 250 : i32
      %lt3A_401 = arith.cmpi slt, %add3A_399, %lt3A_400 : i32
      %convert_element_type3A_402 = arith.extui %lt3A_401 : i1 to i32
      %cond3A_403 = arith.constant 0 : i32
      %cond3A_404 = arith.cmpi ne, %convert_element_type3A_402, %cond3A_403 : i32
      scf.if %cond3A_404 {
        %ge3A = arith.constant 1 : i32
        %ge3A_789 = arith.cmpi sge, %add3A_364, %ge3A : i32
        %convert_element_type3A_790 = arith.extui %ge3A_789 : i1 to i32
        %cond3A_791 = arith.constant 0 : i32
        %cond3A_792 = arith.cmpi ne, %convert_element_type3A_790, %cond3A_791 : i32
        scf.if %cond3A_792 {
          %dma_wait3A_830 = arith.constant 4 : i32
          %dma_wait3A_831 = arith.constant 0 : i32
          %dma_wait3A_832 = arith.constant 0 : i32
          %dma_wait3A_833 = tpu.memref_slice %arg8[%dma_wait3A_830, %dma_wait3A_831, %dma_wait3A_832] : memref<5x40x128xf32, #tpu.memory_space<vmem>> -> memref<1x40x128xf32, #tpu.memory_space<vmem>>
          %dma_wait3A_834 = tpu.memref_squeeze %dma_wait3A_833 : memref<1x40x128xf32, #tpu.memory_space<vmem>> -> memref<40x128xf32, #tpu.memory_space<vmem>>
          %dma_wait3A_835 = arith.constant 0 : i32
          %dma_wait3A_836 = arith.constant 0 : i32
          %dma_wait3A_837 = tpu.memref_slice %arg29[%dma_wait3A_835, %dma_wait3A_836] : memref<10240x128xf32, #tpu.memory_space<vmem_shared>> -> memref<40x128xf32, #tpu.memory_space<vmem_shared>>
          %dma_wait3A_838 = arith.constant 0 : i32
          %dma_wait3A_839 = arith.constant 0 : i32
          %dma_wait3A_840 = tpu.memref_slice %arg29[%dma_wait3A_838, %dma_wait3A_839] : memref<10240x128xf32, #tpu.memory_space<vmem_shared>> -> memref<40x128xf32, #tpu.memory_space<vmem_shared>>
          %dma_wait3A_841 = arith.constant 0 : i32
          %dma_wait3A_842 = arith.constant 0 : i32
          %dma_wait3A_843 = tpu.memref_slice %arg8[%dma_wait3A_830, %dma_wait3A_841, %dma_wait3A_842] : memref<5x40x128xf32, #tpu.memory_space<vmem>> -> memref<1x40x128xf32, #tpu.memory_space<vmem>>
          %dma_wait3A_844 = tpu.memref_squeeze %dma_wait3A_843 : memref<1x40x128xf32, #tpu.memory_space<vmem>> -> memref<40x128xf32, #tpu.memory_space<vmem>>
          tpu.wait_dma2 semaphore(%arg28 : memref<!tpu.dma_semaphore, #tpu.memory_space<semaphore_mem>>) src(%dma_wait3A_844 : memref<40x128xf32, #tpu.memory_space<vmem>>) dst(%dma_wait3A_840 : memref<40x128xf32, #tpu.memory_space<vmem_shared>>)
        } else {
        }
        %dma_wait3A_793 = arith.constant 4 : i32
        %dma_wait3A_794 = arith.constant 0 : i32
        %dma_wait3A_795 = arith.constant 0 : i32
        %dma_wait3A_796 = tpu.memref_slice %arg7[%dma_wait3A_793, %dma_wait3A_794, %dma_wait3A_795] : memref<10x2x40xi32, #tpu.memory_space<vmem>> -> memref<1x1x40xi32, #tpu.memory_space<vmem>>
        %dma_wait3A_797 = tpu.memref_squeeze %dma_wait3A_796 : memref<1x1x40xi32, #tpu.memory_space<vmem>> -> memref<40xi32, #tpu.memory_space<vmem>>
        %dma_wait3A_798 = arith.constant 0 : i32
        %dma_wait3A_799 = tpu.memref_slice %arg3[%dma_wait3A_798] : memref<320000xi32, #tpu.memory_space<hbm>> -> memref<40xi32, #tpu.memory_space<hbm>>
        %dma_wait3A_800 = arith.constant 0 : i32
        %dma_wait3A_801 = tpu.memref_slice %arg7[%dma_wait3A_793, %dma_wait3A_794, %dma_wait3A_800] : memref<10x2x40xi32, #tpu.memory_space<vmem>> -> memref<1x1x40xi32, #tpu.memory_space<vmem>>
        %dma_wait3A_802 = tpu.memref_squeeze %dma_wait3A_801 : memref<1x1x40xi32, #tpu.memory_space<vmem>> -> memref<40xi32, #tpu.memory_space<vmem>>
        %dma_wait3A_803 = arith.constant 0 : i32
        %dma_wait3A_804 = tpu.memref_slice %arg3[%dma_wait3A_803] : memref<320000xi32, #tpu.memory_space<hbm>> -> memref<40xi32, #tpu.memory_space<hbm>>
        tpu.wait_dma2 semaphore(%arg13 : memref<!tpu.dma_semaphore, #tpu.memory_space<semaphore_mem>>) src(%dma_wait3A_804 : memref<40xi32, #tpu.memory_space<hbm>>) dst(%dma_wait3A_802 : memref<40xi32, #tpu.memory_space<vmem>>)
        %dma_wait3A_805 = arith.constant 4 : i32
        %dma_wait3A_806 = arith.constant 1 : i32
        %dma_wait3A_807 = arith.constant 0 : i32
        %dma_wait3A_808 = tpu.memref_slice %arg7[%dma_wait3A_805, %dma_wait3A_806, %dma_wait3A_807] : memref<10x2x40xi32, #tpu.memory_space<vmem>> -> memref<1x1x40xi32, #tpu.memory_space<vmem>>
        %dma_wait3A_809 = tpu.memref_squeeze %dma_wait3A_808 : memref<1x1x40xi32, #tpu.memory_space<vmem>> -> memref<40xi32, #tpu.memory_space<vmem>>
        %dma_wait3A_810 = arith.constant 0 : i32
        %dma_wait3A_811 = tpu.memref_slice %arg4[%dma_wait3A_810] : memref<320000xi32, #tpu.memory_space<hbm>> -> memref<40xi32, #tpu.memory_space<hbm>>
        %dma_wait3A_812 = arith.constant 0 : i32
        %dma_wait3A_813 = tpu.memref_slice %arg7[%dma_wait3A_805, %dma_wait3A_806, %dma_wait3A_812] : memref<10x2x40xi32, #tpu.memory_space<vmem>> -> memref<1x1x40xi32, #tpu.memory_space<vmem>>
        %dma_wait3A_814 = tpu.memref_squeeze %dma_wait3A_813 : memref<1x1x40xi32, #tpu.memory_space<vmem>> -> memref<40xi32, #tpu.memory_space<vmem>>
        %dma_wait3A_815 = arith.constant 0 : i32
        %dma_wait3A_816 = tpu.memref_slice %arg4[%dma_wait3A_815] : memref<320000xi32, #tpu.memory_space<hbm>> -> memref<40xi32, #tpu.memory_space<hbm>>
        tpu.wait_dma2 semaphore(%arg13 : memref<!tpu.dma_semaphore, #tpu.memory_space<semaphore_mem>>) src(%dma_wait3A_816 : memref<40xi32, #tpu.memory_space<hbm>>) dst(%dma_wait3A_814 : memref<40xi32, #tpu.memory_space<vmem>>)
        %dma_start3A_817 = arith.constant 4 : i32
        %dma_start3A_818 = arith.constant 0 : i32
        %dma_start3A_819 = arith.constant 4 : i32
        %dma_start3A_820 = arith.constant 0 : i32
        %dma_start3A_821 = arith.constant 0 : i32
        %dma_start3A_822 = tpu.memref_slice %arg8[%dma_start3A_819, %dma_start3A_820, %dma_start3A_821] : memref<5x40x128xf32, #tpu.memory_space<vmem>> -> memref<1x40x128xf32, #tpu.memory_space<vmem>>
        %dma_start3A_823 = tpu.memref_squeeze %dma_start3A_822 : memref<1x40x128xf32, #tpu.memory_space<vmem>> -> memref<40x128xf32, #tpu.memory_space<vmem>>
        %dma_start3A_824 = arith.constant 0 : i32
        %dma_start3A_825 = tpu.memref_slice %arg7[%dma_start3A_817, %dma_start3A_818, %dma_start3A_824] : memref<10x2x40xi32, #tpu.memory_space<vmem>> -> memref<1x1x40xi32, #tpu.memory_space<vmem>>
        %dma_start3A_826 = tpu.memref_squeeze %dma_start3A_825 : memref<1x1x40xi32, #tpu.memory_space<vmem>> -> memref<40xi32, #tpu.memory_space<vmem>>
        %dma_start3A_827 = arith.constant 0 : i32
        %dma_start3A_828 = arith.constant 0 : i32
        %dma_start3A_829 = tpu.memref_slice %arg2[%dma_start3A_827, %dma_start3A_828] : memref<10000x128xf32, #tpu.memory_space<hbm>> -> memref<10000x128xf32, #tpu.memory_space<hbm>>
        tpu.enqueue_indirect_dma source(%dma_start3A_829 : memref<10000x128xf32, #tpu.memory_space<hbm>>) target(%dma_start3A_823 : memref<40x128xf32, #tpu.memory_space<vmem>>) offsets(%dma_start3A_826 : memref<40xi32, #tpu.memory_space<vmem>>) semaphore(%arg23 : memref<!tpu.dma_semaphore, #tpu.memory_space<semaphore_mem>>)
      } else {
      }
      %add3A_405 = arith.constant 1 : i32
      %add3A_406 = arith.addi %mul3A_362, %add3A_405 : i32
      %dma_wait3A_407 = arith.constant 1 : i32
      %dma_wait3A_408 = arith.constant 0 : i32
      %dma_wait3A_409 = arith.constant 1 : i32
      %dma_wait3A_410 = arith.constant 0 : i32
      %dma_wait3A_411 = arith.constant 0 : i32
      %dma_wait3A_412 = tpu.memref_slice %arg8[%dma_wait3A_409, %dma_wait3A_410, %dma_wait3A_411] : memref<5x40x128xf32, #tpu.memory_space<vmem>> -> memref<1x40x128xf32, #tpu.memory_space<vmem>>
      %dma_wait3A_413 = tpu.memref_squeeze %dma_wait3A_412 : memref<1x40x128xf32, #tpu.memory_space<vmem>> -> memref<40x128xf32, #tpu.memory_space<vmem>>
      %dma_wait3A_414 = arith.constant 0 : i32
      %dma_wait3A_415 = tpu.memref_slice %arg7[%dma_wait3A_407, %dma_wait3A_408, %dma_wait3A_414] : memref<10x2x40xi32, #tpu.memory_space<vmem>> -> memref<1x1x40xi32, #tpu.memory_space<vmem>>
      %dma_wait3A_416 = tpu.memref_squeeze %dma_wait3A_415 : memref<1x1x40xi32, #tpu.memory_space<vmem>> -> memref<40xi32, #tpu.memory_space<vmem>>
      %dma_wait3A_417 = arith.constant 0 : i32
      %dma_wait3A_418 = arith.constant 0 : i32
      %dma_wait3A_419 = tpu.memref_slice %arg2[%dma_wait3A_417, %dma_wait3A_418] : memref<10000x128xf32, #tpu.memory_space<hbm>> -> memref<10000x128xf32, #tpu.memory_space<hbm>>
      tpu.wait_indirect_dma semaphore(%arg20 : memref<!tpu.dma_semaphore, #tpu.memory_space<semaphore_mem>>) src(%dma_wait3A_419 : memref<10000x128xf32, #tpu.memory_space<hbm>>) dst(%dma_wait3A_413 : memref<40x128xf32, #tpu.memory_space<vmem>>)
      %dma_start3A_420 = arith.constant 1 : i32
      %dma_start3A_421 = arith.constant 1 : i32
      %dma_start3A_422 = arith.constant 1 : i32
      %dma_start3A_423 = arith.constant 0 : i32
      %dma_start3A_424 = arith.constant 0 : i32
      %dma_start3A_425 = tpu.memref_slice %arg8[%dma_start3A_420, %dma_start3A_423, %dma_start3A_424] : memref<5x40x128xf32, #tpu.memory_space<vmem>> -> memref<1x40x128xf32, #tpu.memory_space<vmem>>
      %dma_start3A_426 = tpu.memref_squeeze %dma_start3A_425 : memref<1x40x128xf32, #tpu.memory_space<vmem>> -> memref<40x128xf32, #tpu.memory_space<vmem>>
      %dma_start3A_427 = arith.constant 0 : i32
      %dma_start3A_428 = tpu.memref_slice %arg7[%dma_start3A_421, %dma_start3A_422, %dma_start3A_427] : memref<10x2x40xi32, #tpu.memory_space<vmem>> -> memref<1x1x40xi32, #tpu.memory_space<vmem>>
      %dma_start3A_429 = tpu.memref_squeeze %dma_start3A_428 : memref<1x1x40xi32, #tpu.memory_space<vmem>> -> memref<40xi32, #tpu.memory_space<vmem>>
      %dma_start3A_430 = arith.constant 0 : i32
      %dma_start3A_431 = arith.constant 0 : i32
      %dma_start3A_432 = tpu.memref_slice %arg29[%dma_start3A_430, %dma_start3A_431] : memref<10240x128xf32, #tpu.memory_space<vmem_shared>> -> memref<10240x128xf32, #tpu.memory_space<vmem_shared>>
      tpu.enqueue_indirect_dma source(%dma_start3A_426 : memref<40x128xf32, #tpu.memory_space<vmem>>) target(%dma_start3A_432 : memref<10240x128xf32, #tpu.memory_space<vmem_shared>>) offsets(%dma_start3A_429 : memref<40xi32, #tpu.memory_space<vmem>>) semaphore(%arg25 : memref<!tpu.dma_semaphore, #tpu.memory_space<semaphore_mem>>) {add = true}
      %add3A_433 = arith.constant 5 : i32
      %add3A_434 = arith.addi %add3A_406, %add3A_433 : i32
      %lt3A_435 = arith.constant 250 : i32
      %lt3A_436 = arith.cmpi slt, %add3A_434, %lt3A_435 : i32
      %convert_element_type3A_437 = arith.extui %lt3A_436 : i1 to i32
      %cond3A_438 = arith.constant 0 : i32
      %cond3A_439 = arith.cmpi ne, %convert_element_type3A_437, %cond3A_438 : i32
      scf.if %cond3A_439 {
        %mul3A_789 = arith.constant 10000 : i32
        %mul3A_790 = arith.muli %add3A, %mul3A_789 : i32
        %mul3A_791 = arith.constant 40 : i32
        %mul3A_792 = arith.muli %add3A_434, %mul3A_791 : i32
        %add3A_793 = arith.addi %mul3A_790, %mul3A_792 : i32
        %dma_start3A_794 = arith.constant 6 : i32
        %dma_start3A_795 = arith.constant 0 : i32
        %dma_start3A_796 = arith.constant 0 : i32
        %dma_start3A_797 = tpu.memref_slice %arg7[%dma_start3A_794, %dma_start3A_795, %dma_start3A_796] : memref<10x2x40xi32, #tpu.memory_space<vmem>> -> memref<1x1x40xi32, #tpu.memory_space<vmem>>
        %dma_start3A_798 = tpu.memref_squeeze %dma_start3A_797 : memref<1x1x40xi32, #tpu.memory_space<vmem>> -> memref<40xi32, #tpu.memory_space<vmem>>
        %dma_start3A_799 = tpu.memref_slice %arg3[%add3A_793] : memref<320000xi32, #tpu.memory_space<hbm>> -> memref<40xi32, #tpu.memory_space<hbm>>
        %dma_start3A_800 = arith.constant 0 : i32
        %dma_start3A_801 = tpu.memref_slice %arg7[%dma_start3A_794, %dma_start3A_795, %dma_start3A_800] : memref<10x2x40xi32, #tpu.memory_space<vmem>> -> memref<1x1x40xi32, #tpu.memory_space<vmem>>
        %dma_start3A_802 = tpu.memref_squeeze %dma_start3A_801 : memref<1x1x40xi32, #tpu.memory_space<vmem>> -> memref<40xi32, #tpu.memory_space<vmem>>
        %dma_start3A_803 = tpu.memref_slice %arg3[%add3A_793] : memref<320000xi32, #tpu.memory_space<hbm>> -> memref<40xi32, #tpu.memory_space<hbm>>
        tpu.enqueue_dma source(%dma_start3A_803 : memref<40xi32, #tpu.memory_space<hbm>>) target(%dma_start3A_802 : memref<40xi32, #tpu.memory_space<vmem>>) target_semaphore(%arg15 : memref<!tpu.dma_semaphore, #tpu.memory_space<semaphore_mem>>)
        %dma_start3A_804 = arith.constant 6 : i32
        %dma_start3A_805 = arith.constant 1 : i32
        %dma_start3A_806 = arith.constant 0 : i32
        %dma_start3A_807 = tpu.memref_slice %arg7[%dma_start3A_804, %dma_start3A_805, %dma_start3A_806] : memref<10x2x40xi32, #tpu.memory_space<vmem>> -> memref<1x1x40xi32, #tpu.memory_space<vmem>>
        %dma_start3A_808 = tpu.memref_squeeze %dma_start3A_807 : memref<1x1x40xi32, #tpu.memory_space<vmem>> -> memref<40xi32, #tpu.memory_space<vmem>>
        %dma_start3A_809 = tpu.memref_slice %arg4[%add3A_793] : memref<320000xi32, #tpu.memory_space<hbm>> -> memref<40xi32, #tpu.memory_space<hbm>>
        %dma_start3A_810 = arith.constant 0 : i32
        %dma_start3A_811 = tpu.memref_slice %arg7[%dma_start3A_804, %dma_start3A_805, %dma_start3A_810] : memref<10x2x40xi32, #tpu.memory_space<vmem>> -> memref<1x1x40xi32, #tpu.memory_space<vmem>>
        %dma_start3A_812 = tpu.memref_squeeze %dma_start3A_811 : memref<1x1x40xi32, #tpu.memory_space<vmem>> -> memref<40xi32, #tpu.memory_space<vmem>>
        %dma_start3A_813 = tpu.memref_slice %arg4[%add3A_793] : memref<320000xi32, #tpu.memory_space<hbm>> -> memref<40xi32, #tpu.memory_space<hbm>>
        tpu.enqueue_dma source(%dma_start3A_813 : memref<40xi32, #tpu.memory_space<hbm>>) target(%dma_start3A_812 : memref<40xi32, #tpu.memory_space<vmem>>) target_semaphore(%arg15 : memref<!tpu.dma_semaphore, #tpu.memory_space<semaphore_mem>>)
      } else {
      }
      %add3A_440 = arith.constant 4 : i32
      %add3A_441 = arith.addi %add3A_406, %add3A_440 : i32
      %lt3A_442 = arith.constant 250 : i32
      %lt3A_443 = arith.cmpi slt, %add3A_441, %lt3A_442 : i32
      %convert_element_type3A_444 = arith.extui %lt3A_443 : i1 to i32
      %cond3A_445 = arith.constant 0 : i32
      %cond3A_446 = arith.cmpi ne, %convert_element_type3A_444, %cond3A_445 : i32
      scf.if %cond3A_446 {
        %ge3A = arith.constant 1 : i32
        %ge3A_789 = arith.cmpi sge, %add3A_406, %ge3A : i32
        %convert_element_type3A_790 = arith.extui %ge3A_789 : i1 to i32
        %cond3A_791 = arith.constant 0 : i32
        %cond3A_792 = arith.cmpi ne, %convert_element_type3A_790, %cond3A_791 : i32
        scf.if %cond3A_792 {
          %dma_wait3A_830 = arith.constant 0 : i32
          %dma_wait3A_831 = arith.constant 0 : i32
          %dma_wait3A_832 = arith.constant 0 : i32
          %dma_wait3A_833 = tpu.memref_slice %arg8[%dma_wait3A_830, %dma_wait3A_831, %dma_wait3A_832] : memref<5x40x128xf32, #tpu.memory_space<vmem>> -> memref<1x40x128xf32, #tpu.memory_space<vmem>>
          %dma_wait3A_834 = tpu.memref_squeeze %dma_wait3A_833 : memref<1x40x128xf32, #tpu.memory_space<vmem>> -> memref<40x128xf32, #tpu.memory_space<vmem>>
          %dma_wait3A_835 = arith.constant 0 : i32
          %dma_wait3A_836 = arith.constant 0 : i32
          %dma_wait3A_837 = tpu.memref_slice %arg29[%dma_wait3A_835, %dma_wait3A_836] : memref<10240x128xf32, #tpu.memory_space<vmem_shared>> -> memref<40x128xf32, #tpu.memory_space<vmem_shared>>
          %dma_wait3A_838 = arith.constant 0 : i32
          %dma_wait3A_839 = arith.constant 0 : i32
          %dma_wait3A_840 = tpu.memref_slice %arg29[%dma_wait3A_838, %dma_wait3A_839] : memref<10240x128xf32, #tpu.memory_space<vmem_shared>> -> memref<40x128xf32, #tpu.memory_space<vmem_shared>>
          %dma_wait3A_841 = arith.constant 0 : i32
          %dma_wait3A_842 = arith.constant 0 : i32
          %dma_wait3A_843 = tpu.memref_slice %arg8[%dma_wait3A_830, %dma_wait3A_841, %dma_wait3A_842] : memref<5x40x128xf32, #tpu.memory_space<vmem>> -> memref<1x40x128xf32, #tpu.memory_space<vmem>>
          %dma_wait3A_844 = tpu.memref_squeeze %dma_wait3A_843 : memref<1x40x128xf32, #tpu.memory_space<vmem>> -> memref<40x128xf32, #tpu.memory_space<vmem>>
          tpu.wait_dma2 semaphore(%arg24 : memref<!tpu.dma_semaphore, #tpu.memory_space<semaphore_mem>>) src(%dma_wait3A_844 : memref<40x128xf32, #tpu.memory_space<vmem>>) dst(%dma_wait3A_840 : memref<40x128xf32, #tpu.memory_space<vmem_shared>>)
        } else {
        }
        %dma_wait3A_793 = arith.constant 5 : i32
        %dma_wait3A_794 = arith.constant 0 : i32
        %dma_wait3A_795 = arith.constant 0 : i32
        %dma_wait3A_796 = tpu.memref_slice %arg7[%dma_wait3A_793, %dma_wait3A_794, %dma_wait3A_795] : memref<10x2x40xi32, #tpu.memory_space<vmem>> -> memref<1x1x40xi32, #tpu.memory_space<vmem>>
        %dma_wait3A_797 = tpu.memref_squeeze %dma_wait3A_796 : memref<1x1x40xi32, #tpu.memory_space<vmem>> -> memref<40xi32, #tpu.memory_space<vmem>>
        %dma_wait3A_798 = arith.constant 0 : i32
        %dma_wait3A_799 = tpu.memref_slice %arg3[%dma_wait3A_798] : memref<320000xi32, #tpu.memory_space<hbm>> -> memref<40xi32, #tpu.memory_space<hbm>>
        %dma_wait3A_800 = arith.constant 0 : i32
        %dma_wait3A_801 = tpu.memref_slice %arg7[%dma_wait3A_793, %dma_wait3A_794, %dma_wait3A_800] : memref<10x2x40xi32, #tpu.memory_space<vmem>> -> memref<1x1x40xi32, #tpu.memory_space<vmem>>
        %dma_wait3A_802 = tpu.memref_squeeze %dma_wait3A_801 : memref<1x1x40xi32, #tpu.memory_space<vmem>> -> memref<40xi32, #tpu.memory_space<vmem>>
        %dma_wait3A_803 = arith.constant 0 : i32
        %dma_wait3A_804 = tpu.memref_slice %arg3[%dma_wait3A_803] : memref<320000xi32, #tpu.memory_space<hbm>> -> memref<40xi32, #tpu.memory_space<hbm>>
        tpu.wait_dma2 semaphore(%arg14 : memref<!tpu.dma_semaphore, #tpu.memory_space<semaphore_mem>>) src(%dma_wait3A_804 : memref<40xi32, #tpu.memory_space<hbm>>) dst(%dma_wait3A_802 : memref<40xi32, #tpu.memory_space<vmem>>)
        %dma_wait3A_805 = arith.constant 5 : i32
        %dma_wait3A_806 = arith.constant 1 : i32
        %dma_wait3A_807 = arith.constant 0 : i32
        %dma_wait3A_808 = tpu.memref_slice %arg7[%dma_wait3A_805, %dma_wait3A_806, %dma_wait3A_807] : memref<10x2x40xi32, #tpu.memory_space<vmem>> -> memref<1x1x40xi32, #tpu.memory_space<vmem>>
        %dma_wait3A_809 = tpu.memref_squeeze %dma_wait3A_808 : memref<1x1x40xi32, #tpu.memory_space<vmem>> -> memref<40xi32, #tpu.memory_space<vmem>>
        %dma_wait3A_810 = arith.constant 0 : i32
        %dma_wait3A_811 = tpu.memref_slice %arg4[%dma_wait3A_810] : memref<320000xi32, #tpu.memory_space<hbm>> -> memref<40xi32, #tpu.memory_space<hbm>>
        %dma_wait3A_812 = arith.constant 0 : i32
        %dma_wait3A_813 = tpu.memref_slice %arg7[%dma_wait3A_805, %dma_wait3A_806, %dma_wait3A_812] : memref<10x2x40xi32, #tpu.memory_space<vmem>> -> memref<1x1x40xi32, #tpu.memory_space<vmem>>
        %dma_wait3A_814 = tpu.memref_squeeze %dma_wait3A_813 : memref<1x1x40xi32, #tpu.memory_space<vmem>> -> memref<40xi32, #tpu.memory_space<vmem>>
        %dma_wait3A_815 = arith.constant 0 : i32
        %dma_wait3A_816 = tpu.memref_slice %arg4[%dma_wait3A_815] : memref<320000xi32, #tpu.memory_space<hbm>> -> memref<40xi32, #tpu.memory_space<hbm>>
        tpu.wait_dma2 semaphore(%arg14 : memref<!tpu.dma_semaphore, #tpu.memory_space<semaphore_mem>>) src(%dma_wait3A_816 : memref<40xi32, #tpu.memory_space<hbm>>) dst(%dma_wait3A_814 : memref<40xi32, #tpu.memory_space<vmem>>)
        %dma_start3A_817 = arith.constant 5 : i32
        %dma_start3A_818 = arith.constant 0 : i32
        %dma_start3A_819 = arith.constant 0 : i32
        %dma_start3A_820 = arith.constant 0 : i32
        %dma_start3A_821 = arith.constant 0 : i32
        %dma_start3A_822 = tpu.memref_slice %arg8[%dma_start3A_819, %dma_start3A_820, %dma_start3A_821] : memref<5x40x128xf32, #tpu.memory_space<vmem>> -> memref<1x40x128xf32, #tpu.memory_space<vmem>>
        %dma_start3A_823 = tpu.memref_squeeze %dma_start3A_822 : memref<1x40x128xf32, #tpu.memory_space<vmem>> -> memref<40x128xf32, #tpu.memory_space<vmem>>
        %dma_start3A_824 = arith.constant 0 : i32
        %dma_start3A_825 = tpu.memref_slice %arg7[%dma_start3A_817, %dma_start3A_818, %dma_start3A_824] : memref<10x2x40xi32, #tpu.memory_space<vmem>> -> memref<1x1x40xi32, #tpu.memory_space<vmem>>
        %dma_start3A_826 = tpu.memref_squeeze %dma_start3A_825 : memref<1x1x40xi32, #tpu.memory_space<vmem>> -> memref<40xi32, #tpu.memory_space<vmem>>
        %dma_start3A_827 = arith.constant 0 : i32
        %dma_start3A_828 = arith.constant 0 : i32
        %dma_start3A_829 = tpu.memref_slice %arg2[%dma_start3A_827, %dma_start3A_828] : memref<10000x128xf32, #tpu.memory_space<hbm>> -> memref<10000x128xf32, #tpu.memory_space<hbm>>
        tpu.enqueue_indirect_dma source(%dma_start3A_829 : memref<10000x128xf32, #tpu.memory_space<hbm>>) target(%dma_start3A_823 : memref<40x128xf32, #tpu.memory_space<vmem>>) offsets(%dma_start3A_826 : memref<40xi32, #tpu.memory_space<vmem>>) semaphore(%arg19 : memref<!tpu.dma_semaphore, #tpu.memory_space<semaphore_mem>>)
      } else {
      }
      %add3A_447 = arith.constant 2 : i32
      %add3A_448 = arith.addi %mul3A_362, %add3A_447 : i32
      %dma_wait3A_449 = arith.constant 2 : i32
      %dma_wait3A_450 = arith.constant 0 : i32
      %dma_wait3A_451 = arith.constant 2 : i32
      %dma_wait3A_452 = arith.constant 0 : i32
      %dma_wait3A_453 = arith.constant 0 : i32
      %dma_wait3A_454 = tpu.memref_slice %arg8[%dma_wait3A_451, %dma_wait3A_452, %dma_wait3A_453] : memref<5x40x128xf32, #tpu.memory_space<vmem>> -> memref<1x40x128xf32, #tpu.memory_space<vmem>>
      %dma_wait3A_455 = tpu.memref_squeeze %dma_wait3A_454 : memref<1x40x128xf32, #tpu.memory_space<vmem>> -> memref<40x128xf32, #tpu.memory_space<vmem>>
      %dma_wait3A_456 = arith.constant 0 : i32
      %dma_wait3A_457 = tpu.memref_slice %arg7[%dma_wait3A_449, %dma_wait3A_450, %dma_wait3A_456] : memref<10x2x40xi32, #tpu.memory_space<vmem>> -> memref<1x1x40xi32, #tpu.memory_space<vmem>>
      %dma_wait3A_458 = tpu.memref_squeeze %dma_wait3A_457 : memref<1x1x40xi32, #tpu.memory_space<vmem>> -> memref<40xi32, #tpu.memory_space<vmem>>
      %dma_wait3A_459 = arith.constant 0 : i32
      %dma_wait3A_460 = arith.constant 0 : i32
      %dma_wait3A_461 = tpu.memref_slice %arg2[%dma_wait3A_459, %dma_wait3A_460] : memref<10000x128xf32, #tpu.memory_space<hbm>> -> memref<10000x128xf32, #tpu.memory_space<hbm>>
      tpu.wait_indirect_dma semaphore(%arg21 : memref<!tpu.dma_semaphore, #tpu.memory_space<semaphore_mem>>) src(%dma_wait3A_461 : memref<10000x128xf32, #tpu.memory_space<hbm>>) dst(%dma_wait3A_455 : memref<40x128xf32, #tpu.memory_space<vmem>>)
      %dma_start3A_462 = arith.constant 2 : i32
      %dma_start3A_463 = arith.constant 2 : i32
      %dma_start3A_464 = arith.constant 1 : i32
      %dma_start3A_465 = arith.constant 0 : i32
      %dma_start3A_466 = arith.constant 0 : i32
      %dma_start3A_467 = tpu.memref_slice %arg8[%dma_start3A_462, %dma_start3A_465, %dma_start3A_466] : memref<5x40x128xf32, #tpu.memory_space<vmem>> -> memref<1x40x128xf32, #tpu.memory_space<vmem>>
      %dma_start3A_468 = tpu.memref_squeeze %dma_start3A_467 : memref<1x40x128xf32, #tpu.memory_space<vmem>> -> memref<40x128xf32, #tpu.memory_space<vmem>>
      %dma_start3A_469 = arith.constant 0 : i32
      %dma_start3A_470 = tpu.memref_slice %arg7[%dma_start3A_463, %dma_start3A_464, %dma_start3A_469] : memref<10x2x40xi32, #tpu.memory_space<vmem>> -> memref<1x1x40xi32, #tpu.memory_space<vmem>>
      %dma_start3A_471 = tpu.memref_squeeze %dma_start3A_470 : memref<1x1x40xi32, #tpu.memory_space<vmem>> -> memref<40xi32, #tpu.memory_space<vmem>>
      %dma_start3A_472 = arith.constant 0 : i32
      %dma_start3A_473 = arith.constant 0 : i32
      %dma_start3A_474 = tpu.memref_slice %arg29[%dma_start3A_472, %dma_start3A_473] : memref<10240x128xf32, #tpu.memory_space<vmem_shared>> -> memref<10240x128xf32, #tpu.memory_space<vmem_shared>>
      tpu.enqueue_indirect_dma source(%dma_start3A_468 : memref<40x128xf32, #tpu.memory_space<vmem>>) target(%dma_start3A_474 : memref<10240x128xf32, #tpu.memory_space<vmem_shared>>) offsets(%dma_start3A_471 : memref<40xi32, #tpu.memory_space<vmem>>) semaphore(%arg26 : memref<!tpu.dma_semaphore, #tpu.memory_space<semaphore_mem>>) {add = true}
      %add3A_475 = arith.constant 5 : i32
      %add3A_476 = arith.addi %add3A_448, %add3A_475 : i32
      %lt3A_477 = arith.constant 250 : i32
      %lt3A_478 = arith.cmpi slt, %add3A_476, %lt3A_477 : i32
      %convert_element_type3A_479 = arith.extui %lt3A_478 : i1 to i32
      %cond3A_480 = arith.constant 0 : i32
      %cond3A_481 = arith.cmpi ne, %convert_element_type3A_479, %cond3A_480 : i32
      scf.if %cond3A_481 {
        %mul3A_789 = arith.constant 10000 : i32
        %mul3A_790 = arith.muli %add3A, %mul3A_789 : i32
        %mul3A_791 = arith.constant 40 : i32
        %mul3A_792 = arith.muli %add3A_476, %mul3A_791 : i32
        %add3A_793 = arith.addi %mul3A_790, %mul3A_792 : i32
        %dma_start3A_794 = arith.constant 7 : i32
        %dma_start3A_795 = arith.constant 0 : i32
        %dma_start3A_796 = arith.constant 0 : i32
        %dma_start3A_797 = tpu.memref_slice %arg7[%dma_start3A_794, %dma_start3A_795, %dma_start3A_796] : memref<10x2x40xi32, #tpu.memory_space<vmem>> -> memref<1x1x40xi32, #tpu.memory_space<vmem>>
        %dma_start3A_798 = tpu.memref_squeeze %dma_start3A_797 : memref<1x1x40xi32, #tpu.memory_space<vmem>> -> memref<40xi32, #tpu.memory_space<vmem>>
        %dma_start3A_799 = tpu.memref_slice %arg3[%add3A_793] : memref<320000xi32, #tpu.memory_space<hbm>> -> memref<40xi32, #tpu.memory_space<hbm>>
        %dma_start3A_800 = arith.constant 0 : i32
        %dma_start3A_801 = tpu.memref_slice %arg7[%dma_start3A_794, %dma_start3A_795, %dma_start3A_800] : memref<10x2x40xi32, #tpu.memory_space<vmem>> -> memref<1x1x40xi32, #tpu.memory_space<vmem>>
        %dma_start3A_802 = tpu.memref_squeeze %dma_start3A_801 : memref<1x1x40xi32, #tpu.memory_space<vmem>> -> memref<40xi32, #tpu.memory_space<vmem>>
        %dma_start3A_803 = tpu.memref_slice %arg3[%add3A_793] : memref<320000xi32, #tpu.memory_space<hbm>> -> memref<40xi32, #tpu.memory_space<hbm>>
        tpu.enqueue_dma source(%dma_start3A_803 : memref<40xi32, #tpu.memory_space<hbm>>) target(%dma_start3A_802 : memref<40xi32, #tpu.memory_space<vmem>>) target_semaphore(%arg16 : memref<!tpu.dma_semaphore, #tpu.memory_space<semaphore_mem>>)
        %dma_start3A_804 = arith.constant 7 : i32
        %dma_start3A_805 = arith.constant 1 : i32
        %dma_start3A_806 = arith.constant 0 : i32
        %dma_start3A_807 = tpu.memref_slice %arg7[%dma_start3A_804, %dma_start3A_805, %dma_start3A_806] : memref<10x2x40xi32, #tpu.memory_space<vmem>> -> memref<1x1x40xi32, #tpu.memory_space<vmem>>
        %dma_start3A_808 = tpu.memref_squeeze %dma_start3A_807 : memref<1x1x40xi32, #tpu.memory_space<vmem>> -> memref<40xi32, #tpu.memory_space<vmem>>
        %dma_start3A_809 = tpu.memref_slice %arg4[%add3A_793] : memref<320000xi32, #tpu.memory_space<hbm>> -> memref<40xi32, #tpu.memory_space<hbm>>
        %dma_start3A_810 = arith.constant 0 : i32
        %dma_start3A_811 = tpu.memref_slice %arg7[%dma_start3A_804, %dma_start3A_805, %dma_start3A_810] : memref<10x2x40xi32, #tpu.memory_space<vmem>> -> memref<1x1x40xi32, #tpu.memory_space<vmem>>
        %dma_start3A_812 = tpu.memref_squeeze %dma_start3A_811 : memref<1x1x40xi32, #tpu.memory_space<vmem>> -> memref<40xi32, #tpu.memory_space<vmem>>
        %dma_start3A_813 = tpu.memref_slice %arg4[%add3A_793] : memref<320000xi32, #tpu.memory_space<hbm>> -> memref<40xi32, #tpu.memory_space<hbm>>
        tpu.enqueue_dma source(%dma_start3A_813 : memref<40xi32, #tpu.memory_space<hbm>>) target(%dma_start3A_812 : memref<40xi32, #tpu.memory_space<vmem>>) target_semaphore(%arg16 : memref<!tpu.dma_semaphore, #tpu.memory_space<semaphore_mem>>)
      } else {
      }
      %add3A_482 = arith.constant 4 : i32
      %add3A_483 = arith.addi %add3A_448, %add3A_482 : i32
      %lt3A_484 = arith.constant 250 : i32
      %lt3A_485 = arith.cmpi slt, %add3A_483, %lt3A_484 : i32
      %convert_element_type3A_486 = arith.extui %lt3A_485 : i1 to i32
      %cond3A_487 = arith.constant 0 : i32
      %cond3A_488 = arith.cmpi ne, %convert_element_type3A_486, %cond3A_487 : i32
      scf.if %cond3A_488 {
        %ge3A = arith.constant 1 : i32
        %ge3A_789 = arith.cmpi sge, %add3A_448, %ge3A : i32
        %convert_element_type3A_790 = arith.extui %ge3A_789 : i1 to i32
        %cond3A_791 = arith.constant 0 : i32
        %cond3A_792 = arith.cmpi ne, %convert_element_type3A_790, %cond3A_791 : i32
        scf.if %cond3A_792 {
          %dma_wait3A_830 = arith.constant 1 : i32
          %dma_wait3A_831 = arith.constant 0 : i32
          %dma_wait3A_832 = arith.constant 0 : i32
          %dma_wait3A_833 = tpu.memref_slice %arg8[%dma_wait3A_830, %dma_wait3A_831, %dma_wait3A_832] : memref<5x40x128xf32, #tpu.memory_space<vmem>> -> memref<1x40x128xf32, #tpu.memory_space<vmem>>
          %dma_wait3A_834 = tpu.memref_squeeze %dma_wait3A_833 : memref<1x40x128xf32, #tpu.memory_space<vmem>> -> memref<40x128xf32, #tpu.memory_space<vmem>>
          %dma_wait3A_835 = arith.constant 0 : i32
          %dma_wait3A_836 = arith.constant 0 : i32
          %dma_wait3A_837 = tpu.memref_slice %arg29[%dma_wait3A_835, %dma_wait3A_836] : memref<10240x128xf32, #tpu.memory_space<vmem_shared>> -> memref<40x128xf32, #tpu.memory_space<vmem_shared>>
          %dma_wait3A_838 = arith.constant 0 : i32
          %dma_wait3A_839 = arith.constant 0 : i32
          %dma_wait3A_840 = tpu.memref_slice %arg29[%dma_wait3A_838, %dma_wait3A_839] : memref<10240x128xf32, #tpu.memory_space<vmem_shared>> -> memref<40x128xf32, #tpu.memory_space<vmem_shared>>
          %dma_wait3A_841 = arith.constant 0 : i32
          %dma_wait3A_842 = arith.constant 0 : i32
          %dma_wait3A_843 = tpu.memref_slice %arg8[%dma_wait3A_830, %dma_wait3A_841, %dma_wait3A_842] : memref<5x40x128xf32, #tpu.memory_space<vmem>> -> memref<1x40x128xf32, #tpu.memory_space<vmem>>
          %dma_wait3A_844 = tpu.memref_squeeze %dma_wait3A_843 : memref<1x40x128xf32, #tpu.memory_space<vmem>> -> memref<40x128xf32, #tpu.memory_space<vmem>>
          tpu.wait_dma2 semaphore(%arg25 : memref<!tpu.dma_semaphore, #tpu.memory_space<semaphore_mem>>) src(%dma_wait3A_844 : memref<40x128xf32, #tpu.memory_space<vmem>>) dst(%dma_wait3A_840 : memref<40x128xf32, #tpu.memory_space<vmem_shared>>)
        } else {
        }
        %dma_wait3A_793 = arith.constant 6 : i32
        %dma_wait3A_794 = arith.constant 0 : i32
        %dma_wait3A_795 = arith.constant 0 : i32
        %dma_wait3A_796 = tpu.memref_slice %arg7[%dma_wait3A_793, %dma_wait3A_794, %dma_wait3A_795] : memref<10x2x40xi32, #tpu.memory_space<vmem>> -> memref<1x1x40xi32, #tpu.memory_space<vmem>>
        %dma_wait3A_797 = tpu.memref_squeeze %dma_wait3A_796 : memref<1x1x40xi32, #tpu.memory_space<vmem>> -> memref<40xi32, #tpu.memory_space<vmem>>
        %dma_wait3A_798 = arith.constant 0 : i32
        %dma_wait3A_799 = tpu.memref_slice %arg3[%dma_wait3A_798] : memref<320000xi32, #tpu.memory_space<hbm>> -> memref<40xi32, #tpu.memory_space<hbm>>
        %dma_wait3A_800 = arith.constant 0 : i32
        %dma_wait3A_801 = tpu.memref_slice %arg7[%dma_wait3A_793, %dma_wait3A_794, %dma_wait3A_800] : memref<10x2x40xi32, #tpu.memory_space<vmem>> -> memref<1x1x40xi32, #tpu.memory_space<vmem>>
        %dma_wait3A_802 = tpu.memref_squeeze %dma_wait3A_801 : memref<1x1x40xi32, #tpu.memory_space<vmem>> -> memref<40xi32, #tpu.memory_space<vmem>>
        %dma_wait3A_803 = arith.constant 0 : i32
        %dma_wait3A_804 = tpu.memref_slice %arg3[%dma_wait3A_803] : memref<320000xi32, #tpu.memory_space<hbm>> -> memref<40xi32, #tpu.memory_space<hbm>>
        tpu.wait_dma2 semaphore(%arg15 : memref<!tpu.dma_semaphore, #tpu.memory_space<semaphore_mem>>) src(%dma_wait3A_804 : memref<40xi32, #tpu.memory_space<hbm>>) dst(%dma_wait3A_802 : memref<40xi32, #tpu.memory_space<vmem>>)
        %dma_wait3A_805 = arith.constant 6 : i32
        %dma_wait3A_806 = arith.constant 1 : i32
        %dma_wait3A_807 = arith.constant 0 : i32
        %dma_wait3A_808 = tpu.memref_slice %arg7[%dma_wait3A_805, %dma_wait3A_806, %dma_wait3A_807] : memref<10x2x40xi32, #tpu.memory_space<vmem>> -> memref<1x1x40xi32, #tpu.memory_space<vmem>>
        %dma_wait3A_809 = tpu.memref_squeeze %dma_wait3A_808 : memref<1x1x40xi32, #tpu.memory_space<vmem>> -> memref<40xi32, #tpu.memory_space<vmem>>
        %dma_wait3A_810 = arith.constant 0 : i32
        %dma_wait3A_811 = tpu.memref_slice %arg4[%dma_wait3A_810] : memref<320000xi32, #tpu.memory_space<hbm>> -> memref<40xi32, #tpu.memory_space<hbm>>
        %dma_wait3A_812 = arith.constant 0 : i32
        %dma_wait3A_813 = tpu.memref_slice %arg7[%dma_wait3A_805, %dma_wait3A_806, %dma_wait3A_812] : memref<10x2x40xi32, #tpu.memory_space<vmem>> -> memref<1x1x40xi32, #tpu.memory_space<vmem>>
        %dma_wait3A_814 = tpu.memref_squeeze %dma_wait3A_813 : memref<1x1x40xi32, #tpu.memory_space<vmem>> -> memref<40xi32, #tpu.memory_space<vmem>>
        %dma_wait3A_815 = arith.constant 0 : i32
        %dma_wait3A_816 = tpu.memref_slice %arg4[%dma_wait3A_815] : memref<320000xi32, #tpu.memory_space<hbm>> -> memref<40xi32, #tpu.memory_space<hbm>>
        tpu.wait_dma2 semaphore(%arg15 : memref<!tpu.dma_semaphore, #tpu.memory_space<semaphore_mem>>) src(%dma_wait3A_816 : memref<40xi32, #tpu.memory_space<hbm>>) dst(%dma_wait3A_814 : memref<40xi32, #tpu.memory_space<vmem>>)
        %dma_start3A_817 = arith.constant 6 : i32
        %dma_start3A_818 = arith.constant 0 : i32
        %dma_start3A_819 = arith.constant 1 : i32
        %dma_start3A_820 = arith.constant 0 : i32
        %dma_start3A_821 = arith.constant 0 : i32
        %dma_start3A_822 = tpu.memref_slice %arg8[%dma_start3A_819, %dma_start3A_820, %dma_start3A_821] : memref<5x40x128xf32, #tpu.memory_space<vmem>> -> memref<1x40x128xf32, #tpu.memory_space<vmem>>
        %dma_start3A_823 = tpu.memref_squeeze %dma_start3A_822 : memref<1x40x128xf32, #tpu.memory_space<vmem>> -> memref<40x128xf32, #tpu.memory_space<vmem>>
        %dma_start3A_824 = arith.constant 0 : i32
        %dma_start3A_825 = tpu.memref_slice %arg7[%dma_start3A_817, %dma_start3A_818, %dma_start3A_824] : memref<10x2x40xi32, #tpu.memory_space<vmem>> -> memref<1x1x40xi32, #tpu.memory_space<vmem>>
        %dma_start3A_826 = tpu.memref_squeeze %dma_start3A_825 : memref<1x1x40xi32, #tpu.memory_space<vmem>> -> memref<40xi32, #tpu.memory_space<vmem>>
        %dma_start3A_827 = arith.constant 0 : i32
        %dma_start3A_828 = arith.constant 0 : i32
        %dma_start3A_829 = tpu.memref_slice %arg2[%dma_start3A_827, %dma_start3A_828] : memref<10000x128xf32, #tpu.memory_space<hbm>> -> memref<10000x128xf32, #tpu.memory_space<hbm>>
        tpu.enqueue_indirect_dma source(%dma_start3A_829 : memref<10000x128xf32, #tpu.memory_space<hbm>>) target(%dma_start3A_823 : memref<40x128xf32, #tpu.memory_space<vmem>>) offsets(%dma_start3A_826 : memref<40xi32, #tpu.memory_space<vmem>>) semaphore(%arg20 : memref<!tpu.dma_semaphore, #tpu.memory_space<semaphore_mem>>)
      } else {
      }
      %add3A_489 = arith.constant 3 : i32
      %add3A_490 = arith.addi %mul3A_362, %add3A_489 : i32
      %dma_wait3A_491 = arith.constant 3 : i32
      %dma_wait3A_492 = arith.constant 0 : i32
      %dma_wait3A_493 = arith.constant 3 : i32
      %dma_wait3A_494 = arith.constant 0 : i32
      %dma_wait3A_495 = arith.constant 0 : i32
      %dma_wait3A_496 = tpu.memref_slice %arg8[%dma_wait3A_493, %dma_wait3A_494, %dma_wait3A_495] : memref<5x40x128xf32, #tpu.memory_space<vmem>> -> memref<1x40x128xf32, #tpu.memory_space<vmem>>
      %dma_wait3A_497 = tpu.memref_squeeze %dma_wait3A_496 : memref<1x40x128xf32, #tpu.memory_space<vmem>> -> memref<40x128xf32, #tpu.memory_space<vmem>>
      %dma_wait3A_498 = arith.constant 0 : i32
      %dma_wait3A_499 = tpu.memref_slice %arg7[%dma_wait3A_491, %dma_wait3A_492, %dma_wait3A_498] : memref<10x2x40xi32, #tpu.memory_space<vmem>> -> memref<1x1x40xi32, #tpu.memory_space<vmem>>
      %dma_wait3A_500 = tpu.memref_squeeze %dma_wait3A_499 : memref<1x1x40xi32, #tpu.memory_space<vmem>> -> memref<40xi32, #tpu.memory_space<vmem>>
      %dma_wait3A_501 = arith.constant 0 : i32
      %dma_wait3A_502 = arith.constant 0 : i32
      %dma_wait3A_503 = tpu.memref_slice %arg2[%dma_wait3A_501, %dma_wait3A_502] : memref<10000x128xf32, #tpu.memory_space<hbm>> -> memref<10000x128xf32, #tpu.memory_space<hbm>>
      tpu.wait_indirect_dma semaphore(%arg22 : memref<!tpu.dma_semaphore, #tpu.memory_space<semaphore_mem>>) src(%dma_wait3A_503 : memref<10000x128xf32, #tpu.memory_space<hbm>>) dst(%dma_wait3A_497 : memref<40x128xf32, #tpu.memory_space<vmem>>)
      %dma_start3A_504 = arith.constant 3 : i32
      %dma_start3A_505 = arith.constant 3 : i32
      %dma_start3A_506 = arith.constant 1 : i32
      %dma_start3A_507 = arith.constant 0 : i32
      %dma_start3A_508 = arith.constant 0 : i32
      %dma_start3A_509 = tpu.memref_slice %arg8[%dma_start3A_504, %dma_start3A_507, %dma_start3A_508] : memref<5x40x128xf32, #tpu.memory_space<vmem>> -> memref<1x40x128xf32, #tpu.memory_space<vmem>>
      %dma_start3A_510 = tpu.memref_squeeze %dma_start3A_509 : memref<1x40x128xf32, #tpu.memory_space<vmem>> -> memref<40x128xf32, #tpu.memory_space<vmem>>
      %dma_start3A_511 = arith.constant 0 : i32
      %dma_start3A_512 = tpu.memref_slice %arg7[%dma_start3A_505, %dma_start3A_506, %dma_start3A_511] : memref<10x2x40xi32, #tpu.memory_space<vmem>> -> memref<1x1x40xi32, #tpu.memory_space<vmem>>
      %dma_start3A_513 = tpu.memref_squeeze %dma_start3A_512 : memref<1x1x40xi32, #tpu.memory_space<vmem>> -> memref<40xi32, #tpu.memory_space<vmem>>
      %dma_start3A_514 = arith.constant 0 : i32
      %dma_start3A_515 = arith.constant 0 : i32
      %dma_start3A_516 = tpu.memref_slice %arg29[%dma_start3A_514, %dma_start3A_515] : memref<10240x128xf32, #tpu.memory_space<vmem_shared>> -> memref<10240x128xf32, #tpu.memory_space<vmem_shared>>
      tpu.enqueue_indirect_dma source(%dma_start3A_510 : memref<40x128xf32, #tpu.memory_space<vmem>>) target(%dma_start3A_516 : memref<10240x128xf32, #tpu.memory_space<vmem_shared>>) offsets(%dma_start3A_513 : memref<40xi32, #tpu.memory_space<vmem>>) semaphore(%arg27 : memref<!tpu.dma_semaphore, #tpu.memory_space<semaphore_mem>>) {add = true}
      %add3A_517 = arith.constant 5 : i32
      %add3A_518 = arith.addi %add3A_490, %add3A_517 : i32
      %lt3A_519 = arith.constant 250 : i32
      %lt3A_520 = arith.cmpi slt, %add3A_518, %lt3A_519 : i32
      %convert_element_type3A_521 = arith.extui %lt3A_520 : i1 to i32
      %cond3A_522 = arith.constant 0 : i32
      %cond3A_523 = arith.cmpi ne, %convert_element_type3A_521, %cond3A_522 : i32
      scf.if %cond3A_523 {
        %mul3A_789 = arith.constant 10000 : i32
        %mul3A_790 = arith.muli %add3A, %mul3A_789 : i32
        %mul3A_791 = arith.constant 40 : i32
        %mul3A_792 = arith.muli %add3A_518, %mul3A_791 : i32
        %add3A_793 = arith.addi %mul3A_790, %mul3A_792 : i32
        %dma_start3A_794 = arith.constant 8 : i32
        %dma_start3A_795 = arith.constant 0 : i32
        %dma_start3A_796 = arith.constant 0 : i32
        %dma_start3A_797 = tpu.memref_slice %arg7[%dma_start3A_794, %dma_start3A_795, %dma_start3A_796] : memref<10x2x40xi32, #tpu.memory_space<vmem>> -> memref<1x1x40xi32, #tpu.memory_space<vmem>>
        %dma_start3A_798 = tpu.memref_squeeze %dma_start3A_797 : memref<1x1x40xi32, #tpu.memory_space<vmem>> -> memref<40xi32, #tpu.memory_space<vmem>>
        %dma_start3A_799 = tpu.memref_slice %arg3[%add3A_793] : memref<320000xi32, #tpu.memory_space<hbm>> -> memref<40xi32, #tpu.memory_space<hbm>>
        %dma_start3A_800 = arith.constant 0 : i32
        %dma_start3A_801 = tpu.memref_slice %arg7[%dma_start3A_794, %dma_start3A_795, %dma_start3A_800] : memref<10x2x40xi32, #tpu.memory_space<vmem>> -> memref<1x1x40xi32, #tpu.memory_space<vmem>>
        %dma_start3A_802 = tpu.memref_squeeze %dma_start3A_801 : memref<1x1x40xi32, #tpu.memory_space<vmem>> -> memref<40xi32, #tpu.memory_space<vmem>>
        %dma_start3A_803 = tpu.memref_slice %arg3[%add3A_793] : memref<320000xi32, #tpu.memory_space<hbm>> -> memref<40xi32, #tpu.memory_space<hbm>>
        tpu.enqueue_dma source(%dma_start3A_803 : memref<40xi32, #tpu.memory_space<hbm>>) target(%dma_start3A_802 : memref<40xi32, #tpu.memory_space<vmem>>) target_semaphore(%arg17 : memref<!tpu.dma_semaphore, #tpu.memory_space<semaphore_mem>>)
        %dma_start3A_804 = arith.constant 8 : i32
        %dma_start3A_805 = arith.constant 1 : i32
        %dma_start3A_806 = arith.constant 0 : i32
        %dma_start3A_807 = tpu.memref_slice %arg7[%dma_start3A_804, %dma_start3A_805, %dma_start3A_806] : memref<10x2x40xi32, #tpu.memory_space<vmem>> -> memref<1x1x40xi32, #tpu.memory_space<vmem>>
        %dma_start3A_808 = tpu.memref_squeeze %dma_start3A_807 : memref<1x1x40xi32, #tpu.memory_space<vmem>> -> memref<40xi32, #tpu.memory_space<vmem>>
        %dma_start3A_809 = tpu.memref_slice %arg4[%add3A_793] : memref<320000xi32, #tpu.memory_space<hbm>> -> memref<40xi32, #tpu.memory_space<hbm>>
        %dma_start3A_810 = arith.constant 0 : i32
        %dma_start3A_811 = tpu.memref_slice %arg7[%dma_start3A_804, %dma_start3A_805, %dma_start3A_810] : memref<10x2x40xi32, #tpu.memory_space<vmem>> -> memref<1x1x40xi32, #tpu.memory_space<vmem>>
        %dma_start3A_812 = tpu.memref_squeeze %dma_start3A_811 : memref<1x1x40xi32, #tpu.memory_space<vmem>> -> memref<40xi32, #tpu.memory_space<vmem>>
        %dma_start3A_813 = tpu.memref_slice %arg4[%add3A_793] : memref<320000xi32, #tpu.memory_space<hbm>> -> memref<40xi32, #tpu.memory_space<hbm>>
        tpu.enqueue_dma source(%dma_start3A_813 : memref<40xi32, #tpu.memory_space<hbm>>) target(%dma_start3A_812 : memref<40xi32, #tpu.memory_space<vmem>>) target_semaphore(%arg17 : memref<!tpu.dma_semaphore, #tpu.memory_space<semaphore_mem>>)
      } else {
      }
      %add3A_524 = arith.constant 4 : i32
      %add3A_525 = arith.addi %add3A_490, %add3A_524 : i32
      %lt3A_526 = arith.constant 250 : i32
      %lt3A_527 = arith.cmpi slt, %add3A_525, %lt3A_526 : i32
      %convert_element_type3A_528 = arith.extui %lt3A_527 : i1 to i32
      %cond3A_529 = arith.constant 0 : i32
      %cond3A_530 = arith.cmpi ne, %convert_element_type3A_528, %cond3A_529 : i32
      scf.if %cond3A_530 {
        %ge3A = arith.constant 1 : i32
        %ge3A_789 = arith.cmpi sge, %add3A_490, %ge3A : i32
        %convert_element_type3A_790 = arith.extui %ge3A_789 : i1 to i32
        %cond3A_791 = arith.constant 0 : i32
        %cond3A_792 = arith.cmpi ne, %convert_element_type3A_790, %cond3A_791 : i32
        scf.if %cond3A_792 {
          %dma_wait3A_830 = arith.constant 2 : i32
          %dma_wait3A_831 = arith.constant 0 : i32
          %dma_wait3A_832 = arith.constant 0 : i32
          %dma_wait3A_833 = tpu.memref_slice %arg8[%dma_wait3A_830, %dma_wait3A_831, %dma_wait3A_832] : memref<5x40x128xf32, #tpu.memory_space<vmem>> -> memref<1x40x128xf32, #tpu.memory_space<vmem>>
          %dma_wait3A_834 = tpu.memref_squeeze %dma_wait3A_833 : memref<1x40x128xf32, #tpu.memory_space<vmem>> -> memref<40x128xf32, #tpu.memory_space<vmem>>
          %dma_wait3A_835 = arith.constant 0 : i32
          %dma_wait3A_836 = arith.constant 0 : i32
          %dma_wait3A_837 = tpu.memref_slice %arg29[%dma_wait3A_835, %dma_wait3A_836] : memref<10240x128xf32, #tpu.memory_space<vmem_shared>> -> memref<40x128xf32, #tpu.memory_space<vmem_shared>>
          %dma_wait3A_838 = arith.constant 0 : i32
          %dma_wait3A_839 = arith.constant 0 : i32
          %dma_wait3A_840 = tpu.memref_slice %arg29[%dma_wait3A_838, %dma_wait3A_839] : memref<10240x128xf32, #tpu.memory_space<vmem_shared>> -> memref<40x128xf32, #tpu.memory_space<vmem_shared>>
          %dma_wait3A_841 = arith.constant 0 : i32
          %dma_wait3A_842 = arith.constant 0 : i32
          %dma_wait3A_843 = tpu.memref_slice %arg8[%dma_wait3A_830, %dma_wait3A_841, %dma_wait3A_842] : memref<5x40x128xf32, #tpu.memory_space<vmem>> -> memref<1x40x128xf32, #tpu.memory_space<vmem>>
          %dma_wait3A_844 = tpu.memref_squeeze %dma_wait3A_843 : memref<1x40x128xf32, #tpu.memory_space<vmem>> -> memref<40x128xf32, #tpu.memory_space<vmem>>
          tpu.wait_dma2 semaphore(%arg26 : memref<!tpu.dma_semaphore, #tpu.memory_space<semaphore_mem>>) src(%dma_wait3A_844 : memref<40x128xf32, #tpu.memory_space<vmem>>) dst(%dma_wait3A_840 : memref<40x128xf32, #tpu.memory_space<vmem_shared>>)
        } else {
        }
        %dma_wait3A_793 = arith.constant 7 : i32
        %dma_wait3A_794 = arith.constant 0 : i32
        %dma_wait3A_795 = arith.constant 0 : i32
        %dma_wait3A_796 = tpu.memref_slice %arg7[%dma_wait3A_793, %dma_wait3A_794, %dma_wait3A_795] : memref<10x2x40xi32, #tpu.memory_space<vmem>> -> memref<1x1x40xi32, #tpu.memory_space<vmem>>
        %dma_wait3A_797 = tpu.memref_squeeze %dma_wait3A_796 : memref<1x1x40xi32, #tpu.memory_space<vmem>> -> memref<40xi32, #tpu.memory_space<vmem>>
        %dma_wait3A_798 = arith.constant 0 : i32
        %dma_wait3A_799 = tpu.memref_slice %arg3[%dma_wait3A_798] : memref<320000xi32, #tpu.memory_space<hbm>> -> memref<40xi32, #tpu.memory_space<hbm>>
        %dma_wait3A_800 = arith.constant 0 : i32
        %dma_wait3A_801 = tpu.memref_slice %arg7[%dma_wait3A_793, %dma_wait3A_794, %dma_wait3A_800] : memref<10x2x40xi32, #tpu.memory_space<vmem>> -> memref<1x1x40xi32, #tpu.memory_space<vmem>>
        %dma_wait3A_802 = tpu.memref_squeeze %dma_wait3A_801 : memref<1x1x40xi32, #tpu.memory_space<vmem>> -> memref<40xi32, #tpu.memory_space<vmem>>
        %dma_wait3A_803 = arith.constant 0 : i32
        %dma_wait3A_804 = tpu.memref_slice %arg3[%dma_wait3A_803] : memref<320000xi32, #tpu.memory_space<hbm>> -> memref<40xi32, #tpu.memory_space<hbm>>
        tpu.wait_dma2 semaphore(%arg16 : memref<!tpu.dma_semaphore, #tpu.memory_space<semaphore_mem>>) src(%dma_wait3A_804 : memref<40xi32, #tpu.memory_space<hbm>>) dst(%dma_wait3A_802 : memref<40xi32, #tpu.memory_space<vmem>>)
        %dma_wait3A_805 = arith.constant 7 : i32
        %dma_wait3A_806 = arith.constant 1 : i32
        %dma_wait3A_807 = arith.constant 0 : i32
        %dma_wait3A_808 = tpu.memref_slice %arg7[%dma_wait3A_805, %dma_wait3A_806, %dma_wait3A_807] : memref<10x2x40xi32, #tpu.memory_space<vmem>> -> memref<1x1x40xi32, #tpu.memory_space<vmem>>
        %dma_wait3A_809 = tpu.memref_squeeze %dma_wait3A_808 : memref<1x1x40xi32, #tpu.memory_space<vmem>> -> memref<40xi32, #tpu.memory_space<vmem>>
        %dma_wait3A_810 = arith.constant 0 : i32
        %dma_wait3A_811 = tpu.memref_slice %arg4[%dma_wait3A_810] : memref<320000xi32, #tpu.memory_space<hbm>> -> memref<40xi32, #tpu.memory_space<hbm>>
        %dma_wait3A_812 = arith.constant 0 : i32
        %dma_wait3A_813 = tpu.memref_slice %arg7[%dma_wait3A_805, %dma_wait3A_806, %dma_wait3A_812] : memref<10x2x40xi32, #tpu.memory_space<vmem>> -> memref<1x1x40xi32, #tpu.memory_space<vmem>>
        %dma_wait3A_814 = tpu.memref_squeeze %dma_wait3A_813 : memref<1x1x40xi32, #tpu.memory_space<vmem>> -> memref<40xi32, #tpu.memory_space<vmem>>
        %dma_wait3A_815 = arith.constant 0 : i32
        %dma_wait3A_816 = tpu.memref_slice %arg4[%dma_wait3A_815] : memref<320000xi32, #tpu.memory_space<hbm>> -> memref<40xi32, #tpu.memory_space<hbm>>
        tpu.wait_dma2 semaphore(%arg16 : memref<!tpu.dma_semaphore, #tpu.memory_space<semaphore_mem>>) src(%dma_wait3A_816 : memref<40xi32, #tpu.memory_space<hbm>>) dst(%dma_wait3A_814 : memref<40xi32, #tpu.memory_space<vmem>>)
        %dma_start3A_817 = arith.constant 7 : i32
        %dma_start3A_818 = arith.constant 0 : i32
        %dma_start3A_819 = arith.constant 2 : i32
        %dma_start3A_820 = arith.constant 0 : i32
        %dma_start3A_821 = arith.constant 0 : i32
        %dma_start3A_822 = tpu.memref_slice %arg8[%dma_start3A_819, %dma_start3A_820, %dma_start3A_821] : memref<5x40x128xf32, #tpu.memory_space<vmem>> -> memref<1x40x128xf32, #tpu.memory_space<vmem>>
        %dma_start3A_823 = tpu.memref_squeeze %dma_start3A_822 : memref<1x40x128xf32, #tpu.memory_space<vmem>> -> memref<40x128xf32, #tpu.memory_space<vmem>>
        %dma_start3A_824 = arith.constant 0 : i32
        %dma_start3A_825 = tpu.memref_slice %arg7[%dma_start3A_817, %dma_start3A_818, %dma_start3A_824] : memref<10x2x40xi32, #tpu.memory_space<vmem>> -> memref<1x1x40xi32, #tpu.memory_space<vmem>>
        %dma_start3A_826 = tpu.memref_squeeze %dma_start3A_825 : memref<1x1x40xi32, #tpu.memory_space<vmem>> -> memref<40xi32, #tpu.memory_space<vmem>>
        %dma_start3A_827 = arith.constant 0 : i32
        %dma_start3A_828 = arith.constant 0 : i32
        %dma_start3A_829 = tpu.memref_slice %arg2[%dma_start3A_827, %dma_start3A_828] : memref<10000x128xf32, #tpu.memory_space<hbm>> -> memref<10000x128xf32, #tpu.memory_space<hbm>>
        tpu.enqueue_indirect_dma source(%dma_start3A_829 : memref<10000x128xf32, #tpu.memory_space<hbm>>) target(%dma_start3A_823 : memref<40x128xf32, #tpu.memory_space<vmem>>) offsets(%dma_start3A_826 : memref<40xi32, #tpu.memory_space<vmem>>) semaphore(%arg21 : memref<!tpu.dma_semaphore, #tpu.memory_space<semaphore_mem>>)
      } else {
      }
      %add3A_531 = arith.constant 4 : i32
      %add3A_532 = arith.addi %mul3A_362, %add3A_531 : i32
      %dma_wait3A_533 = arith.constant 4 : i32
      %dma_wait3A_534 = arith.constant 0 : i32
      %dma_wait3A_535 = arith.constant 4 : i32
      %dma_wait3A_536 = arith.constant 0 : i32
      %dma_wait3A_537 = arith.constant 0 : i32
      %dma_wait3A_538 = tpu.memref_slice %arg8[%dma_wait3A_535, %dma_wait3A_536, %dma_wait3A_537] : memref<5x40x128xf32, #tpu.memory_space<vmem>> -> memref<1x40x128xf32, #tpu.memory_space<vmem>>
      %dma_wait3A_539 = tpu.memref_squeeze %dma_wait3A_538 : memref<1x40x128xf32, #tpu.memory_space<vmem>> -> memref<40x128xf32, #tpu.memory_space<vmem>>
      %dma_wait3A_540 = arith.constant 0 : i32
      %dma_wait3A_541 = tpu.memref_slice %arg7[%dma_wait3A_533, %dma_wait3A_534, %dma_wait3A_540] : memref<10x2x40xi32, #tpu.memory_space<vmem>> -> memref<1x1x40xi32, #tpu.memory_space<vmem>>
      %dma_wait3A_542 = tpu.memref_squeeze %dma_wait3A_541 : memref<1x1x40xi32, #tpu.memory_space<vmem>> -> memref<40xi32, #tpu.memory_space<vmem>>
      %dma_wait3A_543 = arith.constant 0 : i32
      %dma_wait3A_544 = arith.constant 0 : i32
      %dma_wait3A_545 = tpu.memref_slice %arg2[%dma_wait3A_543, %dma_wait3A_544] : memref<10000x128xf32, #tpu.memory_space<hbm>> -> memref<10000x128xf32, #tpu.memory_space<hbm>>
      tpu.wait_indirect_dma semaphore(%arg23 : memref<!tpu.dma_semaphore, #tpu.memory_space<semaphore_mem>>) src(%dma_wait3A_545 : memref<10000x128xf32, #tpu.memory_space<hbm>>) dst(%dma_wait3A_539 : memref<40x128xf32, #tpu.memory_space<vmem>>)
      %dma_start3A_546 = arith.constant 4 : i32
      %dma_start3A_547 = arith.constant 4 : i32
      %dma_start3A_548 = arith.constant 1 : i32
      %dma_start3A_549 = arith.constant 0 : i32
      %dma_start3A_550 = arith.constant 0 : i32
      %dma_start3A_551 = tpu.memref_slice %arg8[%dma_start3A_546, %dma_start3A_549, %dma_start3A_550] : memref<5x40x128xf32, #tpu.memory_space<vmem>> -> memref<1x40x128xf32, #tpu.memory_space<vmem>>
      %dma_start3A_552 = tpu.memref_squeeze %dma_start3A_551 : memref<1x40x128xf32, #tpu.memory_space<vmem>> -> memref<40x128xf32, #tpu.memory_space<vmem>>
      %dma_start3A_553 = arith.constant 0 : i32
      %dma_start3A_554 = tpu.memref_slice %arg7[%dma_start3A_547, %dma_start3A_548, %dma_start3A_553] : memref<10x2x40xi32, #tpu.memory_space<vmem>> -> memref<1x1x40xi32, #tpu.memory_space<vmem>>
      %dma_start3A_555 = tpu.memref_squeeze %dma_start3A_554 : memref<1x1x40xi32, #tpu.memory_space<vmem>> -> memref<40xi32, #tpu.memory_space<vmem>>
      %dma_start3A_556 = arith.constant 0 : i32
      %dma_start3A_557 = arith.constant 0 : i32
      %dma_start3A_558 = tpu.memref_slice %arg29[%dma_start3A_556, %dma_start3A_557] : memref<10240x128xf32, #tpu.memory_space<vmem_shared>> -> memref<10240x128xf32, #tpu.memory_space<vmem_shared>>
      tpu.enqueue_indirect_dma source(%dma_start3A_552 : memref<40x128xf32, #tpu.memory_space<vmem>>) target(%dma_start3A_558 : memref<10240x128xf32, #tpu.memory_space<vmem_shared>>) offsets(%dma_start3A_555 : memref<40xi32, #tpu.memory_space<vmem>>) semaphore(%arg28 : memref<!tpu.dma_semaphore, #tpu.memory_space<semaphore_mem>>) {add = true}
      %add3A_559 = arith.constant 5 : i32
      %add3A_560 = arith.addi %add3A_532, %add3A_559 : i32
      %lt3A_561 = arith.constant 250 : i32
      %lt3A_562 = arith.cmpi slt, %add3A_560, %lt3A_561 : i32
      %convert_element_type3A_563 = arith.extui %lt3A_562 : i1 to i32
      %cond3A_564 = arith.constant 0 : i32
      %cond3A_565 = arith.cmpi ne, %convert_element_type3A_563, %cond3A_564 : i32
      scf.if %cond3A_565 {
        %mul3A_789 = arith.constant 10000 : i32
        %mul3A_790 = arith.muli %add3A, %mul3A_789 : i32
        %mul3A_791 = arith.constant 40 : i32
        %mul3A_792 = arith.muli %add3A_560, %mul3A_791 : i32
        %add3A_793 = arith.addi %mul3A_790, %mul3A_792 : i32
        %dma_start3A_794 = arith.constant 9 : i32
        %dma_start3A_795 = arith.constant 0 : i32
        %dma_start3A_796 = arith.constant 0 : i32
        %dma_start3A_797 = tpu.memref_slice %arg7[%dma_start3A_794, %dma_start3A_795, %dma_start3A_796] : memref<10x2x40xi32, #tpu.memory_space<vmem>> -> memref<1x1x40xi32, #tpu.memory_space<vmem>>
        %dma_start3A_798 = tpu.memref_squeeze %dma_start3A_797 : memref<1x1x40xi32, #tpu.memory_space<vmem>> -> memref<40xi32, #tpu.memory_space<vmem>>
        %dma_start3A_799 = tpu.memref_slice %arg3[%add3A_793] : memref<320000xi32, #tpu.memory_space<hbm>> -> memref<40xi32, #tpu.memory_space<hbm>>
        %dma_start3A_800 = arith.constant 0 : i32
        %dma_start3A_801 = tpu.memref_slice %arg7[%dma_start3A_794, %dma_start3A_795, %dma_start3A_800] : memref<10x2x40xi32, #tpu.memory_space<vmem>> -> memref<1x1x40xi32, #tpu.memory_space<vmem>>
        %dma_start3A_802 = tpu.memref_squeeze %dma_start3A_801 : memref<1x1x40xi32, #tpu.memory_space<vmem>> -> memref<40xi32, #tpu.memory_space<vmem>>
        %dma_start3A_803 = tpu.memref_slice %arg3[%add3A_793] : memref<320000xi32, #tpu.memory_space<hbm>> -> memref<40xi32, #tpu.memory_space<hbm>>
        tpu.enqueue_dma source(%dma_start3A_803 : memref<40xi32, #tpu.memory_space<hbm>>) target(%dma_start3A_802 : memref<40xi32, #tpu.memory_space<vmem>>) target_semaphore(%arg18 : memref<!tpu.dma_semaphore, #tpu.memory_space<semaphore_mem>>)
        %dma_start3A_804 = arith.constant 9 : i32
        %dma_start3A_805 = arith.constant 1 : i32
        %dma_start3A_806 = arith.constant 0 : i32
        %dma_start3A_807 = tpu.memref_slice %arg7[%dma_start3A_804, %dma_start3A_805, %dma_start3A_806] : memref<10x2x40xi32, #tpu.memory_space<vmem>> -> memref<1x1x40xi32, #tpu.memory_space<vmem>>
        %dma_start3A_808 = tpu.memref_squeeze %dma_start3A_807 : memref<1x1x40xi32, #tpu.memory_space<vmem>> -> memref<40xi32, #tpu.memory_space<vmem>>
        %dma_start3A_809 = tpu.memref_slice %arg4[%add3A_793] : memref<320000xi32, #tpu.memory_space<hbm>> -> memref<40xi32, #tpu.memory_space<hbm>>
        %dma_start3A_810 = arith.constant 0 : i32
        %dma_start3A_811 = tpu.memref_slice %arg7[%dma_start3A_804, %dma_start3A_805, %dma_start3A_810] : memref<10x2x40xi32, #tpu.memory_space<vmem>> -> memref<1x1x40xi32, #tpu.memory_space<vmem>>
        %dma_start3A_812 = tpu.memref_squeeze %dma_start3A_811 : memref<1x1x40xi32, #tpu.memory_space<vmem>> -> memref<40xi32, #tpu.memory_space<vmem>>
        %dma_start3A_813 = tpu.memref_slice %arg4[%add3A_793] : memref<320000xi32, #tpu.memory_space<hbm>> -> memref<40xi32, #tpu.memory_space<hbm>>
        tpu.enqueue_dma source(%dma_start3A_813 : memref<40xi32, #tpu.memory_space<hbm>>) target(%dma_start3A_812 : memref<40xi32, #tpu.memory_space<vmem>>) target_semaphore(%arg18 : memref<!tpu.dma_semaphore, #tpu.memory_space<semaphore_mem>>)
      } else {
      }
      %add3A_566 = arith.constant 4 : i32
      %add3A_567 = arith.addi %add3A_532, %add3A_566 : i32
      %lt3A_568 = arith.constant 250 : i32
      %lt3A_569 = arith.cmpi slt, %add3A_567, %lt3A_568 : i32
      %convert_element_type3A_570 = arith.extui %lt3A_569 : i1 to i32
      %cond3A_571 = arith.constant 0 : i32
      %cond3A_572 = arith.cmpi ne, %convert_element_type3A_570, %cond3A_571 : i32
      scf.if %cond3A_572 {
        %ge3A = arith.constant 1 : i32
        %ge3A_789 = arith.cmpi sge, %add3A_532, %ge3A : i32
        %convert_element_type3A_790 = arith.extui %ge3A_789 : i1 to i32
        %cond3A_791 = arith.constant 0 : i32
        %cond3A_792 = arith.cmpi ne, %convert_element_type3A_790, %cond3A_791 : i32
        scf.if %cond3A_792 {
          %dma_wait3A_830 = arith.constant 3 : i32
          %dma_wait3A_831 = arith.constant 0 : i32
          %dma_wait3A_832 = arith.constant 0 : i32
          %dma_wait3A_833 = tpu.memref_slice %arg8[%dma_wait3A_830, %dma_wait3A_831, %dma_wait3A_832] : memref<5x40x128xf32, #tpu.memory_space<vmem>> -> memref<1x40x128xf32, #tpu.memory_space<vmem>>
          %dma_wait3A_834 = tpu.memref_squeeze %dma_wait3A_833 : memref<1x40x128xf32, #tpu.memory_space<vmem>> -> memref<40x128xf32, #tpu.memory_space<vmem>>
          %dma_wait3A_835 = arith.constant 0 : i32
          %dma_wait3A_836 = arith.constant 0 : i32
          %dma_wait3A_837 = tpu.memref_slice %arg29[%dma_wait3A_835, %dma_wait3A_836] : memref<10240x128xf32, #tpu.memory_space<vmem_shared>> -> memref<40x128xf32, #tpu.memory_space<vmem_shared>>
          %dma_wait3A_838 = arith.constant 0 : i32
          %dma_wait3A_839 = arith.constant 0 : i32
          %dma_wait3A_840 = tpu.memref_slice %arg29[%dma_wait3A_838, %dma_wait3A_839] : memref<10240x128xf32, #tpu.memory_space<vmem_shared>> -> memref<40x128xf32, #tpu.memory_space<vmem_shared>>
          %dma_wait3A_841 = arith.constant 0 : i32
          %dma_wait3A_842 = arith.constant 0 : i32
          %dma_wait3A_843 = tpu.memref_slice %arg8[%dma_wait3A_830, %dma_wait3A_841, %dma_wait3A_842] : memref<5x40x128xf32, #tpu.memory_space<vmem>> -> memref<1x40x128xf32, #tpu.memory_space<vmem>>
          %dma_wait3A_844 = tpu.memref_squeeze %dma_wait3A_843 : memref<1x40x128xf32, #tpu.memory_space<vmem>> -> memref<40x128xf32, #tpu.memory_space<vmem>>
          tpu.wait_dma2 semaphore(%arg27 : memref<!tpu.dma_semaphore, #tpu.memory_space<semaphore_mem>>) src(%dma_wait3A_844 : memref<40x128xf32, #tpu.memory_space<vmem>>) dst(%dma_wait3A_840 : memref<40x128xf32, #tpu.memory_space<vmem_shared>>)
        } else {
        }
        %dma_wait3A_793 = arith.constant 8 : i32
        %dma_wait3A_794 = arith.constant 0 : i32
        %dma_wait3A_795 = arith.constant 0 : i32
        %dma_wait3A_796 = tpu.memref_slice %arg7[%dma_wait3A_793, %dma_wait3A_794, %dma_wait3A_795] : memref<10x2x40xi32, #tpu.memory_space<vmem>> -> memref<1x1x40xi32, #tpu.memory_space<vmem>>
        %dma_wait3A_797 = tpu.memref_squeeze %dma_wait3A_796 : memref<1x1x40xi32, #tpu.memory_space<vmem>> -> memref<40xi32, #tpu.memory_space<vmem>>
        %dma_wait3A_798 = arith.constant 0 : i32
        %dma_wait3A_799 = tpu.memref_slice %arg3[%dma_wait3A_798] : memref<320000xi32, #tpu.memory_space<hbm>> -> memref<40xi32, #tpu.memory_space<hbm>>
        %dma_wait3A_800 = arith.constant 0 : i32
        %dma_wait3A_801 = tpu.memref_slice %arg7[%dma_wait3A_793, %dma_wait3A_794, %dma_wait3A_800] : memref<10x2x40xi32, #tpu.memory_space<vmem>> -> memref<1x1x40xi32, #tpu.memory_space<vmem>>
        %dma_wait3A_802 = tpu.memref_squeeze %dma_wait3A_801 : memref<1x1x40xi32, #tpu.memory_space<vmem>> -> memref<40xi32, #tpu.memory_space<vmem>>
        %dma_wait3A_803 = arith.constant 0 : i32
        %dma_wait3A_804 = tpu.memref_slice %arg3[%dma_wait3A_803] : memref<320000xi32, #tpu.memory_space<hbm>> -> memref<40xi32, #tpu.memory_space<hbm>>
        tpu.wait_dma2 semaphore(%arg17 : memref<!tpu.dma_semaphore, #tpu.memory_space<semaphore_mem>>) src(%dma_wait3A_804 : memref<40xi32, #tpu.memory_space<hbm>>) dst(%dma_wait3A_802 : memref<40xi32, #tpu.memory_space<vmem>>)
        %dma_wait3A_805 = arith.constant 8 : i32
        %dma_wait3A_806 = arith.constant 1 : i32
        %dma_wait3A_807 = arith.constant 0 : i32
        %dma_wait3A_808 = tpu.memref_slice %arg7[%dma_wait3A_805, %dma_wait3A_806, %dma_wait3A_807] : memref<10x2x40xi32, #tpu.memory_space<vmem>> -> memref<1x1x40xi32, #tpu.memory_space<vmem>>
        %dma_wait3A_809 = tpu.memref_squeeze %dma_wait3A_808 : memref<1x1x40xi32, #tpu.memory_space<vmem>> -> memref<40xi32, #tpu.memory_space<vmem>>
        %dma_wait3A_810 = arith.constant 0 : i32
        %dma_wait3A_811 = tpu.memref_slice %arg4[%dma_wait3A_810] : memref<320000xi32, #tpu.memory_space<hbm>> -> memref<40xi32, #tpu.memory_space<hbm>>
        %dma_wait3A_812 = arith.constant 0 : i32
        %dma_wait3A_813 = tpu.memref_slice %arg7[%dma_wait3A_805, %dma_wait3A_806, %dma_wait3A_812] : memref<10x2x40xi32, #tpu.memory_space<vmem>> -> memref<1x1x40xi32, #tpu.memory_space<vmem>>
        %dma_wait3A_814 = tpu.memref_squeeze %dma_wait3A_813 : memref<1x1x40xi32, #tpu.memory_space<vmem>> -> memref<40xi32, #tpu.memory_space<vmem>>
        %dma_wait3A_815 = arith.constant 0 : i32
        %dma_wait3A_816 = tpu.memref_slice %arg4[%dma_wait3A_815] : memref<320000xi32, #tpu.memory_space<hbm>> -> memref<40xi32, #tpu.memory_space<hbm>>
        tpu.wait_dma2 semaphore(%arg17 : memref<!tpu.dma_semaphore, #tpu.memory_space<semaphore_mem>>) src(%dma_wait3A_816 : memref<40xi32, #tpu.memory_space<hbm>>) dst(%dma_wait3A_814 : memref<40xi32, #tpu.memory_space<vmem>>)
        %dma_start3A_817 = arith.constant 8 : i32
        %dma_start3A_818 = arith.constant 0 : i32
        %dma_start3A_819 = arith.constant 3 : i32
        %dma_start3A_820 = arith.constant 0 : i32
        %dma_start3A_821 = arith.constant 0 : i32
        %dma_start3A_822 = tpu.memref_slice %arg8[%dma_start3A_819, %dma_start3A_820, %dma_start3A_821] : memref<5x40x128xf32, #tpu.memory_space<vmem>> -> memref<1x40x128xf32, #tpu.memory_space<vmem>>
        %dma_start3A_823 = tpu.memref_squeeze %dma_start3A_822 : memref<1x40x128xf32, #tpu.memory_space<vmem>> -> memref<40x128xf32, #tpu.memory_space<vmem>>
        %dma_start3A_824 = arith.constant 0 : i32
        %dma_start3A_825 = tpu.memref_slice %arg7[%dma_start3A_817, %dma_start3A_818, %dma_start3A_824] : memref<10x2x40xi32, #tpu.memory_space<vmem>> -> memref<1x1x40xi32, #tpu.memory_space<vmem>>
        %dma_start3A_826 = tpu.memref_squeeze %dma_start3A_825 : memref<1x1x40xi32, #tpu.memory_space<vmem>> -> memref<40xi32, #tpu.memory_space<vmem>>
        %dma_start3A_827 = arith.constant 0 : i32
        %dma_start3A_828 = arith.constant 0 : i32
        %dma_start3A_829 = tpu.memref_slice %arg2[%dma_start3A_827, %dma_start3A_828] : memref<10000x128xf32, #tpu.memory_space<hbm>> -> memref<10000x128xf32, #tpu.memory_space<hbm>>
        tpu.enqueue_indirect_dma source(%dma_start3A_829 : memref<10000x128xf32, #tpu.memory_space<hbm>>) target(%dma_start3A_823 : memref<40x128xf32, #tpu.memory_space<vmem>>) offsets(%dma_start3A_826 : memref<40xi32, #tpu.memory_space<vmem>>) semaphore(%arg22 : memref<!tpu.dma_semaphore, #tpu.memory_space<semaphore_mem>>)
      } else {
      }
      %mul3A_573 = arith.constant 2 : i32
      %mul3A_574 = arith.muli %scan3A_356, %mul3A_573 : i32
      %add3A_575 = arith.constant 1 : i32
      %add3A_576 = arith.addi %mul3A_574, %add3A_575 : i32
      %mul3A_577 = arith.constant 5 : i32
      %mul3A_578 = arith.muli %add3A_576, %mul3A_577 : i32
      %add3A_579 = arith.constant 0 : i32
      %add3A_580 = arith.addi %mul3A_578, %add3A_579 : i32
      %dma_wait3A_581 = arith.constant 5 : i32
      %dma_wait3A_582 = arith.constant 0 : i32
      %dma_wait3A_583 = arith.constant 0 : i32
      %dma_wait3A_584 = arith.constant 0 : i32
      %dma_wait3A_585 = arith.constant 0 : i32
      %dma_wait3A_586 = tpu.memref_slice %arg8[%dma_wait3A_583, %dma_wait3A_584, %dma_wait3A_585] : memref<5x40x128xf32, #tpu.memory_space<vmem>> -> memref<1x40x128xf32, #tpu.memory_space<vmem>>
      %dma_wait3A_587 = tpu.memref_squeeze %dma_wait3A_586 : memref<1x40x128xf32, #tpu.memory_space<vmem>> -> memref<40x128xf32, #tpu.memory_space<vmem>>
      %dma_wait3A_588 = arith.constant 0 : i32
      %dma_wait3A_589 = tpu.memref_slice %arg7[%dma_wait3A_581, %dma_wait3A_582, %dma_wait3A_588] : memref<10x2x40xi32, #tpu.memory_space<vmem>> -> memref<1x1x40xi32, #tpu.memory_space<vmem>>
      %dma_wait3A_590 = tpu.memref_squeeze %dma_wait3A_589 : memref<1x1x40xi32, #tpu.memory_space<vmem>> -> memref<40xi32, #tpu.memory_space<vmem>>
      %dma_wait3A_591 = arith.constant 0 : i32
      %dma_wait3A_592 = arith.constant 0 : i32
      %dma_wait3A_593 = tpu.memref_slice %arg2[%dma_wait3A_591, %dma_wait3A_592] : memref<10000x128xf32, #tpu.memory_space<hbm>> -> memref<10000x128xf32, #tpu.memory_space<hbm>>
      tpu.wait_indirect_dma semaphore(%arg19 : memref<!tpu.dma_semaphore, #tpu.memory_space<semaphore_mem>>) src(%dma_wait3A_593 : memref<10000x128xf32, #tpu.memory_space<hbm>>) dst(%dma_wait3A_587 : memref<40x128xf32, #tpu.memory_space<vmem>>)
      %dma_start3A_594 = arith.constant 0 : i32
      %dma_start3A_595 = arith.constant 5 : i32
      %dma_start3A_596 = arith.constant 1 : i32
      %dma_start3A_597 = arith.constant 0 : i32
      %dma_start3A_598 = arith.constant 0 : i32
      %dma_start3A_599 = tpu.memref_slice %arg8[%dma_start3A_594, %dma_start3A_597, %dma_start3A_598] : memref<5x40x128xf32, #tpu.memory_space<vmem>> -> memref<1x40x128xf32, #tpu.memory_space<vmem>>
      %dma_start3A_600 = tpu.memref_squeeze %dma_start3A_599 : memref<1x40x128xf32, #tpu.memory_space<vmem>> -> memref<40x128xf32, #tpu.memory_space<vmem>>
      %dma_start3A_601 = arith.constant 0 : i32
      %dma_start3A_602 = tpu.memref_slice %arg7[%dma_start3A_595, %dma_start3A_596, %dma_start3A_601] : memref<10x2x40xi32, #tpu.memory_space<vmem>> -> memref<1x1x40xi32, #tpu.memory_space<vmem>>
      %dma_start3A_603 = tpu.memref_squeeze %dma_start3A_602 : memref<1x1x40xi32, #tpu.memory_space<vmem>> -> memref<40xi32, #tpu.memory_space<vmem>>
      %dma_start3A_604 = arith.constant 0 : i32
      %dma_start3A_605 = arith.constant 0 : i32
      %dma_start3A_606 = tpu.memref_slice %arg29[%dma_start3A_604, %dma_start3A_605] : memref<10240x128xf32, #tpu.memory_space<vmem_shared>> -> memref<10240x128xf32, #tpu.memory_space<vmem_shared>>
      tpu.enqueue_indirect_dma source(%dma_start3A_600 : memref<40x128xf32, #tpu.memory_space<vmem>>) target(%dma_start3A_606 : memref<10240x128xf32, #tpu.memory_space<vmem_shared>>) offsets(%dma_start3A_603 : memref<40xi32, #tpu.memory_space<vmem>>) semaphore(%arg24 : memref<!tpu.dma_semaphore, #tpu.memory_space<semaphore_mem>>) {add = true}
      %add3A_607 = arith.constant 5 : i32
      %add3A_608 = arith.addi %add3A_580, %add3A_607 : i32
      %lt3A_609 = arith.constant 250 : i32
      %lt3A_610 = arith.cmpi slt, %add3A_608, %lt3A_609 : i32
      %convert_element_type3A_611 = arith.extui %lt3A_610 : i1 to i32
      %cond3A_612 = arith.constant 0 : i32
      %cond3A_613 = arith.cmpi ne, %convert_element_type3A_611, %cond3A_612 : i32
      scf.if %cond3A_613 {
        %mul3A_789 = arith.constant 10000 : i32
        %mul3A_790 = arith.muli %add3A, %mul3A_789 : i32
        %mul3A_791 = arith.constant 40 : i32
        %mul3A_792 = arith.muli %add3A_608, %mul3A_791 : i32
        %add3A_793 = arith.addi %mul3A_790, %mul3A_792 : i32
        %dma_start3A_794 = arith.constant 0 : i32
        %dma_start3A_795 = arith.constant 0 : i32
        %dma_start3A_796 = arith.constant 0 : i32
        %dma_start3A_797 = tpu.memref_slice %arg7[%dma_start3A_794, %dma_start3A_795, %dma_start3A_796] : memref<10x2x40xi32, #tpu.memory_space<vmem>> -> memref<1x1x40xi32, #tpu.memory_space<vmem>>
        %dma_start3A_798 = tpu.memref_squeeze %dma_start3A_797 : memref<1x1x40xi32, #tpu.memory_space<vmem>> -> memref<40xi32, #tpu.memory_space<vmem>>
        %dma_start3A_799 = tpu.memref_slice %arg3[%add3A_793] : memref<320000xi32, #tpu.memory_space<hbm>> -> memref<40xi32, #tpu.memory_space<hbm>>
        %dma_start3A_800 = arith.constant 0 : i32
        %dma_start3A_801 = tpu.memref_slice %arg7[%dma_start3A_794, %dma_start3A_795, %dma_start3A_800] : memref<10x2x40xi32, #tpu.memory_space<vmem>> -> memref<1x1x40xi32, #tpu.memory_space<vmem>>
        %dma_start3A_802 = tpu.memref_squeeze %dma_start3A_801 : memref<1x1x40xi32, #tpu.memory_space<vmem>> -> memref<40xi32, #tpu.memory_space<vmem>>
        %dma_start3A_803 = tpu.memref_slice %arg3[%add3A_793] : memref<320000xi32, #tpu.memory_space<hbm>> -> memref<40xi32, #tpu.memory_space<hbm>>
        tpu.enqueue_dma source(%dma_start3A_803 : memref<40xi32, #tpu.memory_space<hbm>>) target(%dma_start3A_802 : memref<40xi32, #tpu.memory_space<vmem>>) target_semaphore(%arg9 : memref<!tpu.dma_semaphore, #tpu.memory_space<semaphore_mem>>)
        %dma_start3A_804 = arith.constant 0 : i32
        %dma_start3A_805 = arith.constant 1 : i32
        %dma_start3A_806 = arith.constant 0 : i32
        %dma_start3A_807 = tpu.memref_slice %arg7[%dma_start3A_804, %dma_start3A_805, %dma_start3A_806] : memref<10x2x40xi32, #tpu.memory_space<vmem>> -> memref<1x1x40xi32, #tpu.memory_space<vmem>>
        %dma_start3A_808 = tpu.memref_squeeze %dma_start3A_807 : memref<1x1x40xi32, #tpu.memory_space<vmem>> -> memref<40xi32, #tpu.memory_space<vmem>>
        %dma_start3A_809 = tpu.memref_slice %arg4[%add3A_793] : memref<320000xi32, #tpu.memory_space<hbm>> -> memref<40xi32, #tpu.memory_space<hbm>>
        %dma_start3A_810 = arith.constant 0 : i32
        %dma_start3A_811 = tpu.memref_slice %arg7[%dma_start3A_804, %dma_start3A_805, %dma_start3A_810] : memref<10x2x40xi32, #tpu.memory_space<vmem>> -> memref<1x1x40xi32, #tpu.memory_space<vmem>>
        %dma_start3A_812 = tpu.memref_squeeze %dma_start3A_811 : memref<1x1x40xi32, #tpu.memory_space<vmem>> -> memref<40xi32, #tpu.memory_space<vmem>>
        %dma_start3A_813 = tpu.memref_slice %arg4[%add3A_793] : memref<320000xi32, #tpu.memory_space<hbm>> -> memref<40xi32, #tpu.memory_space<hbm>>
        tpu.enqueue_dma source(%dma_start3A_813 : memref<40xi32, #tpu.memory_space<hbm>>) target(%dma_start3A_812 : memref<40xi32, #tpu.memory_space<vmem>>) target_semaphore(%arg9 : memref<!tpu.dma_semaphore, #tpu.memory_space<semaphore_mem>>)
      } else {
      }
      %add3A_614 = arith.constant 4 : i32
      %add3A_615 = arith.addi %add3A_580, %add3A_614 : i32
      %lt3A_616 = arith.constant 250 : i32
      %lt3A_617 = arith.cmpi slt, %add3A_615, %lt3A_616 : i32
      %convert_element_type3A_618 = arith.extui %lt3A_617 : i1 to i32
      %cond3A_619 = arith.constant 0 : i32
      %cond3A_620 = arith.cmpi ne, %convert_element_type3A_618, %cond3A_619 : i32
      scf.if %cond3A_620 {
        %ge3A = arith.constant 1 : i32
        %ge3A_789 = arith.cmpi sge, %add3A_580, %ge3A : i32
        %convert_element_type3A_790 = arith.extui %ge3A_789 : i1 to i32
        %cond3A_791 = arith.constant 0 : i32
        %cond3A_792 = arith.cmpi ne, %convert_element_type3A_790, %cond3A_791 : i32
        scf.if %cond3A_792 {
          %dma_wait3A_830 = arith.constant 4 : i32
          %dma_wait3A_831 = arith.constant 0 : i32
          %dma_wait3A_832 = arith.constant 0 : i32
          %dma_wait3A_833 = tpu.memref_slice %arg8[%dma_wait3A_830, %dma_wait3A_831, %dma_wait3A_832] : memref<5x40x128xf32, #tpu.memory_space<vmem>> -> memref<1x40x128xf32, #tpu.memory_space<vmem>>
          %dma_wait3A_834 = tpu.memref_squeeze %dma_wait3A_833 : memref<1x40x128xf32, #tpu.memory_space<vmem>> -> memref<40x128xf32, #tpu.memory_space<vmem>>
          %dma_wait3A_835 = arith.constant 0 : i32
          %dma_wait3A_836 = arith.constant 0 : i32
          %dma_wait3A_837 = tpu.memref_slice %arg29[%dma_wait3A_835, %dma_wait3A_836] : memref<10240x128xf32, #tpu.memory_space<vmem_shared>> -> memref<40x128xf32, #tpu.memory_space<vmem_shared>>
          %dma_wait3A_838 = arith.constant 0 : i32
          %dma_wait3A_839 = arith.constant 0 : i32
          %dma_wait3A_840 = tpu.memref_slice %arg29[%dma_wait3A_838, %dma_wait3A_839] : memref<10240x128xf32, #tpu.memory_space<vmem_shared>> -> memref<40x128xf32, #tpu.memory_space<vmem_shared>>
          %dma_wait3A_841 = arith.constant 0 : i32
          %dma_wait3A_842 = arith.constant 0 : i32
          %dma_wait3A_843 = tpu.memref_slice %arg8[%dma_wait3A_830, %dma_wait3A_841, %dma_wait3A_842] : memref<5x40x128xf32, #tpu.memory_space<vmem>> -> memref<1x40x128xf32, #tpu.memory_space<vmem>>
          %dma_wait3A_844 = tpu.memref_squeeze %dma_wait3A_843 : memref<1x40x128xf32, #tpu.memory_space<vmem>> -> memref<40x128xf32, #tpu.memory_space<vmem>>
          tpu.wait_dma2 semaphore(%arg28 : memref<!tpu.dma_semaphore, #tpu.memory_space<semaphore_mem>>) src(%dma_wait3A_844 : memref<40x128xf32, #tpu.memory_space<vmem>>) dst(%dma_wait3A_840 : memref<40x128xf32, #tpu.memory_space<vmem_shared>>)
        } else {
        }
        %dma_wait3A_793 = arith.constant 9 : i32
        %dma_wait3A_794 = arith.constant 0 : i32
        %dma_wait3A_795 = arith.constant 0 : i32
        %dma_wait3A_796 = tpu.memref_slice %arg7[%dma_wait3A_793, %dma_wait3A_794, %dma_wait3A_795] : memref<10x2x40xi32, #tpu.memory_space<vmem>> -> memref<1x1x40xi32, #tpu.memory_space<vmem>>
        %dma_wait3A_797 = tpu.memref_squeeze %dma_wait3A_796 : memref<1x1x40xi32, #tpu.memory_space<vmem>> -> memref<40xi32, #tpu.memory_space<vmem>>
        %dma_wait3A_798 = arith.constant 0 : i32
        %dma_wait3A_799 = tpu.memref_slice %arg3[%dma_wait3A_798] : memref<320000xi32, #tpu.memory_space<hbm>> -> memref<40xi32, #tpu.memory_space<hbm>>
        %dma_wait3A_800 = arith.constant 0 : i32
        %dma_wait3A_801 = tpu.memref_slice %arg7[%dma_wait3A_793, %dma_wait3A_794, %dma_wait3A_800] : memref<10x2x40xi32, #tpu.memory_space<vmem>> -> memref<1x1x40xi32, #tpu.memory_space<vmem>>
        %dma_wait3A_802 = tpu.memref_squeeze %dma_wait3A_801 : memref<1x1x40xi32, #tpu.memory_space<vmem>> -> memref<40xi32, #tpu.memory_space<vmem>>
        %dma_wait3A_803 = arith.constant 0 : i32
        %dma_wait3A_804 = tpu.memref_slice %arg3[%dma_wait3A_803] : memref<320000xi32, #tpu.memory_space<hbm>> -> memref<40xi32, #tpu.memory_space<hbm>>
        tpu.wait_dma2 semaphore(%arg18 : memref<!tpu.dma_semaphore, #tpu.memory_space<semaphore_mem>>) src(%dma_wait3A_804 : memref<40xi32, #tpu.memory_space<hbm>>) dst(%dma_wait3A_802 : memref<40xi32, #tpu.memory_space<vmem>>)
        %dma_wait3A_805 = arith.constant 9 : i32
        %dma_wait3A_806 = arith.constant 1 : i32
        %dma_wait3A_807 = arith.constant 0 : i32
        %dma_wait3A_808 = tpu.memref_slice %arg7[%dma_wait3A_805, %dma_wait3A_806, %dma_wait3A_807] : memref<10x2x40xi32, #tpu.memory_space<vmem>> -> memref<1x1x40xi32, #tpu.memory_space<vmem>>
        %dma_wait3A_809 = tpu.memref_squeeze %dma_wait3A_808 : memref<1x1x40xi32, #tpu.memory_space<vmem>> -> memref<40xi32, #tpu.memory_space<vmem>>
        %dma_wait3A_810 = arith.constant 0 : i32
        %dma_wait3A_811 = tpu.memref_slice %arg4[%dma_wait3A_810] : memref<320000xi32, #tpu.memory_space<hbm>> -> memref<40xi32, #tpu.memory_space<hbm>>
        %dma_wait3A_812 = arith.constant 0 : i32
        %dma_wait3A_813 = tpu.memref_slice %arg7[%dma_wait3A_805, %dma_wait3A_806, %dma_wait3A_812] : memref<10x2x40xi32, #tpu.memory_space<vmem>> -> memref<1x1x40xi32, #tpu.memory_space<vmem>>
        %dma_wait3A_814 = tpu.memref_squeeze %dma_wait3A_813 : memref<1x1x40xi32, #tpu.memory_space<vmem>> -> memref<40xi32, #tpu.memory_space<vmem>>
        %dma_wait3A_815 = arith.constant 0 : i32
        %dma_wait3A_816 = tpu.memref_slice %arg4[%dma_wait3A_815] : memref<320000xi32, #tpu.memory_space<hbm>> -> memref<40xi32, #tpu.memory_space<hbm>>
        tpu.wait_dma2 semaphore(%arg18 : memref<!tpu.dma_semaphore, #tpu.memory_space<semaphore_mem>>) src(%dma_wait3A_816 : memref<40xi32, #tpu.memory_space<hbm>>) dst(%dma_wait3A_814 : memref<40xi32, #tpu.memory_space<vmem>>)
        %dma_start3A_817 = arith.constant 9 : i32
        %dma_start3A_818 = arith.constant 0 : i32
        %dma_start3A_819 = arith.constant 4 : i32
        %dma_start3A_820 = arith.constant 0 : i32
        %dma_start3A_821 = arith.constant 0 : i32
        %dma_start3A_822 = tpu.memref_slice %arg8[%dma_start3A_819, %dma_start3A_820, %dma_start3A_821] : memref<5x40x128xf32, #tpu.memory_space<vmem>> -> memref<1x40x128xf32, #tpu.memory_space<vmem>>
        %dma_start3A_823 = tpu.memref_squeeze %dma_start3A_822 : memref<1x40x128xf32, #tpu.memory_space<vmem>> -> memref<40x128xf32, #tpu.memory_space<vmem>>
        %dma_start3A_824 = arith.constant 0 : i32
        %dma_start3A_825 = tpu.memref_slice %arg7[%dma_start3A_817, %dma_start3A_818, %dma_start3A_824] : memref<10x2x40xi32, #tpu.memory_space<vmem>> -> memref<1x1x40xi32, #tpu.memory_space<vmem>>
        %dma_start3A_826 = tpu.memref_squeeze %dma_start3A_825 : memref<1x1x40xi32, #tpu.memory_space<vmem>> -> memref<40xi32, #tpu.memory_space<vmem>>
        %dma_start3A_827 = arith.constant 0 : i32
        %dma_start3A_828 = arith.constant 0 : i32
        %dma_start3A_829 = tpu.memref_slice %arg2[%dma_start3A_827, %dma_start3A_828] : memref<10000x128xf32, #tpu.memory_space<hbm>> -> memref<10000x128xf32, #tpu.memory_space<hbm>>
        tpu.enqueue_indirect_dma source(%dma_start3A_829 : memref<10000x128xf32, #tpu.memory_space<hbm>>) target(%dma_start3A_823 : memref<40x128xf32, #tpu.memory_space<vmem>>) offsets(%dma_start3A_826 : memref<40xi32, #tpu.memory_space<vmem>>) semaphore(%arg23 : memref<!tpu.dma_semaphore, #tpu.memory_space<semaphore_mem>>)
      } else {
      }
      %add3A_621 = arith.constant 1 : i32
      %add3A_622 = arith.addi %mul3A_578, %add3A_621 : i32
      %dma_wait3A_623 = arith.constant 6 : i32
      %dma_wait3A_624 = arith.constant 0 : i32
      %dma_wait3A_625 = arith.constant 1 : i32
      %dma_wait3A_626 = arith.constant 0 : i32
      %dma_wait3A_627 = arith.constant 0 : i32
      %dma_wait3A_628 = tpu.memref_slice %arg8[%dma_wait3A_625, %dma_wait3A_626, %dma_wait3A_627] : memref<5x40x128xf32, #tpu.memory_space<vmem>> -> memref<1x40x128xf32, #tpu.memory_space<vmem>>
      %dma_wait3A_629 = tpu.memref_squeeze %dma_wait3A_628 : memref<1x40x128xf32, #tpu.memory_space<vmem>> -> memref<40x128xf32, #tpu.memory_space<vmem>>
      %dma_wait3A_630 = arith.constant 0 : i32
      %dma_wait3A_631 = tpu.memref_slice %arg7[%dma_wait3A_623, %dma_wait3A_624, %dma_wait3A_630] : memref<10x2x40xi32, #tpu.memory_space<vmem>> -> memref<1x1x40xi32, #tpu.memory_space<vmem>>
      %dma_wait3A_632 = tpu.memref_squeeze %dma_wait3A_631 : memref<1x1x40xi32, #tpu.memory_space<vmem>> -> memref<40xi32, #tpu.memory_space<vmem>>
      %dma_wait3A_633 = arith.constant 0 : i32
      %dma_wait3A_634 = arith.constant 0 : i32
      %dma_wait3A_635 = tpu.memref_slice %arg2[%dma_wait3A_633, %dma_wait3A_634] : memref<10000x128xf32, #tpu.memory_space<hbm>> -> memref<10000x128xf32, #tpu.memory_space<hbm>>
      tpu.wait_indirect_dma semaphore(%arg20 : memref<!tpu.dma_semaphore, #tpu.memory_space<semaphore_mem>>) src(%dma_wait3A_635 : memref<10000x128xf32, #tpu.memory_space<hbm>>) dst(%dma_wait3A_629 : memref<40x128xf32, #tpu.memory_space<vmem>>)
      %dma_start3A_636 = arith.constant 1 : i32
      %dma_start3A_637 = arith.constant 6 : i32
      %dma_start3A_638 = arith.constant 1 : i32
      %dma_start3A_639 = arith.constant 0 : i32
      %dma_start3A_640 = arith.constant 0 : i32
      %dma_start3A_641 = tpu.memref_slice %arg8[%dma_start3A_636, %dma_start3A_639, %dma_start3A_640] : memref<5x40x128xf32, #tpu.memory_space<vmem>> -> memref<1x40x128xf32, #tpu.memory_space<vmem>>
      %dma_start3A_642 = tpu.memref_squeeze %dma_start3A_641 : memref<1x40x128xf32, #tpu.memory_space<vmem>> -> memref<40x128xf32, #tpu.memory_space<vmem>>
      %dma_start3A_643 = arith.constant 0 : i32
      %dma_start3A_644 = tpu.memref_slice %arg7[%dma_start3A_637, %dma_start3A_638, %dma_start3A_643] : memref<10x2x40xi32, #tpu.memory_space<vmem>> -> memref<1x1x40xi32, #tpu.memory_space<vmem>>
      %dma_start3A_645 = tpu.memref_squeeze %dma_start3A_644 : memref<1x1x40xi32, #tpu.memory_space<vmem>> -> memref<40xi32, #tpu.memory_space<vmem>>
      %dma_start3A_646 = arith.constant 0 : i32
      %dma_start3A_647 = arith.constant 0 : i32
      %dma_start3A_648 = tpu.memref_slice %arg29[%dma_start3A_646, %dma_start3A_647] : memref<10240x128xf32, #tpu.memory_space<vmem_shared>> -> memref<10240x128xf32, #tpu.memory_space<vmem_shared>>
      tpu.enqueue_indirect_dma source(%dma_start3A_642 : memref<40x128xf32, #tpu.memory_space<vmem>>) target(%dma_start3A_648 : memref<10240x128xf32, #tpu.memory_space<vmem_shared>>) offsets(%dma_start3A_645 : memref<40xi32, #tpu.memory_space<vmem>>) semaphore(%arg25 : memref<!tpu.dma_semaphore, #tpu.memory_space<semaphore_mem>>) {add = true}
      %add3A_649 = arith.constant 5 : i32
      %add3A_650 = arith.addi %add3A_622, %add3A_649 : i32
      %lt3A_651 = arith.constant 250 : i32
      %lt3A_652 = arith.cmpi slt, %add3A_650, %lt3A_651 : i32
      %convert_element_type3A_653 = arith.extui %lt3A_652 : i1 to i32
      %cond3A_654 = arith.constant 0 : i32
      %cond3A_655 = arith.cmpi ne, %convert_element_type3A_653, %cond3A_654 : i32
      scf.if %cond3A_655 {
        %mul3A_789 = arith.constant 10000 : i32
        %mul3A_790 = arith.muli %add3A, %mul3A_789 : i32
        %mul3A_791 = arith.constant 40 : i32
        %mul3A_792 = arith.muli %add3A_650, %mul3A_791 : i32
        %add3A_793 = arith.addi %mul3A_790, %mul3A_792 : i32
        %dma_start3A_794 = arith.constant 1 : i32
        %dma_start3A_795 = arith.constant 0 : i32
        %dma_start3A_796 = arith.constant 0 : i32
        %dma_start3A_797 = tpu.memref_slice %arg7[%dma_start3A_794, %dma_start3A_795, %dma_start3A_796] : memref<10x2x40xi32, #tpu.memory_space<vmem>> -> memref<1x1x40xi32, #tpu.memory_space<vmem>>
        %dma_start3A_798 = tpu.memref_squeeze %dma_start3A_797 : memref<1x1x40xi32, #tpu.memory_space<vmem>> -> memref<40xi32, #tpu.memory_space<vmem>>
        %dma_start3A_799 = tpu.memref_slice %arg3[%add3A_793] : memref<320000xi32, #tpu.memory_space<hbm>> -> memref<40xi32, #tpu.memory_space<hbm>>
        %dma_start3A_800 = arith.constant 0 : i32
        %dma_start3A_801 = tpu.memref_slice %arg7[%dma_start3A_794, %dma_start3A_795, %dma_start3A_800] : memref<10x2x40xi32, #tpu.memory_space<vmem>> -> memref<1x1x40xi32, #tpu.memory_space<vmem>>
        %dma_start3A_802 = tpu.memref_squeeze %dma_start3A_801 : memref<1x1x40xi32, #tpu.memory_space<vmem>> -> memref<40xi32, #tpu.memory_space<vmem>>
        %dma_start3A_803 = tpu.memref_slice %arg3[%add3A_793] : memref<320000xi32, #tpu.memory_space<hbm>> -> memref<40xi32, #tpu.memory_space<hbm>>
        tpu.enqueue_dma source(%dma_start3A_803 : memref<40xi32, #tpu.memory_space<hbm>>) target(%dma_start3A_802 : memref<40xi32, #tpu.memory_space<vmem>>) target_semaphore(%arg10 : memref<!tpu.dma_semaphore, #tpu.memory_space<semaphore_mem>>)
        %dma_start3A_804 = arith.constant 1 : i32
        %dma_start3A_805 = arith.constant 1 : i32
        %dma_start3A_806 = arith.constant 0 : i32
        %dma_start3A_807 = tpu.memref_slice %arg7[%dma_start3A_804, %dma_start3A_805, %dma_start3A_806] : memref<10x2x40xi32, #tpu.memory_space<vmem>> -> memref<1x1x40xi32, #tpu.memory_space<vmem>>
        %dma_start3A_808 = tpu.memref_squeeze %dma_start3A_807 : memref<1x1x40xi32, #tpu.memory_space<vmem>> -> memref<40xi32, #tpu.memory_space<vmem>>
        %dma_start3A_809 = tpu.memref_slice %arg4[%add3A_793] : memref<320000xi32, #tpu.memory_space<hbm>> -> memref<40xi32, #tpu.memory_space<hbm>>
        %dma_start3A_810 = arith.constant 0 : i32
        %dma_start3A_811 = tpu.memref_slice %arg7[%dma_start3A_804, %dma_start3A_805, %dma_start3A_810] : memref<10x2x40xi32, #tpu.memory_space<vmem>> -> memref<1x1x40xi32, #tpu.memory_space<vmem>>
        %dma_start3A_812 = tpu.memref_squeeze %dma_start3A_811 : memref<1x1x40xi32, #tpu.memory_space<vmem>> -> memref<40xi32, #tpu.memory_space<vmem>>
        %dma_start3A_813 = tpu.memref_slice %arg4[%add3A_793] : memref<320000xi32, #tpu.memory_space<hbm>> -> memref<40xi32, #tpu.memory_space<hbm>>
        tpu.enqueue_dma source(%dma_start3A_813 : memref<40xi32, #tpu.memory_space<hbm>>) target(%dma_start3A_812 : memref<40xi32, #tpu.memory_space<vmem>>) target_semaphore(%arg10 : memref<!tpu.dma_semaphore, #tpu.memory_space<semaphore_mem>>)
      } else {
      }
      %add3A_656 = arith.constant 4 : i32
      %add3A_657 = arith.addi %add3A_622, %add3A_656 : i32
      %lt3A_658 = arith.constant 250 : i32
      %lt3A_659 = arith.cmpi slt, %add3A_657, %lt3A_658 : i32
      %convert_element_type3A_660 = arith.extui %lt3A_659 : i1 to i32
      %cond3A_661 = arith.constant 0 : i32
      %cond3A_662 = arith.cmpi ne, %convert_element_type3A_660, %cond3A_661 : i32
      scf.if %cond3A_662 {
        %ge3A = arith.constant 1 : i32
        %ge3A_789 = arith.cmpi sge, %add3A_622, %ge3A : i32
        %convert_element_type3A_790 = arith.extui %ge3A_789 : i1 to i32
        %cond3A_791 = arith.constant 0 : i32
        %cond3A_792 = arith.cmpi ne, %convert_element_type3A_790, %cond3A_791 : i32
        scf.if %cond3A_792 {
          %dma_wait3A_830 = arith.constant 0 : i32
          %dma_wait3A_831 = arith.constant 0 : i32
          %dma_wait3A_832 = arith.constant 0 : i32
          %dma_wait3A_833 = tpu.memref_slice %arg8[%dma_wait3A_830, %dma_wait3A_831, %dma_wait3A_832] : memref<5x40x128xf32, #tpu.memory_space<vmem>> -> memref<1x40x128xf32, #tpu.memory_space<vmem>>
          %dma_wait3A_834 = tpu.memref_squeeze %dma_wait3A_833 : memref<1x40x128xf32, #tpu.memory_space<vmem>> -> memref<40x128xf32, #tpu.memory_space<vmem>>
          %dma_wait3A_835 = arith.constant 0 : i32
          %dma_wait3A_836 = arith.constant 0 : i32
          %dma_wait3A_837 = tpu.memref_slice %arg29[%dma_wait3A_835, %dma_wait3A_836] : memref<10240x128xf32, #tpu.memory_space<vmem_shared>> -> memref<40x128xf32, #tpu.memory_space<vmem_shared>>
          %dma_wait3A_838 = arith.constant 0 : i32
          %dma_wait3A_839 = arith.constant 0 : i32
          %dma_wait3A_840 = tpu.memref_slice %arg29[%dma_wait3A_838, %dma_wait3A_839] : memref<10240x128xf32, #tpu.memory_space<vmem_shared>> -> memref<40x128xf32, #tpu.memory_space<vmem_shared>>
          %dma_wait3A_841 = arith.constant 0 : i32
          %dma_wait3A_842 = arith.constant 0 : i32
          %dma_wait3A_843 = tpu.memref_slice %arg8[%dma_wait3A_830, %dma_wait3A_841, %dma_wait3A_842] : memref<5x40x128xf32, #tpu.memory_space<vmem>> -> memref<1x40x128xf32, #tpu.memory_space<vmem>>
          %dma_wait3A_844 = tpu.memref_squeeze %dma_wait3A_843 : memref<1x40x128xf32, #tpu.memory_space<vmem>> -> memref<40x128xf32, #tpu.memory_space<vmem>>
          tpu.wait_dma2 semaphore(%arg24 : memref<!tpu.dma_semaphore, #tpu.memory_space<semaphore_mem>>) src(%dma_wait3A_844 : memref<40x128xf32, #tpu.memory_space<vmem>>) dst(%dma_wait3A_840 : memref<40x128xf32, #tpu.memory_space<vmem_shared>>)
        } else {
        }
        %dma_wait3A_793 = arith.constant 0 : i32
        %dma_wait3A_794 = arith.constant 0 : i32
        %dma_wait3A_795 = arith.constant 0 : i32
        %dma_wait3A_796 = tpu.memref_slice %arg7[%dma_wait3A_793, %dma_wait3A_794, %dma_wait3A_795] : memref<10x2x40xi32, #tpu.memory_space<vmem>> -> memref<1x1x40xi32, #tpu.memory_space<vmem>>
        %dma_wait3A_797 = tpu.memref_squeeze %dma_wait3A_796 : memref<1x1x40xi32, #tpu.memory_space<vmem>> -> memref<40xi32, #tpu.memory_space<vmem>>
        %dma_wait3A_798 = arith.constant 0 : i32
        %dma_wait3A_799 = tpu.memref_slice %arg3[%dma_wait3A_798] : memref<320000xi32, #tpu.memory_space<hbm>> -> memref<40xi32, #tpu.memory_space<hbm>>
        %dma_wait3A_800 = arith.constant 0 : i32
        %dma_wait3A_801 = tpu.memref_slice %arg7[%dma_wait3A_793, %dma_wait3A_794, %dma_wait3A_800] : memref<10x2x40xi32, #tpu.memory_space<vmem>> -> memref<1x1x40xi32, #tpu.memory_space<vmem>>
        %dma_wait3A_802 = tpu.memref_squeeze %dma_wait3A_801 : memref<1x1x40xi32, #tpu.memory_space<vmem>> -> memref<40xi32, #tpu.memory_space<vmem>>
        %dma_wait3A_803 = arith.constant 0 : i32
        %dma_wait3A_804 = tpu.memref_slice %arg3[%dma_wait3A_803] : memref<320000xi32, #tpu.memory_space<hbm>> -> memref<40xi32, #tpu.memory_space<hbm>>
        tpu.wait_dma2 semaphore(%arg9 : memref<!tpu.dma_semaphore, #tpu.memory_space<semaphore_mem>>) src(%dma_wait3A_804 : memref<40xi32, #tpu.memory_space<hbm>>) dst(%dma_wait3A_802 : memref<40xi32, #tpu.memory_space<vmem>>)
        %dma_wait3A_805 = arith.constant 0 : i32
        %dma_wait3A_806 = arith.constant 1 : i32
        %dma_wait3A_807 = arith.constant 0 : i32
        %dma_wait3A_808 = tpu.memref_slice %arg7[%dma_wait3A_805, %dma_wait3A_806, %dma_wait3A_807] : memref<10x2x40xi32, #tpu.memory_space<vmem>> -> memref<1x1x40xi32, #tpu.memory_space<vmem>>
        %dma_wait3A_809 = tpu.memref_squeeze %dma_wait3A_808 : memref<1x1x40xi32, #tpu.memory_space<vmem>> -> memref<40xi32, #tpu.memory_space<vmem>>
        %dma_wait3A_810 = arith.constant 0 : i32
        %dma_wait3A_811 = tpu.memref_slice %arg4[%dma_wait3A_810] : memref<320000xi32, #tpu.memory_space<hbm>> -> memref<40xi32, #tpu.memory_space<hbm>>
        %dma_wait3A_812 = arith.constant 0 : i32
        %dma_wait3A_813 = tpu.memref_slice %arg7[%dma_wait3A_805, %dma_wait3A_806, %dma_wait3A_812] : memref<10x2x40xi32, #tpu.memory_space<vmem>> -> memref<1x1x40xi32, #tpu.memory_space<vmem>>
        %dma_wait3A_814 = tpu.memref_squeeze %dma_wait3A_813 : memref<1x1x40xi32, #tpu.memory_space<vmem>> -> memref<40xi32, #tpu.memory_space<vmem>>
        %dma_wait3A_815 = arith.constant 0 : i32
        %dma_wait3A_816 = tpu.memref_slice %arg4[%dma_wait3A_815] : memref<320000xi32, #tpu.memory_space<hbm>> -> memref<40xi32, #tpu.memory_space<hbm>>
        tpu.wait_dma2 semaphore(%arg9 : memref<!tpu.dma_semaphore, #tpu.memory_space<semaphore_mem>>) src(%dma_wait3A_816 : memref<40xi32, #tpu.memory_space<hbm>>) dst(%dma_wait3A_814 : memref<40xi32, #tpu.memory_space<vmem>>)
        %dma_start3A_817 = arith.constant 0 : i32
        %dma_start3A_818 = arith.constant 0 : i32
        %dma_start3A_819 = arith.constant 0 : i32
        %dma_start3A_820 = arith.constant 0 : i32
        %dma_start3A_821 = arith.constant 0 : i32
        %dma_start3A_822 = tpu.memref_slice %arg8[%dma_start3A_819, %dma_start3A_820, %dma_start3A_821] : memref<5x40x128xf32, #tpu.memory_space<vmem>> -> memref<1x40x128xf32, #tpu.memory_space<vmem>>
        %dma_start3A_823 = tpu.memref_squeeze %dma_start3A_822 : memref<1x40x128xf32, #tpu.memory_space<vmem>> -> memref<40x128xf32, #tpu.memory_space<vmem>>
        %dma_start3A_824 = arith.constant 0 : i32
        %dma_start3A_825 = tpu.memref_slice %arg7[%dma_start3A_817, %dma_start3A_818, %dma_start3A_824] : memref<10x2x40xi32, #tpu.memory_space<vmem>> -> memref<1x1x40xi32, #tpu.memory_space<vmem>>
        %dma_start3A_826 = tpu.memref_squeeze %dma_start3A_825 : memref<1x1x40xi32, #tpu.memory_space<vmem>> -> memref<40xi32, #tpu.memory_space<vmem>>
        %dma_start3A_827 = arith.constant 0 : i32
        %dma_start3A_828 = arith.constant 0 : i32
        %dma_start3A_829 = tpu.memref_slice %arg2[%dma_start3A_827, %dma_start3A_828] : memref<10000x128xf32, #tpu.memory_space<hbm>> -> memref<10000x128xf32, #tpu.memory_space<hbm>>
        tpu.enqueue_indirect_dma source(%dma_start3A_829 : memref<10000x128xf32, #tpu.memory_space<hbm>>) target(%dma_start3A_823 : memref<40x128xf32, #tpu.memory_space<vmem>>) offsets(%dma_start3A_826 : memref<40xi32, #tpu.memory_space<vmem>>) semaphore(%arg19 : memref<!tpu.dma_semaphore, #tpu.memory_space<semaphore_mem>>)
      } else {
      }
      %add3A_663 = arith.constant 2 : i32
      %add3A_664 = arith.addi %mul3A_578, %add3A_663 : i32
      %dma_wait3A_665 = arith.constant 7 : i32
      %dma_wait3A_666 = arith.constant 0 : i32
      %dma_wait3A_667 = arith.constant 2 : i32
      %dma_wait3A_668 = arith.constant 0 : i32
      %dma_wait3A_669 = arith.constant 0 : i32
      %dma_wait3A_670 = tpu.memref_slice %arg8[%dma_wait3A_667, %dma_wait3A_668, %dma_wait3A_669] : memref<5x40x128xf32, #tpu.memory_space<vmem>> -> memref<1x40x128xf32, #tpu.memory_space<vmem>>
      %dma_wait3A_671 = tpu.memref_squeeze %dma_wait3A_670 : memref<1x40x128xf32, #tpu.memory_space<vmem>> -> memref<40x128xf32, #tpu.memory_space<vmem>>
      %dma_wait3A_672 = arith.constant 0 : i32
      %dma_wait3A_673 = tpu.memref_slice %arg7[%dma_wait3A_665, %dma_wait3A_666, %dma_wait3A_672] : memref<10x2x40xi32, #tpu.memory_space<vmem>> -> memref<1x1x40xi32, #tpu.memory_space<vmem>>
      %dma_wait3A_674 = tpu.memref_squeeze %dma_wait3A_673 : memref<1x1x40xi32, #tpu.memory_space<vmem>> -> memref<40xi32, #tpu.memory_space<vmem>>
      %dma_wait3A_675 = arith.constant 0 : i32
      %dma_wait3A_676 = arith.constant 0 : i32
      %dma_wait3A_677 = tpu.memref_slice %arg2[%dma_wait3A_675, %dma_wait3A_676] : memref<10000x128xf32, #tpu.memory_space<hbm>> -> memref<10000x128xf32, #tpu.memory_space<hbm>>
      tpu.wait_indirect_dma semaphore(%arg21 : memref<!tpu.dma_semaphore, #tpu.memory_space<semaphore_mem>>) src(%dma_wait3A_677 : memref<10000x128xf32, #tpu.memory_space<hbm>>) dst(%dma_wait3A_671 : memref<40x128xf32, #tpu.memory_space<vmem>>)
      %dma_start3A_678 = arith.constant 2 : i32
      %dma_start3A_679 = arith.constant 7 : i32
      %dma_start3A_680 = arith.constant 1 : i32
      %dma_start3A_681 = arith.constant 0 : i32
      %dma_start3A_682 = arith.constant 0 : i32
      %dma_start3A_683 = tpu.memref_slice %arg8[%dma_start3A_678, %dma_start3A_681, %dma_start3A_682] : memref<5x40x128xf32, #tpu.memory_space<vmem>> -> memref<1x40x128xf32, #tpu.memory_space<vmem>>
      %dma_start3A_684 = tpu.memref_squeeze %dma_start3A_683 : memref<1x40x128xf32, #tpu.memory_space<vmem>> -> memref<40x128xf32, #tpu.memory_space<vmem>>
      %dma_start3A_685 = arith.constant 0 : i32
      %dma_start3A_686 = tpu.memref_slice %arg7[%dma_start3A_679, %dma_start3A_680, %dma_start3A_685] : memref<10x2x40xi32, #tpu.memory_space<vmem>> -> memref<1x1x40xi32, #tpu.memory_space<vmem>>
      %dma_start3A_687 = tpu.memref_squeeze %dma_start3A_686 : memref<1x1x40xi32, #tpu.memory_space<vmem>> -> memref<40xi32, #tpu.memory_space<vmem>>
      %dma_start3A_688 = arith.constant 0 : i32
      %dma_start3A_689 = arith.constant 0 : i32
      %dma_start3A_690 = tpu.memref_slice %arg29[%dma_start3A_688, %dma_start3A_689] : memref<10240x128xf32, #tpu.memory_space<vmem_shared>> -> memref<10240x128xf32, #tpu.memory_space<vmem_shared>>
      tpu.enqueue_indirect_dma source(%dma_start3A_684 : memref<40x128xf32, #tpu.memory_space<vmem>>) target(%dma_start3A_690 : memref<10240x128xf32, #tpu.memory_space<vmem_shared>>) offsets(%dma_start3A_687 : memref<40xi32, #tpu.memory_space<vmem>>) semaphore(%arg26 : memref<!tpu.dma_semaphore, #tpu.memory_space<semaphore_mem>>) {add = true}
      %add3A_691 = arith.constant 5 : i32
      %add3A_692 = arith.addi %add3A_664, %add3A_691 : i32
      %lt3A_693 = arith.constant 250 : i32
      %lt3A_694 = arith.cmpi slt, %add3A_692, %lt3A_693 : i32
      %convert_element_type3A_695 = arith.extui %lt3A_694 : i1 to i32
      %cond3A_696 = arith.constant 0 : i32
      %cond3A_697 = arith.cmpi ne, %convert_element_type3A_695, %cond3A_696 : i32
      scf.if %cond3A_697 {
        %mul3A_789 = arith.constant 10000 : i32
        %mul3A_790 = arith.muli %add3A, %mul3A_789 : i32
        %mul3A_791 = arith.constant 40 : i32
        %mul3A_792 = arith.muli %add3A_692, %mul3A_791 : i32
        %add3A_793 = arith.addi %mul3A_790, %mul3A_792 : i32
        %dma_start3A_794 = arith.constant 2 : i32
        %dma_start3A_795 = arith.constant 0 : i32
        %dma_start3A_796 = arith.constant 0 : i32
        %dma_start3A_797 = tpu.memref_slice %arg7[%dma_start3A_794, %dma_start3A_795, %dma_start3A_796] : memref<10x2x40xi32, #tpu.memory_space<vmem>> -> memref<1x1x40xi32, #tpu.memory_space<vmem>>
        %dma_start3A_798 = tpu.memref_squeeze %dma_start3A_797 : memref<1x1x40xi32, #tpu.memory_space<vmem>> -> memref<40xi32, #tpu.memory_space<vmem>>
        %dma_start3A_799 = tpu.memref_slice %arg3[%add3A_793] : memref<320000xi32, #tpu.memory_space<hbm>> -> memref<40xi32, #tpu.memory_space<hbm>>
        %dma_start3A_800 = arith.constant 0 : i32
        %dma_start3A_801 = tpu.memref_slice %arg7[%dma_start3A_794, %dma_start3A_795, %dma_start3A_800] : memref<10x2x40xi32, #tpu.memory_space<vmem>> -> memref<1x1x40xi32, #tpu.memory_space<vmem>>
        %dma_start3A_802 = tpu.memref_squeeze %dma_start3A_801 : memref<1x1x40xi32, #tpu.memory_space<vmem>> -> memref<40xi32, #tpu.memory_space<vmem>>
        %dma_start3A_803 = tpu.memref_slice %arg3[%add3A_793] : memref<320000xi32, #tpu.memory_space<hbm>> -> memref<40xi32, #tpu.memory_space<hbm>>
        tpu.enqueue_dma source(%dma_start3A_803 : memref<40xi32, #tpu.memory_space<hbm>>) target(%dma_start3A_802 : memref<40xi32, #tpu.memory_space<vmem>>) target_semaphore(%arg11 : memref<!tpu.dma_semaphore, #tpu.memory_space<semaphore_mem>>)
        %dma_start3A_804 = arith.constant 2 : i32
        %dma_start3A_805 = arith.constant 1 : i32
        %dma_start3A_806 = arith.constant 0 : i32
        %dma_start3A_807 = tpu.memref_slice %arg7[%dma_start3A_804, %dma_start3A_805, %dma_start3A_806] : memref<10x2x40xi32, #tpu.memory_space<vmem>> -> memref<1x1x40xi32, #tpu.memory_space<vmem>>
        %dma_start3A_808 = tpu.memref_squeeze %dma_start3A_807 : memref<1x1x40xi32, #tpu.memory_space<vmem>> -> memref<40xi32, #tpu.memory_space<vmem>>
        %dma_start3A_809 = tpu.memref_slice %arg4[%add3A_793] : memref<320000xi32, #tpu.memory_space<hbm>> -> memref<40xi32, #tpu.memory_space<hbm>>
        %dma_start3A_810 = arith.constant 0 : i32
        %dma_start3A_811 = tpu.memref_slice %arg7[%dma_start3A_804, %dma_start3A_805, %dma_start3A_810] : memref<10x2x40xi32, #tpu.memory_space<vmem>> -> memref<1x1x40xi32, #tpu.memory_space<vmem>>
        %dma_start3A_812 = tpu.memref_squeeze %dma_start3A_811 : memref<1x1x40xi32, #tpu.memory_space<vmem>> -> memref<40xi32, #tpu.memory_space<vmem>>
        %dma_start3A_813 = tpu.memref_slice %arg4[%add3A_793] : memref<320000xi32, #tpu.memory_space<hbm>> -> memref<40xi32, #tpu.memory_space<hbm>>
        tpu.enqueue_dma source(%dma_start3A_813 : memref<40xi32, #tpu.memory_space<hbm>>) target(%dma_start3A_812 : memref<40xi32, #tpu.memory_space<vmem>>) target_semaphore(%arg11 : memref<!tpu.dma_semaphore, #tpu.memory_space<semaphore_mem>>)
      } else {
      }
      %add3A_698 = arith.constant 4 : i32
      %add3A_699 = arith.addi %add3A_664, %add3A_698 : i32
      %lt3A_700 = arith.constant 250 : i32
      %lt3A_701 = arith.cmpi slt, %add3A_699, %lt3A_700 : i32
      %convert_element_type3A_702 = arith.extui %lt3A_701 : i1 to i32
      %cond3A_703 = arith.constant 0 : i32
      %cond3A_704 = arith.cmpi ne, %convert_element_type3A_702, %cond3A_703 : i32
      scf.if %cond3A_704 {
        %ge3A = arith.constant 1 : i32
        %ge3A_789 = arith.cmpi sge, %add3A_664, %ge3A : i32
        %convert_element_type3A_790 = arith.extui %ge3A_789 : i1 to i32
        %cond3A_791 = arith.constant 0 : i32
        %cond3A_792 = arith.cmpi ne, %convert_element_type3A_790, %cond3A_791 : i32
        scf.if %cond3A_792 {
          %dma_wait3A_830 = arith.constant 1 : i32
          %dma_wait3A_831 = arith.constant 0 : i32
          %dma_wait3A_832 = arith.constant 0 : i32
          %dma_wait3A_833 = tpu.memref_slice %arg8[%dma_wait3A_830, %dma_wait3A_831, %dma_wait3A_832] : memref<5x40x128xf32, #tpu.memory_space<vmem>> -> memref<1x40x128xf32, #tpu.memory_space<vmem>>
          %dma_wait3A_834 = tpu.memref_squeeze %dma_wait3A_833 : memref<1x40x128xf32, #tpu.memory_space<vmem>> -> memref<40x128xf32, #tpu.memory_space<vmem>>
          %dma_wait3A_835 = arith.constant 0 : i32
          %dma_wait3A_836 = arith.constant 0 : i32
          %dma_wait3A_837 = tpu.memref_slice %arg29[%dma_wait3A_835, %dma_wait3A_836] : memref<10240x128xf32, #tpu.memory_space<vmem_shared>> -> memref<40x128xf32, #tpu.memory_space<vmem_shared>>
          %dma_wait3A_838 = arith.constant 0 : i32
          %dma_wait3A_839 = arith.constant 0 : i32
          %dma_wait3A_840 = tpu.memref_slice %arg29[%dma_wait3A_838, %dma_wait3A_839] : memref<10240x128xf32, #tpu.memory_space<vmem_shared>> -> memref<40x128xf32, #tpu.memory_space<vmem_shared>>
          %dma_wait3A_841 = arith.constant 0 : i32
          %dma_wait3A_842 = arith.constant 0 : i32
          %dma_wait3A_843 = tpu.memref_slice %arg8[%dma_wait3A_830, %dma_wait3A_841, %dma_wait3A_842] : memref<5x40x128xf32, #tpu.memory_space<vmem>> -> memref<1x40x128xf32, #tpu.memory_space<vmem>>
          %dma_wait3A_844 = tpu.memref_squeeze %dma_wait3A_843 : memref<1x40x128xf32, #tpu.memory_space<vmem>> -> memref<40x128xf32, #tpu.memory_space<vmem>>
          tpu.wait_dma2 semaphore(%arg25 : memref<!tpu.dma_semaphore, #tpu.memory_space<semaphore_mem>>) src(%dma_wait3A_844 : memref<40x128xf32, #tpu.memory_space<vmem>>) dst(%dma_wait3A_840 : memref<40x128xf32, #tpu.memory_space<vmem_shared>>)
        } else {
        }
        %dma_wait3A_793 = arith.constant 1 : i32
        %dma_wait3A_794 = arith.constant 0 : i32
        %dma_wait3A_795 = arith.constant 0 : i32
        %dma_wait3A_796 = tpu.memref_slice %arg7[%dma_wait3A_793, %dma_wait3A_794, %dma_wait3A_795] : memref<10x2x40xi32, #tpu.memory_space<vmem>> -> memref<1x1x40xi32, #tpu.memory_space<vmem>>
        %dma_wait3A_797 = tpu.memref_squeeze %dma_wait3A_796 : memref<1x1x40xi32, #tpu.memory_space<vmem>> -> memref<40xi32, #tpu.memory_space<vmem>>
        %dma_wait3A_798 = arith.constant 0 : i32
        %dma_wait3A_799 = tpu.memref_slice %arg3[%dma_wait3A_798] : memref<320000xi32, #tpu.memory_space<hbm>> -> memref<40xi32, #tpu.memory_space<hbm>>
        %dma_wait3A_800 = arith.constant 0 : i32
        %dma_wait3A_801 = tpu.memref_slice %arg7[%dma_wait3A_793, %dma_wait3A_794, %dma_wait3A_800] : memref<10x2x40xi32, #tpu.memory_space<vmem>> -> memref<1x1x40xi32, #tpu.memory_space<vmem>>
        %dma_wait3A_802 = tpu.memref_squeeze %dma_wait3A_801 : memref<1x1x40xi32, #tpu.memory_space<vmem>> -> memref<40xi32, #tpu.memory_space<vmem>>
        %dma_wait3A_803 = arith.constant 0 : i32
        %dma_wait3A_804 = tpu.memref_slice %arg3[%dma_wait3A_803] : memref<320000xi32, #tpu.memory_space<hbm>> -> memref<40xi32, #tpu.memory_space<hbm>>
        tpu.wait_dma2 semaphore(%arg10 : memref<!tpu.dma_semaphore, #tpu.memory_space<semaphore_mem>>) src(%dma_wait3A_804 : memref<40xi32, #tpu.memory_space<hbm>>) dst(%dma_wait3A_802 : memref<40xi32, #tpu.memory_space<vmem>>)
        %dma_wait3A_805 = arith.constant 1 : i32
        %dma_wait3A_806 = arith.constant 1 : i32
        %dma_wait3A_807 = arith.constant 0 : i32
        %dma_wait3A_808 = tpu.memref_slice %arg7[%dma_wait3A_805, %dma_wait3A_806, %dma_wait3A_807] : memref<10x2x40xi32, #tpu.memory_space<vmem>> -> memref<1x1x40xi32, #tpu.memory_space<vmem>>
        %dma_wait3A_809 = tpu.memref_squeeze %dma_wait3A_808 : memref<1x1x40xi32, #tpu.memory_space<vmem>> -> memref<40xi32, #tpu.memory_space<vmem>>
        %dma_wait3A_810 = arith.constant 0 : i32
        %dma_wait3A_811 = tpu.memref_slice %arg4[%dma_wait3A_810] : memref<320000xi32, #tpu.memory_space<hbm>> -> memref<40xi32, #tpu.memory_space<hbm>>
        %dma_wait3A_812 = arith.constant 0 : i32
        %dma_wait3A_813 = tpu.memref_slice %arg7[%dma_wait3A_805, %dma_wait3A_806, %dma_wait3A_812] : memref<10x2x40xi32, #tpu.memory_space<vmem>> -> memref<1x1x40xi32, #tpu.memory_space<vmem>>
        %dma_wait3A_814 = tpu.memref_squeeze %dma_wait3A_813 : memref<1x1x40xi32, #tpu.memory_space<vmem>> -> memref<40xi32, #tpu.memory_space<vmem>>
        %dma_wait3A_815 = arith.constant 0 : i32
        %dma_wait3A_816 = tpu.memref_slice %arg4[%dma_wait3A_815] : memref<320000xi32, #tpu.memory_space<hbm>> -> memref<40xi32, #tpu.memory_space<hbm>>
        tpu.wait_dma2 semaphore(%arg10 : memref<!tpu.dma_semaphore, #tpu.memory_space<semaphore_mem>>) src(%dma_wait3A_816 : memref<40xi32, #tpu.memory_space<hbm>>) dst(%dma_wait3A_814 : memref<40xi32, #tpu.memory_space<vmem>>)
        %dma_start3A_817 = arith.constant 1 : i32
        %dma_start3A_818 = arith.constant 0 : i32
        %dma_start3A_819 = arith.constant 1 : i32
        %dma_start3A_820 = arith.constant 0 : i32
        %dma_start3A_821 = arith.constant 0 : i32
        %dma_start3A_822 = tpu.memref_slice %arg8[%dma_start3A_819, %dma_start3A_820, %dma_start3A_821] : memref<5x40x128xf32, #tpu.memory_space<vmem>> -> memref<1x40x128xf32, #tpu.memory_space<vmem>>
        %dma_start3A_823 = tpu.memref_squeeze %dma_start3A_822 : memref<1x40x128xf32, #tpu.memory_space<vmem>> -> memref<40x128xf32, #tpu.memory_space<vmem>>
        %dma_start3A_824 = arith.constant 0 : i32
        %dma_start3A_825 = tpu.memref_slice %arg7[%dma_start3A_817, %dma_start3A_818, %dma_start3A_824] : memref<10x2x40xi32, #tpu.memory_space<vmem>> -> memref<1x1x40xi32, #tpu.memory_space<vmem>>
        %dma_start3A_826 = tpu.memref_squeeze %dma_start3A_825 : memref<1x1x40xi32, #tpu.memory_space<vmem>> -> memref<40xi32, #tpu.memory_space<vmem>>
        %dma_start3A_827 = arith.constant 0 : i32
        %dma_start3A_828 = arith.constant 0 : i32
        %dma_start3A_829 = tpu.memref_slice %arg2[%dma_start3A_827, %dma_start3A_828] : memref<10000x128xf32, #tpu.memory_space<hbm>> -> memref<10000x128xf32, #tpu.memory_space<hbm>>
        tpu.enqueue_indirect_dma source(%dma_start3A_829 : memref<10000x128xf32, #tpu.memory_space<hbm>>) target(%dma_start3A_823 : memref<40x128xf32, #tpu.memory_space<vmem>>) offsets(%dma_start3A_826 : memref<40xi32, #tpu.memory_space<vmem>>) semaphore(%arg20 : memref<!tpu.dma_semaphore, #tpu.memory_space<semaphore_mem>>)
      } else {
      }
      %add3A_705 = arith.constant 3 : i32
      %add3A_706 = arith.addi %mul3A_578, %add3A_705 : i32
      %dma_wait3A_707 = arith.constant 8 : i32
      %dma_wait3A_708 = arith.constant 0 : i32
      %dma_wait3A_709 = arith.constant 3 : i32
      %dma_wait3A_710 = arith.constant 0 : i32
      %dma_wait3A_711 = arith.constant 0 : i32
      %dma_wait3A_712 = tpu.memref_slice %arg8[%dma_wait3A_709, %dma_wait3A_710, %dma_wait3A_711] : memref<5x40x128xf32, #tpu.memory_space<vmem>> -> memref<1x40x128xf32, #tpu.memory_space<vmem>>
      %dma_wait3A_713 = tpu.memref_squeeze %dma_wait3A_712 : memref<1x40x128xf32, #tpu.memory_space<vmem>> -> memref<40x128xf32, #tpu.memory_space<vmem>>
      %dma_wait3A_714 = arith.constant 0 : i32
      %dma_wait3A_715 = tpu.memref_slice %arg7[%dma_wait3A_707, %dma_wait3A_708, %dma_wait3A_714] : memref<10x2x40xi32, #tpu.memory_space<vmem>> -> memref<1x1x40xi32, #tpu.memory_space<vmem>>
      %dma_wait3A_716 = tpu.memref_squeeze %dma_wait3A_715 : memref<1x1x40xi32, #tpu.memory_space<vmem>> -> memref<40xi32, #tpu.memory_space<vmem>>
      %dma_wait3A_717 = arith.constant 0 : i32
      %dma_wait3A_718 = arith.constant 0 : i32
      %dma_wait3A_719 = tpu.memref_slice %arg2[%dma_wait3A_717, %dma_wait3A_718] : memref<10000x128xf32, #tpu.memory_space<hbm>> -> memref<10000x128xf32, #tpu.memory_space<hbm>>
      tpu.wait_indirect_dma semaphore(%arg22 : memref<!tpu.dma_semaphore, #tpu.memory_space<semaphore_mem>>) src(%dma_wait3A_719 : memref<10000x128xf32, #tpu.memory_space<hbm>>) dst(%dma_wait3A_713 : memref<40x128xf32, #tpu.memory_space<vmem>>)
      %dma_start3A_720 = arith.constant 3 : i32
      %dma_start3A_721 = arith.constant 8 : i32
      %dma_start3A_722 = arith.constant 1 : i32
      %dma_start3A_723 = arith.constant 0 : i32
      %dma_start3A_724 = arith.constant 0 : i32
      %dma_start3A_725 = tpu.memref_slice %arg8[%dma_start3A_720, %dma_start3A_723, %dma_start3A_724] : memref<5x40x128xf32, #tpu.memory_space<vmem>> -> memref<1x40x128xf32, #tpu.memory_space<vmem>>
      %dma_start3A_726 = tpu.memref_squeeze %dma_start3A_725 : memref<1x40x128xf32, #tpu.memory_space<vmem>> -> memref<40x128xf32, #tpu.memory_space<vmem>>
      %dma_start3A_727 = arith.constant 0 : i32
      %dma_start3A_728 = tpu.memref_slice %arg7[%dma_start3A_721, %dma_start3A_722, %dma_start3A_727] : memref<10x2x40xi32, #tpu.memory_space<vmem>> -> memref<1x1x40xi32, #tpu.memory_space<vmem>>
      %dma_start3A_729 = tpu.memref_squeeze %dma_start3A_728 : memref<1x1x40xi32, #tpu.memory_space<vmem>> -> memref<40xi32, #tpu.memory_space<vmem>>
      %dma_start3A_730 = arith.constant 0 : i32
      %dma_start3A_731 = arith.constant 0 : i32
      %dma_start3A_732 = tpu.memref_slice %arg29[%dma_start3A_730, %dma_start3A_731] : memref<10240x128xf32, #tpu.memory_space<vmem_shared>> -> memref<10240x128xf32, #tpu.memory_space<vmem_shared>>
      tpu.enqueue_indirect_dma source(%dma_start3A_726 : memref<40x128xf32, #tpu.memory_space<vmem>>) target(%dma_start3A_732 : memref<10240x128xf32, #tpu.memory_space<vmem_shared>>) offsets(%dma_start3A_729 : memref<40xi32, #tpu.memory_space<vmem>>) semaphore(%arg27 : memref<!tpu.dma_semaphore, #tpu.memory_space<semaphore_mem>>) {add = true}
      %add3A_733 = arith.constant 5 : i32
      %add3A_734 = arith.addi %add3A_706, %add3A_733 : i32
      %lt3A_735 = arith.constant 250 : i32
      %lt3A_736 = arith.cmpi slt, %add3A_734, %lt3A_735 : i32
      %convert_element_type3A_737 = arith.extui %lt3A_736 : i1 to i32
      %cond3A_738 = arith.constant 0 : i32
      %cond3A_739 = arith.cmpi ne, %convert_element_type3A_737, %cond3A_738 : i32
      scf.if %cond3A_739 {
        %mul3A_789 = arith.constant 10000 : i32
        %mul3A_790 = arith.muli %add3A, %mul3A_789 : i32
        %mul3A_791 = arith.constant 40 : i32
        %mul3A_792 = arith.muli %add3A_734, %mul3A_791 : i32
        %add3A_793 = arith.addi %mul3A_790, %mul3A_792 : i32
        %dma_start3A_794 = arith.constant 3 : i32
        %dma_start3A_795 = arith.constant 0 : i32
        %dma_start3A_796 = arith.constant 0 : i32
        %dma_start3A_797 = tpu.memref_slice %arg7[%dma_start3A_794, %dma_start3A_795, %dma_start3A_796] : memref<10x2x40xi32, #tpu.memory_space<vmem>> -> memref<1x1x40xi32, #tpu.memory_space<vmem>>
        %dma_start3A_798 = tpu.memref_squeeze %dma_start3A_797 : memref<1x1x40xi32, #tpu.memory_space<vmem>> -> memref<40xi32, #tpu.memory_space<vmem>>
        %dma_start3A_799 = tpu.memref_slice %arg3[%add3A_793] : memref<320000xi32, #tpu.memory_space<hbm>> -> memref<40xi32, #tpu.memory_space<hbm>>
        %dma_start3A_800 = arith.constant 0 : i32
        %dma_start3A_801 = tpu.memref_slice %arg7[%dma_start3A_794, %dma_start3A_795, %dma_start3A_800] : memref<10x2x40xi32, #tpu.memory_space<vmem>> -> memref<1x1x40xi32, #tpu.memory_space<vmem>>
        %dma_start3A_802 = tpu.memref_squeeze %dma_start3A_801 : memref<1x1x40xi32, #tpu.memory_space<vmem>> -> memref<40xi32, #tpu.memory_space<vmem>>
        %dma_start3A_803 = tpu.memref_slice %arg3[%add3A_793] : memref<320000xi32, #tpu.memory_space<hbm>> -> memref<40xi32, #tpu.memory_space<hbm>>
        tpu.enqueue_dma source(%dma_start3A_803 : memref<40xi32, #tpu.memory_space<hbm>>) target(%dma_start3A_802 : memref<40xi32, #tpu.memory_space<vmem>>) target_semaphore(%arg12 : memref<!tpu.dma_semaphore, #tpu.memory_space<semaphore_mem>>)
        %dma_start3A_804 = arith.constant 3 : i32
        %dma_start3A_805 = arith.constant 1 : i32
        %dma_start3A_806 = arith.constant 0 : i32
        %dma_start3A_807 = tpu.memref_slice %arg7[%dma_start3A_804, %dma_start3A_805, %dma_start3A_806] : memref<10x2x40xi32, #tpu.memory_space<vmem>> -> memref<1x1x40xi32, #tpu.memory_space<vmem>>
        %dma_start3A_808 = tpu.memref_squeeze %dma_start3A_807 : memref<1x1x40xi32, #tpu.memory_space<vmem>> -> memref<40xi32, #tpu.memory_space<vmem>>
        %dma_start3A_809 = tpu.memref_slice %arg4[%add3A_793] : memref<320000xi32, #tpu.memory_space<hbm>> -> memref<40xi32, #tpu.memory_space<hbm>>
        %dma_start3A_810 = arith.constant 0 : i32
        %dma_start3A_811 = tpu.memref_slice %arg7[%dma_start3A_804, %dma_start3A_805, %dma_start3A_810] : memref<10x2x40xi32, #tpu.memory_space<vmem>> -> memref<1x1x40xi32, #tpu.memory_space<vmem>>
        %dma_start3A_812 = tpu.memref_squeeze %dma_start3A_811 : memref<1x1x40xi32, #tpu.memory_space<vmem>> -> memref<40xi32, #tpu.memory_space<vmem>>
        %dma_start3A_813 = tpu.memref_slice %arg4[%add3A_793] : memref<320000xi32, #tpu.memory_space<hbm>> -> memref<40xi32, #tpu.memory_space<hbm>>
        tpu.enqueue_dma source(%dma_start3A_813 : memref<40xi32, #tpu.memory_space<hbm>>) target(%dma_start3A_812 : memref<40xi32, #tpu.memory_space<vmem>>) target_semaphore(%arg12 : memref<!tpu.dma_semaphore, #tpu.memory_space<semaphore_mem>>)
      } else {
      }
      %add3A_740 = arith.constant 4 : i32
      %add3A_741 = arith.addi %add3A_706, %add3A_740 : i32
      %lt3A_742 = arith.constant 250 : i32
      %lt3A_743 = arith.cmpi slt, %add3A_741, %lt3A_742 : i32
      %convert_element_type3A_744 = arith.extui %lt3A_743 : i1 to i32
      %cond3A_745 = arith.constant 0 : i32
      %cond3A_746 = arith.cmpi ne, %convert_element_type3A_744, %cond3A_745 : i32
      scf.if %cond3A_746 {
        %ge3A = arith.constant 1 : i32
        %ge3A_789 = arith.cmpi sge, %add3A_706, %ge3A : i32
        %convert_element_type3A_790 = arith.extui %ge3A_789 : i1 to i32
        %cond3A_791 = arith.constant 0 : i32
        %cond3A_792 = arith.cmpi ne, %convert_element_type3A_790, %cond3A_791 : i32
        scf.if %cond3A_792 {
          %dma_wait3A_830 = arith.constant 2 : i32
          %dma_wait3A_831 = arith.constant 0 : i32
          %dma_wait3A_832 = arith.constant 0 : i32
          %dma_wait3A_833 = tpu.memref_slice %arg8[%dma_wait3A_830, %dma_wait3A_831, %dma_wait3A_832] : memref<5x40x128xf32, #tpu.memory_space<vmem>> -> memref<1x40x128xf32, #tpu.memory_space<vmem>>
          %dma_wait3A_834 = tpu.memref_squeeze %dma_wait3A_833 : memref<1x40x128xf32, #tpu.memory_space<vmem>> -> memref<40x128xf32, #tpu.memory_space<vmem>>
          %dma_wait3A_835 = arith.constant 0 : i32
          %dma_wait3A_836 = arith.constant 0 : i32
          %dma_wait3A_837 = tpu.memref_slice %arg29[%dma_wait3A_835, %dma_wait3A_836] : memref<10240x128xf32, #tpu.memory_space<vmem_shared>> -> memref<40x128xf32, #tpu.memory_space<vmem_shared>>
          %dma_wait3A_838 = arith.constant 0 : i32
          %dma_wait3A_839 = arith.constant 0 : i32
          %dma_wait3A_840 = tpu.memref_slice %arg29[%dma_wait3A_838, %dma_wait3A_839] : memref<10240x128xf32, #tpu.memory_space<vmem_shared>> -> memref<40x128xf32, #tpu.memory_space<vmem_shared>>
          %dma_wait3A_841 = arith.constant 0 : i32
          %dma_wait3A_842 = arith.constant 0 : i32
          %dma_wait3A_843 = tpu.memref_slice %arg8[%dma_wait3A_830, %dma_wait3A_841, %dma_wait3A_842] : memref<5x40x128xf32, #tpu.memory_space<vmem>> -> memref<1x40x128xf32, #tpu.memory_space<vmem>>
          %dma_wait3A_844 = tpu.memref_squeeze %dma_wait3A_843 : memref<1x40x128xf32, #tpu.memory_space<vmem>> -> memref<40x128xf32, #tpu.memory_space<vmem>>
          tpu.wait_dma2 semaphore(%arg26 : memref<!tpu.dma_semaphore, #tpu.memory_space<semaphore_mem>>) src(%dma_wait3A_844 : memref<40x128xf32, #tpu.memory_space<vmem>>) dst(%dma_wait3A_840 : memref<40x128xf32, #tpu.memory_space<vmem_shared>>)
        } else {
        }
        %dma_wait3A_793 = arith.constant 2 : i32
        %dma_wait3A_794 = arith.constant 0 : i32
        %dma_wait3A_795 = arith.constant 0 : i32
        %dma_wait3A_796 = tpu.memref_slice %arg7[%dma_wait3A_793, %dma_wait3A_794, %dma_wait3A_795] : memref<10x2x40xi32, #tpu.memory_space<vmem>> -> memref<1x1x40xi32, #tpu.memory_space<vmem>>
        %dma_wait3A_797 = tpu.memref_squeeze %dma_wait3A_796 : memref<1x1x40xi32, #tpu.memory_space<vmem>> -> memref<40xi32, #tpu.memory_space<vmem>>
        %dma_wait3A_798 = arith.constant 0 : i32
        %dma_wait3A_799 = tpu.memref_slice %arg3[%dma_wait3A_798] : memref<320000xi32, #tpu.memory_space<hbm>> -> memref<40xi32, #tpu.memory_space<hbm>>
        %dma_wait3A_800 = arith.constant 0 : i32
        %dma_wait3A_801 = tpu.memref_slice %arg7[%dma_wait3A_793, %dma_wait3A_794, %dma_wait3A_800] : memref<10x2x40xi32, #tpu.memory_space<vmem>> -> memref<1x1x40xi32, #tpu.memory_space<vmem>>
        %dma_wait3A_802 = tpu.memref_squeeze %dma_wait3A_801 : memref<1x1x40xi32, #tpu.memory_space<vmem>> -> memref<40xi32, #tpu.memory_space<vmem>>
        %dma_wait3A_803 = arith.constant 0 : i32
        %dma_wait3A_804 = tpu.memref_slice %arg3[%dma_wait3A_803] : memref<320000xi32, #tpu.memory_space<hbm>> -> memref<40xi32, #tpu.memory_space<hbm>>
        tpu.wait_dma2 semaphore(%arg11 : memref<!tpu.dma_semaphore, #tpu.memory_space<semaphore_mem>>) src(%dma_wait3A_804 : memref<40xi32, #tpu.memory_space<hbm>>) dst(%dma_wait3A_802 : memref<40xi32, #tpu.memory_space<vmem>>)
        %dma_wait3A_805 = arith.constant 2 : i32
        %dma_wait3A_806 = arith.constant 1 : i32
        %dma_wait3A_807 = arith.constant 0 : i32
        %dma_wait3A_808 = tpu.memref_slice %arg7[%dma_wait3A_805, %dma_wait3A_806, %dma_wait3A_807] : memref<10x2x40xi32, #tpu.memory_space<vmem>> -> memref<1x1x40xi32, #tpu.memory_space<vmem>>
        %dma_wait3A_809 = tpu.memref_squeeze %dma_wait3A_808 : memref<1x1x40xi32, #tpu.memory_space<vmem>> -> memref<40xi32, #tpu.memory_space<vmem>>
        %dma_wait3A_810 = arith.constant 0 : i32
        %dma_wait3A_811 = tpu.memref_slice %arg4[%dma_wait3A_810] : memref<320000xi32, #tpu.memory_space<hbm>> -> memref<40xi32, #tpu.memory_space<hbm>>
        %dma_wait3A_812 = arith.constant 0 : i32
        %dma_wait3A_813 = tpu.memref_slice %arg7[%dma_wait3A_805, %dma_wait3A_806, %dma_wait3A_812] : memref<10x2x40xi32, #tpu.memory_space<vmem>> -> memref<1x1x40xi32, #tpu.memory_space<vmem>>
        %dma_wait3A_814 = tpu.memref_squeeze %dma_wait3A_813 : memref<1x1x40xi32, #tpu.memory_space<vmem>> -> memref<40xi32, #tpu.memory_space<vmem>>
        %dma_wait3A_815 = arith.constant 0 : i32
        %dma_wait3A_816 = tpu.memref_slice %arg4[%dma_wait3A_815] : memref<320000xi32, #tpu.memory_space<hbm>> -> memref<40xi32, #tpu.memory_space<hbm>>
        tpu.wait_dma2 semaphore(%arg11 : memref<!tpu.dma_semaphore, #tpu.memory_space<semaphore_mem>>) src(%dma_wait3A_816 : memref<40xi32, #tpu.memory_space<hbm>>) dst(%dma_wait3A_814 : memref<40xi32, #tpu.memory_space<vmem>>)
        %dma_start3A_817 = arith.constant 2 : i32
        %dma_start3A_818 = arith.constant 0 : i32
        %dma_start3A_819 = arith.constant 2 : i32
        %dma_start3A_820 = arith.constant 0 : i32
        %dma_start3A_821 = arith.constant 0 : i32
        %dma_start3A_822 = tpu.memref_slice %arg8[%dma_start3A_819, %dma_start3A_820, %dma_start3A_821] : memref<5x40x128xf32, #tpu.memory_space<vmem>> -> memref<1x40x128xf32, #tpu.memory_space<vmem>>
        %dma_start3A_823 = tpu.memref_squeeze %dma_start3A_822 : memref<1x40x128xf32, #tpu.memory_space<vmem>> -> memref<40x128xf32, #tpu.memory_space<vmem>>
        %dma_start3A_824 = arith.constant 0 : i32
        %dma_start3A_825 = tpu.memref_slice %arg7[%dma_start3A_817, %dma_start3A_818, %dma_start3A_824] : memref<10x2x40xi32, #tpu.memory_space<vmem>> -> memref<1x1x40xi32, #tpu.memory_space<vmem>>
        %dma_start3A_826 = tpu.memref_squeeze %dma_start3A_825 : memref<1x1x40xi32, #tpu.memory_space<vmem>> -> memref<40xi32, #tpu.memory_space<vmem>>
        %dma_start3A_827 = arith.constant 0 : i32
        %dma_start3A_828 = arith.constant 0 : i32
        %dma_start3A_829 = tpu.memref_slice %arg2[%dma_start3A_827, %dma_start3A_828] : memref<10000x128xf32, #tpu.memory_space<hbm>> -> memref<10000x128xf32, #tpu.memory_space<hbm>>
        tpu.enqueue_indirect_dma source(%dma_start3A_829 : memref<10000x128xf32, #tpu.memory_space<hbm>>) target(%dma_start3A_823 : memref<40x128xf32, #tpu.memory_space<vmem>>) offsets(%dma_start3A_826 : memref<40xi32, #tpu.memory_space<vmem>>) semaphore(%arg21 : memref<!tpu.dma_semaphore, #tpu.memory_space<semaphore_mem>>)
      } else {
      }
      %add3A_747 = arith.constant 4 : i32
      %add3A_748 = arith.addi %mul3A_578, %add3A_747 : i32
      %dma_wait3A_749 = arith.constant 9 : i32
      %dma_wait3A_750 = arith.constant 0 : i32
      %dma_wait3A_751 = arith.constant 4 : i32
      %dma_wait3A_752 = arith.constant 0 : i32
      %dma_wait3A_753 = arith.constant 0 : i32
      %dma_wait3A_754 = tpu.memref_slice %arg8[%dma_wait3A_751, %dma_wait3A_752, %dma_wait3A_753] : memref<5x40x128xf32, #tpu.memory_space<vmem>> -> memref<1x40x128xf32, #tpu.memory_space<vmem>>
      %dma_wait3A_755 = tpu.memref_squeeze %dma_wait3A_754 : memref<1x40x128xf32, #tpu.memory_space<vmem>> -> memref<40x128xf32, #tpu.memory_space<vmem>>
      %dma_wait3A_756 = arith.constant 0 : i32
      %dma_wait3A_757 = tpu.memref_slice %arg7[%dma_wait3A_749, %dma_wait3A_750, %dma_wait3A_756] : memref<10x2x40xi32, #tpu.memory_space<vmem>> -> memref<1x1x40xi32, #tpu.memory_space<vmem>>
      %dma_wait3A_758 = tpu.memref_squeeze %dma_wait3A_757 : memref<1x1x40xi32, #tpu.memory_space<vmem>> -> memref<40xi32, #tpu.memory_space<vmem>>
      %dma_wait3A_759 = arith.constant 0 : i32
      %dma_wait3A_760 = arith.constant 0 : i32
      %dma_wait3A_761 = tpu.memref_slice %arg2[%dma_wait3A_759, %dma_wait3A_760] : memref<10000x128xf32, #tpu.memory_space<hbm>> -> memref<10000x128xf32, #tpu.memory_space<hbm>>
      tpu.wait_indirect_dma semaphore(%arg23 : memref<!tpu.dma_semaphore, #tpu.memory_space<semaphore_mem>>) src(%dma_wait3A_761 : memref<10000x128xf32, #tpu.memory_space<hbm>>) dst(%dma_wait3A_755 : memref<40x128xf32, #tpu.memory_space<vmem>>)
      %dma_start3A_762 = arith.constant 4 : i32
      %dma_start3A_763 = arith.constant 9 : i32
      %dma_start3A_764 = arith.constant 1 : i32
      %dma_start3A_765 = arith.constant 0 : i32
      %dma_start3A_766 = arith.constant 0 : i32
      %dma_start3A_767 = tpu.memref_slice %arg8[%dma_start3A_762, %dma_start3A_765, %dma_start3A_766] : memref<5x40x128xf32, #tpu.memory_space<vmem>> -> memref<1x40x128xf32, #tpu.memory_space<vmem>>
      %dma_start3A_768 = tpu.memref_squeeze %dma_start3A_767 : memref<1x40x128xf32, #tpu.memory_space<vmem>> -> memref<40x128xf32, #tpu.memory_space<vmem>>
      %dma_start3A_769 = arith.constant 0 : i32
      %dma_start3A_770 = tpu.memref_slice %arg7[%dma_start3A_763, %dma_start3A_764, %dma_start3A_769] : memref<10x2x40xi32, #tpu.memory_space<vmem>> -> memref<1x1x40xi32, #tpu.memory_space<vmem>>
      %dma_start3A_771 = tpu.memref_squeeze %dma_start3A_770 : memref<1x1x40xi32, #tpu.memory_space<vmem>> -> memref<40xi32, #tpu.memory_space<vmem>>
      %dma_start3A_772 = arith.constant 0 : i32
      %dma_start3A_773 = arith.constant 0 : i32
      %dma_start3A_774 = tpu.memref_slice %arg29[%dma_start3A_772, %dma_start3A_773] : memref<10240x128xf32, #tpu.memory_space<vmem_shared>> -> memref<10240x128xf32, #tpu.memory_space<vmem_shared>>
      tpu.enqueue_indirect_dma source(%dma_start3A_768 : memref<40x128xf32, #tpu.memory_space<vmem>>) target(%dma_start3A_774 : memref<10240x128xf32, #tpu.memory_space<vmem_shared>>) offsets(%dma_start3A_771 : memref<40xi32, #tpu.memory_space<vmem>>) semaphore(%arg28 : memref<!tpu.dma_semaphore, #tpu.memory_space<semaphore_mem>>) {add = true}
      %add3A_775 = arith.constant 5 : i32
      %add3A_776 = arith.addi %add3A_748, %add3A_775 : i32
      %lt3A_777 = arith.constant 250 : i32
      %lt3A_778 = arith.cmpi slt, %add3A_776, %lt3A_777 : i32
      %convert_element_type3A_779 = arith.extui %lt3A_778 : i1 to i32
      %cond3A_780 = arith.constant 0 : i32
      %cond3A_781 = arith.cmpi ne, %convert_element_type3A_779, %cond3A_780 : i32
      scf.if %cond3A_781 {
        %mul3A_789 = arith.constant 10000 : i32
        %mul3A_790 = arith.muli %add3A, %mul3A_789 : i32
        %mul3A_791 = arith.constant 40 : i32
        %mul3A_792 = arith.muli %add3A_776, %mul3A_791 : i32
        %add3A_793 = arith.addi %mul3A_790, %mul3A_792 : i32
        %dma_start3A_794 = arith.constant 4 : i32
        %dma_start3A_795 = arith.constant 0 : i32
        %dma_start3A_796 = arith.constant 0 : i32
        %dma_start3A_797 = tpu.memref_slice %arg7[%dma_start3A_794, %dma_start3A_795, %dma_start3A_796] : memref<10x2x40xi32, #tpu.memory_space<vmem>> -> memref<1x1x40xi32, #tpu.memory_space<vmem>>
        %dma_start3A_798 = tpu.memref_squeeze %dma_start3A_797 : memref<1x1x40xi32, #tpu.memory_space<vmem>> -> memref<40xi32, #tpu.memory_space<vmem>>
        %dma_start3A_799 = tpu.memref_slice %arg3[%add3A_793] : memref<320000xi32, #tpu.memory_space<hbm>> -> memref<40xi32, #tpu.memory_space<hbm>>
        %dma_start3A_800 = arith.constant 0 : i32
        %dma_start3A_801 = tpu.memref_slice %arg7[%dma_start3A_794, %dma_start3A_795, %dma_start3A_800] : memref<10x2x40xi32, #tpu.memory_space<vmem>> -> memref<1x1x40xi32, #tpu.memory_space<vmem>>
        %dma_start3A_802 = tpu.memref_squeeze %dma_start3A_801 : memref<1x1x40xi32, #tpu.memory_space<vmem>> -> memref<40xi32, #tpu.memory_space<vmem>>
        %dma_start3A_803 = tpu.memref_slice %arg3[%add3A_793] : memref<320000xi32, #tpu.memory_space<hbm>> -> memref<40xi32, #tpu.memory_space<hbm>>
        tpu.enqueue_dma source(%dma_start3A_803 : memref<40xi32, #tpu.memory_space<hbm>>) target(%dma_start3A_802 : memref<40xi32, #tpu.memory_space<vmem>>) target_semaphore(%arg13 : memref<!tpu.dma_semaphore, #tpu.memory_space<semaphore_mem>>)
        %dma_start3A_804 = arith.constant 4 : i32
        %dma_start3A_805 = arith.constant 1 : i32
        %dma_start3A_806 = arith.constant 0 : i32
        %dma_start3A_807 = tpu.memref_slice %arg7[%dma_start3A_804, %dma_start3A_805, %dma_start3A_806] : memref<10x2x40xi32, #tpu.memory_space<vmem>> -> memref<1x1x40xi32, #tpu.memory_space<vmem>>
        %dma_start3A_808 = tpu.memref_squeeze %dma_start3A_807 : memref<1x1x40xi32, #tpu.memory_space<vmem>> -> memref<40xi32, #tpu.memory_space<vmem>>
        %dma_start3A_809 = tpu.memref_slice %arg4[%add3A_793] : memref<320000xi32, #tpu.memory_space<hbm>> -> memref<40xi32, #tpu.memory_space<hbm>>
        %dma_start3A_810 = arith.constant 0 : i32
        %dma_start3A_811 = tpu.memref_slice %arg7[%dma_start3A_804, %dma_start3A_805, %dma_start3A_810] : memref<10x2x40xi32, #tpu.memory_space<vmem>> -> memref<1x1x40xi32, #tpu.memory_space<vmem>>
        %dma_start3A_812 = tpu.memref_squeeze %dma_start3A_811 : memref<1x1x40xi32, #tpu.memory_space<vmem>> -> memref<40xi32, #tpu.memory_space<vmem>>
        %dma_start3A_813 = tpu.memref_slice %arg4[%add3A_793] : memref<320000xi32, #tpu.memory_space<hbm>> -> memref<40xi32, #tpu.memory_space<hbm>>
        tpu.enqueue_dma source(%dma_start3A_813 : memref<40xi32, #tpu.memory_space<hbm>>) target(%dma_start3A_812 : memref<40xi32, #tpu.memory_space<vmem>>) target_semaphore(%arg13 : memref<!tpu.dma_semaphore, #tpu.memory_space<semaphore_mem>>)
      } else {
      }
      %add3A_782 = arith.constant 4 : i32
      %add3A_783 = arith.addi %add3A_748, %add3A_782 : i32
      %lt3A_784 = arith.constant 250 : i32
      %lt3A_785 = arith.cmpi slt, %add3A_783, %lt3A_784 : i32
      %convert_element_type3A_786 = arith.extui %lt3A_785 : i1 to i32
      %cond3A_787 = arith.constant 0 : i32
      %cond3A_788 = arith.cmpi ne, %convert_element_type3A_786, %cond3A_787 : i32
      scf.if %cond3A_788 {
        %ge3A = arith.constant 1 : i32
        %ge3A_789 = arith.cmpi sge, %add3A_748, %ge3A : i32
        %convert_element_type3A_790 = arith.extui %ge3A_789 : i1 to i32
        %cond3A_791 = arith.constant 0 : i32
        %cond3A_792 = arith.cmpi ne, %convert_element_type3A_790, %cond3A_791 : i32
        scf.if %cond3A_792 {
          %dma_wait3A_830 = arith.constant 3 : i32
          %dma_wait3A_831 = arith.constant 0 : i32
          %dma_wait3A_832 = arith.constant 0 : i32
          %dma_wait3A_833 = tpu.memref_slice %arg8[%dma_wait3A_830, %dma_wait3A_831, %dma_wait3A_832] : memref<5x40x128xf32, #tpu.memory_space<vmem>> -> memref<1x40x128xf32, #tpu.memory_space<vmem>>
          %dma_wait3A_834 = tpu.memref_squeeze %dma_wait3A_833 : memref<1x40x128xf32, #tpu.memory_space<vmem>> -> memref<40x128xf32, #tpu.memory_space<vmem>>
          %dma_wait3A_835 = arith.constant 0 : i32
          %dma_wait3A_836 = arith.constant 0 : i32
          %dma_wait3A_837 = tpu.memref_slice %arg29[%dma_wait3A_835, %dma_wait3A_836] : memref<10240x128xf32, #tpu.memory_space<vmem_shared>> -> memref<40x128xf32, #tpu.memory_space<vmem_shared>>
          %dma_wait3A_838 = arith.constant 0 : i32
          %dma_wait3A_839 = arith.constant 0 : i32
          %dma_wait3A_840 = tpu.memref_slice %arg29[%dma_wait3A_838, %dma_wait3A_839] : memref<10240x128xf32, #tpu.memory_space<vmem_shared>> -> memref<40x128xf32, #tpu.memory_space<vmem_shared>>
          %dma_wait3A_841 = arith.constant 0 : i32
          %dma_wait3A_842 = arith.constant 0 : i32
          %dma_wait3A_843 = tpu.memref_slice %arg8[%dma_wait3A_830, %dma_wait3A_841, %dma_wait3A_842] : memref<5x40x128xf32, #tpu.memory_space<vmem>> -> memref<1x40x128xf32, #tpu.memory_space<vmem>>
          %dma_wait3A_844 = tpu.memref_squeeze %dma_wait3A_843 : memref<1x40x128xf32, #tpu.memory_space<vmem>> -> memref<40x128xf32, #tpu.memory_space<vmem>>
          tpu.wait_dma2 semaphore(%arg27 : memref<!tpu.dma_semaphore, #tpu.memory_space<semaphore_mem>>) src(%dma_wait3A_844 : memref<40x128xf32, #tpu.memory_space<vmem>>) dst(%dma_wait3A_840 : memref<40x128xf32, #tpu.memory_space<vmem_shared>>)
        } else {
        }
        %dma_wait3A_793 = arith.constant 3 : i32
        %dma_wait3A_794 = arith.constant 0 : i32
        %dma_wait3A_795 = arith.constant 0 : i32
        %dma_wait3A_796 = tpu.memref_slice %arg7[%dma_wait3A_793, %dma_wait3A_794, %dma_wait3A_795] : memref<10x2x40xi32, #tpu.memory_space<vmem>> -> memref<1x1x40xi32, #tpu.memory_space<vmem>>
        %dma_wait3A_797 = tpu.memref_squeeze %dma_wait3A_796 : memref<1x1x40xi32, #tpu.memory_space<vmem>> -> memref<40xi32, #tpu.memory_space<vmem>>
        %dma_wait3A_798 = arith.constant 0 : i32
        %dma_wait3A_799 = tpu.memref_slice %arg3[%dma_wait3A_798] : memref<320000xi32, #tpu.memory_space<hbm>> -> memref<40xi32, #tpu.memory_space<hbm>>
        %dma_wait3A_800 = arith.constant 0 : i32
        %dma_wait3A_801 = tpu.memref_slice %arg7[%dma_wait3A_793, %dma_wait3A_794, %dma_wait3A_800] : memref<10x2x40xi32, #tpu.memory_space<vmem>> -> memref<1x1x40xi32, #tpu.memory_space<vmem>>
        %dma_wait3A_802 = tpu.memref_squeeze %dma_wait3A_801 : memref<1x1x40xi32, #tpu.memory_space<vmem>> -> memref<40xi32, #tpu.memory_space<vmem>>
        %dma_wait3A_803 = arith.constant 0 : i32
        %dma_wait3A_804 = tpu.memref_slice %arg3[%dma_wait3A_803] : memref<320000xi32, #tpu.memory_space<hbm>> -> memref<40xi32, #tpu.memory_space<hbm>>
        tpu.wait_dma2 semaphore(%arg12 : memref<!tpu.dma_semaphore, #tpu.memory_space<semaphore_mem>>) src(%dma_wait3A_804 : memref<40xi32, #tpu.memory_space<hbm>>) dst(%dma_wait3A_802 : memref<40xi32, #tpu.memory_space<vmem>>)
        %dma_wait3A_805 = arith.constant 3 : i32
        %dma_wait3A_806 = arith.constant 1 : i32
        %dma_wait3A_807 = arith.constant 0 : i32
        %dma_wait3A_808 = tpu.memref_slice %arg7[%dma_wait3A_805, %dma_wait3A_806, %dma_wait3A_807] : memref<10x2x40xi32, #tpu.memory_space<vmem>> -> memref<1x1x40xi32, #tpu.memory_space<vmem>>
        %dma_wait3A_809 = tpu.memref_squeeze %dma_wait3A_808 : memref<1x1x40xi32, #tpu.memory_space<vmem>> -> memref<40xi32, #tpu.memory_space<vmem>>
        %dma_wait3A_810 = arith.constant 0 : i32
        %dma_wait3A_811 = tpu.memref_slice %arg4[%dma_wait3A_810] : memref<320000xi32, #tpu.memory_space<hbm>> -> memref<40xi32, #tpu.memory_space<hbm>>
        %dma_wait3A_812 = arith.constant 0 : i32
        %dma_wait3A_813 = tpu.memref_slice %arg7[%dma_wait3A_805, %dma_wait3A_806, %dma_wait3A_812] : memref<10x2x40xi32, #tpu.memory_space<vmem>> -> memref<1x1x40xi32, #tpu.memory_space<vmem>>
        %dma_wait3A_814 = tpu.memref_squeeze %dma_wait3A_813 : memref<1x1x40xi32, #tpu.memory_space<vmem>> -> memref<40xi32, #tpu.memory_space<vmem>>
        %dma_wait3A_815 = arith.constant 0 : i32
        %dma_wait3A_816 = tpu.memref_slice %arg4[%dma_wait3A_815] : memref<320000xi32, #tpu.memory_space<hbm>> -> memref<40xi32, #tpu.memory_space<hbm>>
        tpu.wait_dma2 semaphore(%arg12 : memref<!tpu.dma_semaphore, #tpu.memory_space<semaphore_mem>>) src(%dma_wait3A_816 : memref<40xi32, #tpu.memory_space<hbm>>) dst(%dma_wait3A_814 : memref<40xi32, #tpu.memory_space<vmem>>)
        %dma_start3A_817 = arith.constant 3 : i32
        %dma_start3A_818 = arith.constant 0 : i32
        %dma_start3A_819 = arith.constant 3 : i32
        %dma_start3A_820 = arith.constant 0 : i32
        %dma_start3A_821 = arith.constant 0 : i32
        %dma_start3A_822 = tpu.memref_slice %arg8[%dma_start3A_819, %dma_start3A_820, %dma_start3A_821] : memref<5x40x128xf32, #tpu.memory_space<vmem>> -> memref<1x40x128xf32, #tpu.memory_space<vmem>>
        %dma_start3A_823 = tpu.memref_squeeze %dma_start3A_822 : memref<1x40x128xf32, #tpu.memory_space<vmem>> -> memref<40x128xf32, #tpu.memory_space<vmem>>
        %dma_start3A_824 = arith.constant 0 : i32
        %dma_start3A_825 = tpu.memref_slice %arg7[%dma_start3A_817, %dma_start3A_818, %dma_start3A_824] : memref<10x2x40xi32, #tpu.memory_space<vmem>> -> memref<1x1x40xi32, #tpu.memory_space<vmem>>
        %dma_start3A_826 = tpu.memref_squeeze %dma_start3A_825 : memref<1x1x40xi32, #tpu.memory_space<vmem>> -> memref<40xi32, #tpu.memory_space<vmem>>
        %dma_start3A_827 = arith.constant 0 : i32
        %dma_start3A_828 = arith.constant 0 : i32
        %dma_start3A_829 = tpu.memref_slice %arg2[%dma_start3A_827, %dma_start3A_828] : memref<10000x128xf32, #tpu.memory_space<hbm>> -> memref<10000x128xf32, #tpu.memory_space<hbm>>
        tpu.enqueue_indirect_dma source(%dma_start3A_829 : memref<10000x128xf32, #tpu.memory_space<hbm>>) target(%dma_start3A_823 : memref<40x128xf32, #tpu.memory_space<vmem>>) offsets(%dma_start3A_826 : memref<40xi32, #tpu.memory_space<vmem>>) semaphore(%arg22 : memref<!tpu.dma_semaphore, #tpu.memory_space<semaphore_mem>>)
      } else {
      }
    }
    %scan3A_273 = arith.constant 25 : i32
    %dma_wait3A_274 = arith.constant 0 : i32
    %dma_wait3A_275 = arith.constant 0 : i32
    %dma_wait3A_276 = arith.constant 0 : i32
    %dma_wait3A_277 = tpu.memref_slice %arg8[%dma_wait3A_274, %dma_wait3A_275, %dma_wait3A_276] : memref<5x40x128xf32, #tpu.memory_space<vmem>> -> memref<1x40x128xf32, #tpu.memory_space<vmem>>
    %dma_wait3A_278 = tpu.memref_squeeze %dma_wait3A_277 : memref<1x40x128xf32, #tpu.memory_space<vmem>> -> memref<40x128xf32, #tpu.memory_space<vmem>>
    %dma_wait3A_279 = arith.constant 0 : i32
    %dma_wait3A_280 = arith.constant 0 : i32
    %dma_wait3A_281 = tpu.memref_slice %arg29[%dma_wait3A_279, %dma_wait3A_280] : memref<10240x128xf32, #tpu.memory_space<vmem_shared>> -> memref<40x128xf32, #tpu.memory_space<vmem_shared>>
    %dma_wait3A_282 = arith.constant 0 : i32
    %dma_wait3A_283 = arith.constant 0 : i32
    %dma_wait3A_284 = tpu.memref_slice %arg29[%dma_wait3A_282, %dma_wait3A_283] : memref<10240x128xf32, #tpu.memory_space<vmem_shared>> -> memref<40x128xf32, #tpu.memory_space<vmem_shared>>
    %dma_wait3A_285 = arith.constant 0 : i32
    %dma_wait3A_286 = arith.constant 0 : i32
    %dma_wait3A_287 = tpu.memref_slice %arg8[%dma_wait3A_274, %dma_wait3A_285, %dma_wait3A_286] : memref<5x40x128xf32, #tpu.memory_space<vmem>> -> memref<1x40x128xf32, #tpu.memory_space<vmem>>
    %dma_wait3A_288 = tpu.memref_squeeze %dma_wait3A_287 : memref<1x40x128xf32, #tpu.memory_space<vmem>> -> memref<40x128xf32, #tpu.memory_space<vmem>>
    tpu.wait_dma2 semaphore(%arg24 : memref<!tpu.dma_semaphore, #tpu.memory_space<semaphore_mem>>) src(%dma_wait3A_288 : memref<40x128xf32, #tpu.memory_space<vmem>>) dst(%dma_wait3A_284 : memref<40x128xf32, #tpu.memory_space<vmem_shared>>)
    %dma_wait3A_289 = arith.constant 1 : i32
    %dma_wait3A_290 = arith.constant 0 : i32
    %dma_wait3A_291 = arith.constant 0 : i32
    %dma_wait3A_292 = tpu.memref_slice %arg8[%dma_wait3A_289, %dma_wait3A_290, %dma_wait3A_291] : memref<5x40x128xf32, #tpu.memory_space<vmem>> -> memref<1x40x128xf32, #tpu.memory_space<vmem>>
    %dma_wait3A_293 = tpu.memref_squeeze %dma_wait3A_292 : memref<1x40x128xf32, #tpu.memory_space<vmem>> -> memref<40x128xf32, #tpu.memory_space<vmem>>
    %dma_wait3A_294 = arith.constant 0 : i32
    %dma_wait3A_295 = arith.constant 0 : i32
    %dma_wait3A_296 = tpu.memref_slice %arg29[%dma_wait3A_294, %dma_wait3A_295] : memref<10240x128xf32, #tpu.memory_space<vmem_shared>> -> memref<40x128xf32, #tpu.memory_space<vmem_shared>>
    %dma_wait3A_297 = arith.constant 0 : i32
    %dma_wait3A_298 = arith.constant 0 : i32
    %dma_wait3A_299 = tpu.memref_slice %arg29[%dma_wait3A_297, %dma_wait3A_298] : memref<10240x128xf32, #tpu.memory_space<vmem_shared>> -> memref<40x128xf32, #tpu.memory_space<vmem_shared>>
    %dma_wait3A_300 = arith.constant 0 : i32
    %dma_wait3A_301 = arith.constant 0 : i32
    %dma_wait3A_302 = tpu.memref_slice %arg8[%dma_wait3A_289, %dma_wait3A_300, %dma_wait3A_301] : memref<5x40x128xf32, #tpu.memory_space<vmem>> -> memref<1x40x128xf32, #tpu.memory_space<vmem>>
    %dma_wait3A_303 = tpu.memref_squeeze %dma_wait3A_302 : memref<1x40x128xf32, #tpu.memory_space<vmem>> -> memref<40x128xf32, #tpu.memory_space<vmem>>
    tpu.wait_dma2 semaphore(%arg25 : memref<!tpu.dma_semaphore, #tpu.memory_space<semaphore_mem>>) src(%dma_wait3A_303 : memref<40x128xf32, #tpu.memory_space<vmem>>) dst(%dma_wait3A_299 : memref<40x128xf32, #tpu.memory_space<vmem_shared>>)
    %dma_wait3A_304 = arith.constant 2 : i32
    %dma_wait3A_305 = arith.constant 0 : i32
    %dma_wait3A_306 = arith.constant 0 : i32
    %dma_wait3A_307 = tpu.memref_slice %arg8[%dma_wait3A_304, %dma_wait3A_305, %dma_wait3A_306] : memref<5x40x128xf32, #tpu.memory_space<vmem>> -> memref<1x40x128xf32, #tpu.memory_space<vmem>>
    %dma_wait3A_308 = tpu.memref_squeeze %dma_wait3A_307 : memref<1x40x128xf32, #tpu.memory_space<vmem>> -> memref<40x128xf32, #tpu.memory_space<vmem>>
    %dma_wait3A_309 = arith.constant 0 : i32
    %dma_wait3A_310 = arith.constant 0 : i32
    %dma_wait3A_311 = tpu.memref_slice %arg29[%dma_wait3A_309, %dma_wait3A_310] : memref<10240x128xf32, #tpu.memory_space<vmem_shared>> -> memref<40x128xf32, #tpu.memory_space<vmem_shared>>
    %dma_wait3A_312 = arith.constant 0 : i32
    %dma_wait3A_313 = arith.constant 0 : i32
    %dma_wait3A_314 = tpu.memref_slice %arg29[%dma_wait3A_312, %dma_wait3A_313] : memref<10240x128xf32, #tpu.memory_space<vmem_shared>> -> memref<40x128xf32, #tpu.memory_space<vmem_shared>>
    %dma_wait3A_315 = arith.constant 0 : i32
    %dma_wait3A_316 = arith.constant 0 : i32
    %dma_wait3A_317 = tpu.memref_slice %arg8[%dma_wait3A_304, %dma_wait3A_315, %dma_wait3A_316] : memref<5x40x128xf32, #tpu.memory_space<vmem>> -> memref<1x40x128xf32, #tpu.memory_space<vmem>>
    %dma_wait3A_318 = tpu.memref_squeeze %dma_wait3A_317 : memref<1x40x128xf32, #tpu.memory_space<vmem>> -> memref<40x128xf32, #tpu.memory_space<vmem>>
    tpu.wait_dma2 semaphore(%arg26 : memref<!tpu.dma_semaphore, #tpu.memory_space<semaphore_mem>>) src(%dma_wait3A_318 : memref<40x128xf32, #tpu.memory_space<vmem>>) dst(%dma_wait3A_314 : memref<40x128xf32, #tpu.memory_space<vmem_shared>>)
    %dma_wait3A_319 = arith.constant 3 : i32
    %dma_wait3A_320 = arith.constant 0 : i32
    %dma_wait3A_321 = arith.constant 0 : i32
    %dma_wait3A_322 = tpu.memref_slice %arg8[%dma_wait3A_319, %dma_wait3A_320, %dma_wait3A_321] : memref<5x40x128xf32, #tpu.memory_space<vmem>> -> memref<1x40x128xf32, #tpu.memory_space<vmem>>
    %dma_wait3A_323 = tpu.memref_squeeze %dma_wait3A_322 : memref<1x40x128xf32, #tpu.memory_space<vmem>> -> memref<40x128xf32, #tpu.memory_space<vmem>>
    %dma_wait3A_324 = arith.constant 0 : i32
    %dma_wait3A_325 = arith.constant 0 : i32
    %dma_wait3A_326 = tpu.memref_slice %arg29[%dma_wait3A_324, %dma_wait3A_325] : memref<10240x128xf32, #tpu.memory_space<vmem_shared>> -> memref<40x128xf32, #tpu.memory_space<vmem_shared>>
    %dma_wait3A_327 = arith.constant 0 : i32
    %dma_wait3A_328 = arith.constant 0 : i32
    %dma_wait3A_329 = tpu.memref_slice %arg29[%dma_wait3A_327, %dma_wait3A_328] : memref<10240x128xf32, #tpu.memory_space<vmem_shared>> -> memref<40x128xf32, #tpu.memory_space<vmem_shared>>
    %dma_wait3A_330 = arith.constant 0 : i32
    %dma_wait3A_331 = arith.constant 0 : i32
    %dma_wait3A_332 = tpu.memref_slice %arg8[%dma_wait3A_319, %dma_wait3A_330, %dma_wait3A_331] : memref<5x40x128xf32, #tpu.memory_space<vmem>> -> memref<1x40x128xf32, #tpu.memory_space<vmem>>
    %dma_wait3A_333 = tpu.memref_squeeze %dma_wait3A_332 : memref<1x40x128xf32, #tpu.memory_space<vmem>> -> memref<40x128xf32, #tpu.memory_space<vmem>>
    tpu.wait_dma2 semaphore(%arg27 : memref<!tpu.dma_semaphore, #tpu.memory_space<semaphore_mem>>) src(%dma_wait3A_333 : memref<40x128xf32, #tpu.memory_space<vmem>>) dst(%dma_wait3A_329 : memref<40x128xf32, #tpu.memory_space<vmem_shared>>)
    %dma_wait3A_334 = arith.constant 4 : i32
    %dma_wait3A_335 = arith.constant 0 : i32
    %dma_wait3A_336 = arith.constant 0 : i32
    %dma_wait3A_337 = tpu.memref_slice %arg8[%dma_wait3A_334, %dma_wait3A_335, %dma_wait3A_336] : memref<5x40x128xf32, #tpu.memory_space<vmem>> -> memref<1x40x128xf32, #tpu.memory_space<vmem>>
    %dma_wait3A_338 = tpu.memref_squeeze %dma_wait3A_337 : memref<1x40x128xf32, #tpu.memory_space<vmem>> -> memref<40x128xf32, #tpu.memory_space<vmem>>
    %dma_wait3A_339 = arith.constant 0 : i32
    %dma_wait3A_340 = arith.constant 0 : i32
    %dma_wait3A_341 = tpu.memref_slice %arg29[%dma_wait3A_339, %dma_wait3A_340] : memref<10240x128xf32, #tpu.memory_space<vmem_shared>> -> memref<40x128xf32, #tpu.memory_space<vmem_shared>>
    %dma_wait3A_342 = arith.constant 0 : i32
    %dma_wait3A_343 = arith.constant 0 : i32
    %dma_wait3A_344 = tpu.memref_slice %arg29[%dma_wait3A_342, %dma_wait3A_343] : memref<10240x128xf32, #tpu.memory_space<vmem_shared>> -> memref<40x128xf32, #tpu.memory_space<vmem_shared>>
    %dma_wait3A_345 = arith.constant 0 : i32
    %dma_wait3A_346 = arith.constant 0 : i32
    %dma_wait3A_347 = tpu.memref_slice %arg8[%dma_wait3A_334, %dma_wait3A_345, %dma_wait3A_346] : memref<5x40x128xf32, #tpu.memory_space<vmem>> -> memref<1x40x128xf32, #tpu.memory_space<vmem>>
    %dma_wait3A_348 = tpu.memref_squeeze %dma_wait3A_347 : memref<1x40x128xf32, #tpu.memory_space<vmem>> -> memref<40x128xf32, #tpu.memory_space<vmem>>
    tpu.wait_dma2 semaphore(%arg28 : memref<!tpu.dma_semaphore, #tpu.memory_space<semaphore_mem>>) src(%dma_wait3A_348 : memref<40x128xf32, #tpu.memory_space<vmem>>) dst(%dma_wait3A_344 : memref<40x128xf32, #tpu.memory_space<vmem_shared>>)
    %barrier3A_349 = arith.constant 0 : index
    tpu.barrier barrier_id(%barrier3A_349)
    %lt3A = arith.constant 15 : i32
    %lt3A_350 = arith.cmpi slt, %arg1, %lt3A : i32
    %convert_element_type3A = arith.extui %lt3A_350 : i1 to i32
    %cond3A = arith.constant 0 : i32
    %cond3A_351 = arith.cmpi ne, %convert_element_type3A, %cond3A : i32
    scf.if %cond3A_351 {
      %mul3A_356 = arith.constant 640 : i32
      %mul3A_357 = arith.muli %arg1, %mul3A_356 : i32
      %mul3A_358 = arith.constant 640 : i32
      %mul3A_359 = arith.muli %arg1, %mul3A_358 : i32
      "tpu.region"() ({
        %run_scoped3A = tpu.sem_alloc : memref<!tpu.dma_semaphore, #tpu.memory_space<semaphore_mem>>
        %dma_start3A_360 = arith.constant 0 : i32
        %dma_start3A_361 = tpu.memref_slice %arg6[%arg0, %mul3A_359, %dma_start3A_360] : memref<2x10000x128xf32, #tpu.memory_space<hbm>> -> memref<1x640x128xf32, #tpu.memory_space<hbm>>
        %dma_start3A_362 = tpu.memref_squeeze %dma_start3A_361 : memref<1x640x128xf32, #tpu.memory_space<hbm>> -> memref<640x128xf32, #tpu.memory_space<hbm>>
        %dma_start3A_363 = arith.constant 0 : i32
        %dma_start3A_364 = tpu.memref_slice %arg29[%mul3A_357, %dma_start3A_363] : memref<10240x128xf32, #tpu.memory_space<vmem_shared>> -> memref<640x128xf32, #tpu.memory_space<vmem_shared>>
        tpu.enqueue_dma source(%dma_start3A_364 : memref<640x128xf32, #tpu.memory_space<vmem_shared>>) target(%dma_start3A_362 : memref<640x128xf32, #tpu.memory_space<hbm>>) target_semaphore(%run_scoped3A : memref<!tpu.dma_semaphore, #tpu.memory_space<semaphore_mem>>)
        %dma_wait3A_365 = arith.constant 0 : i32
        %dma_wait3A_366 = tpu.memref_slice %arg6[%arg0, %mul3A_359, %dma_wait3A_365] : memref<2x10000x128xf32, #tpu.memory_space<hbm>> -> memref<1x640x128xf32, #tpu.memory_space<hbm>>
        %dma_wait3A_367 = tpu.memref_squeeze %dma_wait3A_366 : memref<1x640x128xf32, #tpu.memory_space<hbm>> -> memref<640x128xf32, #tpu.memory_space<hbm>>
        %dma_wait3A_368 = arith.constant 0 : i32
        %dma_wait3A_369 = tpu.memref_slice %arg29[%mul3A_357, %dma_wait3A_368] : memref<10240x128xf32, #tpu.memory_space<vmem_shared>> -> memref<640x128xf32, #tpu.memory_space<vmem_shared>>
        tpu.wait_dma2 semaphore(%run_scoped3A : memref<!tpu.dma_semaphore, #tpu.memory_space<semaphore_mem>>) src(%dma_wait3A_369 : memref<640x128xf32, #tpu.memory_space<vmem_shared>>) dst(%dma_wait3A_367 : memref<640x128xf32, #tpu.memory_space<hbm>>)
        tpu.yield
      }) : () -> ()
    } else {
    }
    %eq3A = arith.constant 15 : i32
    %eq3A_352 = arith.cmpi eq, %arg1, %eq3A : i32
    %convert_element_type3A_353 = arith.extui %eq3A_352 : i1 to i32
    %cond3A_354 = arith.constant 0 : i32
    %cond3A_355 = arith.cmpi ne, %convert_element_type3A_353, %cond3A_354 : i32
    scf.if %cond3A_355 {
      "tpu.region"() ({
        %run_scoped3A = tpu.sem_alloc : memref<!tpu.dma_semaphore, #tpu.memory_space<semaphore_mem>>
        %dma_start3A_356 = arith.constant 9600 : i32
        %dma_start3A_357 = arith.constant 0 : i32
        %dma_start3A_358 = tpu.memref_slice %arg6[%arg0, %dma_start3A_356, %dma_start3A_357] : memref<2x10000x128xf32, #tpu.memory_space<hbm>> -> memref<1x400x128xf32, #tpu.memory_space<hbm>>
        %dma_start3A_359 = tpu.memref_squeeze %dma_start3A_358 : memref<1x400x128xf32, #tpu.memory_space<hbm>> -> memref<400x128xf32, #tpu.memory_space<hbm>>
        %dma_start3A_360 = arith.constant 9600 : i32
        %dma_start3A_361 = arith.constant 0 : i32
        %dma_start3A_362 = tpu.memref_slice %arg29[%dma_start3A_360, %dma_start3A_361] : memref<10240x128xf32, #tpu.memory_space<vmem_shared>> -> memref<400x128xf32, #tpu.memory_space<vmem_shared>>
        tpu.enqueue_dma source(%dma_start3A_362 : memref<400x128xf32, #tpu.memory_space<vmem_shared>>) target(%dma_start3A_359 : memref<400x128xf32, #tpu.memory_space<hbm>>) target_semaphore(%run_scoped3A : memref<!tpu.dma_semaphore, #tpu.memory_space<semaphore_mem>>)
        %dma_wait3A_363 = arith.constant 9600 : i32
        %dma_wait3A_364 = arith.constant 0 : i32
        %dma_wait3A_365 = tpu.memref_slice %arg6[%arg0, %dma_wait3A_363, %dma_wait3A_364] : memref<2x10000x128xf32, #tpu.memory_space<hbm>> -> memref<1x400x128xf32, #tpu.memory_space<hbm>>
        %dma_wait3A_366 = tpu.memref_squeeze %dma_wait3A_365 : memref<1x400x128xf32, #tpu.memory_space<hbm>> -> memref<400x128xf32, #tpu.memory_space<hbm>>
        %dma_wait3A_367 = arith.constant 9600 : i32
        %dma_wait3A_368 = arith.constant 0 : i32
        %dma_wait3A_369 = tpu.memref_slice %arg29[%dma_wait3A_367, %dma_wait3A_368] : memref<10240x128xf32, #tpu.memory_space<vmem_shared>> -> memref<400x128xf32, #tpu.memory_space<vmem_shared>>
        tpu.wait_dma2 semaphore(%run_scoped3A : memref<!tpu.dma_semaphore, #tpu.memory_space<semaphore_mem>>) src(%dma_wait3A_369 : memref<400x128xf32, #tpu.memory_space<vmem_shared>>) dst(%dma_wait3A_366 : memref<400x128xf32, #tpu.memory_space<hbm>>)
        tpu.yield
      }) : () -> ()
    } else {
    }
    return
  }
}

#map = affine_map<(d0, d1) -> (0, 0)>
#map1 = affine_map<(d0, d1) -> (0)>
#map2 = affine_map<(d0, d1) -> (0, 0, 0)>
module attributes {stable_mosaic.version = 14 : i64} {
  func.func @_agg_body(%arg0: i32, %arg1: i32, %arg2: memref<10000x128xf32, #tpu.memory_space<hbm>>, %arg3: memref<320000xi32, #tpu.memory_space<hbm>>, %arg4: memref<320000xi32, #tpu.memory_space<hbm>>, %arg5: memref<640x128xf32, #tpu.memory_space<hbm>>, %arg6: memref<2x10000x128xf32, #tpu.memory_space<hbm>>, %arg7: memref<10x2x40xi32, #tpu.memory_space<vmem>>, %arg8: memref<5x40x128xf32, #tpu.memory_space<vmem>>, %arg9: memref<!tpu.dma_semaphore, #tpu.memory_space<semaphore_mem>>, %arg10: memref<!tpu.dma_semaphore, #tpu.memory_space<semaphore_mem>>, %arg11: memref<!tpu.dma_semaphore, #tpu.memory_space<semaphore_mem>>, %arg12: memref<!tpu.dma_semaphore, #tpu.memory_space<semaphore_mem>>, %arg13: memref<!tpu.dma_semaphore, #tpu.memory_space<semaphore_mem>>, %arg14: memref<!tpu.dma_semaphore, #tpu.memory_space<semaphore_mem>>, %arg15: memref<!tpu.dma_semaphore, #tpu.memory_space<semaphore_mem>>, %arg16: memref<!tpu.dma_semaphore, #tpu.memory_space<semaphore_mem>>, %arg17: memref<!tpu.dma_semaphore, #tpu.memory_space<semaphore_mem>>, %arg18: memref<!tpu.dma_semaphore, #tpu.memory_space<semaphore_mem>>, %arg19: memref<!tpu.dma_semaphore, #tpu.memory_space<semaphore_mem>>, %arg20: memref<!tpu.dma_semaphore, #tpu.memory_space<semaphore_mem>>, %arg21: memref<!tpu.dma_semaphore, #tpu.memory_space<semaphore_mem>>, %arg22: memref<!tpu.dma_semaphore, #tpu.memory_space<semaphore_mem>>, %arg23: memref<!tpu.dma_semaphore, #tpu.memory_space<semaphore_mem>>, %arg24: memref<!tpu.dma_semaphore, #tpu.memory_space<semaphore_mem>>, %arg25: memref<!tpu.dma_semaphore, #tpu.memory_space<semaphore_mem>>, %arg26: memref<!tpu.dma_semaphore, #tpu.memory_space<semaphore_mem>>, %arg27: memref<!tpu.dma_semaphore, #tpu.memory_space<semaphore_mem>>, %arg28: memref<!tpu.dma_semaphore, #tpu.memory_space<semaphore_mem>>, %arg29: memref<10240x128xf32, #tpu.memory_space<vmem_shared>>) attributes {dimension_semantics = [#tpu.dimension_semantics<core_parallel>, #tpu.dimension_semantics<subcore_parallel>], iteration_bounds = array<i64: 2, 16>, scalar_prefetch = 0 : i64, scratch_operands = 23 : i64, tpu.core_type = #tpu.core_type<sc_vector_subcore>, window_params = [{transform_indices = #map}, {transform_indices = #map1}, {transform_indices = #map1}, {transform_indices = #map}, {transform_indices = #map2}]} {
    %mul3A = arith.constant 16 : i32
    %mul3A_0 = arith.muli %arg0, %mul3A : i32
    %add3A = arith.addi %mul3A_0, %arg1 : i32
    %mul3A_1 = arith.constant 10000 : i32
    %mul3A_2 = arith.muli %add3A, %mul3A_1 : i32
    %add3A_3 = arith.constant 0 : i32
    %add3A_4 = arith.addi %mul3A_2, %add3A_3 : i32
    %dma_start3A = arith.constant 0 : i32
    %dma_start3A_5 = arith.constant 0 : i32
    %dma_start3A_6 = arith.constant 0 : i32
    %dma_start3A_7 = tpu.memref_slice %arg7[%dma_start3A, %dma_start3A_5, %dma_start3A_6] : memref<10x2x40xi32, #tpu.memory_space<vmem>> -> memref<1x1x40xi32, #tpu.memory_space<vmem>>
    %dma_start3A_8 = tpu.memref_squeeze %dma_start3A_7 : memref<1x1x40xi32, #tpu.memory_space<vmem>> -> memref<40xi32, #tpu.memory_space<vmem>>
    %dma_start3A_9 = tpu.memref_slice %arg3[%add3A_4] : memref<320000xi32, #tpu.memory_space<hbm>> -> memref<40xi32, #tpu.memory_space<hbm>>
    %dma_start3A_10 = arith.constant 0 : i32
    %dma_start3A_11 = tpu.memref_slice %arg7[%dma_start3A, %dma_start3A_5, %dma_start3A_10] : memref<10x2x40xi32, #tpu.memory_space<vmem>> -> memref<1x1x40xi32, #tpu.memory_space<vmem>>
    %dma_start3A_12 = tpu.memref_squeeze %dma_start3A_11 : memref<1x1x40xi32, #tpu.memory_space<vmem>> -> memref<40xi32, #tpu.memory_space<vmem>>
    %dma_start3A_13 = tpu.memref_slice %arg3[%add3A_4] : memref<320000xi32, #tpu.memory_space<hbm>> -> memref<40xi32, #tpu.memory_space<hbm>>
    tpu.enqueue_dma source(%dma_start3A_13 : memref<40xi32, #tpu.memory_space<hbm>>) target(%dma_start3A_12 : memref<40xi32, #tpu.memory_space<vmem>>) target_semaphore(%arg9 : memref<!tpu.dma_semaphore, #tpu.memory_space<semaphore_mem>>)
    %dma_start3A_14 = arith.constant 0 : i32
    %dma_start3A_15 = arith.constant 1 : i32
    %dma_start3A_16 = arith.constant 0 : i32
    %dma_start3A_17 = tpu.memref_slice %arg7[%dma_start3A_14, %dma_start3A_15, %dma_start3A_16] : memref<10x2x40xi32, #tpu.memory_space<vmem>> -> memref<1x1x40xi32, #tpu.memory_space<vmem>>
    %dma_start3A_18 = tpu.memref_squeeze %dma_start3A_17 : memref<1x1x40xi32, #tpu.memory_space<vmem>> -> memref<40xi32, #tpu.memory_space<vmem>>
    %dma_start3A_19 = tpu.memref_slice %arg4[%add3A_4] : memref<320000xi32, #tpu.memory_space<hbm>> -> memref<40xi32, #tpu.memory_space<hbm>>
    %dma_start3A_20 = arith.constant 0 : i32
    %dma_start3A_21 = tpu.memref_slice %arg7[%dma_start3A_14, %dma_start3A_15, %dma_start3A_20] : memref<10x2x40xi32, #tpu.memory_space<vmem>> -> memref<1x1x40xi32, #tpu.memory_space<vmem>>
    %dma_start3A_22 = tpu.memref_squeeze %dma_start3A_21 : memref<1x1x40xi32, #tpu.memory_space<vmem>> -> memref<40xi32, #tpu.memory_space<vmem>>
    %dma_start3A_23 = tpu.memref_slice %arg4[%add3A_4] : memref<320000xi32, #tpu.memory_space<hbm>> -> memref<40xi32, #tpu.memory_space<hbm>>
    tpu.enqueue_dma source(%dma_start3A_23 : memref<40xi32, #tpu.memory_space<hbm>>) target(%dma_start3A_22 : memref<40xi32, #tpu.memory_space<vmem>>) target_semaphore(%arg9 : memref<!tpu.dma_semaphore, #tpu.memory_space<semaphore_mem>>)
    %mul3A_24 = arith.constant 10000 : i32
    %mul3A_25 = arith.muli %add3A, %mul3A_24 : i32
    %add3A_26 = arith.constant 40 : i32
    %add3A_27 = arith.addi %mul3A_25, %add3A_26 : i32
    %dma_start3A_28 = arith.constant 1 : i32
    %dma_start3A_29 = arith.constant 0 : i32
    %dma_start3A_30 = arith.constant 0 : i32
    %dma_start3A_31 = tpu.memref_slice %arg7[%dma_start3A_28, %dma_start3A_29, %dma_start3A_30] : memref<10x2x40xi32, #tpu.memory_space<vmem>> -> memref<1x1x40xi32, #tpu.memory_space<vmem>>
    %dma_start3A_32 = tpu.memref_squeeze %dma_start3A_31 : memref<1x1x40xi32, #tpu.memory_space<vmem>> -> memref<40xi32, #tpu.memory_space<vmem>>
    %dma_start3A_33 = tpu.memref_slice %arg3[%add3A_27] : memref<320000xi32, #tpu.memory_space<hbm>> -> memref<40xi32, #tpu.memory_space<hbm>>
    %dma_start3A_34 = arith.constant 0 : i32
    %dma_start3A_35 = tpu.memref_slice %arg7[%dma_start3A_28, %dma_start3A_29, %dma_start3A_34] : memref<10x2x40xi32, #tpu.memory_space<vmem>> -> memref<1x1x40xi32, #tpu.memory_space<vmem>>
    %dma_start3A_36 = tpu.memref_squeeze %dma_start3A_35 : memref<1x1x40xi32, #tpu.memory_space<vmem>> -> memref<40xi32, #tpu.memory_space<vmem>>
    %dma_start3A_37 = tpu.memref_slice %arg3[%add3A_27] : memref<320000xi32, #tpu.memory_space<hbm>> -> memref<40xi32, #tpu.memory_space<hbm>>
    tpu.enqueue_dma source(%dma_start3A_37 : memref<40xi32, #tpu.memory_space<hbm>>) target(%dma_start3A_36 : memref<40xi32, #tpu.memory_space<vmem>>) target_semaphore(%arg10 : memref<!tpu.dma_semaphore, #tpu.memory_space<semaphore_mem>>)
    %dma_start3A_38 = arith.constant 1 : i32
    %dma_start3A_39 = arith.constant 1 : i32
    %dma_start3A_40 = arith.constant 0 : i32
    %dma_start3A_41 = tpu.memref_slice %arg7[%dma_start3A_38, %dma_start3A_39, %dma_start3A_40] : memref<10x2x40xi32, #tpu.memory_space<vmem>> -> memref<1x1x40xi32, #tpu.memory_space<vmem>>
    %dma_start3A_42 = tpu.memref_squeeze %dma_start3A_41 : memref<1x1x40xi32, #tpu.memory_space<vmem>> -> memref<40xi32, #tpu.memory_space<vmem>>
    %dma_start3A_43 = tpu.memref_slice %arg4[%add3A_27] : memref<320000xi32, #tpu.memory_space<hbm>> -> memref<40xi32, #tpu.memory_space<hbm>>
    %dma_start3A_44 = arith.constant 0 : i32
    %dma_start3A_45 = tpu.memref_slice %arg7[%dma_start3A_38, %dma_start3A_39, %dma_start3A_44] : memref<10x2x40xi32, #tpu.memory_space<vmem>> -> memref<1x1x40xi32, #tpu.memory_space<vmem>>
    %dma_start3A_46 = tpu.memref_squeeze %dma_start3A_45 : memref<1x1x40xi32, #tpu.memory_space<vmem>> -> memref<40xi32, #tpu.memory_space<vmem>>
    %dma_start3A_47 = tpu.memref_slice %arg4[%add3A_27] : memref<320000xi32, #tpu.memory_space<hbm>> -> memref<40xi32, #tpu.memory_space<hbm>>
    tpu.enqueue_dma source(%dma_start3A_47 : memref<40xi32, #tpu.memory_space<hbm>>) target(%dma_start3A_46 : memref<40xi32, #tpu.memory_space<vmem>>) target_semaphore(%arg10 : memref<!tpu.dma_semaphore, #tpu.memory_space<semaphore_mem>>)
    %mul3A_48 = arith.constant 10000 : i32
    %mul3A_49 = arith.muli %add3A, %mul3A_48 : i32
    %add3A_50 = arith.constant 80 : i32
    %add3A_51 = arith.addi %mul3A_49, %add3A_50 : i32
    %dma_start3A_52 = arith.constant 2 : i32
    %dma_start3A_53 = arith.constant 0 : i32
    %dma_start3A_54 = arith.constant 0 : i32
    %dma_start3A_55 = tpu.memref_slice %arg7[%dma_start3A_52, %dma_start3A_53, %dma_start3A_54] : memref<10x2x40xi32, #tpu.memory_space<vmem>> -> memref<1x1x40xi32, #tpu.memory_space<vmem>>
    %dma_start3A_56 = tpu.memref_squeeze %dma_start3A_55 : memref<1x1x40xi32, #tpu.memory_space<vmem>> -> memref<40xi32, #tpu.memory_space<vmem>>
    %dma_start3A_57 = tpu.memref_slice %arg3[%add3A_51] : memref<320000xi32, #tpu.memory_space<hbm>> -> memref<40xi32, #tpu.memory_space<hbm>>
    %dma_start3A_58 = arith.constant 0 : i32
    %dma_start3A_59 = tpu.memref_slice %arg7[%dma_start3A_52, %dma_start3A_53, %dma_start3A_58] : memref<10x2x40xi32, #tpu.memory_space<vmem>> -> memref<1x1x40xi32, #tpu.memory_space<vmem>>
    %dma_start3A_60 = tpu.memref_squeeze %dma_start3A_59 : memref<1x1x40xi32, #tpu.memory_space<vmem>> -> memref<40xi32, #tpu.memory_space<vmem>>
    %dma_start3A_61 = tpu.memref_slice %arg3[%add3A_51] : memref<320000xi32, #tpu.memory_space<hbm>> -> memref<40xi32, #tpu.memory_space<hbm>>
    tpu.enqueue_dma source(%dma_start3A_61 : memref<40xi32, #tpu.memory_space<hbm>>) target(%dma_start3A_60 : memref<40xi32, #tpu.memory_space<vmem>>) target_semaphore(%arg11 : memref<!tpu.dma_semaphore, #tpu.memory_space<semaphore_mem>>)
    %dma_start3A_62 = arith.constant 2 : i32
    %dma_start3A_63 = arith.constant 1 : i32
    %dma_start3A_64 = arith.constant 0 : i32
    %dma_start3A_65 = tpu.memref_slice %arg7[%dma_start3A_62, %dma_start3A_63, %dma_start3A_64] : memref<10x2x40xi32, #tpu.memory_space<vmem>> -> memref<1x1x40xi32, #tpu.memory_space<vmem>>
    %dma_start3A_66 = tpu.memref_squeeze %dma_start3A_65 : memref<1x1x40xi32, #tpu.memory_space<vmem>> -> memref<40xi32, #tpu.memory_space<vmem>>
    %dma_start3A_67 = tpu.memref_slice %arg4[%add3A_51] : memref<320000xi32, #tpu.memory_space<hbm>> -> memref<40xi32, #tpu.memory_space<hbm>>
    %dma_start3A_68 = arith.constant 0 : i32
    %dma_start3A_69 = tpu.memref_slice %arg7[%dma_start3A_62, %dma_start3A_63, %dma_start3A_68] : memref<10x2x40xi32, #tpu.memory_space<vmem>> -> memref<1x1x40xi32, #tpu.memory_space<vmem>>
    %dma_start3A_70 = tpu.memref_squeeze %dma_start3A_69 : memref<1x1x40xi32, #tpu.memory_space<vmem>> -> memref<40xi32, #tpu.memory_space<vmem>>
    %dma_start3A_71 = tpu.memref_slice %arg4[%add3A_51] : memref<320000xi32, #tpu.memory_space<hbm>> -> memref<40xi32, #tpu.memory_space<hbm>>
    tpu.enqueue_dma source(%dma_start3A_71 : memref<40xi32, #tpu.memory_space<hbm>>) target(%dma_start3A_70 : memref<40xi32, #tpu.memory_space<vmem>>) target_semaphore(%arg11 : memref<!tpu.dma_semaphore, #tpu.memory_space<semaphore_mem>>)
    %mul3A_72 = arith.constant 10000 : i32
    %mul3A_73 = arith.muli %add3A, %mul3A_72 : i32
    %add3A_74 = arith.constant 120 : i32
    %add3A_75 = arith.addi %mul3A_73, %add3A_74 : i32
    %dma_start3A_76 = arith.constant 3 : i32
    %dma_start3A_77 = arith.constant 0 : i32
    %dma_start3A_78 = arith.constant 0 : i32
    %dma_start3A_79 = tpu.memref_slice %arg7[%dma_start3A_76, %dma_start3A_77, %dma_start3A_78] : memref<10x2x40xi32, #tpu.memory_space<vmem>> -> memref<1x1x40xi32, #tpu.memory_space<vmem>>
    %dma_start3A_80 = tpu.memref_squeeze %dma_start3A_79 : memref<1x1x40xi32, #tpu.memory_space<vmem>> -> memref<40xi32, #tpu.memory_space<vmem>>
    %dma_start3A_81 = tpu.memref_slice %arg3[%add3A_75] : memref<320000xi32, #tpu.memory_space<hbm>> -> memref<40xi32, #tpu.memory_space<hbm>>
    %dma_start3A_82 = arith.constant 0 : i32
    %dma_start3A_83 = tpu.memref_slice %arg7[%dma_start3A_76, %dma_start3A_77, %dma_start3A_82] : memref<10x2x40xi32, #tpu.memory_space<vmem>> -> memref<1x1x40xi32, #tpu.memory_space<vmem>>
    %dma_start3A_84 = tpu.memref_squeeze %dma_start3A_83 : memref<1x1x40xi32, #tpu.memory_space<vmem>> -> memref<40xi32, #tpu.memory_space<vmem>>
    %dma_start3A_85 = tpu.memref_slice %arg3[%add3A_75] : memref<320000xi32, #tpu.memory_space<hbm>> -> memref<40xi32, #tpu.memory_space<hbm>>
    tpu.enqueue_dma source(%dma_start3A_85 : memref<40xi32, #tpu.memory_space<hbm>>) target(%dma_start3A_84 : memref<40xi32, #tpu.memory_space<vmem>>) target_semaphore(%arg12 : memref<!tpu.dma_semaphore, #tpu.memory_space<semaphore_mem>>)
    %dma_start3A_86 = arith.constant 3 : i32
    %dma_start3A_87 = arith.constant 1 : i32
    %dma_start3A_88 = arith.constant 0 : i32
    %dma_start3A_89 = tpu.memref_slice %arg7[%dma_start3A_86, %dma_start3A_87, %dma_start3A_88] : memref<10x2x40xi32, #tpu.memory_space<vmem>> -> memref<1x1x40xi32, #tpu.memory_space<vmem>>
    %dma_start3A_90 = tpu.memref_squeeze %dma_start3A_89 : memref<1x1x40xi32, #tpu.memory_space<vmem>> -> memref<40xi32, #tpu.memory_space<vmem>>
    %dma_start3A_91 = tpu.memref_slice %arg4[%add3A_75] : memref<320000xi32, #tpu.memory_space<hbm>> -> memref<40xi32, #tpu.memory_space<hbm>>
    %dma_start3A_92 = arith.constant 0 : i32
    %dma_start3A_93 = tpu.memref_slice %arg7[%dma_start3A_86, %dma_start3A_87, %dma_start3A_92] : memref<10x2x40xi32, #tpu.memory_space<vmem>> -> memref<1x1x40xi32, #tpu.memory_space<vmem>>
    %dma_start3A_94 = tpu.memref_squeeze %dma_start3A_93 : memref<1x1x40xi32, #tpu.memory_space<vmem>> -> memref<40xi32, #tpu.memory_space<vmem>>
    %dma_start3A_95 = tpu.memref_slice %arg4[%add3A_75] : memref<320000xi32, #tpu.memory_space<hbm>> -> memref<40xi32, #tpu.memory_space<hbm>>
    tpu.enqueue_dma source(%dma_start3A_95 : memref<40xi32, #tpu.memory_space<hbm>>) target(%dma_start3A_94 : memref<40xi32, #tpu.memory_space<vmem>>) target_semaphore(%arg12 : memref<!tpu.dma_semaphore, #tpu.memory_space<semaphore_mem>>)
    %mul3A_96 = arith.constant 10000 : i32
    %mul3A_97 = arith.muli %add3A, %mul3A_96 : i32
    %add3A_98 = arith.constant 160 : i32
    %add3A_99 = arith.addi %mul3A_97, %add3A_98 : i32
    %dma_start3A_100 = arith.constant 4 : i32
    %dma_start3A_101 = arith.constant 0 : i32
    %dma_start3A_102 = arith.constant 0 : i32
    %dma_start3A_103 = tpu.memref_slice %arg7[%dma_start3A_100, %dma_start3A_101, %dma_start3A_102] : memref<10x2x40xi32, #tpu.memory_space<vmem>> -> memref<1x1x40xi32, #tpu.memory_space<vmem>>
    %dma_start3A_104 = tpu.memref_squeeze %dma_start3A_103 : memref<1x1x40xi32, #tpu.memory_space<vmem>> -> memref<40xi32, #tpu.memory_space<vmem>>
    %dma_start3A_105 = tpu.memref_slice %arg3[%add3A_99] : memref<320000xi32, #tpu.memory_space<hbm>> -> memref<40xi32, #tpu.memory_space<hbm>>
    %dma_start3A_106 = arith.constant 0 : i32
    %dma_start3A_107 = tpu.memref_slice %arg7[%dma_start3A_100, %dma_start3A_101, %dma_start3A_106] : memref<10x2x40xi32, #tpu.memory_space<vmem>> -> memref<1x1x40xi32, #tpu.memory_space<vmem>>
    %dma_start3A_108 = tpu.memref_squeeze %dma_start3A_107 : memref<1x1x40xi32, #tpu.memory_space<vmem>> -> memref<40xi32, #tpu.memory_space<vmem>>
    %dma_start3A_109 = tpu.memref_slice %arg3[%add3A_99] : memref<320000xi32, #tpu.memory_space<hbm>> -> memref<40xi32, #tpu.memory_space<hbm>>
    tpu.enqueue_dma source(%dma_start3A_109 : memref<40xi32, #tpu.memory_space<hbm>>) target(%dma_start3A_108 : memref<40xi32, #tpu.memory_space<vmem>>) target_semaphore(%arg13 : memref<!tpu.dma_semaphore, #tpu.memory_space<semaphore_mem>>)
    %dma_start3A_110 = arith.constant 4 : i32
    %dma_start3A_111 = arith.constant 1 : i32
    %dma_start3A_112 = arith.constant 0 : i32
    %dma_start3A_113 = tpu.memref_slice %arg7[%dma_start3A_110, %dma_start3A_111, %dma_start3A_112] : memref<10x2x40xi32, #tpu.memory_space<vmem>> -> memref<1x1x40xi32, #tpu.memory_space<vmem>>
    %dma_start3A_114 = tpu.memref_squeeze %dma_start3A_113 : memref<1x1x40xi32, #tpu.memory_space<vmem>> -> memref<40xi32, #tpu.memory_space<vmem>>
    %dma_start3A_115 = tpu.memref_slice %arg4[%add3A_99] : memref<320000xi32, #tpu.memory_space<hbm>> -> memref<40xi32, #tpu.memory_space<hbm>>
    %dma_start3A_116 = arith.constant 0 : i32
    %dma_start3A_117 = tpu.memref_slice %arg7[%dma_start3A_110, %dma_start3A_111, %dma_start3A_116] : memref<10x2x40xi32, #tpu.memory_space<vmem>> -> memref<1x1x40xi32, #tpu.memory_space<vmem>>
    %dma_start3A_118 = tpu.memref_squeeze %dma_start3A_117 : memref<1x1x40xi32, #tpu.memory_space<vmem>> -> memref<40xi32, #tpu.memory_space<vmem>>
    %dma_start3A_119 = tpu.memref_slice %arg4[%add3A_99] : memref<320000xi32, #tpu.memory_space<hbm>> -> memref<40xi32, #tpu.memory_space<hbm>>
    tpu.enqueue_dma source(%dma_start3A_119 : memref<40xi32, #tpu.memory_space<hbm>>) target(%dma_start3A_118 : memref<40xi32, #tpu.memory_space<vmem>>) target_semaphore(%arg13 : memref<!tpu.dma_semaphore, #tpu.memory_space<semaphore_mem>>)
    %dma_wait3A = arith.constant 0 : i32
    %dma_wait3A_120 = arith.constant 0 : i32
    %dma_wait3A_121 = arith.constant 0 : i32
    %dma_wait3A_122 = tpu.memref_slice %arg7[%dma_wait3A, %dma_wait3A_120, %dma_wait3A_121] : memref<10x2x40xi32, #tpu.memory_space<vmem>> -> memref<1x1x40xi32, #tpu.memory_space<vmem>>
    %dma_wait3A_123 = tpu.memref_squeeze %dma_wait3A_122 : memref<1x1x40xi32, #tpu.memory_space<vmem>> -> memref<40xi32, #tpu.memory_space<vmem>>
    %dma_wait3A_124 = arith.constant 0 : i32
    %dma_wait3A_125 = tpu.memref_slice %arg3[%dma_wait3A_124] : memref<320000xi32, #tpu.memory_space<hbm>> -> memref<40xi32, #tpu.memory_space<hbm>>
    %dma_wait3A_126 = arith.constant 0 : i32
    %dma_wait3A_127 = tpu.memref_slice %arg7[%dma_wait3A, %dma_wait3A_120, %dma_wait3A_126] : memref<10x2x40xi32, #tpu.memory_space<vmem>> -> memref<1x1x40xi32, #tpu.memory_space<vmem>>
    %dma_wait3A_128 = tpu.memref_squeeze %dma_wait3A_127 : memref<1x1x40xi32, #tpu.memory_space<vmem>> -> memref<40xi32, #tpu.memory_space<vmem>>
    %dma_wait3A_129 = arith.constant 0 : i32
    %dma_wait3A_130 = tpu.memref_slice %arg3[%dma_wait3A_129] : memref<320000xi32, #tpu.memory_space<hbm>> -> memref<40xi32, #tpu.memory_space<hbm>>
    tpu.wait_dma2 semaphore(%arg9 : memref<!tpu.dma_semaphore, #tpu.memory_space<semaphore_mem>>) src(%dma_wait3A_130 : memref<40xi32, #tpu.memory_space<hbm>>) dst(%dma_wait3A_128 : memref<40xi32, #tpu.memory_space<vmem>>)
    %dma_wait3A_131 = arith.constant 0 : i32
    %dma_wait3A_132 = arith.constant 1 : i32
    %dma_wait3A_133 = arith.constant 0 : i32
    %dma_wait3A_134 = tpu.memref_slice %arg7[%dma_wait3A_131, %dma_wait3A_132, %dma_wait3A_133] : memref<10x2x40xi32, #tpu.memory_space<vmem>> -> memref<1x1x40xi32, #tpu.memory_space<vmem>>
    %dma_wait3A_135 = tpu.memref_squeeze %dma_wait3A_134 : memref<1x1x40xi32, #tpu.memory_space<vmem>> -> memref<40xi32, #tpu.memory_space<vmem>>
    %dma_wait3A_136 = arith.constant 0 : i32
    %dma_wait3A_137 = tpu.memref_slice %arg4[%dma_wait3A_136] : memref<320000xi32, #tpu.memory_space<hbm>> -> memref<40xi32, #tpu.memory_space<hbm>>
    %dma_wait3A_138 = arith.constant 0 : i32
    %dma_wait3A_139 = tpu.memref_slice %arg7[%dma_wait3A_131, %dma_wait3A_132, %dma_wait3A_138] : memref<10x2x40xi32, #tpu.memory_space<vmem>> -> memref<1x1x40xi32, #tpu.memory_space<vmem>>
    %dma_wait3A_140 = tpu.memref_squeeze %dma_wait3A_139 : memref<1x1x40xi32, #tpu.memory_space<vmem>> -> memref<40xi32, #tpu.memory_space<vmem>>
    %dma_wait3A_141 = arith.constant 0 : i32
    %dma_wait3A_142 = tpu.memref_slice %arg4[%dma_wait3A_141] : memref<320000xi32, #tpu.memory_space<hbm>> -> memref<40xi32, #tpu.memory_space<hbm>>
    tpu.wait_dma2 semaphore(%arg9 : memref<!tpu.dma_semaphore, #tpu.memory_space<semaphore_mem>>) src(%dma_wait3A_142 : memref<40xi32, #tpu.memory_space<hbm>>) dst(%dma_wait3A_140 : memref<40xi32, #tpu.memory_space<vmem>>)
    %dma_start3A_143 = arith.constant 0 : i32
    %dma_start3A_144 = arith.constant 0 : i32
    %dma_start3A_145 = arith.constant 0 : i32
    %dma_start3A_146 = arith.constant 0 : i32
    %dma_start3A_147 = arith.constant 0 : i32
    %dma_start3A_148 = tpu.memref_slice %arg8[%dma_start3A_145, %dma_start3A_146, %dma_start3A_147] : memref<5x40x128xf32, #tpu.memory_space<vmem>> -> memref<1x40x128xf32, #tpu.memory_space<vmem>>
    %dma_start3A_149 = tpu.memref_squeeze %dma_start3A_148 : memref<1x40x128xf32, #tpu.memory_space<vmem>> -> memref<40x128xf32, #tpu.memory_space<vmem>>
    %dma_start3A_150 = arith.constant 0 : i32
    %dma_start3A_151 = tpu.memref_slice %arg7[%dma_start3A_143, %dma_start3A_144, %dma_start3A_150] : memref<10x2x40xi32, #tpu.memory_space<vmem>> -> memref<1x1x40xi32, #tpu.memory_space<vmem>>
    %dma_start3A_152 = tpu.memref_squeeze %dma_start3A_151 : memref<1x1x40xi32, #tpu.memory_space<vmem>> -> memref<40xi32, #tpu.memory_space<vmem>>
    %dma_start3A_153 = arith.constant 0 : i32
    %dma_start3A_154 = arith.constant 0 : i32
    %dma_start3A_155 = tpu.memref_slice %arg2[%dma_start3A_153, %dma_start3A_154] : memref<10000x128xf32, #tpu.memory_space<hbm>> -> memref<10000x128xf32, #tpu.memory_space<hbm>>
    tpu.enqueue_indirect_dma source(%dma_start3A_155 : memref<10000x128xf32, #tpu.memory_space<hbm>>) target(%dma_start3A_149 : memref<40x128xf32, #tpu.memory_space<vmem>>) offsets(%dma_start3A_152 : memref<40xi32, #tpu.memory_space<vmem>>) semaphore(%arg19 : memref<!tpu.dma_semaphore, #tpu.memory_space<semaphore_mem>>)
    %dma_wait3A_156 = arith.constant 1 : i32
    %dma_wait3A_157 = arith.constant 0 : i32
    %dma_wait3A_158 = arith.constant 0 : i32
    %dma_wait3A_159 = tpu.memref_slice %arg7[%dma_wait3A_156, %dma_wait3A_157, %dma_wait3A_158] : memref<10x2x40xi32, #tpu.memory_space<vmem>> -> memref<1x1x40xi32, #tpu.memory_space<vmem>>
    %dma_wait3A_160 = tpu.memref_squeeze %dma_wait3A_159 : memref<1x1x40xi32, #tpu.memory_space<vmem>> -> memref<40xi32, #tpu.memory_space<vmem>>
    %dma_wait3A_161 = arith.constant 0 : i32
    %dma_wait3A_162 = tpu.memref_slice %arg3[%dma_wait3A_161] : memref<320000xi32, #tpu.memory_space<hbm>> -> memref<40xi32, #tpu.memory_space<hbm>>
    %dma_wait3A_163 = arith.constant 0 : i32
    %dma_wait3A_164 = tpu.memref_slice %arg7[%dma_wait3A_156, %dma_wait3A_157, %dma_wait3A_163] : memref<10x2x40xi32, #tpu.memory_space<vmem>> -> memref<1x1x40xi32, #tpu.memory_space<vmem>>
    %dma_wait3A_165 = tpu.memref_squeeze %dma_wait3A_164 : memref<1x1x40xi32, #tpu.memory_space<vmem>> -> memref<40xi32, #tpu.memory_space<vmem>>
    %dma_wait3A_166 = arith.constant 0 : i32
    %dma_wait3A_167 = tpu.memref_slice %arg3[%dma_wait3A_166] : memref<320000xi32, #tpu.memory_space<hbm>> -> memref<40xi32, #tpu.memory_space<hbm>>
    tpu.wait_dma2 semaphore(%arg10 : memref<!tpu.dma_semaphore, #tpu.memory_space<semaphore_mem>>) src(%dma_wait3A_167 : memref<40xi32, #tpu.memory_space<hbm>>) dst(%dma_wait3A_165 : memref<40xi32, #tpu.memory_space<vmem>>)
    %dma_wait3A_168 = arith.constant 1 : i32
    %dma_wait3A_169 = arith.constant 1 : i32
    %dma_wait3A_170 = arith.constant 0 : i32
    %dma_wait3A_171 = tpu.memref_slice %arg7[%dma_wait3A_168, %dma_wait3A_169, %dma_wait3A_170] : memref<10x2x40xi32, #tpu.memory_space<vmem>> -> memref<1x1x40xi32, #tpu.memory_space<vmem>>
    %dma_wait3A_172 = tpu.memref_squeeze %dma_wait3A_171 : memref<1x1x40xi32, #tpu.memory_space<vmem>> -> memref<40xi32, #tpu.memory_space<vmem>>
    %dma_wait3A_173 = arith.constant 0 : i32
    %dma_wait3A_174 = tpu.memref_slice %arg4[%dma_wait3A_173] : memref<320000xi32, #tpu.memory_space<hbm>> -> memref<40xi32, #tpu.memory_space<hbm>>
    %dma_wait3A_175 = arith.constant 0 : i32
    %dma_wait3A_176 = tpu.memref_slice %arg7[%dma_wait3A_168, %dma_wait3A_169, %dma_wait3A_175] : memref<10x2x40xi32, #tpu.memory_space<vmem>> -> memref<1x1x40xi32, #tpu.memory_space<vmem>>
    %dma_wait3A_177 = tpu.memref_squeeze %dma_wait3A_176 : memref<1x1x40xi32, #tpu.memory_space<vmem>> -> memref<40xi32, #tpu.memory_space<vmem>>
    %dma_wait3A_178 = arith.constant 0 : i32
    %dma_wait3A_179 = tpu.memref_slice %arg4[%dma_wait3A_178] : memref<320000xi32, #tpu.memory_space<hbm>> -> memref<40xi32, #tpu.memory_space<hbm>>
    tpu.wait_dma2 semaphore(%arg10 : memref<!tpu.dma_semaphore, #tpu.memory_space<semaphore_mem>>) src(%dma_wait3A_179 : memref<40xi32, #tpu.memory_space<hbm>>) dst(%dma_wait3A_177 : memref<40xi32, #tpu.memory_space<vmem>>)
    %dma_start3A_180 = arith.constant 1 : i32
    %dma_start3A_181 = arith.constant 0 : i32
    %dma_start3A_182 = arith.constant 1 : i32
    %dma_start3A_183 = arith.constant 0 : i32
    %dma_start3A_184 = arith.constant 0 : i32
    %dma_start3A_185 = tpu.memref_slice %arg8[%dma_start3A_182, %dma_start3A_183, %dma_start3A_184] : memref<5x40x128xf32, #tpu.memory_space<vmem>> -> memref<1x40x128xf32, #tpu.memory_space<vmem>>
    %dma_start3A_186 = tpu.memref_squeeze %dma_start3A_185 : memref<1x40x128xf32, #tpu.memory_space<vmem>> -> memref<40x128xf32, #tpu.memory_space<vmem>>
    %dma_start3A_187 = arith.constant 0 : i32
    %dma_start3A_188 = tpu.memref_slice %arg7[%dma_start3A_180, %dma_start3A_181, %dma_start3A_187] : memref<10x2x40xi32, #tpu.memory_space<vmem>> -> memref<1x1x40xi32, #tpu.memory_space<vmem>>
    %dma_start3A_189 = tpu.memref_squeeze %dma_start3A_188 : memref<1x1x40xi32, #tpu.memory_space<vmem>> -> memref<40xi32, #tpu.memory_space<vmem>>
    %dma_start3A_190 = arith.constant 0 : i32
    %dma_start3A_191 = arith.constant 0 : i32
    %dma_start3A_192 = tpu.memref_slice %arg2[%dma_start3A_190, %dma_start3A_191] : memref<10000x128xf32, #tpu.memory_space<hbm>> -> memref<10000x128xf32, #tpu.memory_space<hbm>>
    tpu.enqueue_indirect_dma source(%dma_start3A_192 : memref<10000x128xf32, #tpu.memory_space<hbm>>) target(%dma_start3A_186 : memref<40x128xf32, #tpu.memory_space<vmem>>) offsets(%dma_start3A_189 : memref<40xi32, #tpu.memory_space<vmem>>) semaphore(%arg20 : memref<!tpu.dma_semaphore, #tpu.memory_space<semaphore_mem>>)
    %dma_wait3A_193 = arith.constant 2 : i32
    %dma_wait3A_194 = arith.constant 0 : i32
    %dma_wait3A_195 = arith.constant 0 : i32
    %dma_wait3A_196 = tpu.memref_slice %arg7[%dma_wait3A_193, %dma_wait3A_194, %dma_wait3A_195] : memref<10x2x40xi32, #tpu.memory_space<vmem>> -> memref<1x1x40xi32, #tpu.memory_space<vmem>>
    %dma_wait3A_197 = tpu.memref_squeeze %dma_wait3A_196 : memref<1x1x40xi32, #tpu.memory_space<vmem>> -> memref<40xi32, #tpu.memory_space<vmem>>
    %dma_wait3A_198 = arith.constant 0 : i32
    %dma_wait3A_199 = tpu.memref_slice %arg3[%dma_wait3A_198] : memref<320000xi32, #tpu.memory_space<hbm>> -> memref<40xi32, #tpu.memory_space<hbm>>
    %dma_wait3A_200 = arith.constant 0 : i32
    %dma_wait3A_201 = tpu.memref_slice %arg7[%dma_wait3A_193, %dma_wait3A_194, %dma_wait3A_200] : memref<10x2x40xi32, #tpu.memory_space<vmem>> -> memref<1x1x40xi32, #tpu.memory_space<vmem>>
    %dma_wait3A_202 = tpu.memref_squeeze %dma_wait3A_201 : memref<1x1x40xi32, #tpu.memory_space<vmem>> -> memref<40xi32, #tpu.memory_space<vmem>>
    %dma_wait3A_203 = arith.constant 0 : i32
    %dma_wait3A_204 = tpu.memref_slice %arg3[%dma_wait3A_203] : memref<320000xi32, #tpu.memory_space<hbm>> -> memref<40xi32, #tpu.memory_space<hbm>>
    tpu.wait_dma2 semaphore(%arg11 : memref<!tpu.dma_semaphore, #tpu.memory_space<semaphore_mem>>) src(%dma_wait3A_204 : memref<40xi32, #tpu.memory_space<hbm>>) dst(%dma_wait3A_202 : memref<40xi32, #tpu.memory_space<vmem>>)
    %dma_wait3A_205 = arith.constant 2 : i32
    %dma_wait3A_206 = arith.constant 1 : i32
    %dma_wait3A_207 = arith.constant 0 : i32
    %dma_wait3A_208 = tpu.memref_slice %arg7[%dma_wait3A_205, %dma_wait3A_206, %dma_wait3A_207] : memref<10x2x40xi32, #tpu.memory_space<vmem>> -> memref<1x1x40xi32, #tpu.memory_space<vmem>>
    %dma_wait3A_209 = tpu.memref_squeeze %dma_wait3A_208 : memref<1x1x40xi32, #tpu.memory_space<vmem>> -> memref<40xi32, #tpu.memory_space<vmem>>
    %dma_wait3A_210 = arith.constant 0 : i32
    %dma_wait3A_211 = tpu.memref_slice %arg4[%dma_wait3A_210] : memref<320000xi32, #tpu.memory_space<hbm>> -> memref<40xi32, #tpu.memory_space<hbm>>
    %dma_wait3A_212 = arith.constant 0 : i32
    %dma_wait3A_213 = tpu.memref_slice %arg7[%dma_wait3A_205, %dma_wait3A_206, %dma_wait3A_212] : memref<10x2x40xi32, #tpu.memory_space<vmem>> -> memref<1x1x40xi32, #tpu.memory_space<vmem>>
    %dma_wait3A_214 = tpu.memref_squeeze %dma_wait3A_213 : memref<1x1x40xi32, #tpu.memory_space<vmem>> -> memref<40xi32, #tpu.memory_space<vmem>>
    %dma_wait3A_215 = arith.constant 0 : i32
    %dma_wait3A_216 = tpu.memref_slice %arg4[%dma_wait3A_215] : memref<320000xi32, #tpu.memory_space<hbm>> -> memref<40xi32, #tpu.memory_space<hbm>>
    tpu.wait_dma2 semaphore(%arg11 : memref<!tpu.dma_semaphore, #tpu.memory_space<semaphore_mem>>) src(%dma_wait3A_216 : memref<40xi32, #tpu.memory_space<hbm>>) dst(%dma_wait3A_214 : memref<40xi32, #tpu.memory_space<vmem>>)
    %dma_start3A_217 = arith.constant 2 : i32
    %dma_start3A_218 = arith.constant 0 : i32
    %dma_start3A_219 = arith.constant 2 : i32
    %dma_start3A_220 = arith.constant 0 : i32
    %dma_start3A_221 = arith.constant 0 : i32
    %dma_start3A_222 = tpu.memref_slice %arg8[%dma_start3A_219, %dma_start3A_220, %dma_start3A_221] : memref<5x40x128xf32, #tpu.memory_space<vmem>> -> memref<1x40x128xf32, #tpu.memory_space<vmem>>
    %dma_start3A_223 = tpu.memref_squeeze %dma_start3A_222 : memref<1x40x128xf32, #tpu.memory_space<vmem>> -> memref<40x128xf32, #tpu.memory_space<vmem>>
    %dma_start3A_224 = arith.constant 0 : i32
    %dma_start3A_225 = tpu.memref_slice %arg7[%dma_start3A_217, %dma_start3A_218, %dma_start3A_224] : memref<10x2x40xi32, #tpu.memory_space<vmem>> -> memref<1x1x40xi32, #tpu.memory_space<vmem>>
    %dma_start3A_226 = tpu.memref_squeeze %dma_start3A_225 : memref<1x1x40xi32, #tpu.memory_space<vmem>> -> memref<40xi32, #tpu.memory_space<vmem>>
    %dma_start3A_227 = arith.constant 0 : i32
    %dma_start3A_228 = arith.constant 0 : i32
    %dma_start3A_229 = tpu.memref_slice %arg2[%dma_start3A_227, %dma_start3A_228] : memref<10000x128xf32, #tpu.memory_space<hbm>> -> memref<10000x128xf32, #tpu.memory_space<hbm>>
    tpu.enqueue_indirect_dma source(%dma_start3A_229 : memref<10000x128xf32, #tpu.memory_space<hbm>>) target(%dma_start3A_223 : memref<40x128xf32, #tpu.memory_space<vmem>>) offsets(%dma_start3A_226 : memref<40xi32, #tpu.memory_space<vmem>>) semaphore(%arg21 : memref<!tpu.dma_semaphore, #tpu.memory_space<semaphore_mem>>)
    %dma_wait3A_230 = arith.constant 3 : i32
    %dma_wait3A_231 = arith.constant 0 : i32
    %dma_wait3A_232 = arith.constant 0 : i32
    %dma_wait3A_233 = tpu.memref_slice %arg7[%dma_wait3A_230, %dma_wait3A_231, %dma_wait3A_232] : memref<10x2x40xi32, #tpu.memory_space<vmem>> -> memref<1x1x40xi32, #tpu.memory_space<vmem>>
    %dma_wait3A_234 = tpu.memref_squeeze %dma_wait3A_233 : memref<1x1x40xi32, #tpu.memory_space<vmem>> -> memref<40xi32, #tpu.memory_space<vmem>>
    %dma_wait3A_235 = arith.constant 0 : i32
    %dma_wait3A_236 = tpu.memref_slice %arg3[%dma_wait3A_235] : memref<320000xi32, #tpu.memory_space<hbm>> -> memref<40xi32, #tpu.memory_space<hbm>>
    %dma_wait3A_237 = arith.constant 0 : i32
    %dma_wait3A_238 = tpu.memref_slice %arg7[%dma_wait3A_230, %dma_wait3A_231, %dma_wait3A_237] : memref<10x2x40xi32, #tpu.memory_space<vmem>> -> memref<1x1x40xi32, #tpu.memory_space<vmem>>
    %dma_wait3A_239 = tpu.memref_squeeze %dma_wait3A_238 : memref<1x1x40xi32, #tpu.memory_space<vmem>> -> memref<40xi32, #tpu.memory_space<vmem>>
    %dma_wait3A_240 = arith.constant 0 : i32
    %dma_wait3A_241 = tpu.memref_slice %arg3[%dma_wait3A_240] : memref<320000xi32, #tpu.memory_space<hbm>> -> memref<40xi32, #tpu.memory_space<hbm>>
    tpu.wait_dma2 semaphore(%arg12 : memref<!tpu.dma_semaphore, #tpu.memory_space<semaphore_mem>>) src(%dma_wait3A_241 : memref<40xi32, #tpu.memory_space<hbm>>) dst(%dma_wait3A_239 : memref<40xi32, #tpu.memory_space<vmem>>)
    %dma_wait3A_242 = arith.constant 3 : i32
    %dma_wait3A_243 = arith.constant 1 : i32
    %dma_wait3A_244 = arith.constant 0 : i32
    %dma_wait3A_245 = tpu.memref_slice %arg7[%dma_wait3A_242, %dma_wait3A_243, %dma_wait3A_244] : memref<10x2x40xi32, #tpu.memory_space<vmem>> -> memref<1x1x40xi32, #tpu.memory_space<vmem>>
    %dma_wait3A_246 = tpu.memref_squeeze %dma_wait3A_245 : memref<1x1x40xi32, #tpu.memory_space<vmem>> -> memref<40xi32, #tpu.memory_space<vmem>>
    %dma_wait3A_247 = arith.constant 0 : i32
    %dma_wait3A_248 = tpu.memref_slice %arg4[%dma_wait3A_247] : memref<320000xi32, #tpu.memory_space<hbm>> -> memref<40xi32, #tpu.memory_space<hbm>>
    %dma_wait3A_249 = arith.constant 0 : i32
    %dma_wait3A_250 = tpu.memref_slice %arg7[%dma_wait3A_242, %dma_wait3A_243, %dma_wait3A_249] : memref<10x2x40xi32, #tpu.memory_space<vmem>> -> memref<1x1x40xi32, #tpu.memory_space<vmem>>
    %dma_wait3A_251 = tpu.memref_squeeze %dma_wait3A_250 : memref<1x1x40xi32, #tpu.memory_space<vmem>> -> memref<40xi32, #tpu.memory_space<vmem>>
    %dma_wait3A_252 = arith.constant 0 : i32
    %dma_wait3A_253 = tpu.memref_slice %arg4[%dma_wait3A_252] : memref<320000xi32, #tpu.memory_space<hbm>> -> memref<40xi32, #tpu.memory_space<hbm>>
    tpu.wait_dma2 semaphore(%arg12 : memref<!tpu.dma_semaphore, #tpu.memory_space<semaphore_mem>>) src(%dma_wait3A_253 : memref<40xi32, #tpu.memory_space<hbm>>) dst(%dma_wait3A_251 : memref<40xi32, #tpu.memory_space<vmem>>)
    %dma_start3A_254 = arith.constant 3 : i32
    %dma_start3A_255 = arith.constant 0 : i32
    %dma_start3A_256 = arith.constant 3 : i32
    %dma_start3A_257 = arith.constant 0 : i32
    %dma_start3A_258 = arith.constant 0 : i32
    %dma_start3A_259 = tpu.memref_slice %arg8[%dma_start3A_256, %dma_start3A_257, %dma_start3A_258] : memref<5x40x128xf32, #tpu.memory_space<vmem>> -> memref<1x40x128xf32, #tpu.memory_space<vmem>>
    %dma_start3A_260 = tpu.memref_squeeze %dma_start3A_259 : memref<1x40x128xf32, #tpu.memory_space<vmem>> -> memref<40x128xf32, #tpu.memory_space<vmem>>
    %dma_start3A_261 = arith.constant 0 : i32
    %dma_start3A_262 = tpu.memref_slice %arg7[%dma_start3A_254, %dma_start3A_255, %dma_start3A_261] : memref<10x2x40xi32, #tpu.memory_space<vmem>> -> memref<1x1x40xi32, #tpu.memory_space<vmem>>
    %dma_start3A_263 = tpu.memref_squeeze %dma_start3A_262 : memref<1x1x40xi32, #tpu.memory_space<vmem>> -> memref<40xi32, #tpu.memory_space<vmem>>
    %dma_start3A_264 = arith.constant 0 : i32
    %dma_start3A_265 = arith.constant 0 : i32
    %dma_start3A_266 = tpu.memref_slice %arg2[%dma_start3A_264, %dma_start3A_265] : memref<10000x128xf32, #tpu.memory_space<hbm>> -> memref<10000x128xf32, #tpu.memory_space<hbm>>
    tpu.enqueue_indirect_dma source(%dma_start3A_266 : memref<10000x128xf32, #tpu.memory_space<hbm>>) target(%dma_start3A_260 : memref<40x128xf32, #tpu.memory_space<vmem>>) offsets(%dma_start3A_263 : memref<40xi32, #tpu.memory_space<vmem>>) semaphore(%arg22 : memref<!tpu.dma_semaphore, #tpu.memory_space<semaphore_mem>>)
    %mul3A_267 = arith.constant 640 : i32
    %mul3A_268 = arith.muli %arg1, %mul3A_267 : i32
    "tpu.region"() ({
      %run_scoped3A = tpu.sem_alloc : memref<!tpu.dma_semaphore, #tpu.memory_space<semaphore_mem>>
      %dma_start3A_356 = arith.constant 0 : i32
      %dma_start3A_357 = tpu.memref_slice %arg29[%mul3A_268, %dma_start3A_356] : memref<10240x128xf32, #tpu.memory_space<vmem_shared>> -> memref<640x128xf32, #tpu.memory_space<vmem_shared>>
      tpu.enqueue_dma source(%arg5 : memref<640x128xf32, #tpu.memory_space<hbm>>) target(%dma_start3A_357 : memref<640x128xf32, #tpu.memory_space<vmem_shared>>) target_semaphore(%run_scoped3A : memref<!tpu.dma_semaphore, #tpu.memory_space<semaphore_mem>>)
      %dma_wait3A_358 = arith.constant 0 : i32
      %dma_wait3A_359 = tpu.memref_slice %arg29[%mul3A_268, %dma_wait3A_358] : memref<10240x128xf32, #tpu.memory_space<vmem_shared>> -> memref<640x128xf32, #tpu.memory_space<vmem_shared>>
      tpu.wait_dma2 semaphore(%run_scoped3A : memref<!tpu.dma_semaphore, #tpu.memory_space<semaphore_mem>>) src(%arg5 : memref<640x128xf32, #tpu.memory_space<hbm>>) dst(%dma_wait3A_359 : memref<640x128xf32, #tpu.memory_space<vmem_shared>>)
      tpu.yield
    }) : () -> ()
    %barrier3A = arith.constant 0 : index
    tpu.barrier barrier_id(%barrier3A)
    %scan3A = arith.constant 0 : i32
    %scan3A_269 = arith.constant 0 : i32
    %scan3A_270 = arith.constant 25 : i32
    %scan3A_271 = arith.addi %scan3A_269, %scan3A_270 : i32
    %scan3A_272 = arith.constant 1 : i32
    scf.for %scan3A_356 = %scan3A_269 to %scan3A_271 step %scan3A_272  : i32 {
      %mul3A_357 = arith.constant 2 : i32
      %mul3A_358 = arith.muli %scan3A_356, %mul3A_357 : i32
      %add3A_359 = arith.constant 0 : i32
      %add3A_360 = arith.addi %mul3A_358, %add3A_359 : i32
      %mul3A_361 = arith.constant 5 : i32
      %mul3A_362 = arith.muli %add3A_360, %mul3A_361 : i32
      %add3A_363 = arith.constant 0 : i32
      %add3A_364 = arith.addi %mul3A_362, %add3A_363 : i32
      %dma_wait3A_365 = arith.constant 0 : i32
      %dma_wait3A_366 = arith.constant 0 : i32
      %dma_wait3A_367 = arith.constant 0 : i32
      %dma_wait3A_368 = arith.constant 0 : i32
      %dma_wait3A_369 = arith.constant 0 : i32
      %dma_wait3A_370 = tpu.memref_slice %arg8[%dma_wait3A_367, %dma_wait3A_368, %dma_wait3A_369] : memref<5x40x128xf32, #tpu.memory_space<vmem>> -> memref<1x40x128xf32, #tpu.memory_space<vmem>>
      %dma_wait3A_371 = tpu.memref_squeeze %dma_wait3A_370 : memref<1x40x128xf32, #tpu.memory_space<vmem>> -> memref<40x128xf32, #tpu.memory_space<vmem>>
      %dma_wait3A_372 = arith.constant 0 : i32
      %dma_wait3A_373 = tpu.memref_slice %arg7[%dma_wait3A_365, %dma_wait3A_366, %dma_wait3A_372] : memref<10x2x40xi32, #tpu.memory_space<vmem>> -> memref<1x1x40xi32, #tpu.memory_space<vmem>>
      %dma_wait3A_374 = tpu.memref_squeeze %dma_wait3A_373 : memref<1x1x40xi32, #tpu.memory_space<vmem>> -> memref<40xi32, #tpu.memory_space<vmem>>
      %dma_wait3A_375 = arith.constant 0 : i32
      %dma_wait3A_376 = arith.constant 0 : i32
      %dma_wait3A_377 = tpu.memref_slice %arg2[%dma_wait3A_375, %dma_wait3A_376] : memref<10000x128xf32, #tpu.memory_space<hbm>> -> memref<10000x128xf32, #tpu.memory_space<hbm>>
      tpu.wait_indirect_dma semaphore(%arg19 : memref<!tpu.dma_semaphore, #tpu.memory_space<semaphore_mem>>) src(%dma_wait3A_377 : memref<10000x128xf32, #tpu.memory_space<hbm>>) dst(%dma_wait3A_371 : memref<40x128xf32, #tpu.memory_space<vmem>>)
      %dma_start3A_378 = arith.constant 0 : i32
      %dma_start3A_379 = arith.constant 0 : i32
      %dma_start3A_380 = arith.constant 1 : i32
      %dma_start3A_381 = arith.constant 0 : i32
      %dma_start3A_382 = arith.constant 0 : i32
      %dma_start3A_383 = tpu.memref_slice %arg8[%dma_start3A_378, %dma_start3A_381, %dma_start3A_382] : memref<5x40x128xf32, #tpu.memory_space<vmem>> -> memref<1x40x128xf32, #tpu.memory_space<vmem>>
      %dma_start3A_384 = tpu.memref_squeeze %dma_start3A_383 : memref<1x40x128xf32, #tpu.memory_space<vmem>> -> memref<40x128xf32, #tpu.memory_space<vmem>>
      %dma_start3A_385 = arith.constant 0 : i32
      %dma_start3A_386 = tpu.memref_slice %arg7[%dma_start3A_379, %dma_start3A_380, %dma_start3A_385] : memref<10x2x40xi32, #tpu.memory_space<vmem>> -> memref<1x1x40xi32, #tpu.memory_space<vmem>>
      %dma_start3A_387 = tpu.memref_squeeze %dma_start3A_386 : memref<1x1x40xi32, #tpu.memory_space<vmem>> -> memref<40xi32, #tpu.memory_space<vmem>>
      %dma_start3A_388 = arith.constant 0 : i32
      %dma_start3A_389 = arith.constant 0 : i32
      %dma_start3A_390 = tpu.memref_slice %arg29[%dma_start3A_388, %dma_start3A_389] : memref<10240x128xf32, #tpu.memory_space<vmem_shared>> -> memref<10240x128xf32, #tpu.memory_space<vmem_shared>>
      tpu.enqueue_indirect_dma source(%dma_start3A_384 : memref<40x128xf32, #tpu.memory_space<vmem>>) target(%dma_start3A_390 : memref<10240x128xf32, #tpu.memory_space<vmem_shared>>) offsets(%dma_start3A_387 : memref<40xi32, #tpu.memory_space<vmem>>) semaphore(%arg24 : memref<!tpu.dma_semaphore, #tpu.memory_space<semaphore_mem>>) {add = true}
      %add3A_391 = arith.constant 5 : i32
      %add3A_392 = arith.addi %add3A_364, %add3A_391 : i32
      %lt3A_393 = arith.constant 250 : i32
      %lt3A_394 = arith.cmpi slt, %add3A_392, %lt3A_393 : i32
      %convert_element_type3A_395 = arith.extui %lt3A_394 : i1 to i32
      %cond3A_396 = arith.constant 0 : i32
      %cond3A_397 = arith.cmpi ne, %convert_element_type3A_395, %cond3A_396 : i32
      scf.if %cond3A_397 {
        %mul3A_789 = arith.constant 10000 : i32
        %mul3A_790 = arith.muli %add3A, %mul3A_789 : i32
        %mul3A_791 = arith.constant 40 : i32
        %mul3A_792 = arith.muli %add3A_392, %mul3A_791 : i32
        %add3A_793 = arith.addi %mul3A_790, %mul3A_792 : i32
        %dma_start3A_794 = arith.constant 5 : i32
        %dma_start3A_795 = arith.constant 0 : i32
        %dma_start3A_796 = arith.constant 0 : i32
        %dma_start3A_797 = tpu.memref_slice %arg7[%dma_start3A_794, %dma_start3A_795, %dma_start3A_796] : memref<10x2x40xi32, #tpu.memory_space<vmem>> -> memref<1x1x40xi32, #tpu.memory_space<vmem>>
        %dma_start3A_798 = tpu.memref_squeeze %dma_start3A_797 : memref<1x1x40xi32, #tpu.memory_space<vmem>> -> memref<40xi32, #tpu.memory_space<vmem>>
        %dma_start3A_799 = tpu.memref_slice %arg3[%add3A_793] : memref<320000xi32, #tpu.memory_space<hbm>> -> memref<40xi32, #tpu.memory_space<hbm>>
        %dma_start3A_800 = arith.constant 0 : i32
        %dma_start3A_801 = tpu.memref_slice %arg7[%dma_start3A_794, %dma_start3A_795, %dma_start3A_800] : memref<10x2x40xi32, #tpu.memory_space<vmem>> -> memref<1x1x40xi32, #tpu.memory_space<vmem>>
        %dma_start3A_802 = tpu.memref_squeeze %dma_start3A_801 : memref<1x1x40xi32, #tpu.memory_space<vmem>> -> memref<40xi32, #tpu.memory_space<vmem>>
        %dma_start3A_803 = tpu.memref_slice %arg3[%add3A_793] : memref<320000xi32, #tpu.memory_space<hbm>> -> memref<40xi32, #tpu.memory_space<hbm>>
        tpu.enqueue_dma source(%dma_start3A_803 : memref<40xi32, #tpu.memory_space<hbm>>) target(%dma_start3A_802 : memref<40xi32, #tpu.memory_space<vmem>>) target_semaphore(%arg14 : memref<!tpu.dma_semaphore, #tpu.memory_space<semaphore_mem>>)
        %dma_start3A_804 = arith.constant 5 : i32
        %dma_start3A_805 = arith.constant 1 : i32
        %dma_start3A_806 = arith.constant 0 : i32
        %dma_start3A_807 = tpu.memref_slice %arg7[%dma_start3A_804, %dma_start3A_805, %dma_start3A_806] : memref<10x2x40xi32, #tpu.memory_space<vmem>> -> memref<1x1x40xi32, #tpu.memory_space<vmem>>
        %dma_start3A_808 = tpu.memref_squeeze %dma_start3A_807 : memref<1x1x40xi32, #tpu.memory_space<vmem>> -> memref<40xi32, #tpu.memory_space<vmem>>
        %dma_start3A_809 = tpu.memref_slice %arg4[%add3A_793] : memref<320000xi32, #tpu.memory_space<hbm>> -> memref<40xi32, #tpu.memory_space<hbm>>
        %dma_start3A_810 = arith.constant 0 : i32
        %dma_start3A_811 = tpu.memref_slice %arg7[%dma_start3A_804, %dma_start3A_805, %dma_start3A_810] : memref<10x2x40xi32, #tpu.memory_space<vmem>> -> memref<1x1x40xi32, #tpu.memory_space<vmem>>
        %dma_start3A_812 = tpu.memref_squeeze %dma_start3A_811 : memref<1x1x40xi32, #tpu.memory_space<vmem>> -> memref<40xi32, #tpu.memory_space<vmem>>
        %dma_start3A_813 = tpu.memref_slice %arg4[%add3A_793] : memref<320000xi32, #tpu.memory_space<hbm>> -> memref<40xi32, #tpu.memory_space<hbm>>
        tpu.enqueue_dma source(%dma_start3A_813 : memref<40xi32, #tpu.memory_space<hbm>>) target(%dma_start3A_812 : memref<40xi32, #tpu.memory_space<vmem>>) target_semaphore(%arg14 : memref<!tpu.dma_semaphore, #tpu.memory_space<semaphore_mem>>)
      } else {
      }
      %add3A_398 = arith.constant 4 : i32
      %add3A_399 = arith.addi %add3A_364, %add3A_398 : i32
      %lt3A_400 = arith.constant 250 : i32
      %lt3A_401 = arith.cmpi slt, %add3A_399, %lt3A_400 : i32
      %convert_element_type3A_402 = arith.extui %lt3A_401 : i1 to i32
      %cond3A_403 = arith.constant 0 : i32
      %cond3A_404 = arith.cmpi ne, %convert_element_type3A_402, %cond3A_403 : i32
      scf.if %cond3A_404 {
        %ge3A = arith.constant 1 : i32
        %ge3A_789 = arith.cmpi sge, %add3A_364, %ge3A : i32
        %convert_element_type3A_790 = arith.extui %ge3A_789 : i1 to i32
        %cond3A_791 = arith.constant 0 : i32
        %cond3A_792 = arith.cmpi ne, %convert_element_type3A_790, %cond3A_791 : i32
        scf.if %cond3A_792 {
          %dma_wait3A_830 = arith.constant 4 : i32
          %dma_wait3A_831 = arith.constant 0 : i32
          %dma_wait3A_832 = arith.constant 0 : i32
          %dma_wait3A_833 = tpu.memref_slice %arg8[%dma_wait3A_830, %dma_wait3A_831, %dma_wait3A_832] : memref<5x40x128xf32, #tpu.memory_space<vmem>> -> memref<1x40x128xf32, #tpu.memory_space<vmem>>
          %dma_wait3A_834 = tpu.memref_squeeze %dma_wait3A_833 : memref<1x40x128xf32, #tpu.memory_space<vmem>> -> memref<40x128xf32, #tpu.memory_space<vmem>>
          %dma_wait3A_835 = arith.constant 0 : i32
          %dma_wait3A_836 = arith.constant 0 : i32
          %dma_wait3A_837 = tpu.memref_slice %arg29[%dma_wait3A_835, %dma_wait3A_836] : memref<10240x128xf32, #tpu.memory_space<vmem_shared>> -> memref<40x128xf32, #tpu.memory_space<vmem_shared>>
          %dma_wait3A_838 = arith.constant 0 : i32
          %dma_wait3A_839 = arith.constant 0 : i32
          %dma_wait3A_840 = tpu.memref_slice %arg29[%dma_wait3A_838, %dma_wait3A_839] : memref<10240x128xf32, #tpu.memory_space<vmem_shared>> -> memref<40x128xf32, #tpu.memory_space<vmem_shared>>
          %dma_wait3A_841 = arith.constant 0 : i32
          %dma_wait3A_842 = arith.constant 0 : i32
          %dma_wait3A_843 = tpu.memref_slice %arg8[%dma_wait3A_830, %dma_wait3A_841, %dma_wait3A_842] : memref<5x40x128xf32, #tpu.memory_space<vmem>> -> memref<1x40x128xf32, #tpu.memory_space<vmem>>
          %dma_wait3A_844 = tpu.memref_squeeze %dma_wait3A_843 : memref<1x40x128xf32, #tpu.memory_space<vmem>> -> memref<40x128xf32, #tpu.memory_space<vmem>>
          tpu.wait_dma2 semaphore(%arg28 : memref<!tpu.dma_semaphore, #tpu.memory_space<semaphore_mem>>) src(%dma_wait3A_844 : memref<40x128xf32, #tpu.memory_space<vmem>>) dst(%dma_wait3A_840 : memref<40x128xf32, #tpu.memory_space<vmem_shared>>)
        } else {
        }
        %dma_wait3A_793 = arith.constant 4 : i32
        %dma_wait3A_794 = arith.constant 0 : i32
        %dma_wait3A_795 = arith.constant 0 : i32
        %dma_wait3A_796 = tpu.memref_slice %arg7[%dma_wait3A_793, %dma_wait3A_794, %dma_wait3A_795] : memref<10x2x40xi32, #tpu.memory_space<vmem>> -> memref<1x1x40xi32, #tpu.memory_space<vmem>>
        %dma_wait3A_797 = tpu.memref_squeeze %dma_wait3A_796 : memref<1x1x40xi32, #tpu.memory_space<vmem>> -> memref<40xi32, #tpu.memory_space<vmem>>
        %dma_wait3A_798 = arith.constant 0 : i32
        %dma_wait3A_799 = tpu.memref_slice %arg3[%dma_wait3A_798] : memref<320000xi32, #tpu.memory_space<hbm>> -> memref<40xi32, #tpu.memory_space<hbm>>
        %dma_wait3A_800 = arith.constant 0 : i32
        %dma_wait3A_801 = tpu.memref_slice %arg7[%dma_wait3A_793, %dma_wait3A_794, %dma_wait3A_800] : memref<10x2x40xi32, #tpu.memory_space<vmem>> -> memref<1x1x40xi32, #tpu.memory_space<vmem>>
        %dma_wait3A_802 = tpu.memref_squeeze %dma_wait3A_801 : memref<1x1x40xi32, #tpu.memory_space<vmem>> -> memref<40xi32, #tpu.memory_space<vmem>>
        %dma_wait3A_803 = arith.constant 0 : i32
        %dma_wait3A_804 = tpu.memref_slice %arg3[%dma_wait3A_803] : memref<320000xi32, #tpu.memory_space<hbm>> -> memref<40xi32, #tpu.memory_space<hbm>>
        tpu.wait_dma2 semaphore(%arg13 : memref<!tpu.dma_semaphore, #tpu.memory_space<semaphore_mem>>) src(%dma_wait3A_804 : memref<40xi32, #tpu.memory_space<hbm>>) dst(%dma_wait3A_802 : memref<40xi32, #tpu.memory_space<vmem>>)
        %dma_wait3A_805 = arith.constant 4 : i32
        %dma_wait3A_806 = arith.constant 1 : i32
        %dma_wait3A_807 = arith.constant 0 : i32
        %dma_wait3A_808 = tpu.memref_slice %arg7[%dma_wait3A_805, %dma_wait3A_806, %dma_wait3A_807] : memref<10x2x40xi32, #tpu.memory_space<vmem>> -> memref<1x1x40xi32, #tpu.memory_space<vmem>>
        %dma_wait3A_809 = tpu.memref_squeeze %dma_wait3A_808 : memref<1x1x40xi32, #tpu.memory_space<vmem>> -> memref<40xi32, #tpu.memory_space<vmem>>
        %dma_wait3A_810 = arith.constant 0 : i32
        %dma_wait3A_811 = tpu.memref_slice %arg4[%dma_wait3A_810] : memref<320000xi32, #tpu.memory_space<hbm>> -> memref<40xi32, #tpu.memory_space<hbm>>
        %dma_wait3A_812 = arith.constant 0 : i32
        %dma_wait3A_813 = tpu.memref_slice %arg7[%dma_wait3A_805, %dma_wait3A_806, %dma_wait3A_812] : memref<10x2x40xi32, #tpu.memory_space<vmem>> -> memref<1x1x40xi32, #tpu.memory_space<vmem>>
        %dma_wait3A_814 = tpu.memref_squeeze %dma_wait3A_813 : memref<1x1x40xi32, #tpu.memory_space<vmem>> -> memref<40xi32, #tpu.memory_space<vmem>>
        %dma_wait3A_815 = arith.constant 0 : i32
        %dma_wait3A_816 = tpu.memref_slice %arg4[%dma_wait3A_815] : memref<320000xi32, #tpu.memory_space<hbm>> -> memref<40xi32, #tpu.memory_space<hbm>>
        tpu.wait_dma2 semaphore(%arg13 : memref<!tpu.dma_semaphore, #tpu.memory_space<semaphore_mem>>) src(%dma_wait3A_816 : memref<40xi32, #tpu.memory_space<hbm>>) dst(%dma_wait3A_814 : memref<40xi32, #tpu.memory_space<vmem>>)
        %dma_start3A_817 = arith.constant 4 : i32
        %dma_start3A_818 = arith.constant 0 : i32
        %dma_start3A_819 = arith.constant 4 : i32
        %dma_start3A_820 = arith.constant 0 : i32
        %dma_start3A_821 = arith.constant 0 : i32
        %dma_start3A_822 = tpu.memref_slice %arg8[%dma_start3A_819, %dma_start3A_820, %dma_start3A_821] : memref<5x40x128xf32, #tpu.memory_space<vmem>> -> memref<1x40x128xf32, #tpu.memory_space<vmem>>
        %dma_start3A_823 = tpu.memref_squeeze %dma_start3A_822 : memref<1x40x128xf32, #tpu.memory_space<vmem>> -> memref<40x128xf32, #tpu.memory_space<vmem>>
        %dma_start3A_824 = arith.constant 0 : i32
        %dma_start3A_825 = tpu.memref_slice %arg7[%dma_start3A_817, %dma_start3A_818, %dma_start3A_824] : memref<10x2x40xi32, #tpu.memory_space<vmem>> -> memref<1x1x40xi32, #tpu.memory_space<vmem>>
        %dma_start3A_826 = tpu.memref_squeeze %dma_start3A_825 : memref<1x1x40xi32, #tpu.memory_space<vmem>> -> memref<40xi32, #tpu.memory_space<vmem>>
        %dma_start3A_827 = arith.constant 0 : i32
        %dma_start3A_828 = arith.constant 0 : i32
        %dma_start3A_829 = tpu.memref_slice %arg2[%dma_start3A_827, %dma_start3A_828] : memref<10000x128xf32, #tpu.memory_space<hbm>> -> memref<10000x128xf32, #tpu.memory_space<hbm>>
        tpu.enqueue_indirect_dma source(%dma_start3A_829 : memref<10000x128xf32, #tpu.memory_space<hbm>>) target(%dma_start3A_823 : memref<40x128xf32, #tpu.memory_space<vmem>>) offsets(%dma_start3A_826 : memref<40xi32, #tpu.memory_space<vmem>>) semaphore(%arg23 : memref<!tpu.dma_semaphore, #tpu.memory_space<semaphore_mem>>)
      } else {
      }
      %add3A_405 = arith.constant 1 : i32
      %add3A_406 = arith.addi %mul3A_362, %add3A_405 : i32
      %dma_wait3A_407 = arith.constant 1 : i32
      %dma_wait3A_408 = arith.constant 0 : i32
      %dma_wait3A_409 = arith.constant 1 : i32
      %dma_wait3A_410 = arith.constant 0 : i32
      %dma_wait3A_411 = arith.constant 0 : i32
      %dma_wait3A_412 = tpu.memref_slice %arg8[%dma_wait3A_409, %dma_wait3A_410, %dma_wait3A_411] : memref<5x40x128xf32, #tpu.memory_space<vmem>> -> memref<1x40x128xf32, #tpu.memory_space<vmem>>
      %dma_wait3A_413 = tpu.memref_squeeze %dma_wait3A_412 : memref<1x40x128xf32, #tpu.memory_space<vmem>> -> memref<40x128xf32, #tpu.memory_space<vmem>>
      %dma_wait3A_414 = arith.constant 0 : i32
      %dma_wait3A_415 = tpu.memref_slice %arg7[%dma_wait3A_407, %dma_wait3A_408, %dma_wait3A_414] : memref<10x2x40xi32, #tpu.memory_space<vmem>> -> memref<1x1x40xi32, #tpu.memory_space<vmem>>
      %dma_wait3A_416 = tpu.memref_squeeze %dma_wait3A_415 : memref<1x1x40xi32, #tpu.memory_space<vmem>> -> memref<40xi32, #tpu.memory_space<vmem>>
      %dma_wait3A_417 = arith.constant 0 : i32
      %dma_wait3A_418 = arith.constant 0 : i32
      %dma_wait3A_419 = tpu.memref_slice %arg2[%dma_wait3A_417, %dma_wait3A_418] : memref<10000x128xf32, #tpu.memory_space<hbm>> -> memref<10000x128xf32, #tpu.memory_space<hbm>>
      tpu.wait_indirect_dma semaphore(%arg20 : memref<!tpu.dma_semaphore, #tpu.memory_space<semaphore_mem>>) src(%dma_wait3A_419 : memref<10000x128xf32, #tpu.memory_space<hbm>>) dst(%dma_wait3A_413 : memref<40x128xf32, #tpu.memory_space<vmem>>)
      %dma_start3A_420 = arith.constant 1 : i32
      %dma_start3A_421 = arith.constant 1 : i32
      %dma_start3A_422 = arith.constant 1 : i32
      %dma_start3A_423 = arith.constant 0 : i32
      %dma_start3A_424 = arith.constant 0 : i32
      %dma_start3A_425 = tpu.memref_slice %arg8[%dma_start3A_420, %dma_start3A_423, %dma_start3A_424] : memref<5x40x128xf32, #tpu.memory_space<vmem>> -> memref<1x40x128xf32, #tpu.memory_space<vmem>>
      %dma_start3A_426 = tpu.memref_squeeze %dma_start3A_425 : memref<1x40x128xf32, #tpu.memory_space<vmem>> -> memref<40x128xf32, #tpu.memory_space<vmem>>
      %dma_start3A_427 = arith.constant 0 : i32
      %dma_start3A_428 = tpu.memref_slice %arg7[%dma_start3A_421, %dma_start3A_422, %dma_start3A_427] : memref<10x2x40xi32, #tpu.memory_space<vmem>> -> memref<1x1x40xi32, #tpu.memory_space<vmem>>
      %dma_start3A_429 = tpu.memref_squeeze %dma_start3A_428 : memref<1x1x40xi32, #tpu.memory_space<vmem>> -> memref<40xi32, #tpu.memory_space<vmem>>
      %dma_start3A_430 = arith.constant 0 : i32
      %dma_start3A_431 = arith.constant 0 : i32
      %dma_start3A_432 = tpu.memref_slice %arg29[%dma_start3A_430, %dma_start3A_431] : memref<10240x128xf32, #tpu.memory_space<vmem_shared>> -> memref<10240x128xf32, #tpu.memory_space<vmem_shared>>
      tpu.enqueue_indirect_dma source(%dma_start3A_426 : memref<40x128xf32, #tpu.memory_space<vmem>>) target(%dma_start3A_432 : memref<10240x128xf32, #tpu.memory_space<vmem_shared>>) offsets(%dma_start3A_429 : memref<40xi32, #tpu.memory_space<vmem>>) semaphore(%arg25 : memref<!tpu.dma_semaphore, #tpu.memory_space<semaphore_mem>>) {add = true}
      %add3A_433 = arith.constant 5 : i32
      %add3A_434 = arith.addi %add3A_406, %add3A_433 : i32
      %lt3A_435 = arith.constant 250 : i32
      %lt3A_436 = arith.cmpi slt, %add3A_434, %lt3A_435 : i32
      %convert_element_type3A_437 = arith.extui %lt3A_436 : i1 to i32
      %cond3A_438 = arith.constant 0 : i32
      %cond3A_439 = arith.cmpi ne, %convert_element_type3A_437, %cond3A_438 : i32
      scf.if %cond3A_439 {
        %mul3A_789 = arith.constant 10000 : i32
        %mul3A_790 = arith.muli %add3A, %mul3A_789 : i32
        %mul3A_791 = arith.constant 40 : i32
        %mul3A_792 = arith.muli %add3A_434, %mul3A_791 : i32
        %add3A_793 = arith.addi %mul3A_790, %mul3A_792 : i32
        %dma_start3A_794 = arith.constant 6 : i32
        %dma_start3A_795 = arith.constant 0 : i32
        %dma_start3A_796 = arith.constant 0 : i32
        %dma_start3A_797 = tpu.memref_slice %arg7[%dma_start3A_794, %dma_start3A_795, %dma_start3A_796] : memref<10x2x40xi32, #tpu.memory_space<vmem>> -> memref<1x1x40xi32, #tpu.memory_space<vmem>>
        %dma_start3A_798 = tpu.memref_squeeze %dma_start3A_797 : memref<1x1x40xi32, #tpu.memory_space<vmem>> -> memref<40xi32, #tpu.memory_space<vmem>>
        %dma_start3A_799 = tpu.memref_slice %arg3[%add3A_793] : memref<320000xi32, #tpu.memory_space<hbm>> -> memref<40xi32, #tpu.memory_space<hbm>>
        %dma_start3A_800 = arith.constant 0 : i32
        %dma_start3A_801 = tpu.memref_slice %arg7[%dma_start3A_794, %dma_start3A_795, %dma_start3A_800] : memref<10x2x40xi32, #tpu.memory_space<vmem>> -> memref<1x1x40xi32, #tpu.memory_space<vmem>>
        %dma_start3A_802 = tpu.memref_squeeze %dma_start3A_801 : memref<1x1x40xi32, #tpu.memory_space<vmem>> -> memref<40xi32, #tpu.memory_space<vmem>>
        %dma_start3A_803 = tpu.memref_slice %arg3[%add3A_793] : memref<320000xi32, #tpu.memory_space<hbm>> -> memref<40xi32, #tpu.memory_space<hbm>>
        tpu.enqueue_dma source(%dma_start3A_803 : memref<40xi32, #tpu.memory_space<hbm>>) target(%dma_start3A_802 : memref<40xi32, #tpu.memory_space<vmem>>) target_semaphore(%arg15 : memref<!tpu.dma_semaphore, #tpu.memory_space<semaphore_mem>>)
        %dma_start3A_804 = arith.constant 6 : i32
        %dma_start3A_805 = arith.constant 1 : i32
        %dma_start3A_806 = arith.constant 0 : i32
        %dma_start3A_807 = tpu.memref_slice %arg7[%dma_start3A_804, %dma_start3A_805, %dma_start3A_806] : memref<10x2x40xi32, #tpu.memory_space<vmem>> -> memref<1x1x40xi32, #tpu.memory_space<vmem>>
        %dma_start3A_808 = tpu.memref_squeeze %dma_start3A_807 : memref<1x1x40xi32, #tpu.memory_space<vmem>> -> memref<40xi32, #tpu.memory_space<vmem>>
        %dma_start3A_809 = tpu.memref_slice %arg4[%add3A_793] : memref<320000xi32, #tpu.memory_space<hbm>> -> memref<40xi32, #tpu.memory_space<hbm>>
        %dma_start3A_810 = arith.constant 0 : i32
        %dma_start3A_811 = tpu.memref_slice %arg7[%dma_start3A_804, %dma_start3A_805, %dma_start3A_810] : memref<10x2x40xi32, #tpu.memory_space<vmem>> -> memref<1x1x40xi32, #tpu.memory_space<vmem>>
        %dma_start3A_812 = tpu.memref_squeeze %dma_start3A_811 : memref<1x1x40xi32, #tpu.memory_space<vmem>> -> memref<40xi32, #tpu.memory_space<vmem>>
        %dma_start3A_813 = tpu.memref_slice %arg4[%add3A_793] : memref<320000xi32, #tpu.memory_space<hbm>> -> memref<40xi32, #tpu.memory_space<hbm>>
        tpu.enqueue_dma source(%dma_start3A_813 : memref<40xi32, #tpu.memory_space<hbm>>) target(%dma_start3A_812 : memref<40xi32, #tpu.memory_space<vmem>>) target_semaphore(%arg15 : memref<!tpu.dma_semaphore, #tpu.memory_space<semaphore_mem>>)
      } else {
      }
      %add3A_440 = arith.constant 4 : i32
      %add3A_441 = arith.addi %add3A_406, %add3A_440 : i32
      %lt3A_442 = arith.constant 250 : i32
      %lt3A_443 = arith.cmpi slt, %add3A_441, %lt3A_442 : i32
      %convert_element_type3A_444 = arith.extui %lt3A_443 : i1 to i32
      %cond3A_445 = arith.constant 0 : i32
      %cond3A_446 = arith.cmpi ne, %convert_element_type3A_444, %cond3A_445 : i32
      scf.if %cond3A_446 {
        %ge3A = arith.constant 1 : i32
        %ge3A_789 = arith.cmpi sge, %add3A_406, %ge3A : i32
        %convert_element_type3A_790 = arith.extui %ge3A_789 : i1 to i32
        %cond3A_791 = arith.constant 0 : i32
        %cond3A_792 = arith.cmpi ne, %convert_element_type3A_790, %cond3A_791 : i32
        scf.if %cond3A_792 {
          %dma_wait3A_830 = arith.constant 0 : i32
          %dma_wait3A_831 = arith.constant 0 : i32
          %dma_wait3A_832 = arith.constant 0 : i32
          %dma_wait3A_833 = tpu.memref_slice %arg8[%dma_wait3A_830, %dma_wait3A_831, %dma_wait3A_832] : memref<5x40x128xf32, #tpu.memory_space<vmem>> -> memref<1x40x128xf32, #tpu.memory_space<vmem>>
          %dma_wait3A_834 = tpu.memref_squeeze %dma_wait3A_833 : memref<1x40x128xf32, #tpu.memory_space<vmem>> -> memref<40x128xf32, #tpu.memory_space<vmem>>
          %dma_wait3A_835 = arith.constant 0 : i32
          %dma_wait3A_836 = arith.constant 0 : i32
          %dma_wait3A_837 = tpu.memref_slice %arg29[%dma_wait3A_835, %dma_wait3A_836] : memref<10240x128xf32, #tpu.memory_space<vmem_shared>> -> memref<40x128xf32, #tpu.memory_space<vmem_shared>>
          %dma_wait3A_838 = arith.constant 0 : i32
          %dma_wait3A_839 = arith.constant 0 : i32
          %dma_wait3A_840 = tpu.memref_slice %arg29[%dma_wait3A_838, %dma_wait3A_839] : memref<10240x128xf32, #tpu.memory_space<vmem_shared>> -> memref<40x128xf32, #tpu.memory_space<vmem_shared>>
          %dma_wait3A_841 = arith.constant 0 : i32
          %dma_wait3A_842 = arith.constant 0 : i32
          %dma_wait3A_843 = tpu.memref_slice %arg8[%dma_wait3A_830, %dma_wait3A_841, %dma_wait3A_842] : memref<5x40x128xf32, #tpu.memory_space<vmem>> -> memref<1x40x128xf32, #tpu.memory_space<vmem>>
          %dma_wait3A_844 = tpu.memref_squeeze %dma_wait3A_843 : memref<1x40x128xf32, #tpu.memory_space<vmem>> -> memref<40x128xf32, #tpu.memory_space<vmem>>
          tpu.wait_dma2 semaphore(%arg24 : memref<!tpu.dma_semaphore, #tpu.memory_space<semaphore_mem>>) src(%dma_wait3A_844 : memref<40x128xf32, #tpu.memory_space<vmem>>) dst(%dma_wait3A_840 : memref<40x128xf32, #tpu.memory_space<vmem_shared>>)
        } else {
        }
        %dma_wait3A_793 = arith.constant 5 : i32
        %dma_wait3A_794 = arith.constant 0 : i32
        %dma_wait3A_795 = arith.constant 0 : i32
        %dma_wait3A_796 = tpu.memref_slice %arg7[%dma_wait3A_793, %dma_wait3A_794, %dma_wait3A_795] : memref<10x2x40xi32, #tpu.memory_space<vmem>> -> memref<1x1x40xi32, #tpu.memory_space<vmem>>
        %dma_wait3A_797 = tpu.memref_squeeze %dma_wait3A_796 : memref<1x1x40xi32, #tpu.memory_space<vmem>> -> memref<40xi32, #tpu.memory_space<vmem>>
        %dma_wait3A_798 = arith.constant 0 : i32
        %dma_wait3A_799 = tpu.memref_slice %arg3[%dma_wait3A_798] : memref<320000xi32, #tpu.memory_space<hbm>> -> memref<40xi32, #tpu.memory_space<hbm>>
        %dma_wait3A_800 = arith.constant 0 : i32
        %dma_wait3A_801 = tpu.memref_slice %arg7[%dma_wait3A_793, %dma_wait3A_794, %dma_wait3A_800] : memref<10x2x40xi32, #tpu.memory_space<vmem>> -> memref<1x1x40xi32, #tpu.memory_space<vmem>>
        %dma_wait3A_802 = tpu.memref_squeeze %dma_wait3A_801 : memref<1x1x40xi32, #tpu.memory_space<vmem>> -> memref<40xi32, #tpu.memory_space<vmem>>
        %dma_wait3A_803 = arith.constant 0 : i32
        %dma_wait3A_804 = tpu.memref_slice %arg3[%dma_wait3A_803] : memref<320000xi32, #tpu.memory_space<hbm>> -> memref<40xi32, #tpu.memory_space<hbm>>
        tpu.wait_dma2 semaphore(%arg14 : memref<!tpu.dma_semaphore, #tpu.memory_space<semaphore_mem>>) src(%dma_wait3A_804 : memref<40xi32, #tpu.memory_space<hbm>>) dst(%dma_wait3A_802 : memref<40xi32, #tpu.memory_space<vmem>>)
        %dma_wait3A_805 = arith.constant 5 : i32
        %dma_wait3A_806 = arith.constant 1 : i32
        %dma_wait3A_807 = arith.constant 0 : i32
        %dma_wait3A_808 = tpu.memref_slice %arg7[%dma_wait3A_805, %dma_wait3A_806, %dma_wait3A_807] : memref<10x2x40xi32, #tpu.memory_space<vmem>> -> memref<1x1x40xi32, #tpu.memory_space<vmem>>
        %dma_wait3A_809 = tpu.memref_squeeze %dma_wait3A_808 : memref<1x1x40xi32, #tpu.memory_space<vmem>> -> memref<40xi32, #tpu.memory_space<vmem>>
        %dma_wait3A_810 = arith.constant 0 : i32
        %dma_wait3A_811 = tpu.memref_slice %arg4[%dma_wait3A_810] : memref<320000xi32, #tpu.memory_space<hbm>> -> memref<40xi32, #tpu.memory_space<hbm>>
        %dma_wait3A_812 = arith.constant 0 : i32
        %dma_wait3A_813 = tpu.memref_slice %arg7[%dma_wait3A_805, %dma_wait3A_806, %dma_wait3A_812] : memref<10x2x40xi32, #tpu.memory_space<vmem>> -> memref<1x1x40xi32, #tpu.memory_space<vmem>>
        %dma_wait3A_814 = tpu.memref_squeeze %dma_wait3A_813 : memref<1x1x40xi32, #tpu.memory_space<vmem>> -> memref<40xi32, #tpu.memory_space<vmem>>
        %dma_wait3A_815 = arith.constant 0 : i32
        %dma_wait3A_816 = tpu.memref_slice %arg4[%dma_wait3A_815] : memref<320000xi32, #tpu.memory_space<hbm>> -> memref<40xi32, #tpu.memory_space<hbm>>
        tpu.wait_dma2 semaphore(%arg14 : memref<!tpu.dma_semaphore, #tpu.memory_space<semaphore_mem>>) src(%dma_wait3A_816 : memref<40xi32, #tpu.memory_space<hbm>>) dst(%dma_wait3A_814 : memref<40xi32, #tpu.memory_space<vmem>>)
        %dma_start3A_817 = arith.constant 5 : i32
        %dma_start3A_818 = arith.constant 0 : i32
        %dma_start3A_819 = arith.constant 0 : i32
        %dma_start3A_820 = arith.constant 0 : i32
        %dma_start3A_821 = arith.constant 0 : i32
        %dma_start3A_822 = tpu.memref_slice %arg8[%dma_start3A_819, %dma_start3A_820, %dma_start3A_821] : memref<5x40x128xf32, #tpu.memory_space<vmem>> -> memref<1x40x128xf32, #tpu.memory_space<vmem>>
        %dma_start3A_823 = tpu.memref_squeeze %dma_start3A_822 : memref<1x40x128xf32, #tpu.memory_space<vmem>> -> memref<40x128xf32, #tpu.memory_space<vmem>>
        %dma_start3A_824 = arith.constant 0 : i32
        %dma_start3A_825 = tpu.memref_slice %arg7[%dma_start3A_817, %dma_start3A_818, %dma_start3A_824] : memref<10x2x40xi32, #tpu.memory_space<vmem>> -> memref<1x1x40xi32, #tpu.memory_space<vmem>>
        %dma_start3A_826 = tpu.memref_squeeze %dma_start3A_825 : memref<1x1x40xi32, #tpu.memory_space<vmem>> -> memref<40xi32, #tpu.memory_space<vmem>>
        %dma_start3A_827 = arith.constant 0 : i32
        %dma_start3A_828 = arith.constant 0 : i32
        %dma_start3A_829 = tpu.memref_slice %arg2[%dma_start3A_827, %dma_start3A_828] : memref<10000x128xf32, #tpu.memory_space<hbm>> -> memref<10000x128xf32, #tpu.memory_space<hbm>>
        tpu.enqueue_indirect_dma source(%dma_start3A_829 : memref<10000x128xf32, #tpu.memory_space<hbm>>) target(%dma_start3A_823 : memref<40x128xf32, #tpu.memory_space<vmem>>) offsets(%dma_start3A_826 : memref<40xi32, #tpu.memory_space<vmem>>) semaphore(%arg19 : memref<!tpu.dma_semaphore, #tpu.memory_space<semaphore_mem>>)
      } else {
      }
      %add3A_447 = arith.constant 2 : i32
      %add3A_448 = arith.addi %mul3A_362, %add3A_447 : i32
      %dma_wait3A_449 = arith.constant 2 : i32
      %dma_wait3A_450 = arith.constant 0 : i32
      %dma_wait3A_451 = arith.constant 2 : i32
      %dma_wait3A_452 = arith.constant 0 : i32
      %dma_wait3A_453 = arith.constant 0 : i32
      %dma_wait3A_454 = tpu.memref_slice %arg8[%dma_wait3A_451, %dma_wait3A_452, %dma_wait3A_453] : memref<5x40x128xf32, #tpu.memory_space<vmem>> -> memref<1x40x128xf32, #tpu.memory_space<vmem>>
      %dma_wait3A_455 = tpu.memref_squeeze %dma_wait3A_454 : memref<1x40x128xf32, #tpu.memory_space<vmem>> -> memref<40x128xf32, #tpu.memory_space<vmem>>
      %dma_wait3A_456 = arith.constant 0 : i32
      %dma_wait3A_457 = tpu.memref_slice %arg7[%dma_wait3A_449, %dma_wait3A_450, %dma_wait3A_456] : memref<10x2x40xi32, #tpu.memory_space<vmem>> -> memref<1x1x40xi32, #tpu.memory_space<vmem>>
      %dma_wait3A_458 = tpu.memref_squeeze %dma_wait3A_457 : memref<1x1x40xi32, #tpu.memory_space<vmem>> -> memref<40xi32, #tpu.memory_space<vmem>>
      %dma_wait3A_459 = arith.constant 0 : i32
      %dma_wait3A_460 = arith.constant 0 : i32
      %dma_wait3A_461 = tpu.memref_slice %arg2[%dma_wait3A_459, %dma_wait3A_460] : memref<10000x128xf32, #tpu.memory_space<hbm>> -> memref<10000x128xf32, #tpu.memory_space<hbm>>
      tpu.wait_indirect_dma semaphore(%arg21 : memref<!tpu.dma_semaphore, #tpu.memory_space<semaphore_mem>>) src(%dma_wait3A_461 : memref<10000x128xf32, #tpu.memory_space<hbm>>) dst(%dma_wait3A_455 : memref<40x128xf32, #tpu.memory_space<vmem>>)
      %dma_start3A_462 = arith.constant 2 : i32
      %dma_start3A_463 = arith.constant 2 : i32
      %dma_start3A_464 = arith.constant 1 : i32
      %dma_start3A_465 = arith.constant 0 : i32
      %dma_start3A_466 = arith.constant 0 : i32
      %dma_start3A_467 = tpu.memref_slice %arg8[%dma_start3A_462, %dma_start3A_465, %dma_start3A_466] : memref<5x40x128xf32, #tpu.memory_space<vmem>> -> memref<1x40x128xf32, #tpu.memory_space<vmem>>
      %dma_start3A_468 = tpu.memref_squeeze %dma_start3A_467 : memref<1x40x128xf32, #tpu.memory_space<vmem>> -> memref<40x128xf32, #tpu.memory_space<vmem>>
      %dma_start3A_469 = arith.constant 0 : i32
      %dma_start3A_470 = tpu.memref_slice %arg7[%dma_start3A_463, %dma_start3A_464, %dma_start3A_469] : memref<10x2x40xi32, #tpu.memory_space<vmem>> -> memref<1x1x40xi32, #tpu.memory_space<vmem>>
      %dma_start3A_471 = tpu.memref_squeeze %dma_start3A_470 : memref<1x1x40xi32, #tpu.memory_space<vmem>> -> memref<40xi32, #tpu.memory_space<vmem>>
      %dma_start3A_472 = arith.constant 0 : i32
      %dma_start3A_473 = arith.constant 0 : i32
      %dma_start3A_474 = tpu.memref_slice %arg29[%dma_start3A_472, %dma_start3A_473] : memref<10240x128xf32, #tpu.memory_space<vmem_shared>> -> memref<10240x128xf32, #tpu.memory_space<vmem_shared>>
      tpu.enqueue_indirect_dma source(%dma_start3A_468 : memref<40x128xf32, #tpu.memory_space<vmem>>) target(%dma_start3A_474 : memref<10240x128xf32, #tpu.memory_space<vmem_shared>>) offsets(%dma_start3A_471 : memref<40xi32, #tpu.memory_space<vmem>>) semaphore(%arg26 : memref<!tpu.dma_semaphore, #tpu.memory_space<semaphore_mem>>) {add = true}
      %add3A_475 = arith.constant 5 : i32
      %add3A_476 = arith.addi %add3A_448, %add3A_475 : i32
      %lt3A_477 = arith.constant 250 : i32
      %lt3A_478 = arith.cmpi slt, %add3A_476, %lt3A_477 : i32
      %convert_element_type3A_479 = arith.extui %lt3A_478 : i1 to i32
      %cond3A_480 = arith.constant 0 : i32
      %cond3A_481 = arith.cmpi ne, %convert_element_type3A_479, %cond3A_480 : i32
      scf.if %cond3A_481 {
        %mul3A_789 = arith.constant 10000 : i32
        %mul3A_790 = arith.muli %add3A, %mul3A_789 : i32
        %mul3A_791 = arith.constant 40 : i32
        %mul3A_792 = arith.muli %add3A_476, %mul3A_791 : i32
        %add3A_793 = arith.addi %mul3A_790, %mul3A_792 : i32
        %dma_start3A_794 = arith.constant 7 : i32
        %dma_start3A_795 = arith.constant 0 : i32
        %dma_start3A_796 = arith.constant 0 : i32
        %dma_start3A_797 = tpu.memref_slice %arg7[%dma_start3A_794, %dma_start3A_795, %dma_start3A_796] : memref<10x2x40xi32, #tpu.memory_space<vmem>> -> memref<1x1x40xi32, #tpu.memory_space<vmem>>
        %dma_start3A_798 = tpu.memref_squeeze %dma_start3A_797 : memref<1x1x40xi32, #tpu.memory_space<vmem>> -> memref<40xi32, #tpu.memory_space<vmem>>
        %dma_start3A_799 = tpu.memref_slice %arg3[%add3A_793] : memref<320000xi32, #tpu.memory_space<hbm>> -> memref<40xi32, #tpu.memory_space<hbm>>
        %dma_start3A_800 = arith.constant 0 : i32
        %dma_start3A_801 = tpu.memref_slice %arg7[%dma_start3A_794, %dma_start3A_795, %dma_start3A_800] : memref<10x2x40xi32, #tpu.memory_space<vmem>> -> memref<1x1x40xi32, #tpu.memory_space<vmem>>
        %dma_start3A_802 = tpu.memref_squeeze %dma_start3A_801 : memref<1x1x40xi32, #tpu.memory_space<vmem>> -> memref<40xi32, #tpu.memory_space<vmem>>
        %dma_start3A_803 = tpu.memref_slice %arg3[%add3A_793] : memref<320000xi32, #tpu.memory_space<hbm>> -> memref<40xi32, #tpu.memory_space<hbm>>
        tpu.enqueue_dma source(%dma_start3A_803 : memref<40xi32, #tpu.memory_space<hbm>>) target(%dma_start3A_802 : memref<40xi32, #tpu.memory_space<vmem>>) target_semaphore(%arg16 : memref<!tpu.dma_semaphore, #tpu.memory_space<semaphore_mem>>)
        %dma_start3A_804 = arith.constant 7 : i32
        %dma_start3A_805 = arith.constant 1 : i32
        %dma_start3A_806 = arith.constant 0 : i32
        %dma_start3A_807 = tpu.memref_slice %arg7[%dma_start3A_804, %dma_start3A_805, %dma_start3A_806] : memref<10x2x40xi32, #tpu.memory_space<vmem>> -> memref<1x1x40xi32, #tpu.memory_space<vmem>>
        %dma_start3A_808 = tpu.memref_squeeze %dma_start3A_807 : memref<1x1x40xi32, #tpu.memory_space<vmem>> -> memref<40xi32, #tpu.memory_space<vmem>>
        %dma_start3A_809 = tpu.memref_slice %arg4[%add3A_793] : memref<320000xi32, #tpu.memory_space<hbm>> -> memref<40xi32, #tpu.memory_space<hbm>>
        %dma_start3A_810 = arith.constant 0 : i32
        %dma_start3A_811 = tpu.memref_slice %arg7[%dma_start3A_804, %dma_start3A_805, %dma_start3A_810] : memref<10x2x40xi32, #tpu.memory_space<vmem>> -> memref<1x1x40xi32, #tpu.memory_space<vmem>>
        %dma_start3A_812 = tpu.memref_squeeze %dma_start3A_811 : memref<1x1x40xi32, #tpu.memory_space<vmem>> -> memref<40xi32, #tpu.memory_space<vmem>>
        %dma_start3A_813 = tpu.memref_slice %arg4[%add3A_793] : memref<320000xi32, #tpu.memory_space<hbm>> -> memref<40xi32, #tpu.memory_space<hbm>>
        tpu.enqueue_dma source(%dma_start3A_813 : memref<40xi32, #tpu.memory_space<hbm>>) target(%dma_start3A_812 : memref<40xi32, #tpu.memory_space<vmem>>) target_semaphore(%arg16 : memref<!tpu.dma_semaphore, #tpu.memory_space<semaphore_mem>>)
      } else {
      }
      %add3A_482 = arith.constant 4 : i32
      %add3A_483 = arith.addi %add3A_448, %add3A_482 : i32
      %lt3A_484 = arith.constant 250 : i32
      %lt3A_485 = arith.cmpi slt, %add3A_483, %lt3A_484 : i32
      %convert_element_type3A_486 = arith.extui %lt3A_485 : i1 to i32
      %cond3A_487 = arith.constant 0 : i32
      %cond3A_488 = arith.cmpi ne, %convert_element_type3A_486, %cond3A_487 : i32
      scf.if %cond3A_488 {
        %ge3A = arith.constant 1 : i32
        %ge3A_789 = arith.cmpi sge, %add3A_448, %ge3A : i32
        %convert_element_type3A_790 = arith.extui %ge3A_789 : i1 to i32
        %cond3A_791 = arith.constant 0 : i32
        %cond3A_792 = arith.cmpi ne, %convert_element_type3A_790, %cond3A_791 : i32
        scf.if %cond3A_792 {
          %dma_wait3A_830 = arith.constant 1 : i32
          %dma_wait3A_831 = arith.constant 0 : i32
          %dma_wait3A_832 = arith.constant 0 : i32
          %dma_wait3A_833 = tpu.memref_slice %arg8[%dma_wait3A_830, %dma_wait3A_831, %dma_wait3A_832] : memref<5x40x128xf32, #tpu.memory_space<vmem>> -> memref<1x40x128xf32, #tpu.memory_space<vmem>>
          %dma_wait3A_834 = tpu.memref_squeeze %dma_wait3A_833 : memref<1x40x128xf32, #tpu.memory_space<vmem>> -> memref<40x128xf32, #tpu.memory_space<vmem>>
          %dma_wait3A_835 = arith.constant 0 : i32
          %dma_wait3A_836 = arith.constant 0 : i32
          %dma_wait3A_837 = tpu.memref_slice %arg29[%dma_wait3A_835, %dma_wait3A_836] : memref<10240x128xf32, #tpu.memory_space<vmem_shared>> -> memref<40x128xf32, #tpu.memory_space<vmem_shared>>
          %dma_wait3A_838 = arith.constant 0 : i32
          %dma_wait3A_839 = arith.constant 0 : i32
          %dma_wait3A_840 = tpu.memref_slice %arg29[%dma_wait3A_838, %dma_wait3A_839] : memref<10240x128xf32, #tpu.memory_space<vmem_shared>> -> memref<40x128xf32, #tpu.memory_space<vmem_shared>>
          %dma_wait3A_841 = arith.constant 0 : i32
          %dma_wait3A_842 = arith.constant 0 : i32
          %dma_wait3A_843 = tpu.memref_slice %arg8[%dma_wait3A_830, %dma_wait3A_841, %dma_wait3A_842] : memref<5x40x128xf32, #tpu.memory_space<vmem>> -> memref<1x40x128xf32, #tpu.memory_space<vmem>>
          %dma_wait3A_844 = tpu.memref_squeeze %dma_wait3A_843 : memref<1x40x128xf32, #tpu.memory_space<vmem>> -> memref<40x128xf32, #tpu.memory_space<vmem>>
          tpu.wait_dma2 semaphore(%arg25 : memref<!tpu.dma_semaphore, #tpu.memory_space<semaphore_mem>>) src(%dma_wait3A_844 : memref<40x128xf32, #tpu.memory_space<vmem>>) dst(%dma_wait3A_840 : memref<40x128xf32, #tpu.memory_space<vmem_shared>>)
        } else {
        }
        %dma_wait3A_793 = arith.constant 6 : i32
        %dma_wait3A_794 = arith.constant 0 : i32
        %dma_wait3A_795 = arith.constant 0 : i32
        %dma_wait3A_796 = tpu.memref_slice %arg7[%dma_wait3A_793, %dma_wait3A_794, %dma_wait3A_795] : memref<10x2x40xi32, #tpu.memory_space<vmem>> -> memref<1x1x40xi32, #tpu.memory_space<vmem>>
        %dma_wait3A_797 = tpu.memref_squeeze %dma_wait3A_796 : memref<1x1x40xi32, #tpu.memory_space<vmem>> -> memref<40xi32, #tpu.memory_space<vmem>>
        %dma_wait3A_798 = arith.constant 0 : i32
        %dma_wait3A_799 = tpu.memref_slice %arg3[%dma_wait3A_798] : memref<320000xi32, #tpu.memory_space<hbm>> -> memref<40xi32, #tpu.memory_space<hbm>>
        %dma_wait3A_800 = arith.constant 0 : i32
        %dma_wait3A_801 = tpu.memref_slice %arg7[%dma_wait3A_793, %dma_wait3A_794, %dma_wait3A_800] : memref<10x2x40xi32, #tpu.memory_space<vmem>> -> memref<1x1x40xi32, #tpu.memory_space<vmem>>
        %dma_wait3A_802 = tpu.memref_squeeze %dma_wait3A_801 : memref<1x1x40xi32, #tpu.memory_space<vmem>> -> memref<40xi32, #tpu.memory_space<vmem>>
        %dma_wait3A_803 = arith.constant 0 : i32
        %dma_wait3A_804 = tpu.memref_slice %arg3[%dma_wait3A_803] : memref<320000xi32, #tpu.memory_space<hbm>> -> memref<40xi32, #tpu.memory_space<hbm>>
        tpu.wait_dma2 semaphore(%arg15 : memref<!tpu.dma_semaphore, #tpu.memory_space<semaphore_mem>>) src(%dma_wait3A_804 : memref<40xi32, #tpu.memory_space<hbm>>) dst(%dma_wait3A_802 : memref<40xi32, #tpu.memory_space<vmem>>)
        %dma_wait3A_805 = arith.constant 6 : i32
        %dma_wait3A_806 = arith.constant 1 : i32
        %dma_wait3A_807 = arith.constant 0 : i32
        %dma_wait3A_808 = tpu.memref_slice %arg7[%dma_wait3A_805, %dma_wait3A_806, %dma_wait3A_807] : memref<10x2x40xi32, #tpu.memory_space<vmem>> -> memref<1x1x40xi32, #tpu.memory_space<vmem>>
        %dma_wait3A_809 = tpu.memref_squeeze %dma_wait3A_808 : memref<1x1x40xi32, #tpu.memory_space<vmem>> -> memref<40xi32, #tpu.memory_space<vmem>>
        %dma_wait3A_810 = arith.constant 0 : i32
        %dma_wait3A_811 = tpu.memref_slice %arg4[%dma_wait3A_810] : memref<320000xi32, #tpu.memory_space<hbm>> -> memref<40xi32, #tpu.memory_space<hbm>>
        %dma_wait3A_812 = arith.constant 0 : i32
        %dma_wait3A_813 = tpu.memref_slice %arg7[%dma_wait3A_805, %dma_wait3A_806, %dma_wait3A_812] : memref<10x2x40xi32, #tpu.memory_space<vmem>> -> memref<1x1x40xi32, #tpu.memory_space<vmem>>
        %dma_wait3A_814 = tpu.memref_squeeze %dma_wait3A_813 : memref<1x1x40xi32, #tpu.memory_space<vmem>> -> memref<40xi32, #tpu.memory_space<vmem>>
        %dma_wait3A_815 = arith.constant 0 : i32
        %dma_wait3A_816 = tpu.memref_slice %arg4[%dma_wait3A_815] : memref<320000xi32, #tpu.memory_space<hbm>> -> memref<40xi32, #tpu.memory_space<hbm>>
        tpu.wait_dma2 semaphore(%arg15 : memref<!tpu.dma_semaphore, #tpu.memory_space<semaphore_mem>>) src(%dma_wait3A_816 : memref<40xi32, #tpu.memory_space<hbm>>) dst(%dma_wait3A_814 : memref<40xi32, #tpu.memory_space<vmem>>)
        %dma_start3A_817 = arith.constant 6 : i32
        %dma_start3A_818 = arith.constant 0 : i32
        %dma_start3A_819 = arith.constant 1 : i32
        %dma_start3A_820 = arith.constant 0 : i32
        %dma_start3A_821 = arith.constant 0 : i32
        %dma_start3A_822 = tpu.memref_slice %arg8[%dma_start3A_819, %dma_start3A_820, %dma_start3A_821] : memref<5x40x128xf32, #tpu.memory_space<vmem>> -> memref<1x40x128xf32, #tpu.memory_space<vmem>>
        %dma_start3A_823 = tpu.memref_squeeze %dma_start3A_822 : memref<1x40x128xf32, #tpu.memory_space<vmem>> -> memref<40x128xf32, #tpu.memory_space<vmem>>
        %dma_start3A_824 = arith.constant 0 : i32
        %dma_start3A_825 = tpu.memref_slice %arg7[%dma_start3A_817, %dma_start3A_818, %dma_start3A_824] : memref<10x2x40xi32, #tpu.memory_space<vmem>> -> memref<1x1x40xi32, #tpu.memory_space<vmem>>
        %dma_start3A_826 = tpu.memref_squeeze %dma_start3A_825 : memref<1x1x40xi32, #tpu.memory_space<vmem>> -> memref<40xi32, #tpu.memory_space<vmem>>
        %dma_start3A_827 = arith.constant 0 : i32
        %dma_start3A_828 = arith.constant 0 : i32
        %dma_start3A_829 = tpu.memref_slice %arg2[%dma_start3A_827, %dma_start3A_828] : memref<10000x128xf32, #tpu.memory_space<hbm>> -> memref<10000x128xf32, #tpu.memory_space<hbm>>
        tpu.enqueue_indirect_dma source(%dma_start3A_829 : memref<10000x128xf32, #tpu.memory_space<hbm>>) target(%dma_start3A_823 : memref<40x128xf32, #tpu.memory_space<vmem>>) offsets(%dma_start3A_826 : memref<40xi32, #tpu.memory_space<vmem>>) semaphore(%arg20 : memref<!tpu.dma_semaphore, #tpu.memory_space<semaphore_mem>>)
      } else {
      }
      %add3A_489 = arith.constant 3 : i32
      %add3A_490 = arith.addi %mul3A_362, %add3A_489 : i32
      %dma_wait3A_491 = arith.constant 3 : i32
      %dma_wait3A_492 = arith.constant 0 : i32
      %dma_wait3A_493 = arith.constant 3 : i32
      %dma_wait3A_494 = arith.constant 0 : i32
      %dma_wait3A_495 = arith.constant 0 : i32
      %dma_wait3A_496 = tpu.memref_slice %arg8[%dma_wait3A_493, %dma_wait3A_494, %dma_wait3A_495] : memref<5x40x128xf32, #tpu.memory_space<vmem>> -> memref<1x40x128xf32, #tpu.memory_space<vmem>>
      %dma_wait3A_497 = tpu.memref_squeeze %dma_wait3A_496 : memref<1x40x128xf32, #tpu.memory_space<vmem>> -> memref<40x128xf32, #tpu.memory_space<vmem>>
      %dma_wait3A_498 = arith.constant 0 : i32
      %dma_wait3A_499 = tpu.memref_slice %arg7[%dma_wait3A_491, %dma_wait3A_492, %dma_wait3A_498] : memref<10x2x40xi32, #tpu.memory_space<vmem>> -> memref<1x1x40xi32, #tpu.memory_space<vmem>>
      %dma_wait3A_500 = tpu.memref_squeeze %dma_wait3A_499 : memref<1x1x40xi32, #tpu.memory_space<vmem>> -> memref<40xi32, #tpu.memory_space<vmem>>
      %dma_wait3A_501 = arith.constant 0 : i32
      %dma_wait3A_502 = arith.constant 0 : i32
      %dma_wait3A_503 = tpu.memref_slice %arg2[%dma_wait3A_501, %dma_wait3A_502] : memref<10000x128xf32, #tpu.memory_space<hbm>> -> memref<10000x128xf32, #tpu.memory_space<hbm>>
      tpu.wait_indirect_dma semaphore(%arg22 : memref<!tpu.dma_semaphore, #tpu.memory_space<semaphore_mem>>) src(%dma_wait3A_503 : memref<10000x128xf32, #tpu.memory_space<hbm>>) dst(%dma_wait3A_497 : memref<40x128xf32, #tpu.memory_space<vmem>>)
      %dma_start3A_504 = arith.constant 3 : i32
      %dma_start3A_505 = arith.constant 3 : i32
      %dma_start3A_506 = arith.constant 1 : i32
      %dma_start3A_507 = arith.constant 0 : i32
      %dma_start3A_508 = arith.constant 0 : i32
      %dma_start3A_509 = tpu.memref_slice %arg8[%dma_start3A_504, %dma_start3A_507, %dma_start3A_508] : memref<5x40x128xf32, #tpu.memory_space<vmem>> -> memref<1x40x128xf32, #tpu.memory_space<vmem>>
      %dma_start3A_510 = tpu.memref_squeeze %dma_start3A_509 : memref<1x40x128xf32, #tpu.memory_space<vmem>> -> memref<40x128xf32, #tpu.memory_space<vmem>>
      %dma_start3A_511 = arith.constant 0 : i32
      %dma_start3A_512 = tpu.memref_slice %arg7[%dma_start3A_505, %dma_start3A_506, %dma_start3A_511] : memref<10x2x40xi32, #tpu.memory_space<vmem>> -> memref<1x1x40xi32, #tpu.memory_space<vmem>>
      %dma_start3A_513 = tpu.memref_squeeze %dma_start3A_512 : memref<1x1x40xi32, #tpu.memory_space<vmem>> -> memref<40xi32, #tpu.memory_space<vmem>>
      %dma_start3A_514 = arith.constant 0 : i32
      %dma_start3A_515 = arith.constant 0 : i32
      %dma_start3A_516 = tpu.memref_slice %arg29[%dma_start3A_514, %dma_start3A_515] : memref<10240x128xf32, #tpu.memory_space<vmem_shared>> -> memref<10240x128xf32, #tpu.memory_space<vmem_shared>>
      tpu.enqueue_indirect_dma source(%dma_start3A_510 : memref<40x128xf32, #tpu.memory_space<vmem>>) target(%dma_start3A_516 : memref<10240x128xf32, #tpu.memory_space<vmem_shared>>) offsets(%dma_start3A_513 : memref<40xi32, #tpu.memory_space<vmem>>) semaphore(%arg27 : memref<!tpu.dma_semaphore, #tpu.memory_space<semaphore_mem>>) {add = true}
      %add3A_517 = arith.constant 5 : i32
      %add3A_518 = arith.addi %add3A_490, %add3A_517 : i32
      %lt3A_519 = arith.constant 250 : i32
      %lt3A_520 = arith.cmpi slt, %add3A_518, %lt3A_519 : i32
      %convert_element_type3A_521 = arith.extui %lt3A_520 : i1 to i32
      %cond3A_522 = arith.constant 0 : i32
      %cond3A_523 = arith.cmpi ne, %convert_element_type3A_521, %cond3A_522 : i32
      scf.if %cond3A_523 {
        %mul3A_789 = arith.constant 10000 : i32
        %mul3A_790 = arith.muli %add3A, %mul3A_789 : i32
        %mul3A_791 = arith.constant 40 : i32
        %mul3A_792 = arith.muli %add3A_518, %mul3A_791 : i32
        %add3A_793 = arith.addi %mul3A_790, %mul3A_792 : i32
        %dma_start3A_794 = arith.constant 8 : i32
        %dma_start3A_795 = arith.constant 0 : i32
        %dma_start3A_796 = arith.constant 0 : i32
        %dma_start3A_797 = tpu.memref_slice %arg7[%dma_start3A_794, %dma_start3A_795, %dma_start3A_796] : memref<10x2x40xi32, #tpu.memory_space<vmem>> -> memref<1x1x40xi32, #tpu.memory_space<vmem>>
        %dma_start3A_798 = tpu.memref_squeeze %dma_start3A_797 : memref<1x1x40xi32, #tpu.memory_space<vmem>> -> memref<40xi32, #tpu.memory_space<vmem>>
        %dma_start3A_799 = tpu.memref_slice %arg3[%add3A_793] : memref<320000xi32, #tpu.memory_space<hbm>> -> memref<40xi32, #tpu.memory_space<hbm>>
        %dma_start3A_800 = arith.constant 0 : i32
        %dma_start3A_801 = tpu.memref_slice %arg7[%dma_start3A_794, %dma_start3A_795, %dma_start3A_800] : memref<10x2x40xi32, #tpu.memory_space<vmem>> -> memref<1x1x40xi32, #tpu.memory_space<vmem>>
        %dma_start3A_802 = tpu.memref_squeeze %dma_start3A_801 : memref<1x1x40xi32, #tpu.memory_space<vmem>> -> memref<40xi32, #tpu.memory_space<vmem>>
        %dma_start3A_803 = tpu.memref_slice %arg3[%add3A_793] : memref<320000xi32, #tpu.memory_space<hbm>> -> memref<40xi32, #tpu.memory_space<hbm>>
        tpu.enqueue_dma source(%dma_start3A_803 : memref<40xi32, #tpu.memory_space<hbm>>) target(%dma_start3A_802 : memref<40xi32, #tpu.memory_space<vmem>>) target_semaphore(%arg17 : memref<!tpu.dma_semaphore, #tpu.memory_space<semaphore_mem>>)
        %dma_start3A_804 = arith.constant 8 : i32
        %dma_start3A_805 = arith.constant 1 : i32
        %dma_start3A_806 = arith.constant 0 : i32
        %dma_start3A_807 = tpu.memref_slice %arg7[%dma_start3A_804, %dma_start3A_805, %dma_start3A_806] : memref<10x2x40xi32, #tpu.memory_space<vmem>> -> memref<1x1x40xi32, #tpu.memory_space<vmem>>
        %dma_start3A_808 = tpu.memref_squeeze %dma_start3A_807 : memref<1x1x40xi32, #tpu.memory_space<vmem>> -> memref<40xi32, #tpu.memory_space<vmem>>
        %dma_start3A_809 = tpu.memref_slice %arg4[%add3A_793] : memref<320000xi32, #tpu.memory_space<hbm>> -> memref<40xi32, #tpu.memory_space<hbm>>
        %dma_start3A_810 = arith.constant 0 : i32
        %dma_start3A_811 = tpu.memref_slice %arg7[%dma_start3A_804, %dma_start3A_805, %dma_start3A_810] : memref<10x2x40xi32, #tpu.memory_space<vmem>> -> memref<1x1x40xi32, #tpu.memory_space<vmem>>
        %dma_start3A_812 = tpu.memref_squeeze %dma_start3A_811 : memref<1x1x40xi32, #tpu.memory_space<vmem>> -> memref<40xi32, #tpu.memory_space<vmem>>
        %dma_start3A_813 = tpu.memref_slice %arg4[%add3A_793] : memref<320000xi32, #tpu.memory_space<hbm>> -> memref<40xi32, #tpu.memory_space<hbm>>
        tpu.enqueue_dma source(%dma_start3A_813 : memref<40xi32, #tpu.memory_space<hbm>>) target(%dma_start3A_812 : memref<40xi32, #tpu.memory_space<vmem>>) target_semaphore(%arg17 : memref<!tpu.dma_semaphore, #tpu.memory_space<semaphore_mem>>)
      } else {
      }
      %add3A_524 = arith.constant 4 : i32
      %add3A_525 = arith.addi %add3A_490, %add3A_524 : i32
      %lt3A_526 = arith.constant 250 : i32
      %lt3A_527 = arith.cmpi slt, %add3A_525, %lt3A_526 : i32
      %convert_element_type3A_528 = arith.extui %lt3A_527 : i1 to i32
      %cond3A_529 = arith.constant 0 : i32
      %cond3A_530 = arith.cmpi ne, %convert_element_type3A_528, %cond3A_529 : i32
      scf.if %cond3A_530 {
        %ge3A = arith.constant 1 : i32
        %ge3A_789 = arith.cmpi sge, %add3A_490, %ge3A : i32
        %convert_element_type3A_790 = arith.extui %ge3A_789 : i1 to i32
        %cond3A_791 = arith.constant 0 : i32
        %cond3A_792 = arith.cmpi ne, %convert_element_type3A_790, %cond3A_791 : i32
        scf.if %cond3A_792 {
          %dma_wait3A_830 = arith.constant 2 : i32
          %dma_wait3A_831 = arith.constant 0 : i32
          %dma_wait3A_832 = arith.constant 0 : i32
          %dma_wait3A_833 = tpu.memref_slice %arg8[%dma_wait3A_830, %dma_wait3A_831, %dma_wait3A_832] : memref<5x40x128xf32, #tpu.memory_space<vmem>> -> memref<1x40x128xf32, #tpu.memory_space<vmem>>
          %dma_wait3A_834 = tpu.memref_squeeze %dma_wait3A_833 : memref<1x40x128xf32, #tpu.memory_space<vmem>> -> memref<40x128xf32, #tpu.memory_space<vmem>>
          %dma_wait3A_835 = arith.constant 0 : i32
          %dma_wait3A_836 = arith.constant 0 : i32
          %dma_wait3A_837 = tpu.memref_slice %arg29[%dma_wait3A_835, %dma_wait3A_836] : memref<10240x128xf32, #tpu.memory_space<vmem_shared>> -> memref<40x128xf32, #tpu.memory_space<vmem_shared>>
          %dma_wait3A_838 = arith.constant 0 : i32
          %dma_wait3A_839 = arith.constant 0 : i32
          %dma_wait3A_840 = tpu.memref_slice %arg29[%dma_wait3A_838, %dma_wait3A_839] : memref<10240x128xf32, #tpu.memory_space<vmem_shared>> -> memref<40x128xf32, #tpu.memory_space<vmem_shared>>
          %dma_wait3A_841 = arith.constant 0 : i32
          %dma_wait3A_842 = arith.constant 0 : i32
          %dma_wait3A_843 = tpu.memref_slice %arg8[%dma_wait3A_830, %dma_wait3A_841, %dma_wait3A_842] : memref<5x40x128xf32, #tpu.memory_space<vmem>> -> memref<1x40x128xf32, #tpu.memory_space<vmem>>
          %dma_wait3A_844 = tpu.memref_squeeze %dma_wait3A_843 : memref<1x40x128xf32, #tpu.memory_space<vmem>> -> memref<40x128xf32, #tpu.memory_space<vmem>>
          tpu.wait_dma2 semaphore(%arg26 : memref<!tpu.dma_semaphore, #tpu.memory_space<semaphore_mem>>) src(%dma_wait3A_844 : memref<40x128xf32, #tpu.memory_space<vmem>>) dst(%dma_wait3A_840 : memref<40x128xf32, #tpu.memory_space<vmem_shared>>)
        } else {
        }
        %dma_wait3A_793 = arith.constant 7 : i32
        %dma_wait3A_794 = arith.constant 0 : i32
        %dma_wait3A_795 = arith.constant 0 : i32
        %dma_wait3A_796 = tpu.memref_slice %arg7[%dma_wait3A_793, %dma_wait3A_794, %dma_wait3A_795] : memref<10x2x40xi32, #tpu.memory_space<vmem>> -> memref<1x1x40xi32, #tpu.memory_space<vmem>>
        %dma_wait3A_797 = tpu.memref_squeeze %dma_wait3A_796 : memref<1x1x40xi32, #tpu.memory_space<vmem>> -> memref<40xi32, #tpu.memory_space<vmem>>
        %dma_wait3A_798 = arith.constant 0 : i32
        %dma_wait3A_799 = tpu.memref_slice %arg3[%dma_wait3A_798] : memref<320000xi32, #tpu.memory_space<hbm>> -> memref<40xi32, #tpu.memory_space<hbm>>
        %dma_wait3A_800 = arith.constant 0 : i32
        %dma_wait3A_801 = tpu.memref_slice %arg7[%dma_wait3A_793, %dma_wait3A_794, %dma_wait3A_800] : memref<10x2x40xi32, #tpu.memory_space<vmem>> -> memref<1x1x40xi32, #tpu.memory_space<vmem>>
        %dma_wait3A_802 = tpu.memref_squeeze %dma_wait3A_801 : memref<1x1x40xi32, #tpu.memory_space<vmem>> -> memref<40xi32, #tpu.memory_space<vmem>>
        %dma_wait3A_803 = arith.constant 0 : i32
        %dma_wait3A_804 = tpu.memref_slice %arg3[%dma_wait3A_803] : memref<320000xi32, #tpu.memory_space<hbm>> -> memref<40xi32, #tpu.memory_space<hbm>>
        tpu.wait_dma2 semaphore(%arg16 : memref<!tpu.dma_semaphore, #tpu.memory_space<semaphore_mem>>) src(%dma_wait3A_804 : memref<40xi32, #tpu.memory_space<hbm>>) dst(%dma_wait3A_802 : memref<40xi32, #tpu.memory_space<vmem>>)
        %dma_wait3A_805 = arith.constant 7 : i32
        %dma_wait3A_806 = arith.constant 1 : i32
        %dma_wait3A_807 = arith.constant 0 : i32
        %dma_wait3A_808 = tpu.memref_slice %arg7[%dma_wait3A_805, %dma_wait3A_806, %dma_wait3A_807] : memref<10x2x40xi32, #tpu.memory_space<vmem>> -> memref<1x1x40xi32, #tpu.memory_space<vmem>>
        %dma_wait3A_809 = tpu.memref_squeeze %dma_wait3A_808 : memref<1x1x40xi32, #tpu.memory_space<vmem>> -> memref<40xi32, #tpu.memory_space<vmem>>
        %dma_wait3A_810 = arith.constant 0 : i32
        %dma_wait3A_811 = tpu.memref_slice %arg4[%dma_wait3A_810] : memref<320000xi32, #tpu.memory_space<hbm>> -> memref<40xi32, #tpu.memory_space<hbm>>
        %dma_wait3A_812 = arith.constant 0 : i32
        %dma_wait3A_813 = tpu.memref_slice %arg7[%dma_wait3A_805, %dma_wait3A_806, %dma_wait3A_812] : memref<10x2x40xi32, #tpu.memory_space<vmem>> -> memref<1x1x40xi32, #tpu.memory_space<vmem>>
        %dma_wait3A_814 = tpu.memref_squeeze %dma_wait3A_813 : memref<1x1x40xi32, #tpu.memory_space<vmem>> -> memref<40xi32, #tpu.memory_space<vmem>>
        %dma_wait3A_815 = arith.constant 0 : i32
        %dma_wait3A_816 = tpu.memref_slice %arg4[%dma_wait3A_815] : memref<320000xi32, #tpu.memory_space<hbm>> -> memref<40xi32, #tpu.memory_space<hbm>>
        tpu.wait_dma2 semaphore(%arg16 : memref<!tpu.dma_semaphore, #tpu.memory_space<semaphore_mem>>) src(%dma_wait3A_816 : memref<40xi32, #tpu.memory_space<hbm>>) dst(%dma_wait3A_814 : memref<40xi32, #tpu.memory_space<vmem>>)
        %dma_start3A_817 = arith.constant 7 : i32
        %dma_start3A_818 = arith.constant 0 : i32
        %dma_start3A_819 = arith.constant 2 : i32
        %dma_start3A_820 = arith.constant 0 : i32
        %dma_start3A_821 = arith.constant 0 : i32
        %dma_start3A_822 = tpu.memref_slice %arg8[%dma_start3A_819, %dma_start3A_820, %dma_start3A_821] : memref<5x40x128xf32, #tpu.memory_space<vmem>> -> memref<1x40x128xf32, #tpu.memory_space<vmem>>
        %dma_start3A_823 = tpu.memref_squeeze %dma_start3A_822 : memref<1x40x128xf32, #tpu.memory_space<vmem>> -> memref<40x128xf32, #tpu.memory_space<vmem>>
        %dma_start3A_824 = arith.constant 0 : i32
        %dma_start3A_825 = tpu.memref_slice %arg7[%dma_start3A_817, %dma_start3A_818, %dma_start3A_824] : memref<10x2x40xi32, #tpu.memory_space<vmem>> -> memref<1x1x40xi32, #tpu.memory_space<vmem>>
        %dma_start3A_826 = tpu.memref_squeeze %dma_start3A_825 : memref<1x1x40xi32, #tpu.memory_space<vmem>> -> memref<40xi32, #tpu.memory_space<vmem>>
        %dma_start3A_827 = arith.constant 0 : i32
        %dma_start3A_828 = arith.constant 0 : i32
        %dma_start3A_829 = tpu.memref_slice %arg2[%dma_start3A_827, %dma_start3A_828] : memref<10000x128xf32, #tpu.memory_space<hbm>> -> memref<10000x128xf32, #tpu.memory_space<hbm>>
        tpu.enqueue_indirect_dma source(%dma_start3A_829 : memref<10000x128xf32, #tpu.memory_space<hbm>>) target(%dma_start3A_823 : memref<40x128xf32, #tpu.memory_space<vmem>>) offsets(%dma_start3A_826 : memref<40xi32, #tpu.memory_space<vmem>>) semaphore(%arg21 : memref<!tpu.dma_semaphore, #tpu.memory_space<semaphore_mem>>)
      } else {
      }
      %add3A_531 = arith.constant 4 : i32
      %add3A_532 = arith.addi %mul3A_362, %add3A_531 : i32
      %dma_wait3A_533 = arith.constant 4 : i32
      %dma_wait3A_534 = arith.constant 0 : i32
      %dma_wait3A_535 = arith.constant 4 : i32
      %dma_wait3A_536 = arith.constant 0 : i32
      %dma_wait3A_537 = arith.constant 0 : i32
      %dma_wait3A_538 = tpu.memref_slice %arg8[%dma_wait3A_535, %dma_wait3A_536, %dma_wait3A_537] : memref<5x40x128xf32, #tpu.memory_space<vmem>> -> memref<1x40x128xf32, #tpu.memory_space<vmem>>
      %dma_wait3A_539 = tpu.memref_squeeze %dma_wait3A_538 : memref<1x40x128xf32, #tpu.memory_space<vmem>> -> memref<40x128xf32, #tpu.memory_space<vmem>>
      %dma_wait3A_540 = arith.constant 0 : i32
      %dma_wait3A_541 = tpu.memref_slice %arg7[%dma_wait3A_533, %dma_wait3A_534, %dma_wait3A_540] : memref<10x2x40xi32, #tpu.memory_space<vmem>> -> memref<1x1x40xi32, #tpu.memory_space<vmem>>
      %dma_wait3A_542 = tpu.memref_squeeze %dma_wait3A_541 : memref<1x1x40xi32, #tpu.memory_space<vmem>> -> memref<40xi32, #tpu.memory_space<vmem>>
      %dma_wait3A_543 = arith.constant 0 : i32
      %dma_wait3A_544 = arith.constant 0 : i32
      %dma_wait3A_545 = tpu.memref_slice %arg2[%dma_wait3A_543, %dma_wait3A_544] : memref<10000x128xf32, #tpu.memory_space<hbm>> -> memref<10000x128xf32, #tpu.memory_space<hbm>>
      tpu.wait_indirect_dma semaphore(%arg23 : memref<!tpu.dma_semaphore, #tpu.memory_space<semaphore_mem>>) src(%dma_wait3A_545 : memref<10000x128xf32, #tpu.memory_space<hbm>>) dst(%dma_wait3A_539 : memref<40x128xf32, #tpu.memory_space<vmem>>)
      %dma_start3A_546 = arith.constant 4 : i32
      %dma_start3A_547 = arith.constant 4 : i32
      %dma_start3A_548 = arith.constant 1 : i32
      %dma_start3A_549 = arith.constant 0 : i32
      %dma_start3A_550 = arith.constant 0 : i32
      %dma_start3A_551 = tpu.memref_slice %arg8[%dma_start3A_546, %dma_start3A_549, %dma_start3A_550] : memref<5x40x128xf32, #tpu.memory_space<vmem>> -> memref<1x40x128xf32, #tpu.memory_space<vmem>>
      %dma_start3A_552 = tpu.memref_squeeze %dma_start3A_551 : memref<1x40x128xf32, #tpu.memory_space<vmem>> -> memref<40x128xf32, #tpu.memory_space<vmem>>
      %dma_start3A_553 = arith.constant 0 : i32
      %dma_start3A_554 = tpu.memref_slice %arg7[%dma_start3A_547, %dma_start3A_548, %dma_start3A_553] : memref<10x2x40xi32, #tpu.memory_space<vmem>> -> memref<1x1x40xi32, #tpu.memory_space<vmem>>
      %dma_start3A_555 = tpu.memref_squeeze %dma_start3A_554 : memref<1x1x40xi32, #tpu.memory_space<vmem>> -> memref<40xi32, #tpu.memory_space<vmem>>
      %dma_start3A_556 = arith.constant 0 : i32
      %dma_start3A_557 = arith.constant 0 : i32
      %dma_start3A_558 = tpu.memref_slice %arg29[%dma_start3A_556, %dma_start3A_557] : memref<10240x128xf32, #tpu.memory_space<vmem_shared>> -> memref<10240x128xf32, #tpu.memory_space<vmem_shared>>
      tpu.enqueue_indirect_dma source(%dma_start3A_552 : memref<40x128xf32, #tpu.memory_space<vmem>>) target(%dma_start3A_558 : memref<10240x128xf32, #tpu.memory_space<vmem_shared>>) offsets(%dma_start3A_555 : memref<40xi32, #tpu.memory_space<vmem>>) semaphore(%arg28 : memref<!tpu.dma_semaphore, #tpu.memory_space<semaphore_mem>>) {add = true}
      %add3A_559 = arith.constant 5 : i32
      %add3A_560 = arith.addi %add3A_532, %add3A_559 : i32
      %lt3A_561 = arith.constant 250 : i32
      %lt3A_562 = arith.cmpi slt, %add3A_560, %lt3A_561 : i32
      %convert_element_type3A_563 = arith.extui %lt3A_562 : i1 to i32
      %cond3A_564 = arith.constant 0 : i32
      %cond3A_565 = arith.cmpi ne, %convert_element_type3A_563, %cond3A_564 : i32
      scf.if %cond3A_565 {
        %mul3A_789 = arith.constant 10000 : i32
        %mul3A_790 = arith.muli %add3A, %mul3A_789 : i32
        %mul3A_791 = arith.constant 40 : i32
        %mul3A_792 = arith.muli %add3A_560, %mul3A_791 : i32
        %add3A_793 = arith.addi %mul3A_790, %mul3A_792 : i32
        %dma_start3A_794 = arith.constant 9 : i32
        %dma_start3A_795 = arith.constant 0 : i32
        %dma_start3A_796 = arith.constant 0 : i32
        %dma_start3A_797 = tpu.memref_slice %arg7[%dma_start3A_794, %dma_start3A_795, %dma_start3A_796] : memref<10x2x40xi32, #tpu.memory_space<vmem>> -> memref<1x1x40xi32, #tpu.memory_space<vmem>>
        %dma_start3A_798 = tpu.memref_squeeze %dma_start3A_797 : memref<1x1x40xi32, #tpu.memory_space<vmem>> -> memref<40xi32, #tpu.memory_space<vmem>>
        %dma_start3A_799 = tpu.memref_slice %arg3[%add3A_793] : memref<320000xi32, #tpu.memory_space<hbm>> -> memref<40xi32, #tpu.memory_space<hbm>>
        %dma_start3A_800 = arith.constant 0 : i32
        %dma_start3A_801 = tpu.memref_slice %arg7[%dma_start3A_794, %dma_start3A_795, %dma_start3A_800] : memref<10x2x40xi32, #tpu.memory_space<vmem>> -> memref<1x1x40xi32, #tpu.memory_space<vmem>>
        %dma_start3A_802 = tpu.memref_squeeze %dma_start3A_801 : memref<1x1x40xi32, #tpu.memory_space<vmem>> -> memref<40xi32, #tpu.memory_space<vmem>>
        %dma_start3A_803 = tpu.memref_slice %arg3[%add3A_793] : memref<320000xi32, #tpu.memory_space<hbm>> -> memref<40xi32, #tpu.memory_space<hbm>>
        tpu.enqueue_dma source(%dma_start3A_803 : memref<40xi32, #tpu.memory_space<hbm>>) target(%dma_start3A_802 : memref<40xi32, #tpu.memory_space<vmem>>) target_semaphore(%arg18 : memref<!tpu.dma_semaphore, #tpu.memory_space<semaphore_mem>>)
        %dma_start3A_804 = arith.constant 9 : i32
        %dma_start3A_805 = arith.constant 1 : i32
        %dma_start3A_806 = arith.constant 0 : i32
        %dma_start3A_807 = tpu.memref_slice %arg7[%dma_start3A_804, %dma_start3A_805, %dma_start3A_806] : memref<10x2x40xi32, #tpu.memory_space<vmem>> -> memref<1x1x40xi32, #tpu.memory_space<vmem>>
        %dma_start3A_808 = tpu.memref_squeeze %dma_start3A_807 : memref<1x1x40xi32, #tpu.memory_space<vmem>> -> memref<40xi32, #tpu.memory_space<vmem>>
        %dma_start3A_809 = tpu.memref_slice %arg4[%add3A_793] : memref<320000xi32, #tpu.memory_space<hbm>> -> memref<40xi32, #tpu.memory_space<hbm>>
        %dma_start3A_810 = arith.constant 0 : i32
        %dma_start3A_811 = tpu.memref_slice %arg7[%dma_start3A_804, %dma_start3A_805, %dma_start3A_810] : memref<10x2x40xi32, #tpu.memory_space<vmem>> -> memref<1x1x40xi32, #tpu.memory_space<vmem>>
        %dma_start3A_812 = tpu.memref_squeeze %dma_start3A_811 : memref<1x1x40xi32, #tpu.memory_space<vmem>> -> memref<40xi32, #tpu.memory_space<vmem>>
        %dma_start3A_813 = tpu.memref_slice %arg4[%add3A_793] : memref<320000xi32, #tpu.memory_space<hbm>> -> memref<40xi32, #tpu.memory_space<hbm>>
        tpu.enqueue_dma source(%dma_start3A_813 : memref<40xi32, #tpu.memory_space<hbm>>) target(%dma_start3A_812 : memref<40xi32, #tpu.memory_space<vmem>>) target_semaphore(%arg18 : memref<!tpu.dma_semaphore, #tpu.memory_space<semaphore_mem>>)
      } else {
      }
      %add3A_566 = arith.constant 4 : i32
      %add3A_567 = arith.addi %add3A_532, %add3A_566 : i32
      %lt3A_568 = arith.constant 250 : i32
      %lt3A_569 = arith.cmpi slt, %add3A_567, %lt3A_568 : i32
      %convert_element_type3A_570 = arith.extui %lt3A_569 : i1 to i32
      %cond3A_571 = arith.constant 0 : i32
      %cond3A_572 = arith.cmpi ne, %convert_element_type3A_570, %cond3A_571 : i32
      scf.if %cond3A_572 {
        %ge3A = arith.constant 1 : i32
        %ge3A_789 = arith.cmpi sge, %add3A_532, %ge3A : i32
        %convert_element_type3A_790 = arith.extui %ge3A_789 : i1 to i32
        %cond3A_791 = arith.constant 0 : i32
        %cond3A_792 = arith.cmpi ne, %convert_element_type3A_790, %cond3A_791 : i32
        scf.if %cond3A_792 {
          %dma_wait3A_830 = arith.constant 3 : i32
          %dma_wait3A_831 = arith.constant 0 : i32
          %dma_wait3A_832 = arith.constant 0 : i32
          %dma_wait3A_833 = tpu.memref_slice %arg8[%dma_wait3A_830, %dma_wait3A_831, %dma_wait3A_832] : memref<5x40x128xf32, #tpu.memory_space<vmem>> -> memref<1x40x128xf32, #tpu.memory_space<vmem>>
          %dma_wait3A_834 = tpu.memref_squeeze %dma_wait3A_833 : memref<1x40x128xf32, #tpu.memory_space<vmem>> -> memref<40x128xf32, #tpu.memory_space<vmem>>
          %dma_wait3A_835 = arith.constant 0 : i32
          %dma_wait3A_836 = arith.constant 0 : i32
          %dma_wait3A_837 = tpu.memref_slice %arg29[%dma_wait3A_835, %dma_wait3A_836] : memref<10240x128xf32, #tpu.memory_space<vmem_shared>> -> memref<40x128xf32, #tpu.memory_space<vmem_shared>>
          %dma_wait3A_838 = arith.constant 0 : i32
          %dma_wait3A_839 = arith.constant 0 : i32
          %dma_wait3A_840 = tpu.memref_slice %arg29[%dma_wait3A_838, %dma_wait3A_839] : memref<10240x128xf32, #tpu.memory_space<vmem_shared>> -> memref<40x128xf32, #tpu.memory_space<vmem_shared>>
          %dma_wait3A_841 = arith.constant 0 : i32
          %dma_wait3A_842 = arith.constant 0 : i32
          %dma_wait3A_843 = tpu.memref_slice %arg8[%dma_wait3A_830, %dma_wait3A_841, %dma_wait3A_842] : memref<5x40x128xf32, #tpu.memory_space<vmem>> -> memref<1x40x128xf32, #tpu.memory_space<vmem>>
          %dma_wait3A_844 = tpu.memref_squeeze %dma_wait3A_843 : memref<1x40x128xf32, #tpu.memory_space<vmem>> -> memref<40x128xf32, #tpu.memory_space<vmem>>
          tpu.wait_dma2 semaphore(%arg27 : memref<!tpu.dma_semaphore, #tpu.memory_space<semaphore_mem>>) src(%dma_wait3A_844 : memref<40x128xf32, #tpu.memory_space<vmem>>) dst(%dma_wait3A_840 : memref<40x128xf32, #tpu.memory_space<vmem_shared>>)
        } else {
        }
        %dma_wait3A_793 = arith.constant 8 : i32
        %dma_wait3A_794 = arith.constant 0 : i32
        %dma_wait3A_795 = arith.constant 0 : i32
        %dma_wait3A_796 = tpu.memref_slice %arg7[%dma_wait3A_793, %dma_wait3A_794, %dma_wait3A_795] : memref<10x2x40xi32, #tpu.memory_space<vmem>> -> memref<1x1x40xi32, #tpu.memory_space<vmem>>
        %dma_wait3A_797 = tpu.memref_squeeze %dma_wait3A_796 : memref<1x1x40xi32, #tpu.memory_space<vmem>> -> memref<40xi32, #tpu.memory_space<vmem>>
        %dma_wait3A_798 = arith.constant 0 : i32
        %dma_wait3A_799 = tpu.memref_slice %arg3[%dma_wait3A_798] : memref<320000xi32, #tpu.memory_space<hbm>> -> memref<40xi32, #tpu.memory_space<hbm>>
        %dma_wait3A_800 = arith.constant 0 : i32
        %dma_wait3A_801 = tpu.memref_slice %arg7[%dma_wait3A_793, %dma_wait3A_794, %dma_wait3A_800] : memref<10x2x40xi32, #tpu.memory_space<vmem>> -> memref<1x1x40xi32, #tpu.memory_space<vmem>>
        %dma_wait3A_802 = tpu.memref_squeeze %dma_wait3A_801 : memref<1x1x40xi32, #tpu.memory_space<vmem>> -> memref<40xi32, #tpu.memory_space<vmem>>
        %dma_wait3A_803 = arith.constant 0 : i32
        %dma_wait3A_804 = tpu.memref_slice %arg3[%dma_wait3A_803] : memref<320000xi32, #tpu.memory_space<hbm>> -> memref<40xi32, #tpu.memory_space<hbm>>
        tpu.wait_dma2 semaphore(%arg17 : memref<!tpu.dma_semaphore, #tpu.memory_space<semaphore_mem>>) src(%dma_wait3A_804 : memref<40xi32, #tpu.memory_space<hbm>>) dst(%dma_wait3A_802 : memref<40xi32, #tpu.memory_space<vmem>>)
        %dma_wait3A_805 = arith.constant 8 : i32
        %dma_wait3A_806 = arith.constant 1 : i32
        %dma_wait3A_807 = arith.constant 0 : i32
        %dma_wait3A_808 = tpu.memref_slice %arg7[%dma_wait3A_805, %dma_wait3A_806, %dma_wait3A_807] : memref<10x2x40xi32, #tpu.memory_space<vmem>> -> memref<1x1x40xi32, #tpu.memory_space<vmem>>
        %dma_wait3A_809 = tpu.memref_squeeze %dma_wait3A_808 : memref<1x1x40xi32, #tpu.memory_space<vmem>> -> memref<40xi32, #tpu.memory_space<vmem>>
        %dma_wait3A_810 = arith.constant 0 : i32
        %dma_wait3A_811 = tpu.memref_slice %arg4[%dma_wait3A_810] : memref<320000xi32, #tpu.memory_space<hbm>> -> memref<40xi32, #tpu.memory_space<hbm>>
        %dma_wait3A_812 = arith.constant 0 : i32
        %dma_wait3A_813 = tpu.memref_slice %arg7[%dma_wait3A_805, %dma_wait3A_806, %dma_wait3A_812] : memref<10x2x40xi32, #tpu.memory_space<vmem>> -> memref<1x1x40xi32, #tpu.memory_space<vmem>>
        %dma_wait3A_814 = tpu.memref_squeeze %dma_wait3A_813 : memref<1x1x40xi32, #tpu.memory_space<vmem>> -> memref<40xi32, #tpu.memory_space<vmem>>
        %dma_wait3A_815 = arith.constant 0 : i32
        %dma_wait3A_816 = tpu.memref_slice %arg4[%dma_wait3A_815] : memref<320000xi32, #tpu.memory_space<hbm>> -> memref<40xi32, #tpu.memory_space<hbm>>
        tpu.wait_dma2 semaphore(%arg17 : memref<!tpu.dma_semaphore, #tpu.memory_space<semaphore_mem>>) src(%dma_wait3A_816 : memref<40xi32, #tpu.memory_space<hbm>>) dst(%dma_wait3A_814 : memref<40xi32, #tpu.memory_space<vmem>>)
        %dma_start3A_817 = arith.constant 8 : i32
        %dma_start3A_818 = arith.constant 0 : i32
        %dma_start3A_819 = arith.constant 3 : i32
        %dma_start3A_820 = arith.constant 0 : i32
        %dma_start3A_821 = arith.constant 0 : i32
        %dma_start3A_822 = tpu.memref_slice %arg8[%dma_start3A_819, %dma_start3A_820, %dma_start3A_821] : memref<5x40x128xf32, #tpu.memory_space<vmem>> -> memref<1x40x128xf32, #tpu.memory_space<vmem>>
        %dma_start3A_823 = tpu.memref_squeeze %dma_start3A_822 : memref<1x40x128xf32, #tpu.memory_space<vmem>> -> memref<40x128xf32, #tpu.memory_space<vmem>>
        %dma_start3A_824 = arith.constant 0 : i32
        %dma_start3A_825 = tpu.memref_slice %arg7[%dma_start3A_817, %dma_start3A_818, %dma_start3A_824] : memref<10x2x40xi32, #tpu.memory_space<vmem>> -> memref<1x1x40xi32, #tpu.memory_space<vmem>>
        %dma_start3A_826 = tpu.memref_squeeze %dma_start3A_825 : memref<1x1x40xi32, #tpu.memory_space<vmem>> -> memref<40xi32, #tpu.memory_space<vmem>>
        %dma_start3A_827 = arith.constant 0 : i32
        %dma_start3A_828 = arith.constant 0 : i32
        %dma_start3A_829 = tpu.memref_slice %arg2[%dma_start3A_827, %dma_start3A_828] : memref<10000x128xf32, #tpu.memory_space<hbm>> -> memref<10000x128xf32, #tpu.memory_space<hbm>>
        tpu.enqueue_indirect_dma source(%dma_start3A_829 : memref<10000x128xf32, #tpu.memory_space<hbm>>) target(%dma_start3A_823 : memref<40x128xf32, #tpu.memory_space<vmem>>) offsets(%dma_start3A_826 : memref<40xi32, #tpu.memory_space<vmem>>) semaphore(%arg22 : memref<!tpu.dma_semaphore, #tpu.memory_space<semaphore_mem>>)
      } else {
      }
      %mul3A_573 = arith.constant 2 : i32
      %mul3A_574 = arith.muli %scan3A_356, %mul3A_573 : i32
      %add3A_575 = arith.constant 1 : i32
      %add3A_576 = arith.addi %mul3A_574, %add3A_575 : i32
      %mul3A_577 = arith.constant 5 : i32
      %mul3A_578 = arith.muli %add3A_576, %mul3A_577 : i32
      %add3A_579 = arith.constant 0 : i32
      %add3A_580 = arith.addi %mul3A_578, %add3A_579 : i32
      %dma_wait3A_581 = arith.constant 5 : i32
      %dma_wait3A_582 = arith.constant 0 : i32
      %dma_wait3A_583 = arith.constant 0 : i32
      %dma_wait3A_584 = arith.constant 0 : i32
      %dma_wait3A_585 = arith.constant 0 : i32
      %dma_wait3A_586 = tpu.memref_slice %arg8[%dma_wait3A_583, %dma_wait3A_584, %dma_wait3A_585] : memref<5x40x128xf32, #tpu.memory_space<vmem>> -> memref<1x40x128xf32, #tpu.memory_space<vmem>>
      %dma_wait3A_587 = tpu.memref_squeeze %dma_wait3A_586 : memref<1x40x128xf32, #tpu.memory_space<vmem>> -> memref<40x128xf32, #tpu.memory_space<vmem>>
      %dma_wait3A_588 = arith.constant 0 : i32
      %dma_wait3A_589 = tpu.memref_slice %arg7[%dma_wait3A_581, %dma_wait3A_582, %dma_wait3A_588] : memref<10x2x40xi32, #tpu.memory_space<vmem>> -> memref<1x1x40xi32, #tpu.memory_space<vmem>>
      %dma_wait3A_590 = tpu.memref_squeeze %dma_wait3A_589 : memref<1x1x40xi32, #tpu.memory_space<vmem>> -> memref<40xi32, #tpu.memory_space<vmem>>
      %dma_wait3A_591 = arith.constant 0 : i32
      %dma_wait3A_592 = arith.constant 0 : i32
      %dma_wait3A_593 = tpu.memref_slice %arg2[%dma_wait3A_591, %dma_wait3A_592] : memref<10000x128xf32, #tpu.memory_space<hbm>> -> memref<10000x128xf32, #tpu.memory_space<hbm>>
      tpu.wait_indirect_dma semaphore(%arg19 : memref<!tpu.dma_semaphore, #tpu.memory_space<semaphore_mem>>) src(%dma_wait3A_593 : memref<10000x128xf32, #tpu.memory_space<hbm>>) dst(%dma_wait3A_587 : memref<40x128xf32, #tpu.memory_space<vmem>>)
      %dma_start3A_594 = arith.constant 0 : i32
      %dma_start3A_595 = arith.constant 5 : i32
      %dma_start3A_596 = arith.constant 1 : i32
      %dma_start3A_597 = arith.constant 0 : i32
      %dma_start3A_598 = arith.constant 0 : i32
      %dma_start3A_599 = tpu.memref_slice %arg8[%dma_start3A_594, %dma_start3A_597, %dma_start3A_598] : memref<5x40x128xf32, #tpu.memory_space<vmem>> -> memref<1x40x128xf32, #tpu.memory_space<vmem>>
      %dma_start3A_600 = tpu.memref_squeeze %dma_start3A_599 : memref<1x40x128xf32, #tpu.memory_space<vmem>> -> memref<40x128xf32, #tpu.memory_space<vmem>>
      %dma_start3A_601 = arith.constant 0 : i32
      %dma_start3A_602 = tpu.memref_slice %arg7[%dma_start3A_595, %dma_start3A_596, %dma_start3A_601] : memref<10x2x40xi32, #tpu.memory_space<vmem>> -> memref<1x1x40xi32, #tpu.memory_space<vmem>>
      %dma_start3A_603 = tpu.memref_squeeze %dma_start3A_602 : memref<1x1x40xi32, #tpu.memory_space<vmem>> -> memref<40xi32, #tpu.memory_space<vmem>>
      %dma_start3A_604 = arith.constant 0 : i32
      %dma_start3A_605 = arith.constant 0 : i32
      %dma_start3A_606 = tpu.memref_slice %arg29[%dma_start3A_604, %dma_start3A_605] : memref<10240x128xf32, #tpu.memory_space<vmem_shared>> -> memref<10240x128xf32, #tpu.memory_space<vmem_shared>>
      tpu.enqueue_indirect_dma source(%dma_start3A_600 : memref<40x128xf32, #tpu.memory_space<vmem>>) target(%dma_start3A_606 : memref<10240x128xf32, #tpu.memory_space<vmem_shared>>) offsets(%dma_start3A_603 : memref<40xi32, #tpu.memory_space<vmem>>) semaphore(%arg24 : memref<!tpu.dma_semaphore, #tpu.memory_space<semaphore_mem>>) {add = true}
      %add3A_607 = arith.constant 5 : i32
      %add3A_608 = arith.addi %add3A_580, %add3A_607 : i32
      %lt3A_609 = arith.constant 250 : i32
      %lt3A_610 = arith.cmpi slt, %add3A_608, %lt3A_609 : i32
      %convert_element_type3A_611 = arith.extui %lt3A_610 : i1 to i32
      %cond3A_612 = arith.constant 0 : i32
      %cond3A_613 = arith.cmpi ne, %convert_element_type3A_611, %cond3A_612 : i32
      scf.if %cond3A_613 {
        %mul3A_789 = arith.constant 10000 : i32
        %mul3A_790 = arith.muli %add3A, %mul3A_789 : i32
        %mul3A_791 = arith.constant 40 : i32
        %mul3A_792 = arith.muli %add3A_608, %mul3A_791 : i32
        %add3A_793 = arith.addi %mul3A_790, %mul3A_792 : i32
        %dma_start3A_794 = arith.constant 0 : i32
        %dma_start3A_795 = arith.constant 0 : i32
        %dma_start3A_796 = arith.constant 0 : i32
        %dma_start3A_797 = tpu.memref_slice %arg7[%dma_start3A_794, %dma_start3A_795, %dma_start3A_796] : memref<10x2x40xi32, #tpu.memory_space<vmem>> -> memref<1x1x40xi32, #tpu.memory_space<vmem>>
        %dma_start3A_798 = tpu.memref_squeeze %dma_start3A_797 : memref<1x1x40xi32, #tpu.memory_space<vmem>> -> memref<40xi32, #tpu.memory_space<vmem>>
        %dma_start3A_799 = tpu.memref_slice %arg3[%add3A_793] : memref<320000xi32, #tpu.memory_space<hbm>> -> memref<40xi32, #tpu.memory_space<hbm>>
        %dma_start3A_800 = arith.constant 0 : i32
        %dma_start3A_801 = tpu.memref_slice %arg7[%dma_start3A_794, %dma_start3A_795, %dma_start3A_800] : memref<10x2x40xi32, #tpu.memory_space<vmem>> -> memref<1x1x40xi32, #tpu.memory_space<vmem>>
        %dma_start3A_802 = tpu.memref_squeeze %dma_start3A_801 : memref<1x1x40xi32, #tpu.memory_space<vmem>> -> memref<40xi32, #tpu.memory_space<vmem>>
        %dma_start3A_803 = tpu.memref_slice %arg3[%add3A_793] : memref<320000xi32, #tpu.memory_space<hbm>> -> memref<40xi32, #tpu.memory_space<hbm>>
        tpu.enqueue_dma source(%dma_start3A_803 : memref<40xi32, #tpu.memory_space<hbm>>) target(%dma_start3A_802 : memref<40xi32, #tpu.memory_space<vmem>>) target_semaphore(%arg9 : memref<!tpu.dma_semaphore, #tpu.memory_space<semaphore_mem>>)
        %dma_start3A_804 = arith.constant 0 : i32
        %dma_start3A_805 = arith.constant 1 : i32
        %dma_start3A_806 = arith.constant 0 : i32
        %dma_start3A_807 = tpu.memref_slice %arg7[%dma_start3A_804, %dma_start3A_805, %dma_start3A_806] : memref<10x2x40xi32, #tpu.memory_space<vmem>> -> memref<1x1x40xi32, #tpu.memory_space<vmem>>
        %dma_start3A_808 = tpu.memref_squeeze %dma_start3A_807 : memref<1x1x40xi32, #tpu.memory_space<vmem>> -> memref<40xi32, #tpu.memory_space<vmem>>
        %dma_start3A_809 = tpu.memref_slice %arg4[%add3A_793] : memref<320000xi32, #tpu.memory_space<hbm>> -> memref<40xi32, #tpu.memory_space<hbm>>
        %dma_start3A_810 = arith.constant 0 : i32
        %dma_start3A_811 = tpu.memref_slice %arg7[%dma_start3A_804, %dma_start3A_805, %dma_start3A_810] : memref<10x2x40xi32, #tpu.memory_space<vmem>> -> memref<1x1x40xi32, #tpu.memory_space<vmem>>
        %dma_start3A_812 = tpu.memref_squeeze %dma_start3A_811 : memref<1x1x40xi32, #tpu.memory_space<vmem>> -> memref<40xi32, #tpu.memory_space<vmem>>
        %dma_start3A_813 = tpu.memref_slice %arg4[%add3A_793] : memref<320000xi32, #tpu.memory_space<hbm>> -> memref<40xi32, #tpu.memory_space<hbm>>
        tpu.enqueue_dma source(%dma_start3A_813 : memref<40xi32, #tpu.memory_space<hbm>>) target(%dma_start3A_812 : memref<40xi32, #tpu.memory_space<vmem>>) target_semaphore(%arg9 : memref<!tpu.dma_semaphore, #tpu.memory_space<semaphore_mem>>)
      } else {
      }
      %add3A_614 = arith.constant 4 : i32
      %add3A_615 = arith.addi %add3A_580, %add3A_614 : i32
      %lt3A_616 = arith.constant 250 : i32
      %lt3A_617 = arith.cmpi slt, %add3A_615, %lt3A_616 : i32
      %convert_element_type3A_618 = arith.extui %lt3A_617 : i1 to i32
      %cond3A_619 = arith.constant 0 : i32
      %cond3A_620 = arith.cmpi ne, %convert_element_type3A_618, %cond3A_619 : i32
      scf.if %cond3A_620 {
        %ge3A = arith.constant 1 : i32
        %ge3A_789 = arith.cmpi sge, %add3A_580, %ge3A : i32
        %convert_element_type3A_790 = arith.extui %ge3A_789 : i1 to i32
        %cond3A_791 = arith.constant 0 : i32
        %cond3A_792 = arith.cmpi ne, %convert_element_type3A_790, %cond3A_791 : i32
        scf.if %cond3A_792 {
          %dma_wait3A_830 = arith.constant 4 : i32
          %dma_wait3A_831 = arith.constant 0 : i32
          %dma_wait3A_832 = arith.constant 0 : i32
          %dma_wait3A_833 = tpu.memref_slice %arg8[%dma_wait3A_830, %dma_wait3A_831, %dma_wait3A_832] : memref<5x40x128xf32, #tpu.memory_space<vmem>> -> memref<1x40x128xf32, #tpu.memory_space<vmem>>
          %dma_wait3A_834 = tpu.memref_squeeze %dma_wait3A_833 : memref<1x40x128xf32, #tpu.memory_space<vmem>> -> memref<40x128xf32, #tpu.memory_space<vmem>>
          %dma_wait3A_835 = arith.constant 0 : i32
          %dma_wait3A_836 = arith.constant 0 : i32
          %dma_wait3A_837 = tpu.memref_slice %arg29[%dma_wait3A_835, %dma_wait3A_836] : memref<10240x128xf32, #tpu.memory_space<vmem_shared>> -> memref<40x128xf32, #tpu.memory_space<vmem_shared>>
          %dma_wait3A_838 = arith.constant 0 : i32
          %dma_wait3A_839 = arith.constant 0 : i32
          %dma_wait3A_840 = tpu.memref_slice %arg29[%dma_wait3A_838, %dma_wait3A_839] : memref<10240x128xf32, #tpu.memory_space<vmem_shared>> -> memref<40x128xf32, #tpu.memory_space<vmem_shared>>
          %dma_wait3A_841 = arith.constant 0 : i32
          %dma_wait3A_842 = arith.constant 0 : i32
          %dma_wait3A_843 = tpu.memref_slice %arg8[%dma_wait3A_830, %dma_wait3A_841, %dma_wait3A_842] : memref<5x40x128xf32, #tpu.memory_space<vmem>> -> memref<1x40x128xf32, #tpu.memory_space<vmem>>
          %dma_wait3A_844 = tpu.memref_squeeze %dma_wait3A_843 : memref<1x40x128xf32, #tpu.memory_space<vmem>> -> memref<40x128xf32, #tpu.memory_space<vmem>>
          tpu.wait_dma2 semaphore(%arg28 : memref<!tpu.dma_semaphore, #tpu.memory_space<semaphore_mem>>) src(%dma_wait3A_844 : memref<40x128xf32, #tpu.memory_space<vmem>>) dst(%dma_wait3A_840 : memref<40x128xf32, #tpu.memory_space<vmem_shared>>)
        } else {
        }
        %dma_wait3A_793 = arith.constant 9 : i32
        %dma_wait3A_794 = arith.constant 0 : i32
        %dma_wait3A_795 = arith.constant 0 : i32
        %dma_wait3A_796 = tpu.memref_slice %arg7[%dma_wait3A_793, %dma_wait3A_794, %dma_wait3A_795] : memref<10x2x40xi32, #tpu.memory_space<vmem>> -> memref<1x1x40xi32, #tpu.memory_space<vmem>>
        %dma_wait3A_797 = tpu.memref_squeeze %dma_wait3A_796 : memref<1x1x40xi32, #tpu.memory_space<vmem>> -> memref<40xi32, #tpu.memory_space<vmem>>
        %dma_wait3A_798 = arith.constant 0 : i32
        %dma_wait3A_799 = tpu.memref_slice %arg3[%dma_wait3A_798] : memref<320000xi32, #tpu.memory_space<hbm>> -> memref<40xi32, #tpu.memory_space<hbm>>
        %dma_wait3A_800 = arith.constant 0 : i32
        %dma_wait3A_801 = tpu.memref_slice %arg7[%dma_wait3A_793, %dma_wait3A_794, %dma_wait3A_800] : memref<10x2x40xi32, #tpu.memory_space<vmem>> -> memref<1x1x40xi32, #tpu.memory_space<vmem>>
        %dma_wait3A_802 = tpu.memref_squeeze %dma_wait3A_801 : memref<1x1x40xi32, #tpu.memory_space<vmem>> -> memref<40xi32, #tpu.memory_space<vmem>>
        %dma_wait3A_803 = arith.constant 0 : i32
        %dma_wait3A_804 = tpu.memref_slice %arg3[%dma_wait3A_803] : memref<320000xi32, #tpu.memory_space<hbm>> -> memref<40xi32, #tpu.memory_space<hbm>>
        tpu.wait_dma2 semaphore(%arg18 : memref<!tpu.dma_semaphore, #tpu.memory_space<semaphore_mem>>) src(%dma_wait3A_804 : memref<40xi32, #tpu.memory_space<hbm>>) dst(%dma_wait3A_802 : memref<40xi32, #tpu.memory_space<vmem>>)
        %dma_wait3A_805 = arith.constant 9 : i32
        %dma_wait3A_806 = arith.constant 1 : i32
        %dma_wait3A_807 = arith.constant 0 : i32
        %dma_wait3A_808 = tpu.memref_slice %arg7[%dma_wait3A_805, %dma_wait3A_806, %dma_wait3A_807] : memref<10x2x40xi32, #tpu.memory_space<vmem>> -> memref<1x1x40xi32, #tpu.memory_space<vmem>>
        %dma_wait3A_809 = tpu.memref_squeeze %dma_wait3A_808 : memref<1x1x40xi32, #tpu.memory_space<vmem>> -> memref<40xi32, #tpu.memory_space<vmem>>
        %dma_wait3A_810 = arith.constant 0 : i32
        %dma_wait3A_811 = tpu.memref_slice %arg4[%dma_wait3A_810] : memref<320000xi32, #tpu.memory_space<hbm>> -> memref<40xi32, #tpu.memory_space<hbm>>
        %dma_wait3A_812 = arith.constant 0 : i32
        %dma_wait3A_813 = tpu.memref_slice %arg7[%dma_wait3A_805, %dma_wait3A_806, %dma_wait3A_812] : memref<10x2x40xi32, #tpu.memory_space<vmem>> -> memref<1x1x40xi32, #tpu.memory_space<vmem>>
        %dma_wait3A_814 = tpu.memref_squeeze %dma_wait3A_813 : memref<1x1x40xi32, #tpu.memory_space<vmem>> -> memref<40xi32, #tpu.memory_space<vmem>>
        %dma_wait3A_815 = arith.constant 0 : i32
        %dma_wait3A_816 = tpu.memref_slice %arg4[%dma_wait3A_815] : memref<320000xi32, #tpu.memory_space<hbm>> -> memref<40xi32, #tpu.memory_space<hbm>>
        tpu.wait_dma2 semaphore(%arg18 : memref<!tpu.dma_semaphore, #tpu.memory_space<semaphore_mem>>) src(%dma_wait3A_816 : memref<40xi32, #tpu.memory_space<hbm>>) dst(%dma_wait3A_814 : memref<40xi32, #tpu.memory_space<vmem>>)
        %dma_start3A_817 = arith.constant 9 : i32
        %dma_start3A_818 = arith.constant 0 : i32
        %dma_start3A_819 = arith.constant 4 : i32
        %dma_start3A_820 = arith.constant 0 : i32
        %dma_start3A_821 = arith.constant 0 : i32
        %dma_start3A_822 = tpu.memref_slice %arg8[%dma_start3A_819, %dma_start3A_820, %dma_start3A_821] : memref<5x40x128xf32, #tpu.memory_space<vmem>> -> memref<1x40x128xf32, #tpu.memory_space<vmem>>
        %dma_start3A_823 = tpu.memref_squeeze %dma_start3A_822 : memref<1x40x128xf32, #tpu.memory_space<vmem>> -> memref<40x128xf32, #tpu.memory_space<vmem>>
        %dma_start3A_824 = arith.constant 0 : i32
        %dma_start3A_825 = tpu.memref_slice %arg7[%dma_start3A_817, %dma_start3A_818, %dma_start3A_824] : memref<10x2x40xi32, #tpu.memory_space<vmem>> -> memref<1x1x40xi32, #tpu.memory_space<vmem>>
        %dma_start3A_826 = tpu.memref_squeeze %dma_start3A_825 : memref<1x1x40xi32, #tpu.memory_space<vmem>> -> memref<40xi32, #tpu.memory_space<vmem>>
        %dma_start3A_827 = arith.constant 0 : i32
        %dma_start3A_828 = arith.constant 0 : i32
        %dma_start3A_829 = tpu.memref_slice %arg2[%dma_start3A_827, %dma_start3A_828] : memref<10000x128xf32, #tpu.memory_space<hbm>> -> memref<10000x128xf32, #tpu.memory_space<hbm>>
        tpu.enqueue_indirect_dma source(%dma_start3A_829 : memref<10000x128xf32, #tpu.memory_space<hbm>>) target(%dma_start3A_823 : memref<40x128xf32, #tpu.memory_space<vmem>>) offsets(%dma_start3A_826 : memref<40xi32, #tpu.memory_space<vmem>>) semaphore(%arg23 : memref<!tpu.dma_semaphore, #tpu.memory_space<semaphore_mem>>)
      } else {
      }
      %add3A_621 = arith.constant 1 : i32
      %add3A_622 = arith.addi %mul3A_578, %add3A_621 : i32
      %dma_wait3A_623 = arith.constant 6 : i32
      %dma_wait3A_624 = arith.constant 0 : i32
      %dma_wait3A_625 = arith.constant 1 : i32
      %dma_wait3A_626 = arith.constant 0 : i32
      %dma_wait3A_627 = arith.constant 0 : i32
      %dma_wait3A_628 = tpu.memref_slice %arg8[%dma_wait3A_625, %dma_wait3A_626, %dma_wait3A_627] : memref<5x40x128xf32, #tpu.memory_space<vmem>> -> memref<1x40x128xf32, #tpu.memory_space<vmem>>
      %dma_wait3A_629 = tpu.memref_squeeze %dma_wait3A_628 : memref<1x40x128xf32, #tpu.memory_space<vmem>> -> memref<40x128xf32, #tpu.memory_space<vmem>>
      %dma_wait3A_630 = arith.constant 0 : i32
      %dma_wait3A_631 = tpu.memref_slice %arg7[%dma_wait3A_623, %dma_wait3A_624, %dma_wait3A_630] : memref<10x2x40xi32, #tpu.memory_space<vmem>> -> memref<1x1x40xi32, #tpu.memory_space<vmem>>
      %dma_wait3A_632 = tpu.memref_squeeze %dma_wait3A_631 : memref<1x1x40xi32, #tpu.memory_space<vmem>> -> memref<40xi32, #tpu.memory_space<vmem>>
      %dma_wait3A_633 = arith.constant 0 : i32
      %dma_wait3A_634 = arith.constant 0 : i32
      %dma_wait3A_635 = tpu.memref_slice %arg2[%dma_wait3A_633, %dma_wait3A_634] : memref<10000x128xf32, #tpu.memory_space<hbm>> -> memref<10000x128xf32, #tpu.memory_space<hbm>>
      tpu.wait_indirect_dma semaphore(%arg20 : memref<!tpu.dma_semaphore, #tpu.memory_space<semaphore_mem>>) src(%dma_wait3A_635 : memref<10000x128xf32, #tpu.memory_space<hbm>>) dst(%dma_wait3A_629 : memref<40x128xf32, #tpu.memory_space<vmem>>)
      %dma_start3A_636 = arith.constant 1 : i32
      %dma_start3A_637 = arith.constant 6 : i32
      %dma_start3A_638 = arith.constant 1 : i32
      %dma_start3A_639 = arith.constant 0 : i32
      %dma_start3A_640 = arith.constant 0 : i32
      %dma_start3A_641 = tpu.memref_slice %arg8[%dma_start3A_636, %dma_start3A_639, %dma_start3A_640] : memref<5x40x128xf32, #tpu.memory_space<vmem>> -> memref<1x40x128xf32, #tpu.memory_space<vmem>>
      %dma_start3A_642 = tpu.memref_squeeze %dma_start3A_641 : memref<1x40x128xf32, #tpu.memory_space<vmem>> -> memref<40x128xf32, #tpu.memory_space<vmem>>
      %dma_start3A_643 = arith.constant 0 : i32
      %dma_start3A_644 = tpu.memref_slice %arg7[%dma_start3A_637, %dma_start3A_638, %dma_start3A_643] : memref<10x2x40xi32, #tpu.memory_space<vmem>> -> memref<1x1x40xi32, #tpu.memory_space<vmem>>
      %dma_start3A_645 = tpu.memref_squeeze %dma_start3A_644 : memref<1x1x40xi32, #tpu.memory_space<vmem>> -> memref<40xi32, #tpu.memory_space<vmem>>
      %dma_start3A_646 = arith.constant 0 : i32
      %dma_start3A_647 = arith.constant 0 : i32
      %dma_start3A_648 = tpu.memref_slice %arg29[%dma_start3A_646, %dma_start3A_647] : memref<10240x128xf32, #tpu.memory_space<vmem_shared>> -> memref<10240x128xf32, #tpu.memory_space<vmem_shared>>
      tpu.enqueue_indirect_dma source(%dma_start3A_642 : memref<40x128xf32, #tpu.memory_space<vmem>>) target(%dma_start3A_648 : memref<10240x128xf32, #tpu.memory_space<vmem_shared>>) offsets(%dma_start3A_645 : memref<40xi32, #tpu.memory_space<vmem>>) semaphore(%arg25 : memref<!tpu.dma_semaphore, #tpu.memory_space<semaphore_mem>>) {add = true}
      %add3A_649 = arith.constant 5 : i32
      %add3A_650 = arith.addi %add3A_622, %add3A_649 : i32
      %lt3A_651 = arith.constant 250 : i32
      %lt3A_652 = arith.cmpi slt, %add3A_650, %lt3A_651 : i32
      %convert_element_type3A_653 = arith.extui %lt3A_652 : i1 to i32
      %cond3A_654 = arith.constant 0 : i32
      %cond3A_655 = arith.cmpi ne, %convert_element_type3A_653, %cond3A_654 : i32
      scf.if %cond3A_655 {
        %mul3A_789 = arith.constant 10000 : i32
        %mul3A_790 = arith.muli %add3A, %mul3A_789 : i32
        %mul3A_791 = arith.constant 40 : i32
        %mul3A_792 = arith.muli %add3A_650, %mul3A_791 : i32
        %add3A_793 = arith.addi %mul3A_790, %mul3A_792 : i32
        %dma_start3A_794 = arith.constant 1 : i32
        %dma_start3A_795 = arith.constant 0 : i32
        %dma_start3A_796 = arith.constant 0 : i32
        %dma_start3A_797 = tpu.memref_slice %arg7[%dma_start3A_794, %dma_start3A_795, %dma_start3A_796] : memref<10x2x40xi32, #tpu.memory_space<vmem>> -> memref<1x1x40xi32, #tpu.memory_space<vmem>>
        %dma_start3A_798 = tpu.memref_squeeze %dma_start3A_797 : memref<1x1x40xi32, #tpu.memory_space<vmem>> -> memref<40xi32, #tpu.memory_space<vmem>>
        %dma_start3A_799 = tpu.memref_slice %arg3[%add3A_793] : memref<320000xi32, #tpu.memory_space<hbm>> -> memref<40xi32, #tpu.memory_space<hbm>>
        %dma_start3A_800 = arith.constant 0 : i32
        %dma_start3A_801 = tpu.memref_slice %arg7[%dma_start3A_794, %dma_start3A_795, %dma_start3A_800] : memref<10x2x40xi32, #tpu.memory_space<vmem>> -> memref<1x1x40xi32, #tpu.memory_space<vmem>>
        %dma_start3A_802 = tpu.memref_squeeze %dma_start3A_801 : memref<1x1x40xi32, #tpu.memory_space<vmem>> -> memref<40xi32, #tpu.memory_space<vmem>>
        %dma_start3A_803 = tpu.memref_slice %arg3[%add3A_793] : memref<320000xi32, #tpu.memory_space<hbm>> -> memref<40xi32, #tpu.memory_space<hbm>>
        tpu.enqueue_dma source(%dma_start3A_803 : memref<40xi32, #tpu.memory_space<hbm>>) target(%dma_start3A_802 : memref<40xi32, #tpu.memory_space<vmem>>) target_semaphore(%arg10 : memref<!tpu.dma_semaphore, #tpu.memory_space<semaphore_mem>>)
        %dma_start3A_804 = arith.constant 1 : i32
        %dma_start3A_805 = arith.constant 1 : i32
        %dma_start3A_806 = arith.constant 0 : i32
        %dma_start3A_807 = tpu.memref_slice %arg7[%dma_start3A_804, %dma_start3A_805, %dma_start3A_806] : memref<10x2x40xi32, #tpu.memory_space<vmem>> -> memref<1x1x40xi32, #tpu.memory_space<vmem>>
        %dma_start3A_808 = tpu.memref_squeeze %dma_start3A_807 : memref<1x1x40xi32, #tpu.memory_space<vmem>> -> memref<40xi32, #tpu.memory_space<vmem>>
        %dma_start3A_809 = tpu.memref_slice %arg4[%add3A_793] : memref<320000xi32, #tpu.memory_space<hbm>> -> memref<40xi32, #tpu.memory_space<hbm>>
        %dma_start3A_810 = arith.constant 0 : i32
        %dma_start3A_811 = tpu.memref_slice %arg7[%dma_start3A_804, %dma_start3A_805, %dma_start3A_810] : memref<10x2x40xi32, #tpu.memory_space<vmem>> -> memref<1x1x40xi32, #tpu.memory_space<vmem>>
        %dma_start3A_812 = tpu.memref_squeeze %dma_start3A_811 : memref<1x1x40xi32, #tpu.memory_space<vmem>> -> memref<40xi32, #tpu.memory_space<vmem>>
        %dma_start3A_813 = tpu.memref_slice %arg4[%add3A_793] : memref<320000xi32, #tpu.memory_space<hbm>> -> memref<40xi32, #tpu.memory_space<hbm>>
        tpu.enqueue_dma source(%dma_start3A_813 : memref<40xi32, #tpu.memory_space<hbm>>) target(%dma_start3A_812 : memref<40xi32, #tpu.memory_space<vmem>>) target_semaphore(%arg10 : memref<!tpu.dma_semaphore, #tpu.memory_space<semaphore_mem>>)
      } else {
      }
      %add3A_656 = arith.constant 4 : i32
      %add3A_657 = arith.addi %add3A_622, %add3A_656 : i32
      %lt3A_658 = arith.constant 250 : i32
      %lt3A_659 = arith.cmpi slt, %add3A_657, %lt3A_658 : i32
      %convert_element_type3A_660 = arith.extui %lt3A_659 : i1 to i32
      %cond3A_661 = arith.constant 0 : i32
      %cond3A_662 = arith.cmpi ne, %convert_element_type3A_660, %cond3A_661 : i32
      scf.if %cond3A_662 {
        %ge3A = arith.constant 1 : i32
        %ge3A_789 = arith.cmpi sge, %add3A_622, %ge3A : i32
        %convert_element_type3A_790 = arith.extui %ge3A_789 : i1 to i32
        %cond3A_791 = arith.constant 0 : i32
        %cond3A_792 = arith.cmpi ne, %convert_element_type3A_790, %cond3A_791 : i32
        scf.if %cond3A_792 {
          %dma_wait3A_830 = arith.constant 0 : i32
          %dma_wait3A_831 = arith.constant 0 : i32
          %dma_wait3A_832 = arith.constant 0 : i32
          %dma_wait3A_833 = tpu.memref_slice %arg8[%dma_wait3A_830, %dma_wait3A_831, %dma_wait3A_832] : memref<5x40x128xf32, #tpu.memory_space<vmem>> -> memref<1x40x128xf32, #tpu.memory_space<vmem>>
          %dma_wait3A_834 = tpu.memref_squeeze %dma_wait3A_833 : memref<1x40x128xf32, #tpu.memory_space<vmem>> -> memref<40x128xf32, #tpu.memory_space<vmem>>
          %dma_wait3A_835 = arith.constant 0 : i32
          %dma_wait3A_836 = arith.constant 0 : i32
          %dma_wait3A_837 = tpu.memref_slice %arg29[%dma_wait3A_835, %dma_wait3A_836] : memref<10240x128xf32, #tpu.memory_space<vmem_shared>> -> memref<40x128xf32, #tpu.memory_space<vmem_shared>>
          %dma_wait3A_838 = arith.constant 0 : i32
          %dma_wait3A_839 = arith.constant 0 : i32
          %dma_wait3A_840 = tpu.memref_slice %arg29[%dma_wait3A_838, %dma_wait3A_839] : memref<10240x128xf32, #tpu.memory_space<vmem_shared>> -> memref<40x128xf32, #tpu.memory_space<vmem_shared>>
          %dma_wait3A_841 = arith.constant 0 : i32
          %dma_wait3A_842 = arith.constant 0 : i32
          %dma_wait3A_843 = tpu.memref_slice %arg8[%dma_wait3A_830, %dma_wait3A_841, %dma_wait3A_842] : memref<5x40x128xf32, #tpu.memory_space<vmem>> -> memref<1x40x128xf32, #tpu.memory_space<vmem>>
          %dma_wait3A_844 = tpu.memref_squeeze %dma_wait3A_843 : memref<1x40x128xf32, #tpu.memory_space<vmem>> -> memref<40x128xf32, #tpu.memory_space<vmem>>
          tpu.wait_dma2 semaphore(%arg24 : memref<!tpu.dma_semaphore, #tpu.memory_space<semaphore_mem>>) src(%dma_wait3A_844 : memref<40x128xf32, #tpu.memory_space<vmem>>) dst(%dma_wait3A_840 : memref<40x128xf32, #tpu.memory_space<vmem_shared>>)
        } else {
        }
        %dma_wait3A_793 = arith.constant 0 : i32
        %dma_wait3A_794 = arith.constant 0 : i32
        %dma_wait3A_795 = arith.constant 0 : i32
        %dma_wait3A_796 = tpu.memref_slice %arg7[%dma_wait3A_793, %dma_wait3A_794, %dma_wait3A_795] : memref<10x2x40xi32, #tpu.memory_space<vmem>> -> memref<1x1x40xi32, #tpu.memory_space<vmem>>
        %dma_wait3A_797 = tpu.memref_squeeze %dma_wait3A_796 : memref<1x1x40xi32, #tpu.memory_space<vmem>> -> memref<40xi32, #tpu.memory_space<vmem>>
        %dma_wait3A_798 = arith.constant 0 : i32
        %dma_wait3A_799 = tpu.memref_slice %arg3[%dma_wait3A_798] : memref<320000xi32, #tpu.memory_space<hbm>> -> memref<40xi32, #tpu.memory_space<hbm>>
        %dma_wait3A_800 = arith.constant 0 : i32
        %dma_wait3A_801 = tpu.memref_slice %arg7[%dma_wait3A_793, %dma_wait3A_794, %dma_wait3A_800] : memref<10x2x40xi32, #tpu.memory_space<vmem>> -> memref<1x1x40xi32, #tpu.memory_space<vmem>>
        %dma_wait3A_802 = tpu.memref_squeeze %dma_wait3A_801 : memref<1x1x40xi32, #tpu.memory_space<vmem>> -> memref<40xi32, #tpu.memory_space<vmem>>
        %dma_wait3A_803 = arith.constant 0 : i32
        %dma_wait3A_804 = tpu.memref_slice %arg3[%dma_wait3A_803] : memref<320000xi32, #tpu.memory_space<hbm>> -> memref<40xi32, #tpu.memory_space<hbm>>
        tpu.wait_dma2 semaphore(%arg9 : memref<!tpu.dma_semaphore, #tpu.memory_space<semaphore_mem>>) src(%dma_wait3A_804 : memref<40xi32, #tpu.memory_space<hbm>>) dst(%dma_wait3A_802 : memref<40xi32, #tpu.memory_space<vmem>>)
        %dma_wait3A_805 = arith.constant 0 : i32
        %dma_wait3A_806 = arith.constant 1 : i32
        %dma_wait3A_807 = arith.constant 0 : i32
        %dma_wait3A_808 = tpu.memref_slice %arg7[%dma_wait3A_805, %dma_wait3A_806, %dma_wait3A_807] : memref<10x2x40xi32, #tpu.memory_space<vmem>> -> memref<1x1x40xi32, #tpu.memory_space<vmem>>
        %dma_wait3A_809 = tpu.memref_squeeze %dma_wait3A_808 : memref<1x1x40xi32, #tpu.memory_space<vmem>> -> memref<40xi32, #tpu.memory_space<vmem>>
        %dma_wait3A_810 = arith.constant 0 : i32
        %dma_wait3A_811 = tpu.memref_slice %arg4[%dma_wait3A_810] : memref<320000xi32, #tpu.memory_space<hbm>> -> memref<40xi32, #tpu.memory_space<hbm>>
        %dma_wait3A_812 = arith.constant 0 : i32
        %dma_wait3A_813 = tpu.memref_slice %arg7[%dma_wait3A_805, %dma_wait3A_806, %dma_wait3A_812] : memref<10x2x40xi32, #tpu.memory_space<vmem>> -> memref<1x1x40xi32, #tpu.memory_space<vmem>>
        %dma_wait3A_814 = tpu.memref_squeeze %dma_wait3A_813 : memref<1x1x40xi32, #tpu.memory_space<vmem>> -> memref<40xi32, #tpu.memory_space<vmem>>
        %dma_wait3A_815 = arith.constant 0 : i32
        %dma_wait3A_816 = tpu.memref_slice %arg4[%dma_wait3A_815] : memref<320000xi32, #tpu.memory_space<hbm>> -> memref<40xi32, #tpu.memory_space<hbm>>
        tpu.wait_dma2 semaphore(%arg9 : memref<!tpu.dma_semaphore, #tpu.memory_space<semaphore_mem>>) src(%dma_wait3A_816 : memref<40xi32, #tpu.memory_space<hbm>>) dst(%dma_wait3A_814 : memref<40xi32, #tpu.memory_space<vmem>>)
        %dma_start3A_817 = arith.constant 0 : i32
        %dma_start3A_818 = arith.constant 0 : i32
        %dma_start3A_819 = arith.constant 0 : i32
        %dma_start3A_820 = arith.constant 0 : i32
        %dma_start3A_821 = arith.constant 0 : i32
        %dma_start3A_822 = tpu.memref_slice %arg8[%dma_start3A_819, %dma_start3A_820, %dma_start3A_821] : memref<5x40x128xf32, #tpu.memory_space<vmem>> -> memref<1x40x128xf32, #tpu.memory_space<vmem>>
        %dma_start3A_823 = tpu.memref_squeeze %dma_start3A_822 : memref<1x40x128xf32, #tpu.memory_space<vmem>> -> memref<40x128xf32, #tpu.memory_space<vmem>>
        %dma_start3A_824 = arith.constant 0 : i32
        %dma_start3A_825 = tpu.memref_slice %arg7[%dma_start3A_817, %dma_start3A_818, %dma_start3A_824] : memref<10x2x40xi32, #tpu.memory_space<vmem>> -> memref<1x1x40xi32, #tpu.memory_space<vmem>>
        %dma_start3A_826 = tpu.memref_squeeze %dma_start3A_825 : memref<1x1x40xi32, #tpu.memory_space<vmem>> -> memref<40xi32, #tpu.memory_space<vmem>>
        %dma_start3A_827 = arith.constant 0 : i32
        %dma_start3A_828 = arith.constant 0 : i32
        %dma_start3A_829 = tpu.memref_slice %arg2[%dma_start3A_827, %dma_start3A_828] : memref<10000x128xf32, #tpu.memory_space<hbm>> -> memref<10000x128xf32, #tpu.memory_space<hbm>>
        tpu.enqueue_indirect_dma source(%dma_start3A_829 : memref<10000x128xf32, #tpu.memory_space<hbm>>) target(%dma_start3A_823 : memref<40x128xf32, #tpu.memory_space<vmem>>) offsets(%dma_start3A_826 : memref<40xi32, #tpu.memory_space<vmem>>) semaphore(%arg19 : memref<!tpu.dma_semaphore, #tpu.memory_space<semaphore_mem>>)
      } else {
      }
      %add3A_663 = arith.constant 2 : i32
      %add3A_664 = arith.addi %mul3A_578, %add3A_663 : i32
      %dma_wait3A_665 = arith.constant 7 : i32
      %dma_wait3A_666 = arith.constant 0 : i32
      %dma_wait3A_667 = arith.constant 2 : i32
      %dma_wait3A_668 = arith.constant 0 : i32
      %dma_wait3A_669 = arith.constant 0 : i32
      %dma_wait3A_670 = tpu.memref_slice %arg8[%dma_wait3A_667, %dma_wait3A_668, %dma_wait3A_669] : memref<5x40x128xf32, #tpu.memory_space<vmem>> -> memref<1x40x128xf32, #tpu.memory_space<vmem>>
      %dma_wait3A_671 = tpu.memref_squeeze %dma_wait3A_670 : memref<1x40x128xf32, #tpu.memory_space<vmem>> -> memref<40x128xf32, #tpu.memory_space<vmem>>
      %dma_wait3A_672 = arith.constant 0 : i32
      %dma_wait3A_673 = tpu.memref_slice %arg7[%dma_wait3A_665, %dma_wait3A_666, %dma_wait3A_672] : memref<10x2x40xi32, #tpu.memory_space<vmem>> -> memref<1x1x40xi32, #tpu.memory_space<vmem>>
      %dma_wait3A_674 = tpu.memref_squeeze %dma_wait3A_673 : memref<1x1x40xi32, #tpu.memory_space<vmem>> -> memref<40xi32, #tpu.memory_space<vmem>>
      %dma_wait3A_675 = arith.constant 0 : i32
      %dma_wait3A_676 = arith.constant 0 : i32
      %dma_wait3A_677 = tpu.memref_slice %arg2[%dma_wait3A_675, %dma_wait3A_676] : memref<10000x128xf32, #tpu.memory_space<hbm>> -> memref<10000x128xf32, #tpu.memory_space<hbm>>
      tpu.wait_indirect_dma semaphore(%arg21 : memref<!tpu.dma_semaphore, #tpu.memory_space<semaphore_mem>>) src(%dma_wait3A_677 : memref<10000x128xf32, #tpu.memory_space<hbm>>) dst(%dma_wait3A_671 : memref<40x128xf32, #tpu.memory_space<vmem>>)
      %dma_start3A_678 = arith.constant 2 : i32
      %dma_start3A_679 = arith.constant 7 : i32
      %dma_start3A_680 = arith.constant 1 : i32
      %dma_start3A_681 = arith.constant 0 : i32
      %dma_start3A_682 = arith.constant 0 : i32
      %dma_start3A_683 = tpu.memref_slice %arg8[%dma_start3A_678, %dma_start3A_681, %dma_start3A_682] : memref<5x40x128xf32, #tpu.memory_space<vmem>> -> memref<1x40x128xf32, #tpu.memory_space<vmem>>
      %dma_start3A_684 = tpu.memref_squeeze %dma_start3A_683 : memref<1x40x128xf32, #tpu.memory_space<vmem>> -> memref<40x128xf32, #tpu.memory_space<vmem>>
      %dma_start3A_685 = arith.constant 0 : i32
      %dma_start3A_686 = tpu.memref_slice %arg7[%dma_start3A_679, %dma_start3A_680, %dma_start3A_685] : memref<10x2x40xi32, #tpu.memory_space<vmem>> -> memref<1x1x40xi32, #tpu.memory_space<vmem>>
      %dma_start3A_687 = tpu.memref_squeeze %dma_start3A_686 : memref<1x1x40xi32, #tpu.memory_space<vmem>> -> memref<40xi32, #tpu.memory_space<vmem>>
      %dma_start3A_688 = arith.constant 0 : i32
      %dma_start3A_689 = arith.constant 0 : i32
      %dma_start3A_690 = tpu.memref_slice %arg29[%dma_start3A_688, %dma_start3A_689] : memref<10240x128xf32, #tpu.memory_space<vmem_shared>> -> memref<10240x128xf32, #tpu.memory_space<vmem_shared>>
      tpu.enqueue_indirect_dma source(%dma_start3A_684 : memref<40x128xf32, #tpu.memory_space<vmem>>) target(%dma_start3A_690 : memref<10240x128xf32, #tpu.memory_space<vmem_shared>>) offsets(%dma_start3A_687 : memref<40xi32, #tpu.memory_space<vmem>>) semaphore(%arg26 : memref<!tpu.dma_semaphore, #tpu.memory_space<semaphore_mem>>) {add = true}
      %add3A_691 = arith.constant 5 : i32
      %add3A_692 = arith.addi %add3A_664, %add3A_691 : i32
      %lt3A_693 = arith.constant 250 : i32
      %lt3A_694 = arith.cmpi slt, %add3A_692, %lt3A_693 : i32
      %convert_element_type3A_695 = arith.extui %lt3A_694 : i1 to i32
      %cond3A_696 = arith.constant 0 : i32
      %cond3A_697 = arith.cmpi ne, %convert_element_type3A_695, %cond3A_696 : i32
      scf.if %cond3A_697 {
        %mul3A_789 = arith.constant 10000 : i32
        %mul3A_790 = arith.muli %add3A, %mul3A_789 : i32
        %mul3A_791 = arith.constant 40 : i32
        %mul3A_792 = arith.muli %add3A_692, %mul3A_791 : i32
        %add3A_793 = arith.addi %mul3A_790, %mul3A_792 : i32
        %dma_start3A_794 = arith.constant 2 : i32
        %dma_start3A_795 = arith.constant 0 : i32
        %dma_start3A_796 = arith.constant 0 : i32
        %dma_start3A_797 = tpu.memref_slice %arg7[%dma_start3A_794, %dma_start3A_795, %dma_start3A_796] : memref<10x2x40xi32, #tpu.memory_space<vmem>> -> memref<1x1x40xi32, #tpu.memory_space<vmem>>
        %dma_start3A_798 = tpu.memref_squeeze %dma_start3A_797 : memref<1x1x40xi32, #tpu.memory_space<vmem>> -> memref<40xi32, #tpu.memory_space<vmem>>
        %dma_start3A_799 = tpu.memref_slice %arg3[%add3A_793] : memref<320000xi32, #tpu.memory_space<hbm>> -> memref<40xi32, #tpu.memory_space<hbm>>
        %dma_start3A_800 = arith.constant 0 : i32
        %dma_start3A_801 = tpu.memref_slice %arg7[%dma_start3A_794, %dma_start3A_795, %dma_start3A_800] : memref<10x2x40xi32, #tpu.memory_space<vmem>> -> memref<1x1x40xi32, #tpu.memory_space<vmem>>
        %dma_start3A_802 = tpu.memref_squeeze %dma_start3A_801 : memref<1x1x40xi32, #tpu.memory_space<vmem>> -> memref<40xi32, #tpu.memory_space<vmem>>
        %dma_start3A_803 = tpu.memref_slice %arg3[%add3A_793] : memref<320000xi32, #tpu.memory_space<hbm>> -> memref<40xi32, #tpu.memory_space<hbm>>
        tpu.enqueue_dma source(%dma_start3A_803 : memref<40xi32, #tpu.memory_space<hbm>>) target(%dma_start3A_802 : memref<40xi32, #tpu.memory_space<vmem>>) target_semaphore(%arg11 : memref<!tpu.dma_semaphore, #tpu.memory_space<semaphore_mem>>)
        %dma_start3A_804 = arith.constant 2 : i32
        %dma_start3A_805 = arith.constant 1 : i32
        %dma_start3A_806 = arith.constant 0 : i32
        %dma_start3A_807 = tpu.memref_slice %arg7[%dma_start3A_804, %dma_start3A_805, %dma_start3A_806] : memref<10x2x40xi32, #tpu.memory_space<vmem>> -> memref<1x1x40xi32, #tpu.memory_space<vmem>>
        %dma_start3A_808 = tpu.memref_squeeze %dma_start3A_807 : memref<1x1x40xi32, #tpu.memory_space<vmem>> -> memref<40xi32, #tpu.memory_space<vmem>>
        %dma_start3A_809 = tpu.memref_slice %arg4[%add3A_793] : memref<320000xi32, #tpu.memory_space<hbm>> -> memref<40xi32, #tpu.memory_space<hbm>>
        %dma_start3A_810 = arith.constant 0 : i32
        %dma_start3A_811 = tpu.memref_slice %arg7[%dma_start3A_804, %dma_start3A_805, %dma_start3A_810] : memref<10x2x40xi32, #tpu.memory_space<vmem>> -> memref<1x1x40xi32, #tpu.memory_space<vmem>>
        %dma_start3A_812 = tpu.memref_squeeze %dma_start3A_811 : memref<1x1x40xi32, #tpu.memory_space<vmem>> -> memref<40xi32, #tpu.memory_space<vmem>>
        %dma_start3A_813 = tpu.memref_slice %arg4[%add3A_793] : memref<320000xi32, #tpu.memory_space<hbm>> -> memref<40xi32, #tpu.memory_space<hbm>>
        tpu.enqueue_dma source(%dma_start3A_813 : memref<40xi32, #tpu.memory_space<hbm>>) target(%dma_start3A_812 : memref<40xi32, #tpu.memory_space<vmem>>) target_semaphore(%arg11 : memref<!tpu.dma_semaphore, #tpu.memory_space<semaphore_mem>>)
      } else {
      }
      %add3A_698 = arith.constant 4 : i32
      %add3A_699 = arith.addi %add3A_664, %add3A_698 : i32
      %lt3A_700 = arith.constant 250 : i32
      %lt3A_701 = arith.cmpi slt, %add3A_699, %lt3A_700 : i32
      %convert_element_type3A_702 = arith.extui %lt3A_701 : i1 to i32
      %cond3A_703 = arith.constant 0 : i32
      %cond3A_704 = arith.cmpi ne, %convert_element_type3A_702, %cond3A_703 : i32
      scf.if %cond3A_704 {
        %ge3A = arith.constant 1 : i32
        %ge3A_789 = arith.cmpi sge, %add3A_664, %ge3A : i32
        %convert_element_type3A_790 = arith.extui %ge3A_789 : i1 to i32
        %cond3A_791 = arith.constant 0 : i32
        %cond3A_792 = arith.cmpi ne, %convert_element_type3A_790, %cond3A_791 : i32
        scf.if %cond3A_792 {
          %dma_wait3A_830 = arith.constant 1 : i32
          %dma_wait3A_831 = arith.constant 0 : i32
          %dma_wait3A_832 = arith.constant 0 : i32
          %dma_wait3A_833 = tpu.memref_slice %arg8[%dma_wait3A_830, %dma_wait3A_831, %dma_wait3A_832] : memref<5x40x128xf32, #tpu.memory_space<vmem>> -> memref<1x40x128xf32, #tpu.memory_space<vmem>>
          %dma_wait3A_834 = tpu.memref_squeeze %dma_wait3A_833 : memref<1x40x128xf32, #tpu.memory_space<vmem>> -> memref<40x128xf32, #tpu.memory_space<vmem>>
          %dma_wait3A_835 = arith.constant 0 : i32
          %dma_wait3A_836 = arith.constant 0 : i32
          %dma_wait3A_837 = tpu.memref_slice %arg29[%dma_wait3A_835, %dma_wait3A_836] : memref<10240x128xf32, #tpu.memory_space<vmem_shared>> -> memref<40x128xf32, #tpu.memory_space<vmem_shared>>
          %dma_wait3A_838 = arith.constant 0 : i32
          %dma_wait3A_839 = arith.constant 0 : i32
          %dma_wait3A_840 = tpu.memref_slice %arg29[%dma_wait3A_838, %dma_wait3A_839] : memref<10240x128xf32, #tpu.memory_space<vmem_shared>> -> memref<40x128xf32, #tpu.memory_space<vmem_shared>>
          %dma_wait3A_841 = arith.constant 0 : i32
          %dma_wait3A_842 = arith.constant 0 : i32
          %dma_wait3A_843 = tpu.memref_slice %arg8[%dma_wait3A_830, %dma_wait3A_841, %dma_wait3A_842] : memref<5x40x128xf32, #tpu.memory_space<vmem>> -> memref<1x40x128xf32, #tpu.memory_space<vmem>>
          %dma_wait3A_844 = tpu.memref_squeeze %dma_wait3A_843 : memref<1x40x128xf32, #tpu.memory_space<vmem>> -> memref<40x128xf32, #tpu.memory_space<vmem>>
          tpu.wait_dma2 semaphore(%arg25 : memref<!tpu.dma_semaphore, #tpu.memory_space<semaphore_mem>>) src(%dma_wait3A_844 : memref<40x128xf32, #tpu.memory_space<vmem>>) dst(%dma_wait3A_840 : memref<40x128xf32, #tpu.memory_space<vmem_shared>>)
        } else {
        }
        %dma_wait3A_793 = arith.constant 1 : i32
        %dma_wait3A_794 = arith.constant 0 : i32
        %dma_wait3A_795 = arith.constant 0 : i32
        %dma_wait3A_796 = tpu.memref_slice %arg7[%dma_wait3A_793, %dma_wait3A_794, %dma_wait3A_795] : memref<10x2x40xi32, #tpu.memory_space<vmem>> -> memref<1x1x40xi32, #tpu.memory_space<vmem>>
        %dma_wait3A_797 = tpu.memref_squeeze %dma_wait3A_796 : memref<1x1x40xi32, #tpu.memory_space<vmem>> -> memref<40xi32, #tpu.memory_space<vmem>>
        %dma_wait3A_798 = arith.constant 0 : i32
        %dma_wait3A_799 = tpu.memref_slice %arg3[%dma_wait3A_798] : memref<320000xi32, #tpu.memory_space<hbm>> -> memref<40xi32, #tpu.memory_space<hbm>>
        %dma_wait3A_800 = arith.constant 0 : i32
        %dma_wait3A_801 = tpu.memref_slice %arg7[%dma_wait3A_793, %dma_wait3A_794, %dma_wait3A_800] : memref<10x2x40xi32, #tpu.memory_space<vmem>> -> memref<1x1x40xi32, #tpu.memory_space<vmem>>
        %dma_wait3A_802 = tpu.memref_squeeze %dma_wait3A_801 : memref<1x1x40xi32, #tpu.memory_space<vmem>> -> memref<40xi32, #tpu.memory_space<vmem>>
        %dma_wait3A_803 = arith.constant 0 : i32
        %dma_wait3A_804 = tpu.memref_slice %arg3[%dma_wait3A_803] : memref<320000xi32, #tpu.memory_space<hbm>> -> memref<40xi32, #tpu.memory_space<hbm>>
        tpu.wait_dma2 semaphore(%arg10 : memref<!tpu.dma_semaphore, #tpu.memory_space<semaphore_mem>>) src(%dma_wait3A_804 : memref<40xi32, #tpu.memory_space<hbm>>) dst(%dma_wait3A_802 : memref<40xi32, #tpu.memory_space<vmem>>)
        %dma_wait3A_805 = arith.constant 1 : i32
        %dma_wait3A_806 = arith.constant 1 : i32
        %dma_wait3A_807 = arith.constant 0 : i32
        %dma_wait3A_808 = tpu.memref_slice %arg7[%dma_wait3A_805, %dma_wait3A_806, %dma_wait3A_807] : memref<10x2x40xi32, #tpu.memory_space<vmem>> -> memref<1x1x40xi32, #tpu.memory_space<vmem>>
        %dma_wait3A_809 = tpu.memref_squeeze %dma_wait3A_808 : memref<1x1x40xi32, #tpu.memory_space<vmem>> -> memref<40xi32, #tpu.memory_space<vmem>>
        %dma_wait3A_810 = arith.constant 0 : i32
        %dma_wait3A_811 = tpu.memref_slice %arg4[%dma_wait3A_810] : memref<320000xi32, #tpu.memory_space<hbm>> -> memref<40xi32, #tpu.memory_space<hbm>>
        %dma_wait3A_812 = arith.constant 0 : i32
        %dma_wait3A_813 = tpu.memref_slice %arg7[%dma_wait3A_805, %dma_wait3A_806, %dma_wait3A_812] : memref<10x2x40xi32, #tpu.memory_space<vmem>> -> memref<1x1x40xi32, #tpu.memory_space<vmem>>
        %dma_wait3A_814 = tpu.memref_squeeze %dma_wait3A_813 : memref<1x1x40xi32, #tpu.memory_space<vmem>> -> memref<40xi32, #tpu.memory_space<vmem>>
        %dma_wait3A_815 = arith.constant 0 : i32
        %dma_wait3A_816 = tpu.memref_slice %arg4[%dma_wait3A_815] : memref<320000xi32, #tpu.memory_space<hbm>> -> memref<40xi32, #tpu.memory_space<hbm>>
        tpu.wait_dma2 semaphore(%arg10 : memref<!tpu.dma_semaphore, #tpu.memory_space<semaphore_mem>>) src(%dma_wait3A_816 : memref<40xi32, #tpu.memory_space<hbm>>) dst(%dma_wait3A_814 : memref<40xi32, #tpu.memory_space<vmem>>)
        %dma_start3A_817 = arith.constant 1 : i32
        %dma_start3A_818 = arith.constant 0 : i32
        %dma_start3A_819 = arith.constant 1 : i32
        %dma_start3A_820 = arith.constant 0 : i32
        %dma_start3A_821 = arith.constant 0 : i32
        %dma_start3A_822 = tpu.memref_slice %arg8[%dma_start3A_819, %dma_start3A_820, %dma_start3A_821] : memref<5x40x128xf32, #tpu.memory_space<vmem>> -> memref<1x40x128xf32, #tpu.memory_space<vmem>>
        %dma_start3A_823 = tpu.memref_squeeze %dma_start3A_822 : memref<1x40x128xf32, #tpu.memory_space<vmem>> -> memref<40x128xf32, #tpu.memory_space<vmem>>
        %dma_start3A_824 = arith.constant 0 : i32
        %dma_start3A_825 = tpu.memref_slice %arg7[%dma_start3A_817, %dma_start3A_818, %dma_start3A_824] : memref<10x2x40xi32, #tpu.memory_space<vmem>> -> memref<1x1x40xi32, #tpu.memory_space<vmem>>
        %dma_start3A_826 = tpu.memref_squeeze %dma_start3A_825 : memref<1x1x40xi32, #tpu.memory_space<vmem>> -> memref<40xi32, #tpu.memory_space<vmem>>
        %dma_start3A_827 = arith.constant 0 : i32
        %dma_start3A_828 = arith.constant 0 : i32
        %dma_start3A_829 = tpu.memref_slice %arg2[%dma_start3A_827, %dma_start3A_828] : memref<10000x128xf32, #tpu.memory_space<hbm>> -> memref<10000x128xf32, #tpu.memory_space<hbm>>
        tpu.enqueue_indirect_dma source(%dma_start3A_829 : memref<10000x128xf32, #tpu.memory_space<hbm>>) target(%dma_start3A_823 : memref<40x128xf32, #tpu.memory_space<vmem>>) offsets(%dma_start3A_826 : memref<40xi32, #tpu.memory_space<vmem>>) semaphore(%arg20 : memref<!tpu.dma_semaphore, #tpu.memory_space<semaphore_mem>>)
      } else {
      }
      %add3A_705 = arith.constant 3 : i32
      %add3A_706 = arith.addi %mul3A_578, %add3A_705 : i32
      %dma_wait3A_707 = arith.constant 8 : i32
      %dma_wait3A_708 = arith.constant 0 : i32
      %dma_wait3A_709 = arith.constant 3 : i32
      %dma_wait3A_710 = arith.constant 0 : i32
      %dma_wait3A_711 = arith.constant 0 : i32
      %dma_wait3A_712 = tpu.memref_slice %arg8[%dma_wait3A_709, %dma_wait3A_710, %dma_wait3A_711] : memref<5x40x128xf32, #tpu.memory_space<vmem>> -> memref<1x40x128xf32, #tpu.memory_space<vmem>>
      %dma_wait3A_713 = tpu.memref_squeeze %dma_wait3A_712 : memref<1x40x128xf32, #tpu.memory_space<vmem>> -> memref<40x128xf32, #tpu.memory_space<vmem>>
      %dma_wait3A_714 = arith.constant 0 : i32
      %dma_wait3A_715 = tpu.memref_slice %arg7[%dma_wait3A_707, %dma_wait3A_708, %dma_wait3A_714] : memref<10x2x40xi32, #tpu.memory_space<vmem>> -> memref<1x1x40xi32, #tpu.memory_space<vmem>>
      %dma_wait3A_716 = tpu.memref_squeeze %dma_wait3A_715 : memref<1x1x40xi32, #tpu.memory_space<vmem>> -> memref<40xi32, #tpu.memory_space<vmem>>
      %dma_wait3A_717 = arith.constant 0 : i32
      %dma_wait3A_718 = arith.constant 0 : i32
      %dma_wait3A_719 = tpu.memref_slice %arg2[%dma_wait3A_717, %dma_wait3A_718] : memref<10000x128xf32, #tpu.memory_space<hbm>> -> memref<10000x128xf32, #tpu.memory_space<hbm>>
      tpu.wait_indirect_dma semaphore(%arg22 : memref<!tpu.dma_semaphore, #tpu.memory_space<semaphore_mem>>) src(%dma_wait3A_719 : memref<10000x128xf32, #tpu.memory_space<hbm>>) dst(%dma_wait3A_713 : memref<40x128xf32, #tpu.memory_space<vmem>>)
      %dma_start3A_720 = arith.constant 3 : i32
      %dma_start3A_721 = arith.constant 8 : i32
      %dma_start3A_722 = arith.constant 1 : i32
      %dma_start3A_723 = arith.constant 0 : i32
      %dma_start3A_724 = arith.constant 0 : i32
      %dma_start3A_725 = tpu.memref_slice %arg8[%dma_start3A_720, %dma_start3A_723, %dma_start3A_724] : memref<5x40x128xf32, #tpu.memory_space<vmem>> -> memref<1x40x128xf32, #tpu.memory_space<vmem>>
      %dma_start3A_726 = tpu.memref_squeeze %dma_start3A_725 : memref<1x40x128xf32, #tpu.memory_space<vmem>> -> memref<40x128xf32, #tpu.memory_space<vmem>>
      %dma_start3A_727 = arith.constant 0 : i32
      %dma_start3A_728 = tpu.memref_slice %arg7[%dma_start3A_721, %dma_start3A_722, %dma_start3A_727] : memref<10x2x40xi32, #tpu.memory_space<vmem>> -> memref<1x1x40xi32, #tpu.memory_space<vmem>>
      %dma_start3A_729 = tpu.memref_squeeze %dma_start3A_728 : memref<1x1x40xi32, #tpu.memory_space<vmem>> -> memref<40xi32, #tpu.memory_space<vmem>>
      %dma_start3A_730 = arith.constant 0 : i32
      %dma_start3A_731 = arith.constant 0 : i32
      %dma_start3A_732 = tpu.memref_slice %arg29[%dma_start3A_730, %dma_start3A_731] : memref<10240x128xf32, #tpu.memory_space<vmem_shared>> -> memref<10240x128xf32, #tpu.memory_space<vmem_shared>>
      tpu.enqueue_indirect_dma source(%dma_start3A_726 : memref<40x128xf32, #tpu.memory_space<vmem>>) target(%dma_start3A_732 : memref<10240x128xf32, #tpu.memory_space<vmem_shared>>) offsets(%dma_start3A_729 : memref<40xi32, #tpu.memory_space<vmem>>) semaphore(%arg27 : memref<!tpu.dma_semaphore, #tpu.memory_space<semaphore_mem>>) {add = true}
      %add3A_733 = arith.constant 5 : i32
      %add3A_734 = arith.addi %add3A_706, %add3A_733 : i32
      %lt3A_735 = arith.constant 250 : i32
      %lt3A_736 = arith.cmpi slt, %add3A_734, %lt3A_735 : i32
      %convert_element_type3A_737 = arith.extui %lt3A_736 : i1 to i32
      %cond3A_738 = arith.constant 0 : i32
      %cond3A_739 = arith.cmpi ne, %convert_element_type3A_737, %cond3A_738 : i32
      scf.if %cond3A_739 {
        %mul3A_789 = arith.constant 10000 : i32
        %mul3A_790 = arith.muli %add3A, %mul3A_789 : i32
        %mul3A_791 = arith.constant 40 : i32
        %mul3A_792 = arith.muli %add3A_734, %mul3A_791 : i32
        %add3A_793 = arith.addi %mul3A_790, %mul3A_792 : i32
        %dma_start3A_794 = arith.constant 3 : i32
        %dma_start3A_795 = arith.constant 0 : i32
        %dma_start3A_796 = arith.constant 0 : i32
        %dma_start3A_797 = tpu.memref_slice %arg7[%dma_start3A_794, %dma_start3A_795, %dma_start3A_796] : memref<10x2x40xi32, #tpu.memory_space<vmem>> -> memref<1x1x40xi32, #tpu.memory_space<vmem>>
        %dma_start3A_798 = tpu.memref_squeeze %dma_start3A_797 : memref<1x1x40xi32, #tpu.memory_space<vmem>> -> memref<40xi32, #tpu.memory_space<vmem>>
        %dma_start3A_799 = tpu.memref_slice %arg3[%add3A_793] : memref<320000xi32, #tpu.memory_space<hbm>> -> memref<40xi32, #tpu.memory_space<hbm>>
        %dma_start3A_800 = arith.constant 0 : i32
        %dma_start3A_801 = tpu.memref_slice %arg7[%dma_start3A_794, %dma_start3A_795, %dma_start3A_800] : memref<10x2x40xi32, #tpu.memory_space<vmem>> -> memref<1x1x40xi32, #tpu.memory_space<vmem>>
        %dma_start3A_802 = tpu.memref_squeeze %dma_start3A_801 : memref<1x1x40xi32, #tpu.memory_space<vmem>> -> memref<40xi32, #tpu.memory_space<vmem>>
        %dma_start3A_803 = tpu.memref_slice %arg3[%add3A_793] : memref<320000xi32, #tpu.memory_space<hbm>> -> memref<40xi32, #tpu.memory_space<hbm>>
        tpu.enqueue_dma source(%dma_start3A_803 : memref<40xi32, #tpu.memory_space<hbm>>) target(%dma_start3A_802 : memref<40xi32, #tpu.memory_space<vmem>>) target_semaphore(%arg12 : memref<!tpu.dma_semaphore, #tpu.memory_space<semaphore_mem>>)
        %dma_start3A_804 = arith.constant 3 : i32
        %dma_start3A_805 = arith.constant 1 : i32
        %dma_start3A_806 = arith.constant 0 : i32
        %dma_start3A_807 = tpu.memref_slice %arg7[%dma_start3A_804, %dma_start3A_805, %dma_start3A_806] : memref<10x2x40xi32, #tpu.memory_space<vmem>> -> memref<1x1x40xi32, #tpu.memory_space<vmem>>
        %dma_start3A_808 = tpu.memref_squeeze %dma_start3A_807 : memref<1x1x40xi32, #tpu.memory_space<vmem>> -> memref<40xi32, #tpu.memory_space<vmem>>
        %dma_start3A_809 = tpu.memref_slice %arg4[%add3A_793] : memref<320000xi32, #tpu.memory_space<hbm>> -> memref<40xi32, #tpu.memory_space<hbm>>
        %dma_start3A_810 = arith.constant 0 : i32
        %dma_start3A_811 = tpu.memref_slice %arg7[%dma_start3A_804, %dma_start3A_805, %dma_start3A_810] : memref<10x2x40xi32, #tpu.memory_space<vmem>> -> memref<1x1x40xi32, #tpu.memory_space<vmem>>
        %dma_start3A_812 = tpu.memref_squeeze %dma_start3A_811 : memref<1x1x40xi32, #tpu.memory_space<vmem>> -> memref<40xi32, #tpu.memory_space<vmem>>
        %dma_start3A_813 = tpu.memref_slice %arg4[%add3A_793] : memref<320000xi32, #tpu.memory_space<hbm>> -> memref<40xi32, #tpu.memory_space<hbm>>
        tpu.enqueue_dma source(%dma_start3A_813 : memref<40xi32, #tpu.memory_space<hbm>>) target(%dma_start3A_812 : memref<40xi32, #tpu.memory_space<vmem>>) target_semaphore(%arg12 : memref<!tpu.dma_semaphore, #tpu.memory_space<semaphore_mem>>)
      } else {
      }
      %add3A_740 = arith.constant 4 : i32
      %add3A_741 = arith.addi %add3A_706, %add3A_740 : i32
      %lt3A_742 = arith.constant 250 : i32
      %lt3A_743 = arith.cmpi slt, %add3A_741, %lt3A_742 : i32
      %convert_element_type3A_744 = arith.extui %lt3A_743 : i1 to i32
      %cond3A_745 = arith.constant 0 : i32
      %cond3A_746 = arith.cmpi ne, %convert_element_type3A_744, %cond3A_745 : i32
      scf.if %cond3A_746 {
        %ge3A = arith.constant 1 : i32
        %ge3A_789 = arith.cmpi sge, %add3A_706, %ge3A : i32
        %convert_element_type3A_790 = arith.extui %ge3A_789 : i1 to i32
        %cond3A_791 = arith.constant 0 : i32
        %cond3A_792 = arith.cmpi ne, %convert_element_type3A_790, %cond3A_791 : i32
        scf.if %cond3A_792 {
          %dma_wait3A_830 = arith.constant 2 : i32
          %dma_wait3A_831 = arith.constant 0 : i32
          %dma_wait3A_832 = arith.constant 0 : i32
          %dma_wait3A_833 = tpu.memref_slice %arg8[%dma_wait3A_830, %dma_wait3A_831, %dma_wait3A_832] : memref<5x40x128xf32, #tpu.memory_space<vmem>> -> memref<1x40x128xf32, #tpu.memory_space<vmem>>
          %dma_wait3A_834 = tpu.memref_squeeze %dma_wait3A_833 : memref<1x40x128xf32, #tpu.memory_space<vmem>> -> memref<40x128xf32, #tpu.memory_space<vmem>>
          %dma_wait3A_835 = arith.constant 0 : i32
          %dma_wait3A_836 = arith.constant 0 : i32
          %dma_wait3A_837 = tpu.memref_slice %arg29[%dma_wait3A_835, %dma_wait3A_836] : memref<10240x128xf32, #tpu.memory_space<vmem_shared>> -> memref<40x128xf32, #tpu.memory_space<vmem_shared>>
          %dma_wait3A_838 = arith.constant 0 : i32
          %dma_wait3A_839 = arith.constant 0 : i32
          %dma_wait3A_840 = tpu.memref_slice %arg29[%dma_wait3A_838, %dma_wait3A_839] : memref<10240x128xf32, #tpu.memory_space<vmem_shared>> -> memref<40x128xf32, #tpu.memory_space<vmem_shared>>
          %dma_wait3A_841 = arith.constant 0 : i32
          %dma_wait3A_842 = arith.constant 0 : i32
          %dma_wait3A_843 = tpu.memref_slice %arg8[%dma_wait3A_830, %dma_wait3A_841, %dma_wait3A_842] : memref<5x40x128xf32, #tpu.memory_space<vmem>> -> memref<1x40x128xf32, #tpu.memory_space<vmem>>
          %dma_wait3A_844 = tpu.memref_squeeze %dma_wait3A_843 : memref<1x40x128xf32, #tpu.memory_space<vmem>> -> memref<40x128xf32, #tpu.memory_space<vmem>>
          tpu.wait_dma2 semaphore(%arg26 : memref<!tpu.dma_semaphore, #tpu.memory_space<semaphore_mem>>) src(%dma_wait3A_844 : memref<40x128xf32, #tpu.memory_space<vmem>>) dst(%dma_wait3A_840 : memref<40x128xf32, #tpu.memory_space<vmem_shared>>)
        } else {
        }
        %dma_wait3A_793 = arith.constant 2 : i32
        %dma_wait3A_794 = arith.constant 0 : i32
        %dma_wait3A_795 = arith.constant 0 : i32
        %dma_wait3A_796 = tpu.memref_slice %arg7[%dma_wait3A_793, %dma_wait3A_794, %dma_wait3A_795] : memref<10x2x40xi32, #tpu.memory_space<vmem>> -> memref<1x1x40xi32, #tpu.memory_space<vmem>>
        %dma_wait3A_797 = tpu.memref_squeeze %dma_wait3A_796 : memref<1x1x40xi32, #tpu.memory_space<vmem>> -> memref<40xi32, #tpu.memory_space<vmem>>
        %dma_wait3A_798 = arith.constant 0 : i32
        %dma_wait3A_799 = tpu.memref_slice %arg3[%dma_wait3A_798] : memref<320000xi32, #tpu.memory_space<hbm>> -> memref<40xi32, #tpu.memory_space<hbm>>
        %dma_wait3A_800 = arith.constant 0 : i32
        %dma_wait3A_801 = tpu.memref_slice %arg7[%dma_wait3A_793, %dma_wait3A_794, %dma_wait3A_800] : memref<10x2x40xi32, #tpu.memory_space<vmem>> -> memref<1x1x40xi32, #tpu.memory_space<vmem>>
        %dma_wait3A_802 = tpu.memref_squeeze %dma_wait3A_801 : memref<1x1x40xi32, #tpu.memory_space<vmem>> -> memref<40xi32, #tpu.memory_space<vmem>>
        %dma_wait3A_803 = arith.constant 0 : i32
        %dma_wait3A_804 = tpu.memref_slice %arg3[%dma_wait3A_803] : memref<320000xi32, #tpu.memory_space<hbm>> -> memref<40xi32, #tpu.memory_space<hbm>>
        tpu.wait_dma2 semaphore(%arg11 : memref<!tpu.dma_semaphore, #tpu.memory_space<semaphore_mem>>) src(%dma_wait3A_804 : memref<40xi32, #tpu.memory_space<hbm>>) dst(%dma_wait3A_802 : memref<40xi32, #tpu.memory_space<vmem>>)
        %dma_wait3A_805 = arith.constant 2 : i32
        %dma_wait3A_806 = arith.constant 1 : i32
        %dma_wait3A_807 = arith.constant 0 : i32
        %dma_wait3A_808 = tpu.memref_slice %arg7[%dma_wait3A_805, %dma_wait3A_806, %dma_wait3A_807] : memref<10x2x40xi32, #tpu.memory_space<vmem>> -> memref<1x1x40xi32, #tpu.memory_space<vmem>>
        %dma_wait3A_809 = tpu.memref_squeeze %dma_wait3A_808 : memref<1x1x40xi32, #tpu.memory_space<vmem>> -> memref<40xi32, #tpu.memory_space<vmem>>
        %dma_wait3A_810 = arith.constant 0 : i32
        %dma_wait3A_811 = tpu.memref_slice %arg4[%dma_wait3A_810] : memref<320000xi32, #tpu.memory_space<hbm>> -> memref<40xi32, #tpu.memory_space<hbm>>
        %dma_wait3A_812 = arith.constant 0 : i32
        %dma_wait3A_813 = tpu.memref_slice %arg7[%dma_wait3A_805, %dma_wait3A_806, %dma_wait3A_812] : memref<10x2x40xi32, #tpu.memory_space<vmem>> -> memref<1x1x40xi32, #tpu.memory_space<vmem>>
        %dma_wait3A_814 = tpu.memref_squeeze %dma_wait3A_813 : memref<1x1x40xi32, #tpu.memory_space<vmem>> -> memref<40xi32, #tpu.memory_space<vmem>>
        %dma_wait3A_815 = arith.constant 0 : i32
        %dma_wait3A_816 = tpu.memref_slice %arg4[%dma_wait3A_815] : memref<320000xi32, #tpu.memory_space<hbm>> -> memref<40xi32, #tpu.memory_space<hbm>>
        tpu.wait_dma2 semaphore(%arg11 : memref<!tpu.dma_semaphore, #tpu.memory_space<semaphore_mem>>) src(%dma_wait3A_816 : memref<40xi32, #tpu.memory_space<hbm>>) dst(%dma_wait3A_814 : memref<40xi32, #tpu.memory_space<vmem>>)
        %dma_start3A_817 = arith.constant 2 : i32
        %dma_start3A_818 = arith.constant 0 : i32
        %dma_start3A_819 = arith.constant 2 : i32
        %dma_start3A_820 = arith.constant 0 : i32
        %dma_start3A_821 = arith.constant 0 : i32
        %dma_start3A_822 = tpu.memref_slice %arg8[%dma_start3A_819, %dma_start3A_820, %dma_start3A_821] : memref<5x40x128xf32, #tpu.memory_space<vmem>> -> memref<1x40x128xf32, #tpu.memory_space<vmem>>
        %dma_start3A_823 = tpu.memref_squeeze %dma_start3A_822 : memref<1x40x128xf32, #tpu.memory_space<vmem>> -> memref<40x128xf32, #tpu.memory_space<vmem>>
        %dma_start3A_824 = arith.constant 0 : i32
        %dma_start3A_825 = tpu.memref_slice %arg7[%dma_start3A_817, %dma_start3A_818, %dma_start3A_824] : memref<10x2x40xi32, #tpu.memory_space<vmem>> -> memref<1x1x40xi32, #tpu.memory_space<vmem>>
        %dma_start3A_826 = tpu.memref_squeeze %dma_start3A_825 : memref<1x1x40xi32, #tpu.memory_space<vmem>> -> memref<40xi32, #tpu.memory_space<vmem>>
        %dma_start3A_827 = arith.constant 0 : i32
        %dma_start3A_828 = arith.constant 0 : i32
        %dma_start3A_829 = tpu.memref_slice %arg2[%dma_start3A_827, %dma_start3A_828] : memref<10000x128xf32, #tpu.memory_space<hbm>> -> memref<10000x128xf32, #tpu.memory_space<hbm>>
        tpu.enqueue_indirect_dma source(%dma_start3A_829 : memref<10000x128xf32, #tpu.memory_space<hbm>>) target(%dma_start3A_823 : memref<40x128xf32, #tpu.memory_space<vmem>>) offsets(%dma_start3A_826 : memref<40xi32, #tpu.memory_space<vmem>>) semaphore(%arg21 : memref<!tpu.dma_semaphore, #tpu.memory_space<semaphore_mem>>)
      } else {
      }
      %add3A_747 = arith.constant 4 : i32
      %add3A_748 = arith.addi %mul3A_578, %add3A_747 : i32
      %dma_wait3A_749 = arith.constant 9 : i32
      %dma_wait3A_750 = arith.constant 0 : i32
      %dma_wait3A_751 = arith.constant 4 : i32
      %dma_wait3A_752 = arith.constant 0 : i32
      %dma_wait3A_753 = arith.constant 0 : i32
      %dma_wait3A_754 = tpu.memref_slice %arg8[%dma_wait3A_751, %dma_wait3A_752, %dma_wait3A_753] : memref<5x40x128xf32, #tpu.memory_space<vmem>> -> memref<1x40x128xf32, #tpu.memory_space<vmem>>
      %dma_wait3A_755 = tpu.memref_squeeze %dma_wait3A_754 : memref<1x40x128xf32, #tpu.memory_space<vmem>> -> memref<40x128xf32, #tpu.memory_space<vmem>>
      %dma_wait3A_756 = arith.constant 0 : i32
      %dma_wait3A_757 = tpu.memref_slice %arg7[%dma_wait3A_749, %dma_wait3A_750, %dma_wait3A_756] : memref<10x2x40xi32, #tpu.memory_space<vmem>> -> memref<1x1x40xi32, #tpu.memory_space<vmem>>
      %dma_wait3A_758 = tpu.memref_squeeze %dma_wait3A_757 : memref<1x1x40xi32, #tpu.memory_space<vmem>> -> memref<40xi32, #tpu.memory_space<vmem>>
      %dma_wait3A_759 = arith.constant 0 : i32
      %dma_wait3A_760 = arith.constant 0 : i32
      %dma_wait3A_761 = tpu.memref_slice %arg2[%dma_wait3A_759, %dma_wait3A_760] : memref<10000x128xf32, #tpu.memory_space<hbm>> -> memref<10000x128xf32, #tpu.memory_space<hbm>>
      tpu.wait_indirect_dma semaphore(%arg23 : memref<!tpu.dma_semaphore, #tpu.memory_space<semaphore_mem>>) src(%dma_wait3A_761 : memref<10000x128xf32, #tpu.memory_space<hbm>>) dst(%dma_wait3A_755 : memref<40x128xf32, #tpu.memory_space<vmem>>)
      %dma_start3A_762 = arith.constant 4 : i32
      %dma_start3A_763 = arith.constant 9 : i32
      %dma_start3A_764 = arith.constant 1 : i32
      %dma_start3A_765 = arith.constant 0 : i32
      %dma_start3A_766 = arith.constant 0 : i32
      %dma_start3A_767 = tpu.memref_slice %arg8[%dma_start3A_762, %dma_start3A_765, %dma_start3A_766] : memref<5x40x128xf32, #tpu.memory_space<vmem>> -> memref<1x40x128xf32, #tpu.memory_space<vmem>>
      %dma_start3A_768 = tpu.memref_squeeze %dma_start3A_767 : memref<1x40x128xf32, #tpu.memory_space<vmem>> -> memref<40x128xf32, #tpu.memory_space<vmem>>
      %dma_start3A_769 = arith.constant 0 : i32
      %dma_start3A_770 = tpu.memref_slice %arg7[%dma_start3A_763, %dma_start3A_764, %dma_start3A_769] : memref<10x2x40xi32, #tpu.memory_space<vmem>> -> memref<1x1x40xi32, #tpu.memory_space<vmem>>
      %dma_start3A_771 = tpu.memref_squeeze %dma_start3A_770 : memref<1x1x40xi32, #tpu.memory_space<vmem>> -> memref<40xi32, #tpu.memory_space<vmem>>
      %dma_start3A_772 = arith.constant 0 : i32
      %dma_start3A_773 = arith.constant 0 : i32
      %dma_start3A_774 = tpu.memref_slice %arg29[%dma_start3A_772, %dma_start3A_773] : memref<10240x128xf32, #tpu.memory_space<vmem_shared>> -> memref<10240x128xf32, #tpu.memory_space<vmem_shared>>
      tpu.enqueue_indirect_dma source(%dma_start3A_768 : memref<40x128xf32, #tpu.memory_space<vmem>>) target(%dma_start3A_774 : memref<10240x128xf32, #tpu.memory_space<vmem_shared>>) offsets(%dma_start3A_771 : memref<40xi32, #tpu.memory_space<vmem>>) semaphore(%arg28 : memref<!tpu.dma_semaphore, #tpu.memory_space<semaphore_mem>>) {add = true}
      %add3A_775 = arith.constant 5 : i32
      %add3A_776 = arith.addi %add3A_748, %add3A_775 : i32
      %lt3A_777 = arith.constant 250 : i32
      %lt3A_778 = arith.cmpi slt, %add3A_776, %lt3A_777 : i32
      %convert_element_type3A_779 = arith.extui %lt3A_778 : i1 to i32
      %cond3A_780 = arith.constant 0 : i32
      %cond3A_781 = arith.cmpi ne, %convert_element_type3A_779, %cond3A_780 : i32
      scf.if %cond3A_781 {
        %mul3A_789 = arith.constant 10000 : i32
        %mul3A_790 = arith.muli %add3A, %mul3A_789 : i32
        %mul3A_791 = arith.constant 40 : i32
        %mul3A_792 = arith.muli %add3A_776, %mul3A_791 : i32
        %add3A_793 = arith.addi %mul3A_790, %mul3A_792 : i32
        %dma_start3A_794 = arith.constant 4 : i32
        %dma_start3A_795 = arith.constant 0 : i32
        %dma_start3A_796 = arith.constant 0 : i32
        %dma_start3A_797 = tpu.memref_slice %arg7[%dma_start3A_794, %dma_start3A_795, %dma_start3A_796] : memref<10x2x40xi32, #tpu.memory_space<vmem>> -> memref<1x1x40xi32, #tpu.memory_space<vmem>>
        %dma_start3A_798 = tpu.memref_squeeze %dma_start3A_797 : memref<1x1x40xi32, #tpu.memory_space<vmem>> -> memref<40xi32, #tpu.memory_space<vmem>>
        %dma_start3A_799 = tpu.memref_slice %arg3[%add3A_793] : memref<320000xi32, #tpu.memory_space<hbm>> -> memref<40xi32, #tpu.memory_space<hbm>>
        %dma_start3A_800 = arith.constant 0 : i32
        %dma_start3A_801 = tpu.memref_slice %arg7[%dma_start3A_794, %dma_start3A_795, %dma_start3A_800] : memref<10x2x40xi32, #tpu.memory_space<vmem>> -> memref<1x1x40xi32, #tpu.memory_space<vmem>>
        %dma_start3A_802 = tpu.memref_squeeze %dma_start3A_801 : memref<1x1x40xi32, #tpu.memory_space<vmem>> -> memref<40xi32, #tpu.memory_space<vmem>>
        %dma_start3A_803 = tpu.memref_slice %arg3[%add3A_793] : memref<320000xi32, #tpu.memory_space<hbm>> -> memref<40xi32, #tpu.memory_space<hbm>>
        tpu.enqueue_dma source(%dma_start3A_803 : memref<40xi32, #tpu.memory_space<hbm>>) target(%dma_start3A_802 : memref<40xi32, #tpu.memory_space<vmem>>) target_semaphore(%arg13 : memref<!tpu.dma_semaphore, #tpu.memory_space<semaphore_mem>>)
        %dma_start3A_804 = arith.constant 4 : i32
        %dma_start3A_805 = arith.constant 1 : i32
        %dma_start3A_806 = arith.constant 0 : i32
        %dma_start3A_807 = tpu.memref_slice %arg7[%dma_start3A_804, %dma_start3A_805, %dma_start3A_806] : memref<10x2x40xi32, #tpu.memory_space<vmem>> -> memref<1x1x40xi32, #tpu.memory_space<vmem>>
        %dma_start3A_808 = tpu.memref_squeeze %dma_start3A_807 : memref<1x1x40xi32, #tpu.memory_space<vmem>> -> memref<40xi32, #tpu.memory_space<vmem>>
        %dma_start3A_809 = tpu.memref_slice %arg4[%add3A_793] : memref<320000xi32, #tpu.memory_space<hbm>> -> memref<40xi32, #tpu.memory_space<hbm>>
        %dma_start3A_810 = arith.constant 0 : i32
        %dma_start3A_811 = tpu.memref_slice %arg7[%dma_start3A_804, %dma_start3A_805, %dma_start3A_810] : memref<10x2x40xi32, #tpu.memory_space<vmem>> -> memref<1x1x40xi32, #tpu.memory_space<vmem>>
        %dma_start3A_812 = tpu.memref_squeeze %dma_start3A_811 : memref<1x1x40xi32, #tpu.memory_space<vmem>> -> memref<40xi32, #tpu.memory_space<vmem>>
        %dma_start3A_813 = tpu.memref_slice %arg4[%add3A_793] : memref<320000xi32, #tpu.memory_space<hbm>> -> memref<40xi32, #tpu.memory_space<hbm>>
        tpu.enqueue_dma source(%dma_start3A_813 : memref<40xi32, #tpu.memory_space<hbm>>) target(%dma_start3A_812 : memref<40xi32, #tpu.memory_space<vmem>>) target_semaphore(%arg13 : memref<!tpu.dma_semaphore, #tpu.memory_space<semaphore_mem>>)
      } else {
      }
      %add3A_782 = arith.constant 4 : i32
      %add3A_783 = arith.addi %add3A_748, %add3A_782 : i32
      %lt3A_784 = arith.constant 250 : i32
      %lt3A_785 = arith.cmpi slt, %add3A_783, %lt3A_784 : i32
      %convert_element_type3A_786 = arith.extui %lt3A_785 : i1 to i32
      %cond3A_787 = arith.constant 0 : i32
      %cond3A_788 = arith.cmpi ne, %convert_element_type3A_786, %cond3A_787 : i32
      scf.if %cond3A_788 {
        %ge3A = arith.constant 1 : i32
        %ge3A_789 = arith.cmpi sge, %add3A_748, %ge3A : i32
        %convert_element_type3A_790 = arith.extui %ge3A_789 : i1 to i32
        %cond3A_791 = arith.constant 0 : i32
        %cond3A_792 = arith.cmpi ne, %convert_element_type3A_790, %cond3A_791 : i32
        scf.if %cond3A_792 {
          %dma_wait3A_830 = arith.constant 3 : i32
          %dma_wait3A_831 = arith.constant 0 : i32
          %dma_wait3A_832 = arith.constant 0 : i32
          %dma_wait3A_833 = tpu.memref_slice %arg8[%dma_wait3A_830, %dma_wait3A_831, %dma_wait3A_832] : memref<5x40x128xf32, #tpu.memory_space<vmem>> -> memref<1x40x128xf32, #tpu.memory_space<vmem>>
          %dma_wait3A_834 = tpu.memref_squeeze %dma_wait3A_833 : memref<1x40x128xf32, #tpu.memory_space<vmem>> -> memref<40x128xf32, #tpu.memory_space<vmem>>
          %dma_wait3A_835 = arith.constant 0 : i32
          %dma_wait3A_836 = arith.constant 0 : i32
          %dma_wait3A_837 = tpu.memref_slice %arg29[%dma_wait3A_835, %dma_wait3A_836] : memref<10240x128xf32, #tpu.memory_space<vmem_shared>> -> memref<40x128xf32, #tpu.memory_space<vmem_shared>>
          %dma_wait3A_838 = arith.constant 0 : i32
          %dma_wait3A_839 = arith.constant 0 : i32
          %dma_wait3A_840 = tpu.memref_slice %arg29[%dma_wait3A_838, %dma_wait3A_839] : memref<10240x128xf32, #tpu.memory_space<vmem_shared>> -> memref<40x128xf32, #tpu.memory_space<vmem_shared>>
          %dma_wait3A_841 = arith.constant 0 : i32
          %dma_wait3A_842 = arith.constant 0 : i32
          %dma_wait3A_843 = tpu.memref_slice %arg8[%dma_wait3A_830, %dma_wait3A_841, %dma_wait3A_842] : memref<5x40x128xf32, #tpu.memory_space<vmem>> -> memref<1x40x128xf32, #tpu.memory_space<vmem>>
          %dma_wait3A_844 = tpu.memref_squeeze %dma_wait3A_843 : memref<1x40x128xf32, #tpu.memory_space<vmem>> -> memref<40x128xf32, #tpu.memory_space<vmem>>
          tpu.wait_dma2 semaphore(%arg27 : memref<!tpu.dma_semaphore, #tpu.memory_space<semaphore_mem>>) src(%dma_wait3A_844 : memref<40x128xf32, #tpu.memory_space<vmem>>) dst(%dma_wait3A_840 : memref<40x128xf32, #tpu.memory_space<vmem_shared>>)
        } else {
        }
        %dma_wait3A_793 = arith.constant 3 : i32
        %dma_wait3A_794 = arith.constant 0 : i32
        %dma_wait3A_795 = arith.constant 0 : i32
        %dma_wait3A_796 = tpu.memref_slice %arg7[%dma_wait3A_793, %dma_wait3A_794, %dma_wait3A_795] : memref<10x2x40xi32, #tpu.memory_space<vmem>> -> memref<1x1x40xi32, #tpu.memory_space<vmem>>
        %dma_wait3A_797 = tpu.memref_squeeze %dma_wait3A_796 : memref<1x1x40xi32, #tpu.memory_space<vmem>> -> memref<40xi32, #tpu.memory_space<vmem>>
        %dma_wait3A_798 = arith.constant 0 : i32
        %dma_wait3A_799 = tpu.memref_slice %arg3[%dma_wait3A_798] : memref<320000xi32, #tpu.memory_space<hbm>> -> memref<40xi32, #tpu.memory_space<hbm>>
        %dma_wait3A_800 = arith.constant 0 : i32
        %dma_wait3A_801 = tpu.memref_slice %arg7[%dma_wait3A_793, %dma_wait3A_794, %dma_wait3A_800] : memref<10x2x40xi32, #tpu.memory_space<vmem>> -> memref<1x1x40xi32, #tpu.memory_space<vmem>>
        %dma_wait3A_802 = tpu.memref_squeeze %dma_wait3A_801 : memref<1x1x40xi32, #tpu.memory_space<vmem>> -> memref<40xi32, #tpu.memory_space<vmem>>
        %dma_wait3A_803 = arith.constant 0 : i32
        %dma_wait3A_804 = tpu.memref_slice %arg3[%dma_wait3A_803] : memref<320000xi32, #tpu.memory_space<hbm>> -> memref<40xi32, #tpu.memory_space<hbm>>
        tpu.wait_dma2 semaphore(%arg12 : memref<!tpu.dma_semaphore, #tpu.memory_space<semaphore_mem>>) src(%dma_wait3A_804 : memref<40xi32, #tpu.memory_space<hbm>>) dst(%dma_wait3A_802 : memref<40xi32, #tpu.memory_space<vmem>>)
        %dma_wait3A_805 = arith.constant 3 : i32
        %dma_wait3A_806 = arith.constant 1 : i32
        %dma_wait3A_807 = arith.constant 0 : i32
        %dma_wait3A_808 = tpu.memref_slice %arg7[%dma_wait3A_805, %dma_wait3A_806, %dma_wait3A_807] : memref<10x2x40xi32, #tpu.memory_space<vmem>> -> memref<1x1x40xi32, #tpu.memory_space<vmem>>
        %dma_wait3A_809 = tpu.memref_squeeze %dma_wait3A_808 : memref<1x1x40xi32, #tpu.memory_space<vmem>> -> memref<40xi32, #tpu.memory_space<vmem>>
        %dma_wait3A_810 = arith.constant 0 : i32
        %dma_wait3A_811 = tpu.memref_slice %arg4[%dma_wait3A_810] : memref<320000xi32, #tpu.memory_space<hbm>> -> memref<40xi32, #tpu.memory_space<hbm>>
        %dma_wait3A_812 = arith.constant 0 : i32
        %dma_wait3A_813 = tpu.memref_slice %arg7[%dma_wait3A_805, %dma_wait3A_806, %dma_wait3A_812] : memref<10x2x40xi32, #tpu.memory_space<vmem>> -> memref<1x1x40xi32, #tpu.memory_space<vmem>>
        %dma_wait3A_814 = tpu.memref_squeeze %dma_wait3A_813 : memref<1x1x40xi32, #tpu.memory_space<vmem>> -> memref<40xi32, #tpu.memory_space<vmem>>
        %dma_wait3A_815 = arith.constant 0 : i32
        %dma_wait3A_816 = tpu.memref_slice %arg4[%dma_wait3A_815] : memref<320000xi32, #tpu.memory_space<hbm>> -> memref<40xi32, #tpu.memory_space<hbm>>
        tpu.wait_dma2 semaphore(%arg12 : memref<!tpu.dma_semaphore, #tpu.memory_space<semaphore_mem>>) src(%dma_wait3A_816 : memref<40xi32, #tpu.memory_space<hbm>>) dst(%dma_wait3A_814 : memref<40xi32, #tpu.memory_space<vmem>>)
        %dma_start3A_817 = arith.constant 3 : i32
        %dma_start3A_818 = arith.constant 0 : i32
        %dma_start3A_819 = arith.constant 3 : i32
        %dma_start3A_820 = arith.constant 0 : i32
        %dma_start3A_821 = arith.constant 0 : i32
        %dma_start3A_822 = tpu.memref_slice %arg8[%dma_start3A_819, %dma_start3A_820, %dma_start3A_821] : memref<5x40x128xf32, #tpu.memory_space<vmem>> -> memref<1x40x128xf32, #tpu.memory_space<vmem>>
        %dma_start3A_823 = tpu.memref_squeeze %dma_start3A_822 : memref<1x40x128xf32, #tpu.memory_space<vmem>> -> memref<40x128xf32, #tpu.memory_space<vmem>>
        %dma_start3A_824 = arith.constant 0 : i32
        %dma_start3A_825 = tpu.memref_slice %arg7[%dma_start3A_817, %dma_start3A_818, %dma_start3A_824] : memref<10x2x40xi32, #tpu.memory_space<vmem>> -> memref<1x1x40xi32, #tpu.memory_space<vmem>>
        %dma_start3A_826 = tpu.memref_squeeze %dma_start3A_825 : memref<1x1x40xi32, #tpu.memory_space<vmem>> -> memref<40xi32, #tpu.memory_space<vmem>>
        %dma_start3A_827 = arith.constant 0 : i32
        %dma_start3A_828 = arith.constant 0 : i32
        %dma_start3A_829 = tpu.memref_slice %arg2[%dma_start3A_827, %dma_start3A_828] : memref<10000x128xf32, #tpu.memory_space<hbm>> -> memref<10000x128xf32, #tpu.memory_space<hbm>>
        tpu.enqueue_indirect_dma source(%dma_start3A_829 : memref<10000x128xf32, #tpu.memory_space<hbm>>) target(%dma_start3A_823 : memref<40x128xf32, #tpu.memory_space<vmem>>) offsets(%dma_start3A_826 : memref<40xi32, #tpu.memory_space<vmem>>) semaphore(%arg22 : memref<!tpu.dma_semaphore, #tpu.memory_space<semaphore_mem>>)
      } else {
      }
    }
    %scan3A_273 = arith.constant 25 : i32
    %dma_wait3A_274 = arith.constant 0 : i32
    %dma_wait3A_275 = arith.constant 0 : i32
    %dma_wait3A_276 = arith.constant 0 : i32
    %dma_wait3A_277 = tpu.memref_slice %arg8[%dma_wait3A_274, %dma_wait3A_275, %dma_wait3A_276] : memref<5x40x128xf32, #tpu.memory_space<vmem>> -> memref<1x40x128xf32, #tpu.memory_space<vmem>>
    %dma_wait3A_278 = tpu.memref_squeeze %dma_wait3A_277 : memref<1x40x128xf32, #tpu.memory_space<vmem>> -> memref<40x128xf32, #tpu.memory_space<vmem>>
    %dma_wait3A_279 = arith.constant 0 : i32
    %dma_wait3A_280 = arith.constant 0 : i32
    %dma_wait3A_281 = tpu.memref_slice %arg29[%dma_wait3A_279, %dma_wait3A_280] : memref<10240x128xf32, #tpu.memory_space<vmem_shared>> -> memref<40x128xf32, #tpu.memory_space<vmem_shared>>
    %dma_wait3A_282 = arith.constant 0 : i32
    %dma_wait3A_283 = arith.constant 0 : i32
    %dma_wait3A_284 = tpu.memref_slice %arg29[%dma_wait3A_282, %dma_wait3A_283] : memref<10240x128xf32, #tpu.memory_space<vmem_shared>> -> memref<40x128xf32, #tpu.memory_space<vmem_shared>>
    %dma_wait3A_285 = arith.constant 0 : i32
    %dma_wait3A_286 = arith.constant 0 : i32
    %dma_wait3A_287 = tpu.memref_slice %arg8[%dma_wait3A_274, %dma_wait3A_285, %dma_wait3A_286] : memref<5x40x128xf32, #tpu.memory_space<vmem>> -> memref<1x40x128xf32, #tpu.memory_space<vmem>>
    %dma_wait3A_288 = tpu.memref_squeeze %dma_wait3A_287 : memref<1x40x128xf32, #tpu.memory_space<vmem>> -> memref<40x128xf32, #tpu.memory_space<vmem>>
    tpu.wait_dma2 semaphore(%arg24 : memref<!tpu.dma_semaphore, #tpu.memory_space<semaphore_mem>>) src(%dma_wait3A_288 : memref<40x128xf32, #tpu.memory_space<vmem>>) dst(%dma_wait3A_284 : memref<40x128xf32, #tpu.memory_space<vmem_shared>>)
    %dma_wait3A_289 = arith.constant 1 : i32
    %dma_wait3A_290 = arith.constant 0 : i32
    %dma_wait3A_291 = arith.constant 0 : i32
    %dma_wait3A_292 = tpu.memref_slice %arg8[%dma_wait3A_289, %dma_wait3A_290, %dma_wait3A_291] : memref<5x40x128xf32, #tpu.memory_space<vmem>> -> memref<1x40x128xf32, #tpu.memory_space<vmem>>
    %dma_wait3A_293 = tpu.memref_squeeze %dma_wait3A_292 : memref<1x40x128xf32, #tpu.memory_space<vmem>> -> memref<40x128xf32, #tpu.memory_space<vmem>>
    %dma_wait3A_294 = arith.constant 0 : i32
    %dma_wait3A_295 = arith.constant 0 : i32
    %dma_wait3A_296 = tpu.memref_slice %arg29[%dma_wait3A_294, %dma_wait3A_295] : memref<10240x128xf32, #tpu.memory_space<vmem_shared>> -> memref<40x128xf32, #tpu.memory_space<vmem_shared>>
    %dma_wait3A_297 = arith.constant 0 : i32
    %dma_wait3A_298 = arith.constant 0 : i32
    %dma_wait3A_299 = tpu.memref_slice %arg29[%dma_wait3A_297, %dma_wait3A_298] : memref<10240x128xf32, #tpu.memory_space<vmem_shared>> -> memref<40x128xf32, #tpu.memory_space<vmem_shared>>
    %dma_wait3A_300 = arith.constant 0 : i32
    %dma_wait3A_301 = arith.constant 0 : i32
    %dma_wait3A_302 = tpu.memref_slice %arg8[%dma_wait3A_289, %dma_wait3A_300, %dma_wait3A_301] : memref<5x40x128xf32, #tpu.memory_space<vmem>> -> memref<1x40x128xf32, #tpu.memory_space<vmem>>
    %dma_wait3A_303 = tpu.memref_squeeze %dma_wait3A_302 : memref<1x40x128xf32, #tpu.memory_space<vmem>> -> memref<40x128xf32, #tpu.memory_space<vmem>>
    tpu.wait_dma2 semaphore(%arg25 : memref<!tpu.dma_semaphore, #tpu.memory_space<semaphore_mem>>) src(%dma_wait3A_303 : memref<40x128xf32, #tpu.memory_space<vmem>>) dst(%dma_wait3A_299 : memref<40x128xf32, #tpu.memory_space<vmem_shared>>)
    %dma_wait3A_304 = arith.constant 2 : i32
    %dma_wait3A_305 = arith.constant 0 : i32
    %dma_wait3A_306 = arith.constant 0 : i32
    %dma_wait3A_307 = tpu.memref_slice %arg8[%dma_wait3A_304, %dma_wait3A_305, %dma_wait3A_306] : memref<5x40x128xf32, #tpu.memory_space<vmem>> -> memref<1x40x128xf32, #tpu.memory_space<vmem>>
    %dma_wait3A_308 = tpu.memref_squeeze %dma_wait3A_307 : memref<1x40x128xf32, #tpu.memory_space<vmem>> -> memref<40x128xf32, #tpu.memory_space<vmem>>
    %dma_wait3A_309 = arith.constant 0 : i32
    %dma_wait3A_310 = arith.constant 0 : i32
    %dma_wait3A_311 = tpu.memref_slice %arg29[%dma_wait3A_309, %dma_wait3A_310] : memref<10240x128xf32, #tpu.memory_space<vmem_shared>> -> memref<40x128xf32, #tpu.memory_space<vmem_shared>>
    %dma_wait3A_312 = arith.constant 0 : i32
    %dma_wait3A_313 = arith.constant 0 : i32
    %dma_wait3A_314 = tpu.memref_slice %arg29[%dma_wait3A_312, %dma_wait3A_313] : memref<10240x128xf32, #tpu.memory_space<vmem_shared>> -> memref<40x128xf32, #tpu.memory_space<vmem_shared>>
    %dma_wait3A_315 = arith.constant 0 : i32
    %dma_wait3A_316 = arith.constant 0 : i32
    %dma_wait3A_317 = tpu.memref_slice %arg8[%dma_wait3A_304, %dma_wait3A_315, %dma_wait3A_316] : memref<5x40x128xf32, #tpu.memory_space<vmem>> -> memref<1x40x128xf32, #tpu.memory_space<vmem>>
    %dma_wait3A_318 = tpu.memref_squeeze %dma_wait3A_317 : memref<1x40x128xf32, #tpu.memory_space<vmem>> -> memref<40x128xf32, #tpu.memory_space<vmem>>
    tpu.wait_dma2 semaphore(%arg26 : memref<!tpu.dma_semaphore, #tpu.memory_space<semaphore_mem>>) src(%dma_wait3A_318 : memref<40x128xf32, #tpu.memory_space<vmem>>) dst(%dma_wait3A_314 : memref<40x128xf32, #tpu.memory_space<vmem_shared>>)
    %dma_wait3A_319 = arith.constant 3 : i32
    %dma_wait3A_320 = arith.constant 0 : i32
    %dma_wait3A_321 = arith.constant 0 : i32
    %dma_wait3A_322 = tpu.memref_slice %arg8[%dma_wait3A_319, %dma_wait3A_320, %dma_wait3A_321] : memref<5x40x128xf32, #tpu.memory_space<vmem>> -> memref<1x40x128xf32, #tpu.memory_space<vmem>>
    %dma_wait3A_323 = tpu.memref_squeeze %dma_wait3A_322 : memref<1x40x128xf32, #tpu.memory_space<vmem>> -> memref<40x128xf32, #tpu.memory_space<vmem>>
    %dma_wait3A_324 = arith.constant 0 : i32
    %dma_wait3A_325 = arith.constant 0 : i32
    %dma_wait3A_326 = tpu.memref_slice %arg29[%dma_wait3A_324, %dma_wait3A_325] : memref<10240x128xf32, #tpu.memory_space<vmem_shared>> -> memref<40x128xf32, #tpu.memory_space<vmem_shared>>
    %dma_wait3A_327 = arith.constant 0 : i32
    %dma_wait3A_328 = arith.constant 0 : i32
    %dma_wait3A_329 = tpu.memref_slice %arg29[%dma_wait3A_327, %dma_wait3A_328] : memref<10240x128xf32, #tpu.memory_space<vmem_shared>> -> memref<40x128xf32, #tpu.memory_space<vmem_shared>>
    %dma_wait3A_330 = arith.constant 0 : i32
    %dma_wait3A_331 = arith.constant 0 : i32
    %dma_wait3A_332 = tpu.memref_slice %arg8[%dma_wait3A_319, %dma_wait3A_330, %dma_wait3A_331] : memref<5x40x128xf32, #tpu.memory_space<vmem>> -> memref<1x40x128xf32, #tpu.memory_space<vmem>>
    %dma_wait3A_333 = tpu.memref_squeeze %dma_wait3A_332 : memref<1x40x128xf32, #tpu.memory_space<vmem>> -> memref<40x128xf32, #tpu.memory_space<vmem>>
    tpu.wait_dma2 semaphore(%arg27 : memref<!tpu.dma_semaphore, #tpu.memory_space<semaphore_mem>>) src(%dma_wait3A_333 : memref<40x128xf32, #tpu.memory_space<vmem>>) dst(%dma_wait3A_329 : memref<40x128xf32, #tpu.memory_space<vmem_shared>>)
    %dma_wait3A_334 = arith.constant 4 : i32
    %dma_wait3A_335 = arith.constant 0 : i32
    %dma_wait3A_336 = arith.constant 0 : i32
    %dma_wait3A_337 = tpu.memref_slice %arg8[%dma_wait3A_334, %dma_wait3A_335, %dma_wait3A_336] : memref<5x40x128xf32, #tpu.memory_space<vmem>> -> memref<1x40x128xf32, #tpu.memory_space<vmem>>
    %dma_wait3A_338 = tpu.memref_squeeze %dma_wait3A_337 : memref<1x40x128xf32, #tpu.memory_space<vmem>> -> memref<40x128xf32, #tpu.memory_space<vmem>>
    %dma_wait3A_339 = arith.constant 0 : i32
    %dma_wait3A_340 = arith.constant 0 : i32
    %dma_wait3A_341 = tpu.memref_slice %arg29[%dma_wait3A_339, %dma_wait3A_340] : memref<10240x128xf32, #tpu.memory_space<vmem_shared>> -> memref<40x128xf32, #tpu.memory_space<vmem_shared>>
    %dma_wait3A_342 = arith.constant 0 : i32
    %dma_wait3A_343 = arith.constant 0 : i32
    %dma_wait3A_344 = tpu.memref_slice %arg29[%dma_wait3A_342, %dma_wait3A_343] : memref<10240x128xf32, #tpu.memory_space<vmem_shared>> -> memref<40x128xf32, #tpu.memory_space<vmem_shared>>
    %dma_wait3A_345 = arith.constant 0 : i32
    %dma_wait3A_346 = arith.constant 0 : i32
    %dma_wait3A_347 = tpu.memref_slice %arg8[%dma_wait3A_334, %dma_wait3A_345, %dma_wait3A_346] : memref<5x40x128xf32, #tpu.memory_space<vmem>> -> memref<1x40x128xf32, #tpu.memory_space<vmem>>
    %dma_wait3A_348 = tpu.memref_squeeze %dma_wait3A_347 : memref<1x40x128xf32, #tpu.memory_space<vmem>> -> memref<40x128xf32, #tpu.memory_space<vmem>>
    tpu.wait_dma2 semaphore(%arg28 : memref<!tpu.dma_semaphore, #tpu.memory_space<semaphore_mem>>) src(%dma_wait3A_348 : memref<40x128xf32, #tpu.memory_space<vmem>>) dst(%dma_wait3A_344 : memref<40x128xf32, #tpu.memory_space<vmem_shared>>)
    %barrier3A_349 = arith.constant 0 : index
    tpu.barrier barrier_id(%barrier3A_349)
    %lt3A = arith.constant 15 : i32
    %lt3A_350 = arith.cmpi slt, %arg1, %lt3A : i32
    %convert_element_type3A = arith.extui %lt3A_350 : i1 to i32
    %cond3A = arith.constant 0 : i32
    %cond3A_351 = arith.cmpi ne, %convert_element_type3A, %cond3A : i32
    scf.if %cond3A_351 {
      %mul3A_356 = arith.constant 640 : i32
      %mul3A_357 = arith.muli %arg1, %mul3A_356 : i32
      %mul3A_358 = arith.constant 640 : i32
      %mul3A_359 = arith.muli %arg1, %mul3A_358 : i32
      "tpu.region"() ({
        %run_scoped3A = tpu.sem_alloc : memref<!tpu.dma_semaphore, #tpu.memory_space<semaphore_mem>>
        %dma_start3A_360 = arith.constant 0 : i32
        %dma_start3A_361 = tpu.memref_slice %arg6[%arg0, %mul3A_359, %dma_start3A_360] : memref<2x10000x128xf32, #tpu.memory_space<hbm>> -> memref<1x640x128xf32, #tpu.memory_space<hbm>>
        %dma_start3A_362 = tpu.memref_squeeze %dma_start3A_361 : memref<1x640x128xf32, #tpu.memory_space<hbm>> -> memref<640x128xf32, #tpu.memory_space<hbm>>
        %dma_start3A_363 = arith.constant 0 : i32
        %dma_start3A_364 = tpu.memref_slice %arg29[%mul3A_357, %dma_start3A_363] : memref<10240x128xf32, #tpu.memory_space<vmem_shared>> -> memref<640x128xf32, #tpu.memory_space<vmem_shared>>
        tpu.enqueue_dma source(%dma_start3A_364 : memref<640x128xf32, #tpu.memory_space<vmem_shared>>) target(%dma_start3A_362 : memref<640x128xf32, #tpu.memory_space<hbm>>) target_semaphore(%run_scoped3A : memref<!tpu.dma_semaphore, #tpu.memory_space<semaphore_mem>>)
        %dma_wait3A_365 = arith.constant 0 : i32
        %dma_wait3A_366 = tpu.memref_slice %arg6[%arg0, %mul3A_359, %dma_wait3A_365] : memref<2x10000x128xf32, #tpu.memory_space<hbm>> -> memref<1x640x128xf32, #tpu.memory_space<hbm>>
        %dma_wait3A_367 = tpu.memref_squeeze %dma_wait3A_366 : memref<1x640x128xf32, #tpu.memory_space<hbm>> -> memref<640x128xf32, #tpu.memory_space<hbm>>
        %dma_wait3A_368 = arith.constant 0 : i32
        %dma_wait3A_369 = tpu.memref_slice %arg29[%mul3A_357, %dma_wait3A_368] : memref<10240x128xf32, #tpu.memory_space<vmem_shared>> -> memref<640x128xf32, #tpu.memory_space<vmem_shared>>
        tpu.wait_dma2 semaphore(%run_scoped3A : memref<!tpu.dma_semaphore, #tpu.memory_space<semaphore_mem>>) src(%dma_wait3A_369 : memref<640x128xf32, #tpu.memory_space<vmem_shared>>) dst(%dma_wait3A_367 : memref<640x128xf32, #tpu.memory_space<hbm>>)
        tpu.yield
      }) : () -> ()
    } else {
    }
    %eq3A = arith.constant 15 : i32
    %eq3A_352 = arith.cmpi eq, %arg1, %eq3A : i32
    %convert_element_type3A_353 = arith.extui %eq3A_352 : i1 to i32
    %cond3A_354 = arith.constant 0 : i32
    %cond3A_355 = arith.cmpi ne, %convert_element_type3A_353, %cond3A_354 : i32
    scf.if %cond3A_355 {
      "tpu.region"() ({
        %run_scoped3A = tpu.sem_alloc : memref<!tpu.dma_semaphore, #tpu.memory_space<semaphore_mem>>
        %dma_start3A_356 = arith.constant 9600 : i32
        %dma_start3A_357 = arith.constant 0 : i32
        %dma_start3A_358 = tpu.memref_slice %arg6[%arg0, %dma_start3A_356, %dma_start3A_357] : memref<2x10000x128xf32, #tpu.memory_space<hbm>> -> memref<1x400x128xf32, #tpu.memory_space<hbm>>
        %dma_start3A_359 = tpu.memref_squeeze %dma_start3A_358 : memref<1x400x128xf32, #tpu.memory_space<hbm>> -> memref<400x128xf32, #tpu.memory_space<hbm>>
        %dma_start3A_360 = arith.constant 9600 : i32
        %dma_start3A_361 = arith.constant 0 : i32
        %dma_start3A_362 = tpu.memref_slice %arg29[%dma_start3A_360, %dma_start3A_361] : memref<10240x128xf32, #tpu.memory_space<vmem_shared>> -> memref<400x128xf32, #tpu.memory_space<vmem_shared>>
        tpu.enqueue_dma source(%dma_start3A_362 : memref<400x128xf32, #tpu.memory_space<vmem_shared>>) target(%dma_start3A_359 : memref<400x128xf32, #tpu.memory_space<hbm>>) target_semaphore(%run_scoped3A : memref<!tpu.dma_semaphore, #tpu.memory_space<semaphore_mem>>)
        %dma_wait3A_363 = arith.constant 9600 : i32
        %dma_wait3A_364 = arith.constant 0 : i32
        %dma_wait3A_365 = tpu.memref_slice %arg6[%arg0, %dma_wait3A_363, %dma_wait3A_364] : memref<2x10000x128xf32, #tpu.memory_space<hbm>> -> memref<1x400x128xf32, #tpu.memory_space<hbm>>
        %dma_wait3A_366 = tpu.memref_squeeze %dma_wait3A_365 : memref<1x400x128xf32, #tpu.memory_space<hbm>> -> memref<400x128xf32, #tpu.memory_space<hbm>>
        %dma_wait3A_367 = arith.constant 9600 : i32
        %dma_wait3A_368 = arith.constant 0 : i32
        %dma_wait3A_369 = tpu.memref_slice %arg29[%dma_wait3A_367, %dma_wait3A_368] : memref<10240x128xf32, #tpu.memory_space<vmem_shared>> -> memref<400x128xf32, #tpu.memory_space<vmem_shared>>
        tpu.wait_dma2 semaphore(%run_scoped3A : memref<!tpu.dma_semaphore, #tpu.memory_space<semaphore_mem>>) src(%dma_wait3A_369 : memref<400x128xf32, #tpu.memory_space<vmem_shared>>) dst(%dma_wait3A_366 : memref<400x128xf32, #tpu.memory_space<hbm>>)
        tpu.yield
      }) : () -> ()
    } else {
    }
    return
  }
}

module attributes {stable_mosaic.version = 14 : i64} {
  func.func @_scale_body(%arg0: memref<10000x128xf32, #tpu.memory_space<vmem>>, %arg1: memref<10000x1xf32, #tpu.memory_space<vmem>>, %arg2: memref<2x320000xi32, #tpu.memory_space<vmem>>, %arg3: memref<10000x128xf32, #tpu.memory_space<vmem>>, %arg4: memref<2500x128xi32, #tpu.memory_space<vmem>>, %arg5: memref<2500x128xi32, #tpu.memory_space<vmem>>, %arg6: memref<640x128xf32, #tpu.memory_space<vmem>>) attributes {dimension_semantics = [], scalar_prefetch = 0 : i64, scratch_operands = 0 : i64, tpu.core_type = #tpu.core_type<tc>} {
    %get3A = arith.constant 0 : index
    %get3A_0 = arith.constant 0 : index
    %get3A_1 = vector.load %arg0[%get3A, %get3A_0] : memref<10000x128xf32, #tpu.memory_space<vmem>>, vector<10000x128xf32>
    %get3A_2 = arith.constant 0 : index
    %get3A_3 = arith.constant 0 : index
    %get3A_4 = vector.load %arg1[%get3A_2, %get3A_3] : memref<10000x1xf32, #tpu.memory_space<vmem>>, vector<10000x1xf32>
    %mul3A = vector.broadcast %get3A_4 : vector<10000x1xf32> to vector<10000x128xf32>
    %mul3A_5 = arith.mulf %get3A_1, %mul3A : vector<10000x128xf32>
    %swap3A = arith.constant 0 : index
    %swap3A_6 = arith.constant 0 : index
    %swap3A_7 = vector.load %arg3[%swap3A, %swap3A_6] : memref<10000x128xf32, #tpu.memory_space<vmem>>, vector<10000x128xf32>
    tpu.vector_store %arg3[%swap3A, %swap3A_6], %mul3A_5 {strides = array<i32>} : memref<10000x128xf32, #tpu.memory_space<vmem>>, vector<10000x128xf32>,
    %get3A_8 = arith.constant 0 : index
    %get3A_9 = arith.constant 0 : index
    %get3A_10 = vector.load %arg2[%get3A_8, %get3A_9] : memref<2x320000xi32, #tpu.memory_space<vmem>>, vector<1x320000xi32>
    %get3A_11 = vector.shape_cast %get3A_10 : vector<1x320000xi32> to vector<320000xi32>
    %reshape3A = vector.shape_cast %get3A_11 : vector<320000xi32> to vector<2500x128xi32>
    %swap3A_12 = arith.constant 0 : index
    %swap3A_13 = arith.constant 0 : index
    %swap3A_14 = vector.load %arg4[%swap3A_12, %swap3A_13] : memref<2500x128xi32, #tpu.memory_space<vmem>>, vector<2500x128xi32>
    tpu.vector_store %arg4[%swap3A_12, %swap3A_13], %reshape3A {strides = array<i32>} : memref<2500x128xi32, #tpu.memory_space<vmem>>, vector<2500x128xi32>,
    %get3A_15 = arith.constant 1 : index
    %get3A_16 = arith.constant 0 : index
    %get3A_17 = vector.load %arg2[%get3A_15, %get3A_16] : memref<2x320000xi32, #tpu.memory_space<vmem>>, vector<1x320000xi32>
    %get3A_18 = vector.shape_cast %get3A_17 : vector<1x320000xi32> to vector<320000xi32>
    %reshape3A_19 = vector.shape_cast %get3A_18 : vector<320000xi32> to vector<2500x128xi32>
    %swap3A_20 = arith.constant 0 : index
    %swap3A_21 = arith.constant 0 : index
    %swap3A_22 = vector.load %arg5[%swap3A_20, %swap3A_21] : memref<2500x128xi32, #tpu.memory_space<vmem>>, vector<2500x128xi32>
    tpu.vector_store %arg5[%swap3A_20, %swap3A_21], %reshape3A_19 {strides = array<i32>} : memref<2500x128xi32, #tpu.memory_space<vmem>>, vector<2500x128xi32>,
    %broadcast_in_dim3A = arith.constant 0.000000e+00 : f32
    %broadcast_in_dim3A_23 = vector.broadcast %broadcast_in_dim3A : f32 to vector<640x128xf32>
    %swap3A_24 = arith.constant 0 : index
    %swap3A_25 = arith.constant 0 : index
    %swap3A_26 = vector.load %arg6[%swap3A_24, %swap3A_25] : memref<640x128xf32, #tpu.memory_space<vmem>>, vector<640x128xf32>
    tpu.vector_store %arg6[%swap3A_24, %swap3A_25], %broadcast_in_dim3A_23 {strides = array<i32>} : memref<640x128xf32, #tpu.memory_space<vmem>>, vector<640x128xf32>,
    return
  }
}

module attributes {stable_mosaic.version = 14 : i64} {
  func.func @_mid_body(%arg0: i32, %arg1: memref<2x5000x128xf32, #tpu.memory_space<vmem>>, %arg2: memref<5000x1xf32, #tpu.memory_space<vmem>>, %arg3: memref<128x128xf32, #tpu.memory_space<vmem>>, %arg4: memref<1x128xf32, #tpu.memory_space<vmem>>, %arg5: memref<1x128xf32, #tpu.memory_space<vmem>>, %arg6: memref<1x128xf32, #tpu.memory_space<vmem>>, %arg7: memref<5000x1xf32, #tpu.memory_space<vmem>>, %arg8: memref<5000x128xf32, #tpu.memory_space<vmem>>) attributes {dimension_semantics = [#tpu.dimension_semantics<arbitrary>], iteration_bounds = array<i64: 2>, scalar_prefetch = 0 : i64, scratch_operands = 0 : i64, tpu.core_type = #tpu.core_type<tc>, window_params = [{transform_indices = @transform_0, window_bounds = array<i64: 2, 5000, 128>}, {transform_indices = @transform_1, window_bounds = array<i64: 5000, 1>}, {pipeline_mode = #tpu.pipeline_mode<synchronous>, transform_indices = @transform_2, window_bounds = array<i64: 128, 128>}, {pipeline_mode = #tpu.pipeline_mode<synchronous>, transform_indices = @transform_3, window_bounds = array<i64: 1, 128>}, {pipeline_mode = #tpu.pipeline_mode<synchronous>, transform_indices = @transform_4, window_bounds = array<i64: 1, 128>}, {pipeline_mode = #tpu.pipeline_mode<synchronous>, transform_indices = @transform_5, window_bounds = array<i64: 1, 128>}, {transform_indices = @transform_6, window_bounds = array<i64: 5000, 1>}, {transform_indices = @transform_7, window_bounds = array<i64: 5000, 128>}]} {
    %get3A = arith.constant 0 : index
    %get3A_0 = arith.constant 0 : index
    %get3A_1 = arith.constant 0 : index
    %get3A_2 = vector.load %arg1[%get3A, %get3A_0, %get3A_1] : memref<2x5000x128xf32, #tpu.memory_space<vmem>>, vector<1x5000x128xf32>
    %get3A_3 = vector.shape_cast %get3A_2 : vector<1x5000x128xf32> to vector<5000x128xf32>
    %get3A_4 = arith.constant 1 : index
    %get3A_5 = arith.constant 0 : index
    %get3A_6 = arith.constant 0 : index
    %get3A_7 = vector.load %arg1[%get3A_4, %get3A_5, %get3A_6] : memref<2x5000x128xf32, #tpu.memory_space<vmem>>, vector<1x5000x128xf32>
    %get3A_8 = vector.shape_cast %get3A_7 : vector<1x5000x128xf32> to vector<5000x128xf32>
    %add3A = arith.addf %get3A_3, %get3A_8 : vector<5000x128xf32>
    %get3A_9 = arith.constant 0 : index
    %get3A_10 = arith.constant 0 : index
    %get3A_11 = vector.load %arg2[%get3A_9, %get3A_10] : memref<5000x1xf32, #tpu.memory_space<vmem>>, vector<5000x1xf32>
    %mul3A = vector.broadcast %get3A_11 : vector<5000x1xf32> to vector<5000x128xf32>
    %mul3A_12 = arith.mulf %add3A, %mul3A : vector<5000x128xf32>
    %get3A_13 = arith.constant 0 : index
    %get3A_14 = arith.constant 0 : index
    %get3A_15 = vector.load %arg3[%get3A_13, %get3A_14] : memref<128x128xf32, #tpu.memory_space<vmem>>, vector<128x128xf32>
    %dot_general3A = arith.constant dense<0.000000e+00> : vector<5000x128xf32>
    %dot_general3A_16 = tpu.matmul %mul3A_12, %get3A_15, %dot_general3A {dimension_numbers = #tpu.dot_dimension_numbers<[1], [0], [0], [1], [0, 0, 1, 1], [], []>, transpose_lhs_hint = false} : vector<5000x128xf32>, vector<128x128xf32>, vector<5000x128xf32> -> vector<5000x128xf32>
    %get3A_17 = arith.constant 0 : index
    %get3A_18 = arith.constant 0 : index
    %get3A_19 = vector.load %arg4[%get3A_17, %get3A_18] : memref<1x128xf32, #tpu.memory_space<vmem>>, vector<1x128xf32>
    %add3A_20 = vector.broadcast %get3A_19 : vector<1x128xf32> to vector<5000x128xf32>
    %add3A_21 = arith.addf %dot_general3A_16, %add3A_20 : vector<5000x128xf32>
    %reduce_sum3A = arith.constant dense<0.000000e+00> : vector<5000xf32>
    %reduce_sum3A_22 = vector.multi_reduction <add>, %add3A_21, %reduce_sum3A [1] : vector<5000x128xf32> to vector<5000xf32>
    %broadcast_in_dim3A = vector.shape_cast %reduce_sum3A_22 : vector<5000xf32> to vector<5000x1xf32>
    %div3A = arith.constant 1.280000e+02 : f32
    %div3A_23 = vector.broadcast %div3A : f32 to vector<5000x1xf32>
    %div3A_24 = arith.divf %broadcast_in_dim3A, %div3A_23 : vector<5000x1xf32>
    %sub3A = vector.broadcast %div3A_24 : vector<5000x1xf32> to vector<5000x128xf32>
    %sub3A_25 = arith.subf %add3A_21, %sub3A : vector<5000x128xf32>
    %integer_pow3A = arith.mulf %sub3A_25, %sub3A_25 : vector<5000x128xf32>
    %reduce_sum3A_26 = arith.constant dense<0.000000e+00> : vector<5000xf32>
    %reduce_sum3A_27 = vector.multi_reduction <add>, %integer_pow3A, %reduce_sum3A_26 [1] : vector<5000x128xf32> to vector<5000xf32>
    %broadcast_in_dim3A_28 = vector.shape_cast %reduce_sum3A_27 : vector<5000xf32> to vector<5000x1xf32>
    %div3A_29 = arith.constant 1.280000e+02 : f32
    %div3A_30 = vector.broadcast %div3A_29 : f32 to vector<5000x1xf32>
    %div3A_31 = arith.divf %broadcast_in_dim3A_28, %div3A_30 : vector<5000x1xf32>
    %sub3A_32 = vector.broadcast %div3A_24 : vector<5000x1xf32> to vector<5000x128xf32>
    %sub3A_33 = arith.subf %add3A_21, %sub3A_32 : vector<5000x128xf32>
    %add3A_34 = arith.constant 9.99999974E-6 : f32
    %add3A_35 = vector.broadcast %add3A_34 : f32 to vector<5000x1xf32>
    %add3A_36 = arith.addf %div3A_31, %add3A_35 : vector<5000x1xf32>
    %rsqrt3A = math.rsqrt %add3A_36 : vector<5000x1xf32>
    %mul3A_37 = vector.broadcast %rsqrt3A : vector<5000x1xf32> to vector<5000x128xf32>
    %mul3A_38 = arith.mulf %sub3A_33, %mul3A_37 : vector<5000x128xf32>
    %get3A_39 = arith.constant 0 : index
    %get3A_40 = arith.constant 0 : index
    %get3A_41 = vector.load %arg5[%get3A_39, %get3A_40] : memref<1x128xf32, #tpu.memory_space<vmem>>, vector<1x128xf32>
    %mul3A_42 = vector.broadcast %get3A_41 : vector<1x128xf32> to vector<5000x128xf32>
    %mul3A_43 = arith.mulf %mul3A_38, %mul3A_42 : vector<5000x128xf32>
    %get3A_44 = arith.constant 0 : index
    %get3A_45 = arith.constant 0 : index
    %get3A_46 = vector.load %arg6[%get3A_44, %get3A_45] : memref<1x128xf32, #tpu.memory_space<vmem>>, vector<1x128xf32>
    %add3A_47 = vector.broadcast %get3A_46 : vector<1x128xf32> to vector<5000x128xf32>
    %add3A_48 = arith.addf %mul3A_43, %add3A_47 : vector<5000x128xf32>
    %max3A = arith.constant 0.000000e+00 : f32
    %max3A_49 = vector.broadcast %max3A : f32 to vector<5000x128xf32>
    %max3A_50 = arith.maximumf %add3A_48, %max3A_49 : vector<5000x128xf32>
    %get3A_51 = arith.constant 0 : index
    %get3A_52 = arith.constant 0 : index
    %get3A_53 = vector.load %arg7[%get3A_51, %get3A_52] : memref<5000x1xf32, #tpu.memory_space<vmem>>, vector<5000x1xf32>
    %mul3A_54 = vector.broadcast %get3A_53 : vector<5000x1xf32> to vector<5000x128xf32>
    %mul3A_55 = arith.mulf %max3A_50, %mul3A_54 : vector<5000x128xf32>
    %swap3A = arith.constant 0 : index
    %swap3A_56 = arith.constant 0 : index
    %swap3A_57 = vector.load %arg8[%swap3A, %swap3A_56] : memref<5000x128xf32, #tpu.memory_space<vmem>>, vector<5000x128xf32>
    tpu.vector_store %arg8[%swap3A, %swap3A_56], %mul3A_55 {strides = array<i32>} : memref<5000x128xf32, #tpu.memory_space<vmem>>, vector<5000x128xf32>,
    return
  }
  func.func @transform_0(%arg0: i32) -> (i32, i32, i32) {
    %c0_i32 = arith.constant 0 : i32
    %c0_i32_0 = arith.constant 0 : i32
    %c0_i32_1 = arith.constant 0 : i32
    return %c0_i32, %arg0, %c0_i32_0 : i32, i32, i32
  }
  func.func @transform_1(%arg0: i32) -> (i32, i32) {
    %c0_i32 = arith.constant 0 : i32
    %c0_i32_0 = arith.constant 0 : i32
    return %arg0, %c0_i32 : i32, i32
  }
  func.func @transform_2(%arg0: i32) -> (i32, i32) {
    %c0_i32 = arith.constant 0 : i32
    %c0_i32_0 = arith.constant 0 : i32
    %c0_i32_1 = arith.constant 0 : i32
    return %c0_i32, %c0_i32_0 : i32, i32
  }
  func.func @transform_3(%arg0: i32) -> (i32, i32) {
    %c0_i32 = arith.constant 0 : i32
    %c0_i32_0 = arith.constant 0 : i32
    %c0_i32_1 = arith.constant 0 : i32
    return %c0_i32, %c0_i32_0 : i32, i32
  }
  func.func @transform_4(%arg0: i32) -> (i32, i32) {
    %c0_i32 = arith.constant 0 : i32
    %c0_i32_0 = arith.constant 0 : i32
    %c0_i32_1 = arith.constant 0 : i32
    return %c0_i32, %c0_i32_0 : i32, i32
  }
  func.func @transform_5(%arg0: i32) -> (i32, i32) {
    %c0_i32 = arith.constant 0 : i32
    %c0_i32_0 = arith.constant 0 : i32
    %c0_i32_1 = arith.constant 0 : i32
    return %c0_i32, %c0_i32_0 : i32, i32
  }
  func.func @transform_6(%arg0: i32) -> (i32, i32) {
    %c0_i32 = arith.constant 0 : i32
    %c0_i32_0 = arith.constant 0 : i32
    return %arg0, %c0_i32 : i32, i32
  }
  func.func @transform_7(%arg0: i32) -> (i32, i32) {
    %c0_i32 = arith.constant 0 : i32
    %c0_i32_0 = arith.constant 0 : i32
    return %arg0, %c0_i32 : i32, i32
  }
}

module attributes {stable_mosaic.version = 14 : i64} {
  func.func @_final_body(%arg0: i32, %arg1: memref<2x5000x128xf32, #tpu.memory_space<vmem>>, %arg2: memref<5000x1xf32, #tpu.memory_space<vmem>>, %arg3: memref<128x128xf32, #tpu.memory_space<vmem>>, %arg4: memref<1x128xf32, #tpu.memory_space<vmem>>, %arg5: memref<5000x128xf32, #tpu.memory_space<vmem>>) attributes {dimension_semantics = [#tpu.dimension_semantics<arbitrary>], iteration_bounds = array<i64: 2>, scalar_prefetch = 0 : i64, scratch_operands = 0 : i64, tpu.core_type = #tpu.core_type<tc>, window_params = [{transform_indices = @transform_0, window_bounds = array<i64: 2, 5000, 128>}, {transform_indices = @transform_1, window_bounds = array<i64: 5000, 1>}, {pipeline_mode = #tpu.pipeline_mode<synchronous>, transform_indices = @transform_2, window_bounds = array<i64: 128, 128>}, {pipeline_mode = #tpu.pipeline_mode<synchronous>, transform_indices = @transform_3, window_bounds = array<i64: 1, 128>}, {transform_indices = @transform_4, window_bounds = array<i64: 5000, 128>}]} {
    %get3A = arith.constant 0 : index
    %get3A_0 = arith.constant 0 : index
    %get3A_1 = arith.constant 0 : index
    %get3A_2 = vector.load %arg1[%get3A, %get3A_0, %get3A_1] : memref<2x5000x128xf32, #tpu.memory_space<vmem>>, vector<1x5000x128xf32>
    %get3A_3 = vector.shape_cast %get3A_2 : vector<1x5000x128xf32> to vector<5000x128xf32>
    %get3A_4 = arith.constant 1 : index
    %get3A_5 = arith.constant 0 : index
    %get3A_6 = arith.constant 0 : index
    %get3A_7 = vector.load %arg1[%get3A_4, %get3A_5, %get3A_6] : memref<2x5000x128xf32, #tpu.memory_space<vmem>>, vector<1x5000x128xf32>
    %get3A_8 = vector.shape_cast %get3A_7 : vector<1x5000x128xf32> to vector<5000x128xf32>
    %add3A = arith.addf %get3A_3, %get3A_8 : vector<5000x128xf32>
    %get3A_9 = arith.constant 0 : index
    %get3A_10 = arith.constant 0 : index
    %get3A_11 = vector.load %arg2[%get3A_9, %get3A_10] : memref<5000x1xf32, #tpu.memory_space<vmem>>, vector<5000x1xf32>
    %mul3A = vector.broadcast %get3A_11 : vector<5000x1xf32> to vector<5000x128xf32>
    %mul3A_12 = arith.mulf %add3A, %mul3A : vector<5000x128xf32>
    %get3A_13 = arith.constant 0 : index
    %get3A_14 = arith.constant 0 : index
    %get3A_15 = vector.load %arg3[%get3A_13, %get3A_14] : memref<128x128xf32, #tpu.memory_space<vmem>>, vector<128x128xf32>
    %dot_general3A = arith.constant dense<0.000000e+00> : vector<5000x128xf32>
    %dot_general3A_16 = tpu.matmul %mul3A_12, %get3A_15, %dot_general3A {dimension_numbers = #tpu.dot_dimension_numbers<[1], [0], [0], [1], [0, 0, 1, 1], [], []>, transpose_lhs_hint = false} : vector<5000x128xf32>, vector<128x128xf32>, vector<5000x128xf32> -> vector<5000x128xf32>
    %get3A_17 = arith.constant 0 : index
    %get3A_18 = arith.constant 0 : index
    %get3A_19 = vector.load %arg4[%get3A_17, %get3A_18] : memref<1x128xf32, #tpu.memory_space<vmem>>, vector<1x128xf32>
    %add3A_20 = vector.broadcast %get3A_19 : vector<1x128xf32> to vector<5000x128xf32>
    %add3A_21 = arith.addf %dot_general3A_16, %add3A_20 : vector<5000x128xf32>
    %swap3A = arith.constant 0 : index
    %swap3A_22 = arith.constant 0 : index
    %swap3A_23 = vector.load %arg5[%swap3A, %swap3A_22] : memref<5000x128xf32, #tpu.memory_space<vmem>>, vector<5000x128xf32>
    tpu.vector_store %arg5[%swap3A, %swap3A_22], %add3A_21 {strides = array<i32>} : memref<5000x128xf32, #tpu.memory_space<vmem>>, vector<5000x128xf32>,
    return
  }
  func.func @transform_0(%arg0: i32) -> (i32, i32, i32) {
    %c0_i32 = arith.constant 0 : i32
    %c0_i32_0 = arith.constant 0 : i32
    %c0_i32_1 = arith.constant 0 : i32
    return %c0_i32, %arg0, %c0_i32_0 : i32, i32, i32
  }
  func.func @transform_1(%arg0: i32) -> (i32, i32) {
    %c0_i32 = arith.constant 0 : i32
    %c0_i32_0 = arith.constant 0 : i32
    return %arg0, %c0_i32 : i32, i32
  }
  func.func @transform_2(%arg0: i32) -> (i32, i32) {
    %c0_i32 = arith.constant 0 : i32
    %c0_i32_0 = arith.constant 0 : i32
    %c0_i32_1 = arith.constant 0 : i32
    return %c0_i32, %c0_i32_0 : i32, i32
  }
  func.func @transform_3(%arg0: i32) -> (i32, i32) {
    %c0_i32 = arith.constant 0 : i32
    %c0_i32_0 = arith.constant 0 : i32
    %c0_i32_1 = arith.constant 0 : i32
    return %c0_i32, %c0_i32_0 : i32, i32
  }
  func.func @transform_4(%arg0: i32) -> (i32, i32) {
    %c0_i32 = arith.constant 0 : i32
    %c0_i32_0 = arith.constant 0 : i32
    return %arg0, %c0_i32 : i32, i32
  }
}

</mosaic_0001>

<sc_bundles>
// kernel: kernel.10.cloned.1.call-start
scs
__scs_entry_jumppad:
0x0: {  	(pc) =	sbr.rel $0x88, $3  }
0x1: {  	(tag) =	ssettag $0x0;
	lr =	simm.s32 $0x1  }
0x2: {  	[smem:$0x3F97] =	sst lr;
	_ =	strace $0xD0000000  }
0x3: {  	_ = 	snop  }
0x4: {  	_ = 	snop  }
0x5: {  	_ = 	snop  }
0x6: {  	_ = 	snop  }
0x7: {  	_ = 	snop  }
__scs_overlays_trampoline_lowered:
0x8: {  	[smem:$0x3FA6] =	sst s0  }
0x9: {  	[smem:$0x3FA7] =	sst s1  }
0xa: {  	[smem:$0x3FA8] =	sst s2  }
0xb: {  	[smem:$0x3FA9] =	sst s3  }
0xc: {  	[smem:$0x3FAA] =	sst s4  }
0xd: {  	[smem:$0x3FAB] =	sst s5  }
0xe: {  	[smem:$0x3FAC] =	sst s6  }
0xf: {  	[smem:$0x3FAD] =	sst s7  }
0x10: {  	[smem:$0x3FAE] =	sst s8  }
0x11: {  	[smem:$0x3FAF] =	sst s9;
	s0 =	simm.s32 @!p0 $0x0  }
0x12: {  	s1 =	sld [smem:$0x3F95];
	s0 =	simm.s32 @p0 $0x1  }
0x13: {  	[smem:$0x3FB0] =	sst s0;
	s0 =	simm.s32 @!p1 $0x0  }
0x14: {  	s2 =	sld [smem:$0x3F94];
	s0 =	simm.s32 @p1 $0x1  }
0x15: {  	[smem:$0x3FB1] =	sst s0;
	s0 =	simm.s32 @!p2 $0x0  }
0x16: {  	s3 =	sld [smem:$0x3FDB];
	s0 =	simm.s32 @p2 $0x1  }
0x17: {  	s4 =	simm.s32 $0x1BF5;
	[smem:$0x3FB3] =	sst s0  }
0x18: {  	s0 =	sld [smem:$0x3F96];
	_ =	swait.ge [sflag:s4], $0x0  }
0x19: {  	s7 =	sld [smem:$0x3F97]  }
0x1a: {  	s8 =	sadd.s32 $0xFFFFE003, lr  }
0x1b: {  	s9 =	sadd.s32 $0xFFFFFEF7, lr;
	s5 =	simm.s32 $0xFFFFFFFF;
	p2 =	slt.u32 s8, $0xFFFFF086  }
0x1c: {  	p1 =	slt.u32 s9, $0xF7A;
	s5 =	simm.s32 @!p2 $0x0  }
0x1d: {  	s5 =	simm.s32 @p1 $0x1;
	p0 =	seq.s32 s7, s2  }
0x1e: {  	s7 =	smul.u32 @!p0 $0xF7A, s2;
	p2 =	seq.s32 @!p0 s5, $0x0  }
0x1f: {  	s9 =	smul.u32 $0xF7A, s1;
	s8 =	simm.s32 @!p0 $0x1BF5;
	p2 =	por !p2, p0  }
0x20: {  	[sflag:s8] =	ssyncset.s32 @!p0 $0xFFFFF086;
	s6 =	sadd.s32 @!p0 s3, s7;
	s7 =	simm.s32 @!p0 $0x108  }
0x21: {  	s3 =	sadd.s32 s3, s9;
	s6 =	sadd.s32 @!p0 $0x88, s6;
	s7 =	simm.s32 @p2 $0x1082  }
0x22: {  	[simem:s7], [sflag:s8] =	dma.local @!p0 [hbm:s6], $0xF7A  }
0x23: {  	s9 =	sor.u32 $0xD0000000, s2;
	s6 =	simm.s32 $0x108;
	_ =	swait.ge @!p0 [sflag:s8], $0x0  }
0x24: {  	s3 =	sadd.s32 $0x88, s3;
	s6 =	simm.s32 @!p1 $0x1082;
	[sflag:s4] =	ssyncset.s32 $0xFFFFF086  }
0x25: {  	[simem:s6], [sflag:s4] =	dma.local [hbm:s3], $0xF7A  }
0x26: {  	[smem:$0x3F97] =	sst s1;
	(tag) =	ssettag s2;
	_ =	strace s9  }
0x27: {  	s1 =	sld [smem:$0x3FA7]  }
0x28: {  	s2 =	sld [smem:$0x3FA8]  }
0x29: {  	s4 =	sld [smem:$0x3FAA]  }
0x2a: {  	p0 =	seq.s32 s5, $0x0;
	s5 =	sld [smem:$0x3FAB]  }
0x2b: {  	s6 =	sld [smem:$0x3FAC]  }
0x2c: {  	s7 =	sld [smem:$0x3FAD]  }
0x2d: {  	s3 =	simm.s32 $0x108;
	s8 =	sld [smem:$0x3FAE]  }
0x2e: {  	s3 =	simm.s32 @!p0 $0x1082;
	s9 =	sld [smem:$0x3FAF]  }
0x2f: {  	lr =	sadd.s32 s0, s3;
	s0 =	sld [smem:$0x3FA6]  }
0x30: {  	s3 =	sld [smem:$0x3FA9]  }
0x31: {  	[smem:$0x3FB2] =	sst s10  }
0x32: {  	s10 =	sld [smem:$0x3FB0];
	_ =	sdelay $0x3  }
0x33: {  	p0 =	seq.s32 s10, $0x1;
	s10 =	sld [smem:$0x3FB2];
	_ =	sdelay $0x3  }
0x34: {  	[smem:$0x3FB2] =	sst s10  }
0x35: {  	s10 =	sld [smem:$0x3FB1];
	_ =	sdelay $0x3  }
0x36: {  	p1 =	seq.s32 s10, $0x1;
	s10 =	sld [smem:$0x3FB2];
	_ =	sdelay $0x3  }
0x37: {  	[smem:$0x3FB2] =	sst s10  }
0x38: {  	s10 =	sld [smem:$0x3FB3]  }
0x39: {  	_ = 	snop;
	(pc) =	sbr.ind lr, $3  }
0x3a: {  	_ = 	snop  }
0x3b: {  	_ = 	snop  }
0x3c: {  	p2 =	seq.s32 s10, $0x1;
	s10 =	sld [smem:$0x3FB2]  }
0x3d: {  	_ =	shalt  }
0x3e: {  	_ =	shalt  }
0x3f: {  	_ =	shalt  }
0x40: {  	_ =	shalt  }
0x41: {  	_ =	shalt  }
0x42: {  	_ =	shalt  }
0x43: {  	_ =	shalt  }
0x44: {  	_ =	shalt  }
0x45: {  	_ =	shalt  }
0x46: {  	_ =	shalt  }
0x47: {  	_ =	shalt  }
0x48: {  	_ =	shalt  }
0x49: {  	_ =	shalt  }
0x4a: {  	_ =	shalt  }
0x4b: {  	_ =	shalt  }
0x4c: {  	_ =	shalt  }
0x4d: {  	_ =	shalt  }
0x4e: {  	_ =	shalt  }
0x4f: {  	_ =	shalt  }
0x50: {  	_ =	shalt  }
0x51: {  	_ =	shalt  }
0x52: {  	_ =	shalt  }
0x53: {  	_ =	shalt  }
0x54: {  	_ =	shalt  }
0x55: {  	_ =	shalt  }
0x56: {  	_ =	shalt  }
0x57: {  	_ =	shalt  }
0x58: {  	_ =	shalt  }
0x59: {  	_ =	shalt  }
0x5a: {  	_ =	shalt  }
0x5b: {  	_ =	shalt  }
0x5c: {  	_ =	shalt  }
0x5d: {  	_ =	shalt  }
0x5e: {  	_ =	shalt  }
0x5f: {  	_ =	shalt  }
0x60: {  	_ =	shalt  }
0x61: {  	_ =	shalt  }
0x62: {  	_ =	shalt  }
0x63: {  	_ =	shalt  }
0x64: {  	_ =	shalt  }
0x65: {  	_ =	shalt  }
0x66: {  	_ =	shalt  }
0x67: {  	_ =	shalt  }
0x68: {  	_ =	shalt  }
0x69: {  	_ =	shalt  }
0x6a: {  	_ =	shalt  }
0x6b: {  	_ =	shalt  }
0x6c: {  	_ =	shalt  }
0x6d: {  	_ =	shalt  }
0x6e: {  	_ =	shalt  }
0x6f: {  	_ =	shalt  }
0x70: {  	_ =	shalt  }
0x71: {  	_ =	shalt  }
0x72: {  	_ =	shalt  }
0x73: {  	_ =	shalt  }
0x74: {  	_ =	shalt  }
0x75: {  	_ =	shalt  }
0x76: {  	_ =	shalt  }
0x77: {  	_ =	shalt  }
0x78: {  	_ =	shalt  }
0x79: {  	_ =	shalt  }
0x7a: {  	_ =	shalt  }
0x7b: {  	_ =	shalt  }
0x7c: {  	_ =	shalt  }
0x7d: {  	_ =	shalt  }
0x7e: {  	_ =	shalt  }
0x7f: {  	_ =	shalt  }
0x80: {  	_ =	shalt  }
0x81: {  	_ =	shalt  }
0x82: {  	_ =	shalt  }
0x83: {  	_ =	shalt  }
0x84: {  	_ =	shalt  }
0x85: {  	_ =	shalt  }
0x86: {  	_ =	shalt  }
0x87: {  	_ =	shalt  }
.Lfunc_end0:
.L_simem_size_0:
called_computation.1_lowered:
.L_overlay_start_0:
0x88: {  	s2 =	sld [smem:$0x3FD9]  }
0x89: {  	s3 =	sld [smem:$0x3FFE];
	_ =	sdelay $0x1  }
0x8a: {  	s1 =	srdreg.scid  }
0x8b: {  	s0 =	sand.u32 $0x1, s1  }
0x8c: {  	s17 =	sshll.u32 s0, $0xA;
	s2 =	sadd.s32 s3, s2  }
0x8d: {  	s2 =	sadd.s32 s2, s17  }
0x8e: {  	[smem:$0x3FBE] =	sst s2  }
0x8f: {  	_ = 	snop  }
0x90: {  	s2 =	sld [smem:$0x3FD0];
	(tm) =	ssettm $0x1  }
0x91: {  	s18 =	sld [smem:$0x3FFB];
	_ =	sdelay $0x3  }
0x92: {  	_ =	strace s18  }
0x93: {  	s3 =	sld [smem:$0x3FFC];
	_ =	sdelay $0x3  }
0x94: {  	_ =	strace s3  }
0x95: {  	s3 =	sld [smem:$0x3FFD];
	_ =	sdelay $0x3  }
0x96: {  	_ =	strace s3  }
0x97: {  	_ =	strace $0x8FFFFFFF  }
0x98: {  	s19 =	sld [smem:$0x3FDB];
	_ =	sdelay $0x1  }
0x99: {  	s4 =	simm.s32 $_scs_section_size  }
0x9a: {  	s5 =	simm.s32 $_size__tile_overlayer_lowered;
	s6 =	simm.s32 $_tile_overlayer_lowered  }
0x9b: {  	s22 =	simm.s32 $0x1BFF;
	s21 =	sshll.u32 s6, $0x1;
	s3 =	sadd.s32 s4, s19  }
0x9c: {  	s7 =	simm.s32 $0x0;
	s20 =	sshll.u32 s5, $0x1;
	s5 =	sadd.s32 s21, s3  }
0x9d: {  	[timem:s7], [sflag:s22] =	dma.local [hbm:s5], s20  }
0x9e: {  	_ =	swait.ge [sflag:s22], s20  }
0x9f: {  	s4 =	ssub.s32 $0x0, s20;
	[sflag:s22] =	ssyncset.done $0x0  }
0xa0: {  	[sflag:s22] =	ssyncadd.s32 s4;
	_ =	sdelay $0x1  }
0xa1: {  	s23 =	simm.s32 $0x1B8B  }
0xa2: {  	_ =	swait.ge [sflag:s23], $0x1  }
0xa3: {  	[sflag:s23] =	ssyncset.done $0x0  }
0xa4: {  	s25 =	simm.s32 $0x1B8E;
	s24 =	sld [smem:$0x3FFE];
	[sflag:s23] =	ssyncadd.s32 $0xFFFFFFFF  }
0xa5: {  	s26 =	simm.s32 $execute0_lowered;
	[smem:$0x3FD2] =	sst s25  }
0xa6: {  	s5 =	sshll.u32 s26, $0x1;
	_ =	strace $0x80000049;
	[dreg:$0x1] =	wrdreg $0xFFFFFFFF  }
0xa7: {  	s28 =	simm.s32 $_size_execute0_lowered;
	s3 =	sadd.s32 s3, s5;
	[dreg:$0x0] =	wrdreg $0x0  }
0xa8: {  	s5 =	sshll.u32 s28, $0x1;
	[dreg:$0x2] =	wrdreg s3  }
0xa9: {  	[dreg:$0x3] =	wrdreg s5  }
0xaa: {  	[dreg:$0x4] =	wrdreg $0xC0  }
0xab: {  	_ =	task [dreg:s7], $0x5FFFF  }
0xac: {  	[dreg:$0x1] =	wrdreg $0xFFFFFFFF  }
0xad: {  	[dreg:$0x0] =	wrdreg $0x60  }
0xae: {  	[dreg:$0x2] =	wrdreg s2  }
0xaf: {  	[dreg:$0x3] =	wrdreg s24  }
0xb0: {  	[dreg:$0x4] =	wrdreg $0x6E000  }
0xb1: {  	[dreg:$0x5] =	wrdreg $0x9  }
0xb2: {  	_ =	task.clear_ibuf [dreg:s7], $0x6FFFF;
	_ =	strace $0x90000049  }
0xb3: {  	s29 =	simm.s32 $0x9;
	_ =	strace $0x8000004B  }
0xb4: {  	_ =	swait.ge [sflag:s29], $0x1  }
0xb5: {  	[sflag:s29] =	ssyncadd.s32 $0xFFFFFFFF  }
0xb6: {  	_ =	strace $0x9000004B  }
0xb7: {  	_ =	sfence  }
0xb8: {  	s30 =	sld [smem:$0x0];
	_ =	sdelay $0x2  }
0xb9: {  	s31 =	sshll.u32 s1, $0xD;
	s1 =	sshrl.u32 s1, $0x2  }
0xba: {  	s3 =	sand.u32 $0x4000, s31;
	s1 =	sadd.s32 s1, s30  }
0xbb: {  	s0 =	sor.u32 s3, s0;
	s1 =	sshll.u32 s1, $0x11  }
0xbc: {  	s0 =	sor.u32 s1, s0  }
0xbd: {  	s0 =	sadd.s32 $0x8F2B, s0  }
0xbe: {  	[sflag:s0] =	ssyncadd.remote.s32 $0x1  }
0xbf: {  	_ =	sfence.sel $0xFFFF  }
0xc0: {  	[dreg:$0x0] =	wrdreg $0xFFFFFFFF;
	(pc) =	sbr.abs _section_cstart, $3  }
0xc1: {  	[dreg:$0x1] =	wrdreg $0xFFFFFFFF  }
0xc2: {  	_ =	task.clear_ibuf [dreg:s7], $0x2FFFF;
	_ =	strace $0x9FFFFFFF  }
0xc3: {  	(tm) =	ssettm $0x7FFFFFFF  }
tec
execute0_lowered:
.L_overlay_start_1:
0x0: {  	(tag) =	ssettag $0x1  }
0x1: {  	s1 =	rddreg [dreg:$0x0]  }
0x2: {  	s0 =	rddreg [dreg:$0x1]  }
0x3: {  	s2 =	rddreg [dreg:$0x2];
	s3 =	srdreg.scid;
	s4 =	simm.s32 $0x0  }
0x4: {  	s11 =	stileid.u32;
	s31 =	simm.s32 $0xA00;
	s29 =	simm.s32 $0xC  }
0x5: {  	s30 =	simm.s32 $0x9;
	s3 =	sand.u32 $0x1, s3;
	[smem:$0x7FF] =	sst s4  }
0x6: {  	s12 =	sadd.s32 $0x2800, s0;
	s13 =	sadd.s32 $0xC600, s0;
	s25 =	smul.u32 $0x50000, s11  }
0x7: {  	s7 =	sadd.s32 $0x16400, s0;
	s0 =	sadd.s32 $0x18C00, s0;
	s28 =	smul.u32 $0x14000, s11  }
0x8: {  	s18 =	smul.u32 $0x2710, s11;
	s5 =	sshll.u32 s3, $0x4;
	_ =	strace $0x8000004A  }
0x9: {  	s6 =	ssub.s32 $0x2, s3;
	[dreg:$0x6] =	wrdreg s7;
	s26 =	smul.u32 $0x138800, s3  }
0xa: {  	s3 =	smul.u32 $0x27100, s3;
	[dreg:$0x5] =	wrdreg s13;
	s5 =	sor.u32 s11, s5  }
0xb: {  	p0 =	seq.s32 s11, $0xF;
	[dreg:$0x4] =	wrdreg s12;
	s5 =	smul.u32 $0x2710, s5  }
0xc: {  	s19 =	sshrl.u32 s6, $0x1;
	s17 =	sshrl.u32 s25, $0x2;
	s11 =	simm.s32 $0x7  }
0xd: {  	s6 =	ssub.s32 s6, s19;
	s14 =	sadd.s32 s17, s2;
	s20 =	sshrl.u32 s5, $0x3  }
0xe: {  	[dreg:$0x11] =	wrdreg s14;
	s8 =	sadd.s32 $0x28, s5;
	s9 =	sadd.s32 s12, s20  }
0xf: {  	s21 =	sadd.s32 s13, s20;
	s8 =	sshrl.u32 s8, $0x3;
	[dreg:$0x7] =	wrdreg s9  }
0x10: {  	s5 =	sadd.s32 $0x78, s5;
	[dreg:$0x8] =	wrdreg s21;
	s22 =	sadd.s32 s12, s8  }
0x11: {  	s23 =	sadd.s32 $0xA, s20;
	s8 =	sadd.s32 s13, s8;
	[dreg:$0x9] =	wrdreg s22  }
0x12: {  	s5 =	sshrl.u32 s5, $0x3;
	s24 =	sadd.s32 s12, s23;
	[dreg:$0xa] =	wrdreg s8  }
0x13: {  	s19 =	sadd.s32 s28, s26;
	s10 =	sadd.s32 s12, s5;
	[dreg:$0xb] =	wrdreg s24  }
0x14: {  	s7 =	sadd.s32 $0x14, s20;
	s5 =	sadd.s32 s13, s5;
	[dreg:$0xd] =	wrdreg s10  }
0x15: {  	s3 =	sadd.s32 s18, s3;
	s15 =	sadd.s32 s12, s7;
	[dreg:$0xe] =	wrdreg s5  }
0x16: {  	s25 =	sadd.s32 $0x1E0, s3;
	s16 =	sadd.s32 s13, s7;
	[dreg:$0xf] =	wrdreg s15  }
0x17: {  	s21 =	sadd.s32 $0x230, s3;
	s8 =	sadd.s32 s13, s23;
	[dreg:$0x10] =	wrdreg s16  }
0x18: {  	s5 =	sshrl.u32 s19, $0x3;
	s22 =	smax.u32 s6, $0x1;
	s23 =	sadd.s32 $0x208, s3  }
0x19: {  	s10 =	sadd.s32 $0x168, s3;
	s16 =	sadd.s32 $0x140, s3;
	[dreg:$0xc] =	wrdreg s8  }
0x1a: {  	s6 =	simm.s32 $0x0;
	s8 =	sshrl.u32 s26, $0x3;
	[dreg:$0x14] =	wrdreg s22  }
0x1b: {  	s26 =	sshrl.u32 s25, $0x3;
	s17 =	sshrl.u32 s16, $0x3;
	s22 =	sadd.s32 $0x190, s3  }
0x1c: {  	s16 =	simm.s32 $0x28;
	s8 =	sadd.s32 s0, s8;
	s0 =	sadd.s32 s0, s5  }
0x1d: {  	s5 =	sshrl.u32 s23, $0x3;
	s7 =	sadd.s32 s26, s13;
	[smem:$0x7F6] =	sst s22  }
0x1e: {  	s19 =	sadd.s32 s17, s13;
	s23 =	sadd.s32 $0xF0, s3;
	[dreg:$0x12] =	wrdreg s0  }
0x1f: {  	s22 =	simm.s32 $0x1E00;
	s20 =	sadd.s32 $0x25800, s8;
	[dreg:$0x19] =	wrdreg s7  }
0x20: {  	s0 =	sshrl.u32 s21, $0x3;
	s28 =	sadd.s32 s5, s13;
	[dreg:$0x1f] =	wrdreg s19  }
0x21: {  	s5 =	sadd.s32 s5, s12;
	s8 =	sadd.s32 $0x1B8, s3;
	[dreg:$0x13] =	wrdreg s20  }
0x22: {  	s25 =	sshrl.u32 s23, $0x3;
	s7 =	simm.s32 $0x400;
	[dreg:$0x17] =	wrdreg s28  }
0x23: {  	s23 =	simm.s32 $0x880;
	s24 =	sadd.s32 s0, s13;
	[dreg:$0x18] =	wrdreg s5  }
0x24: {  	s0 =	sadd.s32 s0, s12;
	s9 =	sshrl.u32 s8, $0x3;
	[dreg:$0x15] =	wrdreg s24  }
0x25: {  	s5 =	sshrl.u32 s10, $0x3;
	[dreg:$0x16] =	wrdreg s0;
	s0 =	sadd.s32 s26, s12  }
0x26: {  	s20 =	sadd.s32 $0x118, s3;
	s15 =	sadd.s32 s9, s13;
	[dreg:$0x1a] =	wrdreg s0  }
0x27: {  	s3 =	sadd.s32 $0xC8, s3;
	s18 =	sadd.s32 s5, s13;
	[dreg:$0x1b] =	wrdreg s15  }
0x28: {  	s8 =	simm.s32 $0x12;
	s5 =	sadd.s32 s5, s12;
	[dreg:$0x1d] =	wrdreg s18  }
0x29: {  	s21 =	sshrl.u32 s20, $0x3;
	s0 =	sadd.s32 s9, s12;
	[dreg:$0x1e] =	wrdreg s5  }
0x2a: {  	s3 =	sshrl.u32 s3, $0x3;
	s24 =	sadd.s32 s21, s13;
	[dreg:$0x1c] =	wrdreg s0  }
0x2b: {  	s20 =	simm.s32 $0x380;
	s5 =	sadd.s32 s25, s13;
	[smem:$0x7F7] =	sst s24  }
0x2c: {  	s26 =	sadd.s32 s3, s13;
	s28 =	sadd.s32 s3, s12;
	[smem:$0x7F9] =	sst s5  }
0x2d: {  	s3 =	simm.s32 $0x6;
	s15 =	simm.s32 $0xF;
	[smem:$0x7FB] =	sst s26  }
0x2e: {  	s9 =	simm.s32 $0xA;
	s0 =	sadd.s32 s17, s12;
	[smem:$0x7FC] =	sst s28  }
.Ltmp0:
0x2f: {  	[smem:$0x7F5] =	sst s0;
	s0 =	sadd.s32 s21, s12;
	(pc) =	sbr.rel .LBB2_1-.Ltmp0, $4  }
0x30: {  	s24 =	simm.s32 $0x3200;
	[smem:$0x7F8] =	sst s0;
	s0 =	sadd.s32 s25, s12  }
0x31: {  	s17 =	simm.s32 $0x8;
	[smem:$0x7FA] =	sst s0;
	s0 =	sadd.s32 $0x12C000, s2  }
0x32: {  	s26 =	simm.s32 $0xB;
	s12 =	simm.s32 $0xE;
	s0 =	sshrl.u32 @p0 s0, $0x3  }
0x33: {  	s25 =	simm.s32 $0x13;
	[smem:$0x7FD] =	sst s0;
	s0 =	simm.s32 $0x480  }
.LBB2_4:
0x34: {  	_ =	swait.ge [sflag:s15], $0x1400  }
0x35: {  	[sflag:s15] =	ssyncset.done $0x0  }
0x36: {  	s0 =	simm.s32 $0x980;
	s20 =	simm.s32 $0x10;
	[sflag:s15] =	ssyncadd.s32 $0xFFFFEC00  }
0x37: {  	[spmem:s2] =	stream.indirect.scatter.add.f32 [tilespmem:s21], [sflag:$0x14], $0x80, s0, s16, $0xb8;
	[tilespmem:$0x1AE00] =	vst v63  }
0x38: {  	_ =	swait.ge [sflag:s20], $0x1400  }
0x39: {  	[sflag:s20] =	ssyncset.done $0x0  }
0x3a: {  	s21 =	simm.s32 $0x11;
	[sflag:s20] =	ssyncadd.s32 $0xFFFFEC00  }
0x3b: {  	_ =	swait.ge [sflag:s21], $0x1400  }
0x3c: {  	[sflag:s21] =	ssyncset.done $0x0  }
0x3d: {  	[sflag:s21] =	ssyncadd.s32 $0xFFFFEC00  }
0x3e: {  	_ =	swait.ge [sflag:s8], $0x1400  }
0x3f: {  	[sflag:s8] =	ssyncset.done $0x0  }
0x40: {  	[sflag:s8] =	ssyncadd.s32 $0xFFFFEC00  }
0x41: {  	_ =	swait.ge [sflag:s25], $0x1400  }
0x42: {  	[sflag:s25] =	ssyncset.done $0x0  }
0x43: {  	s24 =	simm.s32 $0x14;
	[sflag:s25] =	ssyncadd.s32 $0xFFFFEC00  }
0x44: {  	_ =	swait.ge [sflag:s24], $0x1400  }
0x45: {  	[sflag:s24] =	ssyncset.done $0x0  }
0x46: {  	[sflag:s24] =	ssyncadd.s32 $0xFFFFEC00  }
0x47: {  	[bflag:$0x0] =	sbarrier.arrive $0xFFFF  }
0x48: {  	s13 =	sld [smem:$0x7FD]  }
0x49: {  	s0 =	sld [smem:$0x7F4];
	_ =	sdelay $0x1  }
0x4a: {  	s5 =	rddreg [dreg:$0x13]  }
0x4b: {  	[hbm:s5], [sflag:s0] =	dma.local @p0 [spmem:s13], $0x1900  }
0x4c: {  	s5 =	simm.s32 @p0 $0x15  }
0x4d: {  	_ =	swait.ge @p0 [sflag:s5], $0x1900  }
0x4e: {  	[sflag:s5] =	ssyncset.done @p0 $0x0;
	s14 =	rddreg [dreg:$0x11]  }
0x4f: {  	s13 =	rddreg [dreg:$0x12];
	[sflag:s5] =	ssyncadd.s32 @p0 $0xFFFFE700;
	s5 =	sshrl.u32 @!p0 s14, $0x3  }
0x50: {  	[hbm:s13], [sflag:s0] =	dma.local @!p0 [spmem:s5], $0x2800  }
0x51: {  	s5 =	simm.s32 @!p0 $0x15  }
0x52: {  	_ =	swait.ge @!p0 [sflag:s5], $0x2800  }
0x53: {  	s6 =	sld [smem:$0x7F3];
	_ =	sdelay $0x2  }
0x54: {  	s28 =	rddreg [dreg:$0x14];
	s6 =	sadd.s32 $0x1, s6  }
0x55: {  	p1 =	sne.s32 s6, s28  }
.Ltmp1:
0x56: {  	_ = 	snop;
	(pc) =	sbr.rel @!p1 .LBB2_5-.Ltmp1, $3  }
0x57: {  	_ =	sdelay $0x1  }
0x58: {  	s7 =	simm.s32 $0x400;
	s20 =	simm.s32 $0x380;
	[sflag:s5] =	ssyncset.done @!p0 $0x0  }
0x59: {  	s24 =	simm.s32 $0x3200;
	s0 =	simm.s32 $0x480;
	[sflag:s5] =	ssyncadd.s32 @!p0 $0xFFFFD800  }
.LBB2_1:
0x5a: {  	[smem:$0x7F3] =	sst s6  }
0x5b: {  	s5 =	rddreg [dreg:$0x7]  }
0x5c: {  	[tilespmem:s4], [sflag:$0x1] =	stream.linear.gather [hbm4b:s5+s4], $0x28, $0x38;
	[tilespmem:$0x1AE00] =	vst v63  }
0x5d: {  	s10 =	rddreg [dreg:$0x8];
	s13 =	simm.s32 $0x80  }
0x5e: {  	[tilespmem:s13], [sflag:$0x1] =	stream.linear.gather [hbm4b:s10+s4], $0x28, $0x38;
	[tilespmem:$0x1AE00] =	vst v63  }
0x5f: {  	s18 =	rddreg [dreg:$0x9];
	s13 =	simm.s32 $0x100  }
0x60: {  	[tilespmem:s13], [sflag:$0x2] =	stream.linear.gather [hbm4b:s18+s4], $0x28, $0x38;
	[tilespmem:$0x1AE00] =	vst v63  }
0x61: {  	s19 =	rddreg [dreg:$0xa];
	s18 =	simm.s32 $0x180  }
0x62: {  	[tilespmem:s18], [sflag:$0x2] =	stream.linear.gather [hbm4b:s19+s4], $0x28, $0x38;
	[tilespmem:$0x1AE00] =	vst v63  }
0x63: {  	s21 =	rddreg [dreg:$0xb];
	s18 =	simm.s32 $0x200  }
0x64: {  	[tilespmem:s18], [sflag:$0x3] =	stream.linear.gather [hbm4b:s21+s4], $0x28, $0x38;
	[tilespmem:$0x1AE00] =	vst v63  }
0x65: {  	s28 =	rddreg [dreg:$0xc];
	s19 =	simm.s32 $0x280  }
0x66: {  	[tilespmem:s19], [sflag:$0x3] =	stream.linear.gather [hbm4b:s28+s4], $0x28, $0x38;
	[tilespmem:$0x1AE00] =	vst v63  }
0x67: {  	s6 =	rddreg [dreg:$0xd];
	s19 =	simm.s32 $0x300  }
0x68: {  	[tilespmem:s19], [sflag:$0x4] =	stream.linear.gather [hbm4b:s6+s4], $0x28, $0x38;
	[tilespmem:$0x1AE00] =	vst v63  }
0x69: {  	s21 =	rddreg [dreg:$0xe]  }
0x6a: {  	[tilespmem:s20], [sflag:$0x4] =	stream.linear.gather [hbm4b:s21+s4], $0x28, $0x38;
	[tilespmem:$0x1AE00] =	vst v63  }
0x6b: {  	s28 =	rddreg [dreg:$0xf]  }
0x6c: {  	[tilespmem:s7], [sflag:$0x5] =	stream.linear.gather [hbm4b:s28+s4], $0x28, $0x38;
	[tilespmem:$0x1AE00] =	vst v63  }
0x6d: {  	s6 =	rddreg [dreg:$0x10];
	s21 =	simm.s32 $0x1  }
0x6e: {  	[tilespmem:s0], [sflag:$0x5] =	stream.linear.gather [hbm4b:s6+s4], $0x28, $0x38;
	[tilespmem:$0x1AE00] =	vst v63  }
0x6f: {  	_ =	swait.ge [sflag:s21], $0x28  }
0x70: {  	[sflag:s21] =	ssyncset.done $0x0  }
0x71: {  	[sflag:s21] =	ssyncadd.s32 $0xFFFFFFD8  }
0x72: {  	_ =	swait.ge [sflag:s21], $0x28  }
0x73: {  	[sflag:s21] =	ssyncset.done $0x0  }
0x74: {  	s28 =	simm.s32 $0x2;
	[sflag:s21] =	ssyncadd.s32 $0xFFFFFFD8  }
0x75: {  	[tilespmem:s31], [sflag:$0xB] =	stream.indirect.gather [hbm4b:s1+s16], $0x80, s4, s16, $0xb8;
	[tilespmem:$0x1AE00] =	vst v63  }
0x76: {  	_ =	swait.ge [sflag:s28], $0x28  }
0x77: {  	[sflag:s28] =	ssyncset.done $0x0  }
0x78: {  	[sflag:s28] =	ssyncadd.s32 $0xFFFFFFD8  }
0x79: {  	_ =	swait.ge [sflag:s28], $0x28  }
0x7a: {  	[sflag:s28] =	ssyncset.done $0x0  }
0x7b: {  	s31 =	simm.s32 $0x3;
	[sflag:s28] =	ssyncadd.s32 $0xFFFFFFD8  }
0x7c: {  	[tilespmem:s22], [sflag:$0xC] =	stream.indirect.gather [hbm4b:s1+s16], $0x80, s13, s16, $0xb8;
	[tilespmem:$0x1AE00] =	vst v63  }
0x7d: {  	_ =	swait.ge [sflag:s31], $0x28  }
0x7e: {  	[sflag:s31] =	ssyncset.done $0x0  }
0x7f: {  	[sflag:s31] =	ssyncadd.s32 $0xFFFFFFD8  }
0x80: {  	_ =	swait.ge [sflag:s31], $0x28  }
0x81: {  	[sflag:s31] =	ssyncset.done $0x0  }
0x82: {  	s6 =	simm.s32 $0x4;
	[sflag:s31] =	ssyncadd.s32 $0xFFFFFFD8  }
0x83: {  	[tilespmem:s24], [sflag:$0xD] =	stream.indirect.gather [hbm4b:s1+s16], $0x80, s18, s16, $0xb8;
	[tilespmem:$0x1AE00] =	vst v63  }
0x84: {  	_ =	swait.ge [sflag:s6], $0x28  }
0x85: {  	[sflag:s6] =	ssyncset.done $0x0  }
0x86: {  	s10 =	simm.s32 $0x4600;
	s13 =	stileid.u32;
	[sflag:s6] =	ssyncadd.s32 $0xFFFFFFD8  }
0x87: {  	s22 =	sshrl.u32 s14, $0x3;
	s18 =	sshll.u32 s13, $0x6;
	_ =	swait.ge [sflag:s6], $0x28  }
0x88: {  	s21 =	sor.u32 $0x1C15, s18;
	[sflag:s6] =	ssyncset.done $0x0;
	s28 =	rddreg [dreg:$0x6]  }
0x89: {  	s31 =	simm.s32 $0x15;
	[smem:$0x7F4] =	sst s21;
	[sflag:s6] =	ssyncadd.s32 $0xFFFFFFD8  }
0x8a: {  	[tilespmem:s10], [sflag:$0xE] =	stream.indirect.gather [hbm4b:s1+s16], $0x80, s19, s16, $0xb8;
	[tilespmem:$0x1AE00] =	vst v63  }
0x8b: {  	[spmem:s22], [sflag:s21] =	dma.local [hbm:s28], $0x2800  }
0x8c: {  	_ =	swait.ge [sflag:s31], $0x2800  }
0x8d: {  	[sflag:s31] =	ssyncset.done $0x0  }
0x8e: {  	[sflag:s31] =	ssyncadd.s32 $0xFFFFD800  }
0x8f: {  	s14 =	simm.s32 $0x0;
	[bflag:$0x0] =	sbarrier.arrive $0xFFFF  }
0x90: {  	s19 =	simm.s32 $0x4600;
	s21 =	simm.s32 $0x5A00;
	s13 =	sld [smem:$0x7F6]  }
.LBB2_2:
0x91: {  	_ =	swait.ge [sflag:s26], $0x1400  }
0x92: {  	[sflag:s26] =	ssyncset.done $0x0;
	s6 =	sld [smem:$0x7FC]  }
0x93: {  	s5 =	simm.s32 $0x80;
	s10 =	simm.s32 $0xA00;
	[sflag:s26] =	ssyncadd.s32 $0xFFFFEC00  }
0x94: {  	[spmem:s2] =	stream.indirect.scatter.add.f32 [tilespmem:s10], [sflag:$0x10], $0x80, s5, s16, $0xb8;
	[tilespmem:$0x1AE00] =	vst v63  }
0x95: {  	s22 =	simm.s32 $0x500;
	s18 =	sadd.s32 s14, s6  }
0x96: {  	[tilespmem:s22], [sflag:$0x6] =	stream.linear.gather [hbm4b:s18+s4], $0x28, $0x38;
	[tilespmem:$0x1AE00] =	vst v63  }
0x97: {  	s18 =	sld [smem:$0x7FB];
	_ =	sdelay $0x1  }
0x98: {  	p1 =	seq.s32 s14, $0x0  }
0x99: {  	s28 =	simm.s32 $0x580;
	s6 =	sadd.s32 s14, s18;
	s18 =	simm.s32 @!p1 $0x14  }
0x9a: {  	[tilespmem:s28], [sflag:$0x6] =	stream.linear.gather [hbm4b:s6+s4], $0x28, $0x38;
	[tilespmem:$0x1AE00] =	vst v63  }
0x9b: {  	_ =	swait.ge @!p1 [sflag:s18], $0x1400  }
0x9c: {  	[sflag:s18] =	ssyncset.done @!p1 $0x0  }
0x9d: {  	[sflag:s18] =	ssyncadd.s32 @!p1 $0xFFFFEC00;
	s18 =	simm.s32 $0x5  }
0x9e: {  	_ =	swait.ge [sflag:s18], $0x28  }
0x9f: {  	[sflag:s18] =	ssyncset.done $0x0  }
0xa0: {  	[sflag:s18] =	ssyncadd.s32 $0xFFFFFFD8  }
0xa1: {  	_ =	swait.ge [sflag:s18], $0x28  }
0xa2: {  	[sflag:s18] =	ssyncset.done $0x0  }
0xa3: {  	[sflag:s18] =	ssyncadd.s32 $0xFFFFFFD8  }
0xa4: {  	[tilespmem:s21], [sflag:$0xF] =	stream.indirect.gather [hbm4b:s1+s16], $0x80, s7, s16, $0xb8;
	[tilespmem:$0x1AE00] =	vst v63  }
0xa5: {  	_ =	swait.ge [sflag:s29], $0x1400  }
0xa6: {  	[sflag:s29] =	ssyncset.done $0x0;
	s18 =	sld [smem:$0x7FA]  }
0xa7: {  	s6 =	simm.s32 $0x180;
	s7 =	simm.s32 $0x1E00;
	[sflag:s29] =	ssyncadd.s32 $0xFFFFEC00  }
0xa8: {  	[spmem:s2] =	stream.indirect.scatter.add.f32 [tilespmem:s7], [sflag:$0x11], $0x80, s6, s16, $0xb8;
	[tilespmem:$0x1AE00] =	vst v63  }
0xa9: {  	s6 =	sadd.s32 s14, s18;
	s18 =	sld [smem:$0x7F9]  }
0xaa: {  	s31 =	simm.s32 $0x600  }
0xab: {  	[tilespmem:s31], [sflag:$0x7] =	stream.linear.gather [hbm4b:s6+s4], $0x28, $0x38;
	[tilespmem:$0x1AE00] =	vst v63  }
0xac: {  	s6 =	simm.s32 $0x680;
	s5 =	sadd.s32 s14, s18;
	s18 =	simm.s32 $0x10  }
0xad: {  	[tilespmem:s6], [sflag:$0x7] =	stream.linear.gather [hbm4b:s5+s4], $0x28, $0x38;
	[tilespmem:$0x1AE00] =	vst v63  }
0xae: {  	_ =	swait.ge [sflag:s18], $0x1400  }
0xaf: {  	[sflag:s18] =	ssyncset.done $0x0  }
0xb0: {  	[sflag:s18] =	ssyncadd.s32 $0xFFFFEC00  }
0xb1: {  	_ =	swait.ge [sflag:s3], $0x28  }
0xb2: {  	[sflag:s3] =	ssyncset.done $0x0  }
0xb3: {  	[sflag:s3] =	ssyncadd.s32 $0xFFFFFFD8  }
0xb4: {  	_ =	swait.ge [sflag:s3], $0x28  }
0xb5: {  	[sflag:s3] =	ssyncset.done $0x0  }
0xb6: {  	[sflag:s3] =	ssyncadd.s32 $0xFFFFFFD8  }
0xb7: {  	[tilespmem:s10], [sflag:$0xB] =	stream.indirect.gather [hbm4b:s1+s16], $0x80, s22, s16, $0xb8;
	[tilespmem:$0x1AE00] =	vst v63  }
0xb8: {  	s22 =	simm.s32 $0xD  }
0xb9: {  	_ =	swait.ge [sflag:s22], $0x1400  }
0xba: {  	[sflag:s22] =	ssyncset.done $0x0  }
0xbb: {  	s18 =	simm.s32 $0x280;
	[sflag:s22] =	ssyncadd.s32 $0xFFFFEC00;
	s22 =	sld [smem:$0x7F8]  }
0xbc: {  	[spmem:s2] =	stream.indirect.scatter.add.f32 [tilespmem:s24], [sflag:$0x12], $0x80, s18, s16, $0xb8;
	[tilespmem:$0x1AE00] =	vst v63  }
0xbd: {  	s18 =	sld [smem:$0x7F7]  }
0xbe: {  	s5 =	sadd.s32 s14, s22;
	s22 =	simm.s32 $0x700  }
0xbf: {  	[tilespmem:s22], [sflag:$0x8] =	stream.linear.gather [hbm4b:s5+s4], $0x28, $0x38;
	[tilespmem:$0x1AE00] =	vst v63  }
0xc0: {  	s18 =	sadd.s32 s14, s18;
	s5 =	simm.s32 $0x780  }
0xc1: {  	[tilespmem:s5], [sflag:$0x8] =	stream.linear.gather [hbm4b:s18+s4], $0x28, $0x38;
	[tilespmem:$0x1AE00] =	vst v63  }
0xc2: {  	s18 =	simm.s32 $0x11  }
0xc3: {  	_ =	swait.ge [sflag:s18], $0x1400  }
0xc4: {  	[sflag:s18] =	ssyncset.done $0x0  }
0xc5: {  	[sflag:s18] =	ssyncadd.s32 $0xFFFFEC00  }
0xc6: {  	_ =	swait.ge [sflag:s11], $0x28  }
0xc7: {  	[sflag:s11] =	ssyncset.done $0x0  }
0xc8: {  	[sflag:s11] =	ssyncadd.s32 $0xFFFFFFD8  }
0xc9: {  	_ =	swait.ge [sflag:s11], $0x28  }
0xca: {  	[sflag:s11] =	ssyncset.done $0x0  }
0xcb: {  	[sflag:s11] =	ssyncadd.s32 $0xFFFFFFD8  }
0xcc: {  	[tilespmem:s7], [sflag:$0xC] =	stream.indirect.gather [hbm4b:s1+s16], $0x80, s31, s16, $0xb8;
	[tilespmem:$0x1AE00] =	vst v63  }
0xcd: {  	_ =	swait.ge [sflag:s12], $0x1400  }
0xce: {  	[sflag:s12] =	ssyncset.done $0x0  }
0xcf: {  	[sflag:s12] =	ssyncadd.s32 $0xFFFFEC00  }
0xd0: {  	[spmem:s2] =	stream.indirect.scatter.add.f32 [tilespmem:s19], [sflag:$0x13], $0x80, s20, s16, $0xb8;
	[tilespmem:$0x1AE00] =	vst v63  }
0xd1: {  	s20 =	sld [smem:$0x7F5];
	_ =	sdelay $0x2  }
0xd2: {  	s18 =	rddreg [dreg:$0x1f];
	s5 =	sadd.s32 s14, s20;
	s20 =	simm.s32 $0x800  }
0xd3: {  	[tilespmem:s20], [sflag:$0x9] =	stream.linear.gather [hbm4b:s5+s4], $0x28, $0x38;
	[tilespmem:$0x1AE00] =	vst v63  }
0xd4: {  	s5 =	sadd.s32 s14, s18  }
0xd5: {  	[tilespmem:s23], [sflag:$0x9] =	stream.linear.gather [hbm4b:s5+s4], $0x28, $0x38;
	[tilespmem:$0x1AE00] =	vst v63  }
0xd6: {  	_ =	swait.ge [sflag:s8], $0x1400  }
0xd7: {  	[sflag:s8] =	ssyncset.done $0x0  }
0xd8: {  	[sflag:s8] =	ssyncadd.s32 $0xFFFFEC00  }
0xd9: {  	_ =	swait.ge [sflag:s17], $0x28  }
0xda: {  	[sflag:s17] =	ssyncset.done $0x0  }
0xdb: {  	[sflag:s17] =	ssyncadd.s32 $0xFFFFFFD8  }
0xdc: {  	_ =	swait.ge [sflag:s17], $0x28  }
0xdd: {  	[sflag:s17] =	ssyncset.done $0x0  }
0xde: {  	[sflag:s17] =	ssyncadd.s32 $0xFFFFFFD8  }
0xdf: {  	[tilespmem:s24], [sflag:$0xD] =	stream.indirect.gather [hbm4b:s1+s16], $0x80, s22, s16, $0xb8;
	[tilespmem:$0x1AE00] =	vst v63  }
0xe0: {  	_ =	swait.ge [sflag:s15], $0x1400  }
0xe1: {  	[sflag:s15] =	ssyncset.done $0x0  }
0xe2: {  	[sflag:s15] =	ssyncadd.s32 $0xFFFFEC00  }
0xe3: {  	[spmem:s2] =	stream.indirect.scatter.add.f32 [tilespmem:s21], [sflag:$0x14], $0x80, s0, s16, $0xb8;
	[tilespmem:$0x1AE00] =	vst v63  }
0xe4: {  	s0 =	rddreg [dreg:$0x1e]  }
0xe5: {  	s18 =	rddreg [dreg:$0x1d];
	s5 =	sadd.s32 s14, s0;
	s0 =	simm.s32 $0x900  }
0xe6: {  	[tilespmem:s0], [sflag:$0xA] =	stream.linear.gather [hbm4b:s5+s4], $0x28, $0x38;
	[tilespmem:$0x1AE00] =	vst v63  }
0xe7: {  	s22 =	simm.s32 $0x980;
	s21 =	sadd.s32 s14, s18  }
0xe8: {  	[tilespmem:s22], [sflag:$0xA] =	stream.linear.gather [hbm4b:s21+s4], $0x28, $0x38;
	[tilespmem:$0x1AE00] =	vst v63  }
0xe9: {  	_ =	swait.ge [sflag:s25], $0x1400  }
0xea: {  	[sflag:s25] =	ssyncset.done $0x0  }
0xeb: {  	[sflag:s25] =	ssyncadd.s32 $0xFFFFEC00  }
0xec: {  	_ =	swait.ge [sflag:s30], $0x28  }
0xed: {  	[sflag:s30] =	ssyncset.done $0x0  }
0xee: {  	[sflag:s30] =	ssyncadd.s32 $0xFFFFFFD8  }
0xef: {  	_ =	swait.ge [sflag:s30], $0x28  }
0xf0: {  	[sflag:s30] =	ssyncset.done $0x0  }
0xf1: {  	[sflag:s30] =	ssyncadd.s32 $0xFFFFFFD8  }
0xf2: {  	[tilespmem:s19], [sflag:$0xE] =	stream.indirect.gather [hbm4b:s1+s16], $0x80, s20, s16, $0xb8;
	[tilespmem:$0x1AE00] =	vst v63  }
0xf3: {  	_ =	swait.ge [sflag:s26], $0x1400  }
0xf4: {  	p1 =	seq.s32 s14, $0x4B0;
	[sflag:s26] =	ssyncset.done $0x0  }
0xf5: {  	s18 =	sshrl.u32 @!p1 s13, $0x3;
	s5 =	rddreg [dreg:$0x4];
	[sflag:s26] =	ssyncadd.s32 $0xFFFFEC00  }
0xf6: {  	[spmem:s2] =	stream.indirect.scatter.add.f32 [tilespmem:s10], [sflag:$0x10], $0x80, s28, s16, $0xb8;
	[tilespmem:$0x1AE00] =	vst v63  }
0xf7: {  	s19 =	simm.s32 @!p1 $0x0;
	s24 =	sadd.s32 @!p1 s5, s18;
	s5 =	rddreg [dreg:$0x5]  }
0xf8: {  	[tilespmem:s19], [sflag:$0x1] =	stream.linear.gather @!p1 [hbm4b:s24+s19], $0x28, $0x38;
	[tilespmem:$0x1AE00] =	vst v63  }
0xf9: {  	s18 =	sadd.s32 @!p1 s5, s18;
	s24 =	simm.s32 @!p1 $0x80  }
0xfa: {  	[tilespmem:s24], [sflag:$0x1] =	stream.linear.gather @!p1 [hbm4b:s18+s19], $0x28, $0x38;
	[tilespmem:$0x1AE00] =	vst v63  }
0xfb: {  	s24 =	simm.s32 $0x14  }
0xfc: {  	_ =	swait.ge [sflag:s24], $0x1400  }
0xfd: {  	[sflag:s24] =	ssyncset.done $0x0  }
0xfe: {  	[sflag:s24] =	ssyncadd.s32 $0xFFFFEC00  }
0xff: {  	_ =	swait.ge [sflag:s9], $0x28  }
0x100: {  	[sflag:s9] =	ssyncset.done $0x0  }
0x101: {  	[sflag:s9] =	ssyncadd.s32 $0xFFFFFFD8  }
0x102: {  	_ =	swait.ge [sflag:s9], $0x28  }
0x103: {  	[sflag:s9] =	ssyncset.done $0x0  }
0x104: {  	s21 =	simm.s32 $0x5A00;
	[sflag:s9] =	ssyncadd.s32 $0xFFFFFFD8  }
0x105: {  	[tilespmem:s21], [sflag:$0xF] =	stream.indirect.gather [hbm4b:s1+s16], $0x80, s0, s16, $0xb8;
	[tilespmem:$0x1AE00] =	vst v63  }
0x106: {  	_ =	swait.ge [sflag:s29], $0x1400  }
0x107: {  	[sflag:s29] =	ssyncset.done $0x0  }
0x108: {  	s18 =	simm.s32 @p1 $0xD;
	[sflag:s29] =	ssyncadd.s32 $0xFFFFEC00  }
0x109: {  	[spmem:s2] =	stream.indirect.scatter.add.f32 [tilespmem:s7], [sflag:$0x11], $0x80, s6, s16, $0xb8;
	[tilespmem:$0x1AE00] =	vst v63  }
0x10a: {  	_ =	swait.ge @p1 [sflag:s18], $0x1400  }
0x10b: {  	s5 =	simm.s32 @p1 $0x3200;
	[sflag:s18] =	ssyncset.done @p1 $0x0  }
0x10c: {  	s24 =	simm.s32 @p1 $0x780;
	[sflag:s18] =	ssyncadd.s32 @p1 $0xFFFFEC00;
	s18 =	simm.s32 @p1 $0x28  }
0x10d: {  	[spmem:s2] =	stream.indirect.scatter.add.f32 @p1 [tilespmem:s5], [sflag:$0x12], $0x80, s24, s18, $0xb8;
	[tilespmem:$0x1AE00] =	vst v63  }
0x10e: {  	s5 =	rddreg [dreg:$0x1c]  }
0x10f: {  	s18 =	simm.s32 @!p1 $0x100;
	s5 =	sadd.s32 @!p1 s14, s5  }
0x110: {  	[tilespmem:s18], [sflag:$0x2] =	stream.linear.gather @!p1 [hbm4b:s5+s19], $0x28, $0x38;
	[tilespmem:$0x1AE00] =	vst v63  }
0x111: {  	s5 =	rddreg [dreg:$0x1b]  }
0x112: {  	s24 =	simm.s32 @!p1 $0x180;
	s5 =	sadd.s32 @!p1 s14, s5  }
0x113: {  	[tilespmem:s24], [sflag:$0x2] =	stream.linear.gather @!p1 [hbm4b:s5+s19], $0x28, $0x38;
	[tilespmem:$0x1AE00] =	vst v63  }
0x114: {  	s5 =	simm.s32 @!p1 $0x10  }
0x115: {  	_ =	swait.ge @!p1 [sflag:s5], $0x1400  }
0x116: {  	[sflag:s5] =	ssyncset.done @!p1 $0x0  }
0x117: {  	[sflag:s5] =	ssyncadd.s32 @!p1 $0xFFFFEC00;
	s5 =	simm.s32 @!p1 $0x1  }
0x118: {  	_ =	swait.ge @!p1 [sflag:s5], $0x28  }
0x119: {  	[sflag:s5] =	ssyncset.done @!p1 $0x0  }
0x11a: {  	[sflag:s5] =	ssyncadd.s32 @!p1 $0xFFFFFFD8  }
0x11b: {  	_ =	swait.ge @!p1 [sflag:s5], $0x28  }
0x11c: {  	[sflag:s5] =	ssyncset.done @!p1 $0x0  }
0x11d: {  	s24 =	simm.s32 @!p1 $0xA00;
	[sflag:s5] =	ssyncadd.s32 @!p1 $0xFFFFFFD8;
	s5 =	simm.s32 @!p1 $0x28  }
0x11e: {  	[tilespmem:s24], [sflag:$0xB] =	stream.indirect.gather @!p1 [hbm4b:s1+s5], $0x80, s19, s5, $0xb8;
	[tilespmem:$0x1AE00] =	vst v63  }
0x11f: {  	s24 =	simm.s32 @!p1 $0xD  }
0x120: {  	_ =	swait.ge @!p1 [sflag:s24], $0x1400  }
0x121: {  	[sflag:s24] =	ssyncset.done @!p1 $0x0  }
0x122: {  	s20 =	simm.s32 @!p1 $0x3200;
	[sflag:s24] =	ssyncadd.s32 @!p1 $0xFFFFEC00;
	s24 =	simm.s32 @!p1 $0x780  }
0x123: {  	[spmem:s2] =	stream.indirect.scatter.add.f32 @!p1 [tilespmem:s20], [sflag:$0x12], $0x80, s24, s5, $0xb8;
	[tilespmem:$0x1AE00] =	vst v63  }
0x124: {  	s20 =	rddreg [dreg:$0x1a]  }
0x125: {  	s24 =	simm.s32 @!p1 $0x200;
	s20 =	sadd.s32 @!p1 s14, s20  }
0x126: {  	[tilespmem:s24], [sflag:$0x3] =	stream.linear.gather @!p1 [hbm4b:s20+s19], $0x28, $0x38;
	[tilespmem:$0x1AE00] =	vst v63  }
0x127: {  	s20 =	rddreg [dreg:$0x19]  }
0x128: {  	s24 =	simm.s32 @!p1 $0x280;
	s20 =	sadd.s32 @!p1 s14, s20  }
0x129: {  	[tilespmem:s24], [sflag:$0x3] =	stream.linear.gather @!p1 [hbm4b:s20+s19], $0x28, $0x38;
	[tilespmem:$0x1AE00] =	vst v63  }
0x12a: {  	s19 =	simm.s32 @!p1 $0x11  }
0x12b: {  	_ =	swait.ge @!p1 [sflag:s19], $0x1400  }
0x12c: {  	[sflag:s19] =	ssyncset.done @!p1 $0x0  }
0x12d: {  	[sflag:s19] =	ssyncadd.s32 @!p1 $0xFFFFEC00;
	s19 =	simm.s32 @!p1 $0x2  }
0x12e: {  	_ =	swait.ge @!p1 [sflag:s19], $0x28  }
0x12f: {  	[sflag:s19] =	ssyncset.done @!p1 $0x0  }
0x130: {  	[sflag:s19] =	ssyncadd.s32 @!p1 $0xFFFFFFD8  }
0x131: {  	_ =	swait.ge @!p1 [sflag:s19], $0x28  }
0x132: {  	[sflag:s19] =	ssyncset.done @!p1 $0x0  }
0x133: {  	[sflag:s19] =	ssyncadd.s32 @!p1 $0xFFFFFFD8;
	s19 =	simm.s32 @!p1 $0x1E00  }
0x134: {  	[tilespmem:s19], [sflag:$0xC] =	stream.indirect.gather @!p1 [hbm4b:s1+s5], $0x80, s18, s5, $0xb8;
	[tilespmem:$0x1AE00] =	vst v63  }
.Ltmp2:
0x135: {  	s31 =	simm.s32 $0xA00;
	(pc) =	sbr.rel @p1 .LBB2_4-.Ltmp2, $4  }
0x136: {  	s22 =	simm.s32 $0x1E00;
	s28 =	simm.s32 $0x3200;
	_ =	swait.ge [sflag:s12], $0x1400  }
0x137: {  	s10 =	simm.s32 $0x480;
	s0 =	simm.s32 $0x400;
	[sflag:s12] =	ssyncset.done $0x0  }
0x138: {  	s7 =	simm.s32 $0x380;
	s19 =	simm.s32 $0x4600;
	[sflag:s12] =	ssyncadd.s32 $0xFFFFEC00  }
0x139: {  	[spmem:s2] =	stream.indirect.scatter.add.f32 [tilespmem:s19], [sflag:$0x13], $0x80, s23, s16, $0xb8;
	[tilespmem:$0x1AE00] =	vst v63  }
0x13a: {  	s5 =	rddreg [dreg:$0x18]  }
0x13b: {  	s18 =	simm.s32 $0x300;
	s6 =	rddreg [dreg:$0x17];
	s5 =	sadd.s32 s14, s5  }
0x13c: {  	[tilespmem:s18], [sflag:$0x4] =	stream.linear.gather [hbm4b:s5+s4], $0x28, $0x38;
	[tilespmem:$0x1AE00] =	vst v63  }
0x13d: {  	s5 =	sadd.s32 s14, s6  }
0x13e: {  	[tilespmem:s7], [sflag:$0x4] =	stream.linear.gather [hbm4b:s5+s4], $0x28, $0x38;
	[tilespmem:$0x1AE00] =	vst v63  }
0x13f: {  	_ =	swait.ge [sflag:s8], $0x1400  }
0x140: {  	[sflag:s8] =	ssyncset.done $0x0  }
0x141: {  	s7 =	simm.s32 $0x3;
	[sflag:s8] =	ssyncadd.s32 $0xFFFFEC00  }
0x142: {  	_ =	swait.ge [sflag:s7], $0x28  }
0x143: {  	[sflag:s7] =	ssyncset.done $0x0  }
0x144: {  	[sflag:s7] =	ssyncadd.s32 $0xFFFFFFD8  }
0x145: {  	_ =	swait.ge [sflag:s7], $0x28  }
0x146: {  	[sflag:s7] =	ssyncset.done $0x0  }
0x147: {  	s20 =	simm.s32 $0x200;
	[sflag:s7] =	ssyncadd.s32 $0xFFFFFFD8  }
0x148: {  	[tilespmem:s28], [sflag:$0xD] =	stream.indirect.gather [hbm4b:s1+s16], $0x80, s20, s16, $0xb8;
	[tilespmem:$0x1AE00] =	vst v63  }
0x149: {  	_ =	swait.ge [sflag:s15], $0x1400  }
0x14a: {  	[sflag:s15] =	ssyncset.done $0x0  }
0x14b: {  	s22 =	simm.s32 $0x980;
	s24 =	rddreg [dreg:$0x16];
	[sflag:s15] =	ssyncadd.s32 $0xFFFFEC00  }
0x14c: {  	[spmem:s2] =	stream.indirect.scatter.add.f32 [tilespmem:s21], [sflag:$0x14], $0x80, s22, s16, $0xb8;
	[tilespmem:$0x1AE00] =	vst v63  }
0x14d: {  	s28 =	rddreg [dreg:$0x15];
	s5 =	sadd.s32 s14, s24  }
0x14e: {  	[tilespmem:s0], [sflag:$0x5] =	stream.linear.gather [hbm4b:s5+s4], $0x28, $0x38;
	[tilespmem:$0x1AE00] =	vst v63  }
0x14f: {  	s5 =	sadd.s32 s14, s28  }
0x150: {  	[tilespmem:s10], [sflag:$0x5] =	stream.linear.gather [hbm4b:s5+s4], $0x28, $0x38;
	[tilespmem:$0x1AE00] =	vst v63  }
0x151: {  	_ =	swait.ge [sflag:s25], $0x1400  }
0x152: {  	[sflag:s25] =	ssyncset.done $0x0  }
0x153: {  	s31 =	simm.s32 $0x4;
	[sflag:s25] =	ssyncadd.s32 $0xFFFFEC00  }
0x154: {  	_ =	swait.ge [sflag:s31], $0x28  }
0x155: {  	[sflag:s31] =	ssyncset.done $0x0  }
.Ltmp3:
0x156: {  	s13 =	sadd.s32 $0x190, s13;
	[sflag:s31] =	ssyncadd.s32 $0xFFFFFFD8;
	(pc) =	sbr.rel .LBB2_2-.Ltmp3, $4  }
0x157: {  	s7 =	simm.s32 $0x400;
	s20 =	simm.s32 $0x380;
	_ =	swait.ge [sflag:s31], $0x28  }
0x158: {  	s24 =	simm.s32 $0x3200;
	s21 =	simm.s32 $0x5A00;
	[sflag:s31] =	ssyncset.done $0x0  }
0x159: {  	s14 =	sadd.s32 $0x32, s14;
	s0 =	simm.s32 $0x480;
	[sflag:s31] =	ssyncadd.s32 $0xFFFFFFD8  }
0x15a: {  	[tilespmem:s19], [sflag:$0xE] =	stream.indirect.gather [hbm4b:s1+s16], $0x80, s18, s16, $0xb8;
	[tilespmem:$0x1AE00] =	vst v63  }
.LBB2_5:
0x15b: {  	_ =	sfence.sel $0x180000  }
0x15c: {  	[bflag:$0x0] =	sbarrier.arrive $0xFFFF  }
0x15d: {  	_ =	strace $0x9000004A  }
0x15e: {  	s0 =	stileid.u32;
	[bflag:$0x2] =	sbarrier.arrive $0xFFFF  }
0x15f: {  	p0 =	sne.s32 s0, $0x0;
	s0 =	rddreg [dreg:$0x3]  }
0x160: {  	s0 =	sadd.s32 @!p0 $0x100000, s0  }
0x161: {  	[sflag:s0] =	ssyncadd.tile.s32 @!p0 $0x1;
	_ =	shalt  }
.Lfunc_end2:
_tile_overlayer_lowered:
.L_overlay_start_2:
0x162: {  	(tag) =	ssettag $0x2  }
0x163: {  	s0 =	rddreg [dreg:$0x0];
	s2 =	stileid.u32  }
0x164: {  	s1 =	rddreg [dreg:$0x1];
	p0 =	sne.s32 s2, $0x0  }
0x165: {  	s3 =	rddreg [dreg:$0x2];
	[bflag:$0x3] =	sbarrier.arrive $0xFFFF;
	s2 =	simm.s32 @!p0 $0x1C15  }
0x166: {  	[timem:s3], [sflag:s2] =	dma.local @!p0 [hbm:s0], s1  }
0x167: {  	s0 =	simm.s32 @!p0 $0x15  }
0x168: {  	_ =	swait.ge @!p0 [sflag:s0], s1  }
0x169: {  	s1 =	ssub.s32 @!p0 $0x0, s1;
	[sflag:s0] =	ssyncset.done @!p0 $0x0  }
0x16a: {  	[sflag:s0] =	ssyncadd.s32 @!p0 s1  }
0x16b: {  	[bflag:$0x3] =	sbarrier.arrive $0xFFFF  }
0x16c: {  	_ =	shalt  }

// kernel: kernel.7.cloned.1.call-start
scs
__scs_entry_jumppad:
0x0: {  	(pc) =	sbr.rel $0x88, $3  }
0x1: {  	(tag) =	ssettag $0x0;
	lr =	simm.s32 $0x1  }
0x2: {  	[smem:$0x3F97] =	sst lr;
	_ =	strace $0xD0000000  }
0x3: {  	_ = 	snop  }
0x4: {  	_ = 	snop  }
0x5: {  	_ = 	snop  }
0x6: {  	_ = 	snop  }
0x7: {  	_ = 	snop  }
__scs_overlays_trampoline_lowered:
0x8: {  	[smem:$0x3FA6] =	sst s0  }
0x9: {  	[smem:$0x3FA7] =	sst s1  }
0xa: {  	[smem:$0x3FA8] =	sst s2  }
0xb: {  	[smem:$0x3FA9] =	sst s3  }
0xc: {  	[smem:$0x3FAA] =	sst s4  }
0xd: {  	[smem:$0x3FAB] =	sst s5  }
0xe: {  	[smem:$0x3FAC] =	sst s6  }
0xf: {  	[smem:$0x3FAD] =	sst s7  }
0x10: {  	[smem:$0x3FAE] =	sst s8  }
0x11: {  	[smem:$0x3FAF] =	sst s9;
	s0 =	simm.s32 @!p0 $0x0  }
0x12: {  	s1 =	sld [smem:$0x3F95];
	s0 =	simm.s32 @p0 $0x1  }
0x13: {  	[smem:$0x3FB0] =	sst s0;
	s0 =	simm.s32 @!p1 $0x0  }
0x14: {  	s2 =	sld [smem:$0x3F94];
	s0 =	simm.s32 @p1 $0x1  }
0x15: {  	[smem:$0x3FB1] =	sst s0;
	s0 =	simm.s32 @!p2 $0x0  }
0x16: {  	s3 =	sld [smem:$0x3FDB];
	s0 =	simm.s32 @p2 $0x1  }
0x17: {  	s4 =	simm.s32 $0x1BF5;
	[smem:$0x3FB3] =	sst s0  }
0x18: {  	s0 =	sld [smem:$0x3F96];
	_ =	swait.ge [sflag:s4], $0x0  }
0x19: {  	s7 =	sld [smem:$0x3F97]  }
0x1a: {  	s8 =	sadd.s32 $0xFFFFE003, lr  }
0x1b: {  	s9 =	sadd.s32 $0xFFFFFEF7, lr;
	s5 =	simm.s32 $0xFFFFFFFF;
	p2 =	slt.u32 s8, $0xFFFFF086  }
0x1c: {  	p1 =	slt.u32 s9, $0xF7A;
	s5 =	simm.s32 @!p2 $0x0  }
0x1d: {  	s5 =	simm.s32 @p1 $0x1;
	p0 =	seq.s32 s7, s2  }
0x1e: {  	s7 =	smul.u32 @!p0 $0xF7A, s2;
	p2 =	seq.s32 @!p0 s5, $0x0  }
0x1f: {  	s9 =	smul.u32 $0xF7A, s1;
	s8 =	simm.s32 @!p0 $0x1BF5;
	p2 =	por !p2, p0  }
0x20: {  	[sflag:s8] =	ssyncset.s32 @!p0 $0xFFFFF086;
	s6 =	sadd.s32 @!p0 s3, s7;
	s7 =	simm.s32 @!p0 $0x108  }
0x21: {  	s3 =	sadd.s32 s3, s9;
	s6 =	sadd.s32 @!p0 $0x88, s6;
	s7 =	simm.s32 @p2 $0x1082  }
0x22: {  	[simem:s7], [sflag:s8] =	dma.local @!p0 [hbm:s6], $0xF7A  }
0x23: {  	s9 =	sor.u32 $0xD0000000, s2;
	s6 =	simm.s32 $0x108;
	_ =	swait.ge @!p0 [sflag:s8], $0x0  }
0x24: {  	s3 =	sadd.s32 $0x88, s3;
	s6 =	simm.s32 @!p1 $0x1082;
	[sflag:s4] =	ssyncset.s32 $0xFFFFF086  }
0x25: {  	[simem:s6], [sflag:s4] =	dma.local [hbm:s3], $0xF7A  }
0x26: {  	[smem:$0x3F97] =	sst s1;
	(tag) =	ssettag s2;
	_ =	strace s9  }
0x27: {  	s1 =	sld [smem:$0x3FA7]  }
0x28: {  	s2 =	sld [smem:$0x3FA8]  }
0x29: {  	s4 =	sld [smem:$0x3FAA]  }
0x2a: {  	p0 =	seq.s32 s5, $0x0;
	s5 =	sld [smem:$0x3FAB]  }
0x2b: {  	s6 =	sld [smem:$0x3FAC]  }
0x2c: {  	s7 =	sld [smem:$0x3FAD]  }
0x2d: {  	s3 =	simm.s32 $0x108;
	s8 =	sld [smem:$0x3FAE]  }
0x2e: {  	s3 =	simm.s32 @!p0 $0x1082;
	s9 =	sld [smem:$0x3FAF]  }
0x2f: {  	lr =	sadd.s32 s0, s3;
	s0 =	sld [smem:$0x3FA6]  }
0x30: {  	s3 =	sld [smem:$0x3FA9]  }
0x31: {  	[smem:$0x3FB2] =	sst s10  }
0x32: {  	s10 =	sld [smem:$0x3FB0];
	_ =	sdelay $0x3  }
0x33: {  	p0 =	seq.s32 s10, $0x1;
	s10 =	sld [smem:$0x3FB2];
	_ =	sdelay $0x3  }
0x34: {  	[smem:$0x3FB2] =	sst s10  }
0x35: {  	s10 =	sld [smem:$0x3FB1];
	_ =	sdelay $0x3  }
0x36: {  	p1 =	seq.s32 s10, $0x1;
	s10 =	sld [smem:$0x3FB2];
	_ =	sdelay $0x3  }
0x37: {  	[smem:$0x3FB2] =	sst s10  }
0x38: {  	s10 =	sld [smem:$0x3FB3]  }
0x39: {  	_ = 	snop;
	(pc) =	sbr.ind lr, $3  }
0x3a: {  	_ = 	snop  }
0x3b: {  	_ = 	snop  }
0x3c: {  	p2 =	seq.s32 s10, $0x1;
	s10 =	sld [smem:$0x3FB2]  }
0x3d: {  	_ =	shalt  }
0x3e: {  	_ =	shalt  }
0x3f: {  	_ =	shalt  }
0x40: {  	_ =	shalt  }
0x41: {  	_ =	shalt  }
0x42: {  	_ =	shalt  }
0x43: {  	_ =	shalt  }
0x44: {  	_ =	shalt  }
0x45: {  	_ =	shalt  }
0x46: {  	_ =	shalt  }
0x47: {  	_ =	shalt  }
0x48: {  	_ =	shalt  }
0x49: {  	_ =	shalt  }
0x4a: {  	_ =	shalt  }
0x4b: {  	_ =	shalt  }
0x4c: {  	_ =	shalt  }
0x4d: {  	_ =	shalt  }
0x4e: {  	_ =	shalt  }
0x4f: {  	_ =	shalt  }
0x50: {  	_ =	shalt  }
0x51: {  	_ =	shalt  }
0x52: {  	_ =	shalt  }
0x53: {  	_ =	shalt  }
0x54: {  	_ =	shalt  }
0x55: {  	_ =	shalt  }
0x56: {  	_ =	shalt  }
0x57: {  	_ =	shalt  }
0x58: {  	_ =	shalt  }
0x59: {  	_ =	shalt  }
0x5a: {  	_ =	shalt  }
0x5b: {  	_ =	shalt  }
0x5c: {  	_ =	shalt  }
0x5d: {  	_ =	shalt  }
0x5e: {  	_ =	shalt  }
0x5f: {  	_ =	shalt  }
0x60: {  	_ =	shalt  }
0x61: {  	_ =	shalt  }
0x62: {  	_ =	shalt  }
0x63: {  	_ =	shalt  }
0x64: {  	_ =	shalt  }
0x65: {  	_ =	shalt  }
0x66: {  	_ =	shalt  }
0x67: {  	_ =	shalt  }
0x68: {  	_ =	shalt  }
0x69: {  	_ =	shalt  }
0x6a: {  	_ =	shalt  }
0x6b: {  	_ =	shalt  }
0x6c: {  	_ =	shalt  }
0x6d: {  	_ =	shalt  }
0x6e: {  	_ =	shalt  }
0x6f: {  	_ =	shalt  }
0x70: {  	_ =	shalt  }
0x71: {  	_ =	shalt  }
0x72: {  	_ =	shalt  }
0x73: {  	_ =	shalt  }
0x74: {  	_ =	shalt  }
0x75: {  	_ =	shalt  }
0x76: {  	_ =	shalt  }
0x77: {  	_ =	shalt  }
0x78: {  	_ =	shalt  }
0x79: {  	_ =	shalt  }
0x7a: {  	_ =	shalt  }
0x7b: {  	_ =	shalt  }
0x7c: {  	_ =	shalt  }
0x7d: {  	_ =	shalt  }
0x7e: {  	_ =	shalt  }
0x7f: {  	_ =	shalt  }
0x80: {  	_ =	shalt  }
0x81: {  	_ =	shalt  }
0x82: {  	_ =	shalt  }
0x83: {  	_ =	shalt  }
0x84: {  	_ =	shalt  }
0x85: {  	_ =	shalt  }
0x86: {  	_ =	shalt  }
0x87: {  	_ =	shalt  }
.Lfunc_end0:
.L_simem_size_0:
called_computation_lowered:
.L_overlay_start_0:
0x88: {  	s2 =	sld [smem:$0x3FD9]  }
0x89: {  	s3 =	sld [smem:$0x3FFE];
	_ =	sdelay $0x1  }
0x8a: {  	s1 =	srdreg.scid  }
0x8b: {  	s0 =	sand.u32 $0x1, s1  }
0x8c: {  	s17 =	sshll.u32 s0, $0xA;
	s2 =	sadd.s32 s3, s2  }
0x8d: {  	s2 =	sadd.s32 s2, s17  }
0x8e: {  	[smem:$0x3FBE] =	sst s2  }
0x8f: {  	_ = 	snop  }
0x90: {  	s2 =	sld [smem:$0x3FD0];
	(tm) =	ssettm $0x1  }
0x91: {  	s18 =	sld [smem:$0x3FFB];
	_ =	sdelay $0x3  }
0x92: {  	_ =	strace s18  }
0x93: {  	s3 =	sld [smem:$0x3FFC];
	_ =	sdelay $0x3  }
0x94: {  	_ =	strace s3  }
0x95: {  	s3 =	sld [smem:$0x3FFD];
	_ =	sdelay $0x3  }
0x96: {  	_ =	strace s3  }
0x97: {  	_ =	strace $0x8FFFFFFF  }
0x98: {  	s19 =	sld [smem:$0x3FDB];
	_ =	sdelay $0x1  }
0x99: {  	s4 =	simm.s32 $_scs_section_size  }
0x9a: {  	s5 =	simm.s32 $_size__tile_overlayer_lowered;
	s6 =	simm.s32 $_tile_overlayer_lowered  }
0x9b: {  	s22 =	simm.s32 $0x1BFF;
	s21 =	sshll.u32 s6, $0x1;
	s3 =	sadd.s32 s4, s19  }
0x9c: {  	s7 =	simm.s32 $0x0;
	s20 =	sshll.u32 s5, $0x1;
	s5 =	sadd.s32 s21, s3  }
0x9d: {  	[timem:s7], [sflag:s22] =	dma.local [hbm:s5], s20  }
0x9e: {  	_ =	swait.ge [sflag:s22], s20  }
0x9f: {  	s4 =	ssub.s32 $0x0, s20;
	[sflag:s22] =	ssyncset.done $0x0  }
0xa0: {  	[sflag:s22] =	ssyncadd.s32 s4;
	_ =	sdelay $0x1  }
0xa1: {  	s23 =	simm.s32 $0x1B8B  }
0xa2: {  	_ =	swait.ge [sflag:s23], $0x1  }
0xa3: {  	[sflag:s23] =	ssyncset.done $0x0  }
0xa4: {  	s25 =	simm.s32 $0x1B8E;
	s24 =	sld [smem:$0x3FFE];
	[sflag:s23] =	ssyncadd.s32 $0xFFFFFFFF  }
0xa5: {  	s26 =	simm.s32 $execute0_lowered;
	[smem:$0x3FD2] =	sst s25  }
0xa6: {  	s5 =	sshll.u32 s26, $0x1;
	_ =	strace $0x80000046;
	[dreg:$0x1] =	wrdreg $0xFFFFFFFF  }
0xa7: {  	s28 =	simm.s32 $_size_execute0_lowered;
	s3 =	sadd.s32 s3, s5;
	[dreg:$0x0] =	wrdreg $0x0  }
0xa8: {  	s5 =	sshll.u32 s28, $0x1;
	[dreg:$0x2] =	wrdreg s3  }
0xa9: {  	[dreg:$0x3] =	wrdreg s5  }
0xaa: {  	[dreg:$0x4] =	wrdreg $0xC0  }
0xab: {  	_ =	task [dreg:s7], $0x5FFFF  }
0xac: {  	[dreg:$0x1] =	wrdreg $0xFFFFFFFF  }
0xad: {  	[dreg:$0x0] =	wrdreg $0x60  }
0xae: {  	[dreg:$0x2] =	wrdreg s2  }
0xaf: {  	[dreg:$0x3] =	wrdreg s24  }
0xb0: {  	[dreg:$0x4] =	wrdreg $0x6E000  }
0xb1: {  	[dreg:$0x5] =	wrdreg $0x9  }
0xb2: {  	_ =	task.clear_ibuf [dreg:s7], $0x6FFFF;
	_ =	strace $0x90000046  }
0xb3: {  	s29 =	simm.s32 $0x9;
	_ =	strace $0x80000048  }
0xb4: {  	_ =	swait.ge [sflag:s29], $0x1  }
0xb5: {  	[sflag:s29] =	ssyncadd.s32 $0xFFFFFFFF  }
0xb6: {  	_ =	strace $0x90000048  }
0xb7: {  	_ =	sfence  }
0xb8: {  	s30 =	sld [smem:$0x0];
	_ =	sdelay $0x2  }
0xb9: {  	s31 =	sshll.u32 s1, $0xD;
	s1 =	sshrl.u32 s1, $0x2  }
0xba: {  	s3 =	sand.u32 $0x4000, s31;
	s1 =	sadd.s32 s1, s30  }
0xbb: {  	s0 =	sor.u32 s3, s0;
	s1 =	sshll.u32 s1, $0x11  }
0xbc: {  	s0 =	sor.u32 s1, s0  }
0xbd: {  	s0 =	sadd.s32 $0x8F2B, s0  }
0xbe: {  	[sflag:s0] =	ssyncadd.remote.s32 $0x1  }
0xbf: {  	_ =	sfence.sel $0xFFFF  }
0xc0: {  	[dreg:$0x0] =	wrdreg $0xFFFFFFFF;
	(pc) =	sbr.abs _section_cstart, $3  }
0xc1: {  	[dreg:$0x1] =	wrdreg $0xFFFFFFFF  }
0xc2: {  	_ =	task.clear_ibuf [dreg:s7], $0x2FFFF;
	_ =	strace $0x9FFFFFFF  }
0xc3: {  	(tm) =	ssettm $0x7FFFFFFF  }
tec
execute0_lowered:
.L_overlay_start_1:
0x0: {  	(tag) =	ssettag $0x1  }
0x1: {  	s1 =	rddreg [dreg:$0x0]  }
0x2: {  	s0 =	rddreg [dreg:$0x1]  }
0x3: {  	s2 =	rddreg [dreg:$0x2];
	s3 =	srdreg.scid;
	s4 =	simm.s32 $0x0  }
0x4: {  	s11 =	stileid.u32;
	s31 =	simm.s32 $0xA00;
	s29 =	simm.s32 $0xC  }
0x5: {  	s30 =	simm.s32 $0x9;
	s3 =	sand.u32 $0x1, s3;
	[smem:$0x7FF] =	sst s4  }
0x6: {  	s12 =	sadd.s32 $0x2800, s0;
	s13 =	sadd.s32 $0xC600, s0;
	s25 =	smul.u32 $0x50000, s11  }
0x7: {  	s7 =	sadd.s32 $0x16400, s0;
	s0 =	sadd.s32 $0x18C00, s0;
	s28 =	smul.u32 $0x14000, s11  }
0x8: {  	s18 =	smul.u32 $0x2710, s11;
	s5 =	sshll.u32 s3, $0x4;
	_ =	strace $0x80000047  }
0x9: {  	s6 =	ssub.s32 $0x2, s3;
	[dreg:$0x6] =	wrdreg s7;
	s26 =	smul.u32 $0x138800, s3  }
0xa: {  	s3 =	smul.u32 $0x27100, s3;
	[dreg:$0x5] =	wrdreg s13;
	s5 =	sor.u32 s11, s5  }
0xb: {  	p0 =	seq.s32 s11, $0xF;
	[dreg:$0x4] =	wrdreg s12;
	s5 =	smul.u32 $0x2710, s5  }
0xc: {  	s19 =	sshrl.u32 s6, $0x1;
	s17 =	sshrl.u32 s25, $0x2;
	s11 =	simm.s32 $0x7  }
0xd: {  	s6 =	ssub.s32 s6, s19;
	s14 =	sadd.s32 s17, s2;
	s20 =	sshrl.u32 s5, $0x3  }
0xe: {  	[dreg:$0x11] =	wrdreg s14;
	s8 =	sadd.s32 $0x28, s5;
	s9 =	sadd.s32 s12, s20  }
0xf: {  	s21 =	sadd.s32 s13, s20;
	s8 =	sshrl.u32 s8, $0x3;
	[dreg:$0x7] =	wrdreg s9  }
0x10: {  	s5 =	sadd.s32 $0x78, s5;
	[dreg:$0x8] =	wrdreg s21;
	s22 =	sadd.s32 s12, s8  }
0x11: {  	s23 =	sadd.s32 $0xA, s20;
	s8 =	sadd.s32 s13, s8;
	[dreg:$0x9] =	wrdreg s22  }
0x12: {  	s5 =	sshrl.u32 s5, $0x3;
	s24 =	sadd.s32 s12, s23;
	[dreg:$0xa] =	wrdreg s8  }
0x13: {  	s19 =	sadd.s32 s28, s26;
	s10 =	sadd.s32 s12, s5;
	[dreg:$0xb] =	wrdreg s24  }
0x14: {  	s7 =	sadd.s32 $0x14, s20;
	s5 =	sadd.s32 s13, s5;
	[dreg:$0xd] =	wrdreg s10  }
0x15: {  	s3 =	sadd.s32 s18, s3;
	s15 =	sadd.s32 s12, s7;
	[dreg:$0xe] =	wrdreg s5  }
0x16: {  	s25 =	sadd.s32 $0x1E0, s3;
	s16 =	sadd.s32 s13, s7;
	[dreg:$0xf] =	wrdreg s15  }
0x17: {  	s21 =	sadd.s32 $0x230, s3;
	s8 =	sadd.s32 s13, s23;
	[dreg:$0x10] =	wrdreg s16  }
0x18: {  	s5 =	sshrl.u32 s19, $0x3;
	s22 =	smax.u32 s6, $0x1;
	s23 =	sadd.s32 $0x208, s3  }
0x19: {  	s10 =	sadd.s32 $0x168, s3;
	s16 =	sadd.s32 $0x140, s3;
	[dreg:$0xc] =	wrdreg s8  }
0x1a: {  	s6 =	simm.s32 $0x0;
	s8 =	sshrl.u32 s26, $0x3;
	[dreg:$0x14] =	wrdreg s22  }
0x1b: {  	s26 =	sshrl.u32 s25, $0x3;
	s17 =	sshrl.u32 s16, $0x3;
	s22 =	sadd.s32 $0x190, s3  }
0x1c: {  	s16 =	simm.s32 $0x28;
	s8 =	sadd.s32 s0, s8;
	s0 =	sadd.s32 s0, s5  }
0x1d: {  	s5 =	sshrl.u32 s23, $0x3;
	s7 =	sadd.s32 s26, s13;
	[smem:$0x7F6] =	sst s22  }
0x1e: {  	s19 =	sadd.s32 s17, s13;
	s23 =	sadd.s32 $0xF0, s3;
	[dreg:$0x12] =	wrdreg s0  }
0x1f: {  	s22 =	simm.s32 $0x1E00;
	s20 =	sadd.s32 $0x25800, s8;
	[dreg:$0x19] =	wrdreg s7  }
0x20: {  	s0 =	sshrl.u32 s21, $0x3;
	s28 =	sadd.s32 s5, s13;
	[dreg:$0x1f] =	wrdreg s19  }
0x21: {  	s5 =	sadd.s32 s5, s12;
	s8 =	sadd.s32 $0x1B8, s3;
	[dreg:$0x13] =	wrdreg s20  }
0x22: {  	s25 =	sshrl.u32 s23, $0x3;
	s7 =	simm.s32 $0x400;
	[dreg:$0x17] =	wrdreg s28  }
0x23: {  	s23 =	simm.s32 $0x880;
	s24 =	sadd.s32 s0, s13;
	[dreg:$0x18] =	wrdreg s5  }
0x24: {  	s0 =	sadd.s32 s0, s12;
	s9 =	sshrl.u32 s8, $0x3;
	[dreg:$0x15] =	wrdreg s24  }
0x25: {  	s5 =	sshrl.u32 s10, $0x3;
	[dreg:$0x16] =	wrdreg s0;
	s0 =	sadd.s32 s26, s12  }
0x26: {  	s20 =	sadd.s32 $0x118, s3;
	s15 =	sadd.s32 s9, s13;
	[dreg:$0x1a] =	wrdreg s0  }
0x27: {  	s3 =	sadd.s32 $0xC8, s3;
	s18 =	sadd.s32 s5, s13;
	[dreg:$0x1b] =	wrdreg s15  }
0x28: {  	s8 =	simm.s32 $0x12;
	s5 =	sadd.s32 s5, s12;
	[dreg:$0x1d] =	wrdreg s18  }
0x29: {  	s21 =	sshrl.u32 s20, $0x3;
	s0 =	sadd.s32 s9, s12;
	[dreg:$0x1e] =	wrdreg s5  }
0x2a: {  	s3 =	sshrl.u32 s3, $0x3;
	s24 =	sadd.s32 s21, s13;
	[dreg:$0x1c] =	wrdreg s0  }
0x2b: {  	s20 =	simm.s32 $0x380;
	s5 =	sadd.s32 s25, s13;
	[smem:$0x7F7] =	sst s24  }
0x2c: {  	s26 =	sadd.s32 s3, s13;
	s28 =	sadd.s32 s3, s12;
	[smem:$0x7F9] =	sst s5  }
0x2d: {  	s3 =	simm.s32 $0x6;
	s15 =	simm.s32 $0xF;
	[smem:$0x7FB] =	sst s26  }
0x2e: {  	s9 =	simm.s32 $0xA;
	s0 =	sadd.s32 s17, s12;
	[smem:$0x7FC] =	sst s28  }
.Ltmp0:
0x2f: {  	[smem:$0x7F5] =	sst s0;
	s0 =	sadd.s32 s21, s12;
	(pc) =	sbr.rel .LBB2_1-.Ltmp0, $4  }
0x30: {  	s24 =	simm.s32 $0x3200;
	[smem:$0x7F8] =	sst s0;
	s0 =	sadd.s32 s25, s12  }
0x31: {  	s17 =	simm.s32 $0x8;
	[smem:$0x7FA] =	sst s0;
	s0 =	sadd.s32 $0x12C000, s2  }
0x32: {  	s26 =	simm.s32 $0xB;
	s12 =	simm.s32 $0xE;
	s0 =	sshrl.u32 @p0 s0, $0x3  }
0x33: {  	s25 =	simm.s32 $0x13;
	[smem:$0x7FD] =	sst s0;
	s0 =	simm.s32 $0x480  }
.LBB2_4:
0x34: {  	_ =	swait.ge [sflag:s15], $0x1400  }
0x35: {  	[sflag:s15] =	ssyncset.done $0x0  }
0x36: {  	s0 =	simm.s32 $0x980;
	s20 =	simm.s32 $0x10;
	[sflag:s15] =	ssyncadd.s32 $0xFFFFEC00  }
0x37: {  	[spmem:s2] =	stream.indirect.scatter.add.f32 [tilespmem:s21], [sflag:$0x14], $0x80, s0, s16, $0xb8;
	[tilespmem:$0x1AE00] =	vst v63  }
0x38: {  	_ =	swait.ge [sflag:s20], $0x1400  }
0x39: {  	[sflag:s20] =	ssyncset.done $0x0  }
0x3a: {  	s21 =	simm.s32 $0x11;
	[sflag:s20] =	ssyncadd.s32 $0xFFFFEC00  }
0x3b: {  	_ =	swait.ge [sflag:s21], $0x1400  }
0x3c: {  	[sflag:s21] =	ssyncset.done $0x0  }
0x3d: {  	[sflag:s21] =	ssyncadd.s32 $0xFFFFEC00  }
0x3e: {  	_ =	swait.ge [sflag:s8], $0x1400  }
0x3f: {  	[sflag:s8] =	ssyncset.done $0x0  }
0x40: {  	[sflag:s8] =	ssyncadd.s32 $0xFFFFEC00  }
0x41: {  	_ =	swait.ge [sflag:s25], $0x1400  }
0x42: {  	[sflag:s25] =	ssyncset.done $0x0  }
0x43: {  	s24 =	simm.s32 $0x14;
	[sflag:s25] =	ssyncadd.s32 $0xFFFFEC00  }
0x44: {  	_ =	swait.ge [sflag:s24], $0x1400  }
0x45: {  	[sflag:s24] =	ssyncset.done $0x0  }
0x46: {  	[sflag:s24] =	ssyncadd.s32 $0xFFFFEC00  }
0x47: {  	[bflag:$0x0] =	sbarrier.arrive $0xFFFF  }
0x48: {  	s13 =	sld [smem:$0x7FD]  }
0x49: {  	s0 =	sld [smem:$0x7F4];
	_ =	sdelay $0x1  }
0x4a: {  	s5 =	rddreg [dreg:$0x13]  }
0x4b: {  	[hbm:s5], [sflag:s0] =	dma.local @p0 [spmem:s13], $0x1900  }
0x4c: {  	s5 =	simm.s32 @p0 $0x15  }
0x4d: {  	_ =	swait.ge @p0 [sflag:s5], $0x1900  }
0x4e: {  	[sflag:s5] =	ssyncset.done @p0 $0x0;
	s14 =	rddreg [dreg:$0x11]  }
0x4f: {  	s13 =	rddreg [dreg:$0x12];
	[sflag:s5] =	ssyncadd.s32 @p0 $0xFFFFE700;
	s5 =	sshrl.u32 @!p0 s14, $0x3  }
0x50: {  	[hbm:s13], [sflag:s0] =	dma.local @!p0 [spmem:s5], $0x2800  }
0x51: {  	s5 =	simm.s32 @!p0 $0x15  }
0x52: {  	_ =	swait.ge @!p0 [sflag:s5], $0x2800  }
0x53: {  	s6 =	sld [smem:$0x7F3];
	_ =	sdelay $0x2  }
0x54: {  	s28 =	rddreg [dreg:$0x14];
	s6 =	sadd.s32 $0x1, s6  }
0x55: {  	p1 =	sne.s32 s6, s28  }
.Ltmp1:
0x56: {  	_ = 	snop;
	(pc) =	sbr.rel @!p1 .LBB2_5-.Ltmp1, $3  }
0x57: {  	_ =	sdelay $0x1  }
0x58: {  	s7 =	simm.s32 $0x400;
	s20 =	simm.s32 $0x380;
	[sflag:s5] =	ssyncset.done @!p0 $0x0  }
0x59: {  	s24 =	simm.s32 $0x3200;
	s0 =	simm.s32 $0x480;
	[sflag:s5] =	ssyncadd.s32 @!p0 $0xFFFFD800  }
.LBB2_1:
0x5a: {  	[smem:$0x7F3] =	sst s6  }
0x5b: {  	s5 =	rddreg [dreg:$0x7]  }
0x5c: {  	[tilespmem:s4], [sflag:$0x1] =	stream.linear.gather [hbm4b:s5+s4], $0x28, $0x38;
	[tilespmem:$0x1AE00] =	vst v63  }
0x5d: {  	s10 =	rddreg [dreg:$0x8];
	s13 =	simm.s32 $0x80  }
0x5e: {  	[tilespmem:s13], [sflag:$0x1] =	stream.linear.gather [hbm4b:s10+s4], $0x28, $0x38;
	[tilespmem:$0x1AE00] =	vst v63  }
0x5f: {  	s18 =	rddreg [dreg:$0x9];
	s13 =	simm.s32 $0x100  }
0x60: {  	[tilespmem:s13], [sflag:$0x2] =	stream.linear.gather [hbm4b:s18+s4], $0x28, $0x38;
	[tilespmem:$0x1AE00] =	vst v63  }
0x61: {  	s19 =	rddreg [dreg:$0xa];
	s18 =	simm.s32 $0x180  }
0x62: {  	[tilespmem:s18], [sflag:$0x2] =	stream.linear.gather [hbm4b:s19+s4], $0x28, $0x38;
	[tilespmem:$0x1AE00] =	vst v63  }
0x63: {  	s21 =	rddreg [dreg:$0xb];
	s18 =	simm.s32 $0x200  }
0x64: {  	[tilespmem:s18], [sflag:$0x3] =	stream.linear.gather [hbm4b:s21+s4], $0x28, $0x38;
	[tilespmem:$0x1AE00] =	vst v63  }
0x65: {  	s28 =	rddreg [dreg:$0xc];
	s19 =	simm.s32 $0x280  }
0x66: {  	[tilespmem:s19], [sflag:$0x3] =	stream.linear.gather [hbm4b:s28+s4], $0x28, $0x38;
	[tilespmem:$0x1AE00] =	vst v63  }
0x67: {  	s6 =	rddreg [dreg:$0xd];
	s19 =	simm.s32 $0x300  }
0x68: {  	[tilespmem:s19], [sflag:$0x4] =	stream.linear.gather [hbm4b:s6+s4], $0x28, $0x38;
	[tilespmem:$0x1AE00] =	vst v63  }
0x69: {  	s21 =	rddreg [dreg:$0xe]  }
0x6a: {  	[tilespmem:s20], [sflag:$0x4] =	stream.linear.gather [hbm4b:s21+s4], $0x28, $0x38;
	[tilespmem:$0x1AE00] =	vst v63  }
0x6b: {  	s28 =	rddreg [dreg:$0xf]  }
0x6c: {  	[tilespmem:s7], [sflag:$0x5] =	stream.linear.gather [hbm4b:s28+s4], $0x28, $0x38;
	[tilespmem:$0x1AE00] =	vst v63  }
0x6d: {  	s6 =	rddreg [dreg:$0x10];
	s21 =	simm.s32 $0x1  }
0x6e: {  	[tilespmem:s0], [sflag:$0x5] =	stream.linear.gather [hbm4b:s6+s4], $0x28, $0x38;
	[tilespmem:$0x1AE00] =	vst v63  }
0x6f: {  	_ =	swait.ge [sflag:s21], $0x28  }
0x70: {  	[sflag:s21] =	ssyncset.done $0x0  }
0x71: {  	[sflag:s21] =	ssyncadd.s32 $0xFFFFFFD8  }
0x72: {  	_ =	swait.ge [sflag:s21], $0x28  }
0x73: {  	[sflag:s21] =	ssyncset.done $0x0  }
0x74: {  	s28 =	simm.s32 $0x2;
	[sflag:s21] =	ssyncadd.s32 $0xFFFFFFD8  }
0x75: {  	[tilespmem:s31], [sflag:$0xB] =	stream.indirect.gather [hbm4b:s1+s16], $0x80, s4, s16, $0xb8;
	[tilespmem:$0x1AE00] =	vst v63  }
0x76: {  	_ =	swait.ge [sflag:s28], $0x28  }
0x77: {  	[sflag:s28] =	ssyncset.done $0x0  }
0x78: {  	[sflag:s28] =	ssyncadd.s32 $0xFFFFFFD8  }
0x79: {  	_ =	swait.ge [sflag:s28], $0x28  }
0x7a: {  	[sflag:s28] =	ssyncset.done $0x0  }
0x7b: {  	s31 =	simm.s32 $0x3;
	[sflag:s28] =	ssyncadd.s32 $0xFFFFFFD8  }
0x7c: {  	[tilespmem:s22], [sflag:$0xC] =	stream.indirect.gather [hbm4b:s1+s16], $0x80, s13, s16, $0xb8;
	[tilespmem:$0x1AE00] =	vst v63  }
0x7d: {  	_ =	swait.ge [sflag:s31], $0x28  }
0x7e: {  	[sflag:s31] =	ssyncset.done $0x0  }
0x7f: {  	[sflag:s31] =	ssyncadd.s32 $0xFFFFFFD8  }
0x80: {  	_ =	swait.ge [sflag:s31], $0x28  }
0x81: {  	[sflag:s31] =	ssyncset.done $0x0  }
0x82: {  	s6 =	simm.s32 $0x4;
	[sflag:s31] =	ssyncadd.s32 $0xFFFFFFD8  }
0x83: {  	[tilespmem:s24], [sflag:$0xD] =	stream.indirect.gather [hbm4b:s1+s16], $0x80, s18, s16, $0xb8;
	[tilespmem:$0x1AE00] =	vst v63  }
0x84: {  	_ =	swait.ge [sflag:s6], $0x28  }
0x85: {  	[sflag:s6] =	ssyncset.done $0x0  }
0x86: {  	s10 =	simm.s32 $0x4600;
	s13 =	stileid.u32;
	[sflag:s6] =	ssyncadd.s32 $0xFFFFFFD8  }
0x87: {  	s22 =	sshrl.u32 s14, $0x3;
	s18 =	sshll.u32 s13, $0x6;
	_ =	swait.ge [sflag:s6], $0x28  }
0x88: {  	s21 =	sor.u32 $0x1C15, s18;
	[sflag:s6] =	ssyncset.done $0x0;
	s28 =	rddreg [dreg:$0x6]  }
0x89: {  	s31 =	simm.s32 $0x15;
	[smem:$0x7F4] =	sst s21;
	[sflag:s6] =	ssyncadd.s32 $0xFFFFFFD8  }
0x8a: {  	[tilespmem:s10], [sflag:$0xE] =	stream.indirect.gather [hbm4b:s1+s16], $0x80, s19, s16, $0xb8;
	[tilespmem:$0x1AE00] =	vst v63  }
0x8b: {  	[spmem:s22], [sflag:s21] =	dma.local [hbm:s28], $0x2800  }
0x8c: {  	_ =	swait.ge [sflag:s31], $0x2800  }
0x8d: {  	[sflag:s31] =	ssyncset.done $0x0  }
0x8e: {  	[sflag:s31] =	ssyncadd.s32 $0xFFFFD800  }
0x8f: {  	s14 =	simm.s32 $0x0;
	[bflag:$0x0] =	sbarrier.arrive $0xFFFF  }
0x90: {  	s19 =	simm.s32 $0x4600;
	s21 =	simm.s32 $0x5A00;
	s13 =	sld [smem:$0x7F6]  }
.LBB2_2:
0x91: {  	_ =	swait.ge [sflag:s26], $0x1400  }
0x92: {  	[sflag:s26] =	ssyncset.done $0x0;
	s6 =	sld [smem:$0x7FC]  }
0x93: {  	s5 =	simm.s32 $0x80;
	s10 =	simm.s32 $0xA00;
	[sflag:s26] =	ssyncadd.s32 $0xFFFFEC00  }
0x94: {  	[spmem:s2] =	stream.indirect.scatter.add.f32 [tilespmem:s10], [sflag:$0x10], $0x80, s5, s16, $0xb8;
	[tilespmem:$0x1AE00] =	vst v63  }
0x95: {  	s22 =	simm.s32 $0x500;
	s18 =	sadd.s32 s14, s6  }
0x96: {  	[tilespmem:s22], [sflag:$0x6] =	stream.linear.gather [hbm4b:s18+s4], $0x28, $0x38;
	[tilespmem:$0x1AE00] =	vst v63  }
0x97: {  	s18 =	sld [smem:$0x7FB];
	_ =	sdelay $0x1  }
0x98: {  	p1 =	seq.s32 s14, $0x0  }
0x99: {  	s28 =	simm.s32 $0x580;
	s6 =	sadd.s32 s14, s18;
	s18 =	simm.s32 @!p1 $0x14  }
0x9a: {  	[tilespmem:s28], [sflag:$0x6] =	stream.linear.gather [hbm4b:s6+s4], $0x28, $0x38;
	[tilespmem:$0x1AE00] =	vst v63  }
0x9b: {  	_ =	swait.ge @!p1 [sflag:s18], $0x1400  }
0x9c: {  	[sflag:s18] =	ssyncset.done @!p1 $0x0  }
0x9d: {  	[sflag:s18] =	ssyncadd.s32 @!p1 $0xFFFFEC00;
	s18 =	simm.s32 $0x5  }
0x9e: {  	_ =	swait.ge [sflag:s18], $0x28  }
0x9f: {  	[sflag:s18] =	ssyncset.done $0x0  }
0xa0: {  	[sflag:s18] =	ssyncadd.s32 $0xFFFFFFD8  }
0xa1: {  	_ =	swait.ge [sflag:s18], $0x28  }
0xa2: {  	[sflag:s18] =	ssyncset.done $0x0  }
0xa3: {  	[sflag:s18] =	ssyncadd.s32 $0xFFFFFFD8  }
0xa4: {  	[tilespmem:s21], [sflag:$0xF] =	stream.indirect.gather [hbm4b:s1+s16], $0x80, s7, s16, $0xb8;
	[tilespmem:$0x1AE00] =	vst v63  }
0xa5: {  	_ =	swait.ge [sflag:s29], $0x1400  }
0xa6: {  	[sflag:s29] =	ssyncset.done $0x0;
	s18 =	sld [smem:$0x7FA]  }
0xa7: {  	s6 =	simm.s32 $0x180;
	s7 =	simm.s32 $0x1E00;
	[sflag:s29] =	ssyncadd.s32 $0xFFFFEC00  }
0xa8: {  	[spmem:s2] =	stream.indirect.scatter.add.f32 [tilespmem:s7], [sflag:$0x11], $0x80, s6, s16, $0xb8;
	[tilespmem:$0x1AE00] =	vst v63  }
0xa9: {  	s6 =	sadd.s32 s14, s18;
	s18 =	sld [smem:$0x7F9]  }
0xaa: {  	s31 =	simm.s32 $0x600  }
0xab: {  	[tilespmem:s31], [sflag:$0x7] =	stream.linear.gather [hbm4b:s6+s4], $0x28, $0x38;
	[tilespmem:$0x1AE00] =	vst v63  }
0xac: {  	s6 =	simm.s32 $0x680;
	s5 =	sadd.s32 s14, s18;
	s18 =	simm.s32 $0x10  }
0xad: {  	[tilespmem:s6], [sflag:$0x7] =	stream.linear.gather [hbm4b:s5+s4], $0x28, $0x38;
	[tilespmem:$0x1AE00] =	vst v63  }
0xae: {  	_ =	swait.ge [sflag:s18], $0x1400  }
0xaf: {  	[sflag:s18] =	ssyncset.done $0x0  }
0xb0: {  	[sflag:s18] =	ssyncadd.s32 $0xFFFFEC00  }
0xb1: {  	_ =	swait.ge [sflag:s3], $0x28  }
0xb2: {  	[sflag:s3] =	ssyncset.done $0x0  }
0xb3: {  	[sflag:s3] =	ssyncadd.s32 $0xFFFFFFD8  }
0xb4: {  	_ =	swait.ge [sflag:s3], $0x28  }
0xb5: {  	[sflag:s3] =	ssyncset.done $0x0  }
0xb6: {  	[sflag:s3] =	ssyncadd.s32 $0xFFFFFFD8  }
0xb7: {  	[tilespmem:s10], [sflag:$0xB] =	stream.indirect.gather [hbm4b:s1+s16], $0x80, s22, s16, $0xb8;
	[tilespmem:$0x1AE00] =	vst v63  }
0xb8: {  	s22 =	simm.s32 $0xD  }
0xb9: {  	_ =	swait.ge [sflag:s22], $0x1400  }
0xba: {  	[sflag:s22] =	ssyncset.done $0x0  }
0xbb: {  	s18 =	simm.s32 $0x280;
	[sflag:s22] =	ssyncadd.s32 $0xFFFFEC00;
	s22 =	sld [smem:$0x7F8]  }
0xbc: {  	[spmem:s2] =	stream.indirect.scatter.add.f32 [tilespmem:s24], [sflag:$0x12], $0x80, s18, s16, $0xb8;
	[tilespmem:$0x1AE00] =	vst v63  }
0xbd: {  	s18 =	sld [smem:$0x7F7]  }
0xbe: {  	s5 =	sadd.s32 s14, s22;
	s22 =	simm.s32 $0x700  }
0xbf: {  	[tilespmem:s22], [sflag:$0x8] =	stream.linear.gather [hbm4b:s5+s4], $0x28, $0x38;
	[tilespmem:$0x1AE00] =	vst v63  }
0xc0: {  	s18 =	sadd.s32 s14, s18;
	s5 =	simm.s32 $0x780  }
0xc1: {  	[tilespmem:s5], [sflag:$0x8] =	stream.linear.gather [hbm4b:s18+s4], $0x28, $0x38;
	[tilespmem:$0x1AE00] =	vst v63  }
0xc2: {  	s18 =	simm.s32 $0x11  }
0xc3: {  	_ =	swait.ge [sflag:s18], $0x1400  }
0xc4: {  	[sflag:s18] =	ssyncset.done $0x0  }
0xc5: {  	[sflag:s18] =	ssyncadd.s32 $0xFFFFEC00  }
0xc6: {  	_ =	swait.ge [sflag:s11], $0x28  }
0xc7: {  	[sflag:s11] =	ssyncset.done $0x0  }
0xc8: {  	[sflag:s11] =	ssyncadd.s32 $0xFFFFFFD8  }
0xc9: {  	_ =	swait.ge [sflag:s11], $0x28  }
0xca: {  	[sflag:s11] =	ssyncset.done $0x0  }
0xcb: {  	[sflag:s11] =	ssyncadd.s32 $0xFFFFFFD8  }
0xcc: {  	[tilespmem:s7], [sflag:$0xC] =	stream.indirect.gather [hbm4b:s1+s16], $0x80, s31, s16, $0xb8;
	[tilespmem:$0x1AE00] =	vst v63  }
0xcd: {  	_ =	swait.ge [sflag:s12], $0x1400  }
0xce: {  	[sflag:s12] =	ssyncset.done $0x0  }
0xcf: {  	[sflag:s12] =	ssyncadd.s32 $0xFFFFEC00  }
0xd0: {  	[spmem:s2] =	stream.indirect.scatter.add.f32 [tilespmem:s19], [sflag:$0x13], $0x80, s20, s16, $0xb8;
	[tilespmem:$0x1AE00] =	vst v63  }
0xd1: {  	s20 =	sld [smem:$0x7F5];
	_ =	sdelay $0x2  }
0xd2: {  	s18 =	rddreg [dreg:$0x1f];
	s5 =	sadd.s32 s14, s20;
	s20 =	simm.s32 $0x800  }
0xd3: {  	[tilespmem:s20], [sflag:$0x9] =	stream.linear.gather [hbm4b:s5+s4], $0x28, $0x38;
	[tilespmem:$0x1AE00] =	vst v63  }
0xd4: {  	s5 =	sadd.s32 s14, s18  }
0xd5: {  	[tilespmem:s23], [sflag:$0x9] =	stream.linear.gather [hbm4b:s5+s4], $0x28, $0x38;
	[tilespmem:$0x1AE00] =	vst v63  }
0xd6: {  	_ =	swait.ge [sflag:s8], $0x1400  }
0xd7: {  	[sflag:s8] =	ssyncset.done $0x0  }
0xd8: {  	[sflag:s8] =	ssyncadd.s32 $0xFFFFEC00  }
0xd9: {  	_ =	swait.ge [sflag:s17], $0x28  }
0xda: {  	[sflag:s17] =	ssyncset.done $0x0  }
0xdb: {  	[sflag:s17] =	ssyncadd.s32 $0xFFFFFFD8  }
0xdc: {  	_ =	swait.ge [sflag:s17], $0x28  }
0xdd: {  	[sflag:s17] =	ssyncset.done $0x0  }
0xde: {  	[sflag:s17] =	ssyncadd.s32 $0xFFFFFFD8  }
0xdf: {  	[tilespmem:s24], [sflag:$0xD] =	stream.indirect.gather [hbm4b:s1+s16], $0x80, s22, s16, $0xb8;
	[tilespmem:$0x1AE00] =	vst v63  }
0xe0: {  	_ =	swait.ge [sflag:s15], $0x1400  }
0xe1: {  	[sflag:s15] =	ssyncset.done $0x0  }
0xe2: {  	[sflag:s15] =	ssyncadd.s32 $0xFFFFEC00  }
0xe3: {  	[spmem:s2] =	stream.indirect.scatter.add.f32 [tilespmem:s21], [sflag:$0x14], $0x80, s0, s16, $0xb8;
	[tilespmem:$0x1AE00] =	vst v63  }
0xe4: {  	s0 =	rddreg [dreg:$0x1e]  }
0xe5: {  	s18 =	rddreg [dreg:$0x1d];
	s5 =	sadd.s32 s14, s0;
	s0 =	simm.s32 $0x900  }
0xe6: {  	[tilespmem:s0], [sflag:$0xA] =	stream.linear.gather [hbm4b:s5+s4], $0x28, $0x38;
	[tilespmem:$0x1AE00] =	vst v63  }
0xe7: {  	s22 =	simm.s32 $0x980;
	s21 =	sadd.s32 s14, s18  }
0xe8: {  	[tilespmem:s22], [sflag:$0xA] =	stream.linear.gather [hbm4b:s21+s4], $0x28, $0x38;
	[tilespmem:$0x1AE00] =	vst v63  }
0xe9: {  	_ =	swait.ge [sflag:s25], $0x1400  }
0xea: {  	[sflag:s25] =	ssyncset.done $0x0  }
0xeb: {  	[sflag:s25] =	ssyncadd.s32 $0xFFFFEC00  }
0xec: {  	_ =	swait.ge [sflag:s30], $0x28  }
0xed: {  	[sflag:s30] =	ssyncset.done $0x0  }
0xee: {  	[sflag:s30] =	ssyncadd.s32 $0xFFFFFFD8  }
0xef: {  	_ =	swait.ge [sflag:s30], $0x28  }
0xf0: {  	[sflag:s30] =	ssyncset.done $0x0  }
0xf1: {  	[sflag:s30] =	ssyncadd.s32 $0xFFFFFFD8  }
0xf2: {  	[tilespmem:s19], [sflag:$0xE] =	stream.indirect.gather [hbm4b:s1+s16], $0x80, s20, s16, $0xb8;
	[tilespmem:$0x1AE00] =	vst v63  }
0xf3: {  	_ =	swait.ge [sflag:s26], $0x1400  }
0xf4: {  	p1 =	seq.s32 s14, $0x4B0;
	[sflag:s26] =	ssyncset.done $0x0  }
0xf5: {  	s18 =	sshrl.u32 @!p1 s13, $0x3;
	s5 =	rddreg [dreg:$0x4];
	[sflag:s26] =	ssyncadd.s32 $0xFFFFEC00  }
0xf6: {  	[spmem:s2] =	stream.indirect.scatter.add.f32 [tilespmem:s10], [sflag:$0x10], $0x80, s28, s16, $0xb8;
	[tilespmem:$0x1AE00] =	vst v63  }
0xf7: {  	s19 =	simm.s32 @!p1 $0x0;
	s24 =	sadd.s32 @!p1 s5, s18;
	s5 =	rddreg [dreg:$0x5]  }
0xf8: {  	[tilespmem:s19], [sflag:$0x1] =	stream.linear.gather @!p1 [hbm4b:s24+s19], $0x28, $0x38;
	[tilespmem:$0x1AE00] =	vst v63  }
0xf9: {  	s18 =	sadd.s32 @!p1 s5, s18;
	s24 =	simm.s32 @!p1 $0x80  }
0xfa: {  	[tilespmem:s24], [sflag:$0x1] =	stream.linear.gather @!p1 [hbm4b:s18+s19], $0x28, $0x38;
	[tilespmem:$0x1AE00] =	vst v63  }
0xfb: {  	s24 =	simm.s32 $0x14  }
0xfc: {  	_ =	swait.ge [sflag:s24], $0x1400  }
0xfd: {  	[sflag:s24] =	ssyncset.done $0x0  }
0xfe: {  	[sflag:s24] =	ssyncadd.s32 $0xFFFFEC00  }
0xff: {  	_ =	swait.ge [sflag:s9], $0x28  }
0x100: {  	[sflag:s9] =	ssyncset.done $0x0  }
0x101: {  	[sflag:s9] =	ssyncadd.s32 $0xFFFFFFD8  }
0x102: {  	_ =	swait.ge [sflag:s9], $0x28  }
0x103: {  	[sflag:s9] =	ssyncset.done $0x0  }
0x104: {  	s21 =	simm.s32 $0x5A00;
	[sflag:s9] =	ssyncadd.s32 $0xFFFFFFD8  }
0x105: {  	[tilespmem:s21], [sflag:$0xF] =	stream.indirect.gather [hbm4b:s1+s16], $0x80, s0, s16, $0xb8;
	[tilespmem:$0x1AE00] =	vst v63  }
0x106: {  	_ =	swait.ge [sflag:s29], $0x1400  }
0x107: {  	[sflag:s29] =	ssyncset.done $0x0  }
0x108: {  	s18 =	simm.s32 @p1 $0xD;
	[sflag:s29] =	ssyncadd.s32 $0xFFFFEC00  }
0x109: {  	[spmem:s2] =	stream.indirect.scatter.add.f32 [tilespmem:s7], [sflag:$0x11], $0x80, s6, s16, $0xb8;
	[tilespmem:$0x1AE00] =	vst v63  }
0x10a: {  	_ =	swait.ge @p1 [sflag:s18], $0x1400  }
0x10b: {  	s5 =	simm.s32 @p1 $0x3200;
	[sflag:s18] =	ssyncset.done @p1 $0x0  }
0x10c: {  	s24 =	simm.s32 @p1 $0x780;
	[sflag:s18] =	ssyncadd.s32 @p1 $0xFFFFEC00;
	s18 =	simm.s32 @p1 $0x28  }
0x10d: {  	[spmem:s2] =	stream.indirect.scatter.add.f32 @p1 [tilespmem:s5], [sflag:$0x12], $0x80, s24, s18, $0xb8;
	[tilespmem:$0x1AE00] =	vst v63  }
0x10e: {  	s5 =	rddreg [dreg:$0x1c]  }
0x10f: {  	s18 =	simm.s32 @!p1 $0x100;
	s5 =	sadd.s32 @!p1 s14, s5  }
0x110: {  	[tilespmem:s18], [sflag:$0x2] =	stream.linear.gather @!p1 [hbm4b:s5+s19], $0x28, $0x38;
	[tilespmem:$0x1AE00] =	vst v63  }
0x111: {  	s5 =	rddreg [dreg:$0x1b]  }
0x112: {  	s24 =	simm.s32 @!p1 $0x180;
	s5 =	sadd.s32 @!p1 s14, s5  }
0x113: {  	[tilespmem:s24], [sflag:$0x2] =	stream.linear.gather @!p1 [hbm4b:s5+s19], $0x28, $0x38;
	[tilespmem:$0x1AE00] =	vst v63  }
0x114: {  	s5 =	simm.s32 @!p1 $0x10  }
0x115: {  	_ =	swait.ge @!p1 [sflag:s5], $0x1400  }
0x116: {  	[sflag:s5] =	ssyncset.done @!p1 $0x0  }
0x117: {  	[sflag:s5] =	ssyncadd.s32 @!p1 $0xFFFFEC00;
	s5 =	simm.s32 @!p1 $0x1  }
0x118: {  	_ =	swait.ge @!p1 [sflag:s5], $0x28  }
0x119: {  	[sflag:s5] =	ssyncset.done @!p1 $0x0  }
0x11a: {  	[sflag:s5] =	ssyncadd.s32 @!p1 $0xFFFFFFD8  }
0x11b: {  	_ =	swait.ge @!p1 [sflag:s5], $0x28  }
0x11c: {  	[sflag:s5] =	ssyncset.done @!p1 $0x0  }
0x11d: {  	s24 =	simm.s32 @!p1 $0xA00;
	[sflag:s5] =	ssyncadd.s32 @!p1 $0xFFFFFFD8;
	s5 =	simm.s32 @!p1 $0x28  }
0x11e: {  	[tilespmem:s24], [sflag:$0xB] =	stream.indirect.gather @!p1 [hbm4b:s1+s5], $0x80, s19, s5, $0xb8;
	[tilespmem:$0x1AE00] =	vst v63  }
0x11f: {  	s24 =	simm.s32 @!p1 $0xD  }
0x120: {  	_ =	swait.ge @!p1 [sflag:s24], $0x1400  }
0x121: {  	[sflag:s24] =	ssyncset.done @!p1 $0x0  }
0x122: {  	s20 =	simm.s32 @!p1 $0x3200;
	[sflag:s24] =	ssyncadd.s32 @!p1 $0xFFFFEC00;
	s24 =	simm.s32 @!p1 $0x780  }
0x123: {  	[spmem:s2] =	stream.indirect.scatter.add.f32 @!p1 [tilespmem:s20], [sflag:$0x12], $0x80, s24, s5, $0xb8;
	[tilespmem:$0x1AE00] =	vst v63  }
0x124: {  	s20 =	rddreg [dreg:$0x1a]  }
0x125: {  	s24 =	simm.s32 @!p1 $0x200;
	s20 =	sadd.s32 @!p1 s14, s20  }
0x126: {  	[tilespmem:s24], [sflag:$0x3] =	stream.linear.gather @!p1 [hbm4b:s20+s19], $0x28, $0x38;
	[tilespmem:$0x1AE00] =	vst v63  }
0x127: {  	s20 =	rddreg [dreg:$0x19]  }
0x128: {  	s24 =	simm.s32 @!p1 $0x280;
	s20 =	sadd.s32 @!p1 s14, s20  }
0x129: {  	[tilespmem:s24], [sflag:$0x3] =	stream.linear.gather @!p1 [hbm4b:s20+s19], $0x28, $0x38;
	[tilespmem:$0x1AE00] =	vst v63  }
0x12a: {  	s19 =	simm.s32 @!p1 $0x11  }
0x12b: {  	_ =	swait.ge @!p1 [sflag:s19], $0x1400  }
0x12c: {  	[sflag:s19] =	ssyncset.done @!p1 $0x0  }
0x12d: {  	[sflag:s19] =	ssyncadd.s32 @!p1 $0xFFFFEC00;
	s19 =	simm.s32 @!p1 $0x2  }
0x12e: {  	_ =	swait.ge @!p1 [sflag:s19], $0x28  }
0x12f: {  	[sflag:s19] =	ssyncset.done @!p1 $0x0  }
0x130: {  	[sflag:s19] =	ssyncadd.s32 @!p1 $0xFFFFFFD8  }
0x131: {  	_ =	swait.ge @!p1 [sflag:s19], $0x28  }
0x132: {  	[sflag:s19] =	ssyncset.done @!p1 $0x0  }
0x133: {  	[sflag:s19] =	ssyncadd.s32 @!p1 $0xFFFFFFD8;
	s19 =	simm.s32 @!p1 $0x1E00  }
0x134: {  	[tilespmem:s19], [sflag:$0xC] =	stream.indirect.gather @!p1 [hbm4b:s1+s5], $0x80, s18, s5, $0xb8;
	[tilespmem:$0x1AE00] =	vst v63  }
.Ltmp2:
0x135: {  	s31 =	simm.s32 $0xA00;
	(pc) =	sbr.rel @p1 .LBB2_4-.Ltmp2, $4  }
0x136: {  	s22 =	simm.s32 $0x1E00;
	s28 =	simm.s32 $0x3200;
	_ =	swait.ge [sflag:s12], $0x1400  }
0x137: {  	s10 =	simm.s32 $0x480;
	s0 =	simm.s32 $0x400;
	[sflag:s12] =	ssyncset.done $0x0  }
0x138: {  	s7 =	simm.s32 $0x380;
	s19 =	simm.s32 $0x4600;
	[sflag:s12] =	ssyncadd.s32 $0xFFFFEC00  }
0x139: {  	[spmem:s2] =	stream.indirect.scatter.add.f32 [tilespmem:s19], [sflag:$0x13], $0x80, s23, s16, $0xb8;
	[tilespmem:$0x1AE00] =	vst v63  }
0x13a: {  	s5 =	rddreg [dreg:$0x18]  }
0x13b: {  	s18 =	simm.s32 $0x300;
	s6 =	rddreg [dreg:$0x17];
	s5 =	sadd.s32 s14, s5  }
0x13c: {  	[tilespmem:s18], [sflag:$0x4] =	stream.linear.gather [hbm4b:s5+s4], $0x28, $0x38;
	[tilespmem:$0x1AE00] =	vst v63  }
0x13d: {  	s5 =	sadd.s32 s14, s6  }
0x13e: {  	[tilespmem:s7], [sflag:$0x4] =	stream.linear.gather [hbm4b:s5+s4], $0x28, $0x38;
	[tilespmem:$0x1AE00] =	vst v63  }
0x13f: {  	_ =	swait.ge [sflag:s8], $0x1400  }
0x140: {  	[sflag:s8] =	ssyncset.done $0x0  }
0x141: {  	s7 =	simm.s32 $0x3;
	[sflag:s8] =	ssyncadd.s32 $0xFFFFEC00  }
0x142: {  	_ =	swait.ge [sflag:s7], $0x28  }
0x143: {  	[sflag:s7] =	ssyncset.done $0x0  }
0x144: {  	[sflag:s7] =	ssyncadd.s32 $0xFFFFFFD8  }
0x145: {  	_ =	swait.ge [sflag:s7], $0x28  }
0x146: {  	[sflag:s7] =	ssyncset.done $0x0  }
0x147: {  	s20 =	simm.s32 $0x200;
	[sflag:s7] =	ssyncadd.s32 $0xFFFFFFD8  }
0x148: {  	[tilespmem:s28], [sflag:$0xD] =	stream.indirect.gather [hbm4b:s1+s16], $0x80, s20, s16, $0xb8;
	[tilespmem:$0x1AE00] =	vst v63  }
0x149: {  	_ =	swait.ge [sflag:s15], $0x1400  }
0x14a: {  	[sflag:s15] =	ssyncset.done $0x0  }
0x14b: {  	s22 =	simm.s32 $0x980;
	s24 =	rddreg [dreg:$0x16];
	[sflag:s15] =	ssyncadd.s32 $0xFFFFEC00  }
0x14c: {  	[spmem:s2] =	stream.indirect.scatter.add.f32 [tilespmem:s21], [sflag:$0x14], $0x80, s22, s16, $0xb8;
	[tilespmem:$0x1AE00] =	vst v63  }
0x14d: {  	s28 =	rddreg [dreg:$0x15];
	s5 =	sadd.s32 s14, s24  }
0x14e: {  	[tilespmem:s0], [sflag:$0x5] =	stream.linear.gather [hbm4b:s5+s4], $0x28, $0x38;
	[tilespmem:$0x1AE00] =	vst v63  }
0x14f: {  	s5 =	sadd.s32 s14, s28  }
0x150: {  	[tilespmem:s10], [sflag:$0x5] =	stream.linear.gather [hbm4b:s5+s4], $0x28, $0x38;
	[tilespmem:$0x1AE00] =	vst v63  }
0x151: {  	_ =	swait.ge [sflag:s25], $0x1400  }
0x152: {  	[sflag:s25] =	ssyncset.done $0x0  }
0x153: {  	s31 =	simm.s32 $0x4;
	[sflag:s25] =	ssyncadd.s32 $0xFFFFEC00  }
0x154: {  	_ =	swait.ge [sflag:s31], $0x28  }
0x155: {  	[sflag:s31] =	ssyncset.done $0x0  }
.Ltmp3:
0x156: {  	s13 =	sadd.s32 $0x190, s13;
	[sflag:s31] =	ssyncadd.s32 $0xFFFFFFD8;
	(pc) =	sbr.rel .LBB2_2-.Ltmp3, $4  }
0x157: {  	s7 =	simm.s32 $0x400;
	s20 =	simm.s32 $0x380;
	_ =	swait.ge [sflag:s31], $0x28  }
0x158: {  	s24 =	simm.s32 $0x3200;
	s21 =	simm.s32 $0x5A00;
	[sflag:s31] =	ssyncset.done $0x0  }
0x159: {  	s14 =	sadd.s32 $0x32, s14;
	s0 =	simm.s32 $0x480;
	[sflag:s31] =	ssyncadd.s32 $0xFFFFFFD8  }
0x15a: {  	[tilespmem:s19], [sflag:$0xE] =	stream.indirect.gather [hbm4b:s1+s16], $0x80, s18, s16, $0xb8;
	[tilespmem:$0x1AE00] =	vst v63  }
.LBB2_5:
0x15b: {  	_ =	sfence.sel $0x180000  }
0x15c: {  	[bflag:$0x0] =	sbarrier.arrive $0xFFFF  }
0x15d: {  	_ =	strace $0x90000047  }
0x15e: {  	s0 =	stileid.u32;
	[bflag:$0x2] =	sbarrier.arrive $0xFFFF  }
0x15f: {  	p0 =	sne.s32 s0, $0x0;
	s0 =	rddreg [dreg:$0x3]  }
0x160: {  	s0 =	sadd.s32 @!p0 $0x100000, s0  }
0x161: {  	[sflag:s0] =	ssyncadd.tile.s32 @!p0 $0x1;
	_ =	shalt  }
.Lfunc_end2:
_tile_overlayer_lowered:
.L_overlay_start_2:
0x162: {  	(tag) =	ssettag $0x2  }
0x163: {  	s0 =	rddreg [dreg:$0x0];
	s2 =	stileid.u32  }
0x164: {  	s1 =	rddreg [dreg:$0x1];
	p0 =	sne.s32 s2, $0x0  }
0x165: {  	s3 =	rddreg [dreg:$0x2];
	[bflag:$0x3] =	sbarrier.arrive $0xFFFF;
	s2 =	simm.s32 @!p0 $0x1C15  }
0x166: {  	[timem:s3], [sflag:s2] =	dma.local @!p0 [hbm:s0], s1  }
0x167: {  	s0 =	simm.s32 @!p0 $0x15  }
0x168: {  	_ =	swait.ge @!p0 [sflag:s0], s1  }
0x169: {  	s1 =	ssub.s32 @!p0 $0x0, s1;
	[sflag:s0] =	ssyncset.done @!p0 $0x0  }
0x16a: {  	[sflag:s0] =	ssyncadd.s32 @!p0 s1  }
0x16b: {  	[bflag:$0x3] =	sbarrier.arrive $0xFFFF  }
0x16c: {  	_ =	shalt  }

</sc_bundles>
